<compile_context>
chip_gen: v7x
topology: tpu7x:2x2x1
jax: 0.10.2.dev20260603
libtpu: 0.0.44.dev20260713+nightly
codegen_flags: <defaults>
</compile_context>

<pallas_src>
import math

import jax
import jax.numpy as jnp
from jax import lax
from jax.experimental import pallas as pl
from jax.experimental.pallas import tpu as pltpu
from jax.experimental.pallas import tpu_sc as plsc

K = 16
TBL = 16
T = 128
NW = 32
SB = 640
G = 16
BN = 2048

_SEASONAL_FREQS = (4.0, 2.0, 1.0)
_TWO_PI = 2.0 * math.pi


def _dot(a, b):
    return jnp.dot(a.astype(jnp.bfloat16), b.astype(jnp.bfloat16),
                   preferred_element_type=jnp.float32)


def _prep_body(av_ref, out_ref):
    xw = av_ref[...]
    c = lax.broadcasted_iota(jnp.int32, xw.shape, 1) % 16
    out_ref[...] = jnp.where(c < 3, xw,
                             jnp.where(c < 6, jnp.cos(xw),
                                       jnp.where(c < 9, jnp.sin(xw), 0.0)))


def _prep_lt_body(av3_ref, out_ref):
    xw = av3_ref[...]
    c = lax.broadcasted_iota(jnp.int32, xw.shape, 1) % 16
    out_ref[...] = jnp.where(c < 2, jnp.cos(xw),
                             jnp.where(c < 4, jnp.sin(xw), 0.0))


def _sc_smooth_body(table_hbm, idx_hbm, w_hbm, sw_hbm, out_hbm,
                    idx_sb, w_sb, self_sb, sw_sb, idx_flat, rows_v, osb, sem):
    n = out_hbm.shape[1]
    s_w = (n + NW - 1) // NW
    s_w = s_w + (SB - s_w % SB) % SB
    nsb = s_w // SB
    ng = SB // G
    clamp = n - SB
    wid = lax.axis_index("s") * 2 + lax.axis_index("c")
    lane = lax.iota(jnp.int32, 16)
    hi = lane >> 3

    def stage(sb, buf):
        base = pl.multiple_of(
            jnp.minimum(wid * s_w + sb * SB, clamp), 8)
        pltpu.async_copy(idx_hbm.at[pl.ds(base, SB)], idx_sb.at[buf],
                         sem.at[16])
        pltpu.async_copy(w_hbm.at[pl.ds(base, SB)], w_sb.at[buf],
                         sem.at[17])
        pltpu.async_copy(sw_hbm.at[pl.ds(base, SB)], sw_sb.at[buf],
                         sem.at[18])

    def wait_stage(buf):
        pltpu.make_async_copy(idx_hbm.at[pl.ds(0, SB)], idx_sb.at[buf],
                              sem.at[16]).wait()
        pltpu.make_async_copy(w_hbm.at[pl.ds(0, SB)], w_sb.at[buf],
                              sem.at[17]).wait()
        pltpu.make_async_copy(sw_hbm.at[pl.ds(0, SB)], sw_sb.at[buf],
                              sem.at[18]).wait()

    def fire(half, slot):
        pltpu.async_copy(table_hbm.at[idx_flat.at[pl.ds(half * 128, 128)]],
                         rows_v.at[slot], sem.at[slot])

    def wait_slot(slot):
        pltpu.make_async_copy(table_hbm.at[pl.ds(0, 128)], rows_v.at[slot],
                              sem.at[slot]).wait()

    stage(0, 0)
    wait_stage(0)

    def sb_body(sb, carry):
        cur = lax.rem(sb, 2)
        base = pl.multiple_of(
            jnp.minimum(wid * s_w + sb * SB, clamp), 8)

        @pl.when(sb + 1 < nsb)
        def _():
            stage(sb + 1, 1 - cur)

        pltpu.sync_copy(table_hbm.at[pl.ds(base, SB)], self_sb)

        def repack_body(s, carry2):
            idx_flat[pl.ds(s * K, K)] = idx_sb[cur, s]
            return carry2

        lax.fori_loop(0, SB, repack_body, 0)

        for j in range(16):
            fire(j, j)

        def round_body(r, carry2):
            for gi in range(8):
                t = 8 * r + gi
                s0, s1 = 2 * gi, 2 * gi + 1
                wait_slot(s0)
                wait_slot(s1)
                srow = t * G + lane
                curv = jnp.full((16,), cur, jnp.int32)
                bsel = s0 + hi
                lane16 = (lane & 7) * K

                def k_body(k, accs):
                    kv = jnp.full((16,), k, jnp.int32)
                    wk = plsc.load_gather(w_sb, [curv, srow, kv])
                    lo = lane16 + k
                    return tuple(
                        accs[c] + wk * plsc.load_gather(
                            rows_v, [bsel, lo, jnp.full((16,), c, jnp.int32)])
                        for c in range(9))

                accs = lax.fori_loop(
                    0, K, k_body,
                    tuple(jnp.zeros((16,), jnp.float32) for _ in range(9)))
                swv = plsc.load_gather(sw_sb, [curv, srow])
                mix = 1.0 / (1.0 + jnp.exp(-swv))
                om = 1.0 - mix
                for c in range(9):
                    col = jnp.full((16,), c, jnp.int32)
                    sv = plsc.load_gather(self_sb, [srow, col])
                    val = om * sv + mix * accs[c]
                    dst = jnp.full((16,), c // 3, jnp.int32)
                    dcol = jnp.full((16,), c % 3, jnp.int32)
                    plsc.store_scatter(osb, [dst, srow, dcol], val)

                @pl.when(t + 8 < ng)
                def _():
                    fire(2 * t + 16, s0)
                    fire(2 * t + 17, s1)
            return carry2

        lax.fori_loop(0, ng // 8, round_body, 0)
        for j in range(3):
            pltpu.sync_copy(osb.at[j], out_hbm.at[j, pl.ds(base, SB)])

        @pl.when(sb + 1 < nsb)
        def _():
            wait_stage(1 - cur)
        return carry

    lax.fori_loop(0, nsb, sb_body, 0)


def _final_body(te_ref, av2_ref, ltt_ref, wv_ref, pd_ref, out_ref):
    te = te_ref[...]
    av2 = av2_ref[...]
    ltt = ltt_ref[...]
    wv3 = wv_ref[...]
    cidx = lax.broadcasted_iota(jnp.int32, av2.shape, 1)
    seas = cidx < 3
    wa = jnp.where(seas, wv3[0], 0.0)
    wr = jnp.where(seas, wv3[1], 0.0)
    wi = jnp.where(seas, wv3[2], 0.0)

    h2 = wr * wr + wi * wi
    inv = wa * lax.rsqrt(jnp.maximum(h2, 1e-30))
    a16 = inv * wr
    b16 = inv * wi
    ltv = av2 * ltt

    rr = lax.broadcasted_iota(jnp.int32, (16, T), 0)
    zero = jnp.zeros((16, T), jnp.float32)
    b_sin = zero
    b_cos = zero
    for i, f in enumerate(_SEASONAL_FREQS):
        arg = (_TWO_PI * f) * te
        b_sin = jnp.where(rr == i, jnp.sin(arg), b_sin)
        b_cos = jnp.where(rr == i, jnp.cos(arg), b_cos)
    b_lt = zero
    pdv = pd_ref[...]
    for j in range(2):
        arg = (_TWO_PI * te) / pdv[:, j:j + 1]
        b_lt = jnp.where(rr == j, jnp.sin(arg), b_lt)
        b_lt = jnp.where(rr == 2 + j, jnp.cos(arg), b_lt)
    b_poly = jnp.where(rr == 4, 1.0, jnp.where(rr == 5, te, 0.0))

    out_ref[...] = (_dot(av2, b_poly) + _dot(a16, b_sin) + _dot(b16, b_cos)
                    + _dot(ltv, b_lt))


def kernel(time_vector, linear_trend, constant_offset, seasonal_amplitudes,
           seasonal_phases, longterm_amplitudes, longterm_phases,
           longterm_periods, spatial_weights, neighbor_weights,
           neighbor_indices):
    f32 = jnp.float32
    n = linear_trend.shape[0]
    grid_n = (n + BN - 1) // BN

    av = jnp.concatenate(
        [seasonal_amplitudes, seasonal_phases, seasonal_phases,
         jnp.zeros((n, 7), f32)], axis=1)
    av2 = jnp.concatenate(
        [longterm_amplitudes, longterm_amplitudes,
         constant_offset[:, None], linear_trend[:, None],
         jnp.zeros((n, 10), f32)], axis=1)
    av3 = jnp.concatenate(
        [longterm_phases, longterm_phases, jnp.zeros((n, 12), f32)], axis=1)

    nw_rows = n * TBL // 128
    grid_p = (nw_rows + BN - 1) // BN
    wide_spec = dict(
        grid=(grid_p,),
        in_specs=[pl.BlockSpec((BN, 128), lambda i: (i, 0))],
        out_specs=pl.BlockSpec((BN, 128), lambda i: (i, 0)),
        out_shape=jax.ShapeDtypeStruct((nw_rows, 128), f32),
    )
    table = pl.pallas_call(_prep_body, **wide_spec)(
        av.reshape(nw_rows, 128)).reshape(n, TBL)
    ltt = pl.pallas_call(_prep_lt_body, **wide_spec)(
        av3.reshape(nw_rows, 128)).reshape(n, TBL)

    wv = pl.kernel(
        _sc_smooth_body,
        out_type=jax.ShapeDtypeStruct((3, n, TBL), f32),
        mesh=plsc.VectorSubcoreMesh(core_axis_name="c", subcore_axis_name="s",
                                    num_cores=2, num_subcores=16),
        compiler_params=pltpu.CompilerParams(needs_layout_passes=False,
                                             use_tc_tiling_on_sc=False),
        scratch_types=[
            pltpu.VMEM((2, SB, K), jnp.int32),
            pltpu.VMEM((2, SB, K), f32),
            pltpu.VMEM((SB, TBL), f32),
            pltpu.VMEM((2, SB), f32),
            pltpu.VMEM((SB * K,), jnp.int32),
            pltpu.VMEM((16, 128, TBL), f32),
            pltpu.VMEM((3, SB, TBL), f32),
            pltpu.SemaphoreType.DMA((20,)),
        ],
    )(table, neighbor_indices, neighbor_weights, spatial_weights)

    te2 = time_vector.reshape(1, T)
    pd2 = longterm_periods.reshape(1, 2)
    out = pl.pallas_call(
        _final_body,
        grid=(grid_n,),
        in_specs=[
            pl.BlockSpec((1, T), lambda i: (0, 0)),
            pl.BlockSpec((BN, TBL), lambda i: (i, 0)),
            pl.BlockSpec((BN, TBL), lambda i: (i, 0)),
            pl.BlockSpec((3, BN, TBL), lambda i: (0, i, 0)),
            pl.BlockSpec((1, 2), lambda i: (0, 0)),
        ],
        out_specs=pl.BlockSpec((BN, T), lambda i: (i, 0)),
        out_shape=jax.ShapeDtypeStruct((n, T), f32),
    )(te2, av2, ltt, wv, pd2)
    return out

# --- scband reference (transcript-rebuilt; emitter-appended) ---
"""Pipeline reference for scband-phase2-optimized-in-sarmodel-85779086835982 (READ-ONLY COPY).

The authoritative reference and input builder live on the scoring server;
editing this copy changes nothing except your own understanding.
"""

import jax, jax.numpy as jnp
import numpy as np

N = 100000
T = 128
K = 16


def setup_inputs(seed: int = 0) -> dict:
    key = jax.random.key(seed)
    k1, k2, k3, k4, k5 = jax.random.split(key, 5)
    # forward arg (fill=arange, scaled to ~6 years of observation time)
    time_vector = (jnp.arange(T, dtype=jnp.float32) / jnp.float32(T)) * 6.0
    # buffers / learned parameters sized per init_kwargs
    linear_trend = jax.random.normal(k1, (N,), dtype=jnp.float32) * 5.0  # ps00_rates buffer
    constant_offset = jnp.zeros((N,), dtype=jnp.float32)
    seasonal_amplitudes = jnp.ones((N, 3), dtype=jnp.float32) * 10.0
    seasonal_phases = jax.random.uniform(k2, (N, 3), dtype=jnp.float32) * 2.0 * np.pi
    longterm_amplitudes = jnp.ones((N, 2), dtype=jnp.float32) * 5.0
    longterm_phases = jax.random.uniform(k3, (N, 2), dtype=jnp.float32) * 2.0 * np.pi
    longterm_periods = jnp.array([2.0, 3.5], dtype=jnp.float32)
    spatial_weights = jnp.ones((N,), dtype=jnp.float32) * 0.15
    # neighbor graph (kd-tree kNN replaced by random in-range neighbors; same
    # exp(-d/median)-normalized weight construction as _build_neighbor_graph)
    neighbor_indices = jax.random.randint(k4, (N, K), 0, N, dtype=jnp.int32)
    d = jax.random.uniform(k5, (N, K), dtype=jnp.float32)
    w = jnp.exp(-d / jnp.median(d))
    neighbor_weights = w / (jnp.sum(w, axis=1, keepdims=True) + 1e-06)
    return {
        'time_vector': time_vector,
        'linear_trend': linear_trend,
        'constant_offset': constant_offset,
        'seasonal_amplitudes': seasonal_amplitudes,
        'seasonal_phases': seasonal_phases,
        'longterm_amplitudes': longterm_amplitudes,
        'longterm_phases': longterm_phases,
        'longterm_periods': longterm_periods,
        'spatial_weights': spatial_weights,
        'neighbor_weights': neighbor_weights,
        'neighbor_indices': neighbor_indices,
    }


def _smooth(p, idx, w, mix):
    # vectorized form of the per-station loop in _apply_adaptive_smoothing
    neigh = p[idx]                      # gather [N, K]
    wavg = jnp.sum(neigh * w, axis=1)   # [N]
    return (1.0 - mix) * p + mix * wavg


def _smooth_phase(p, idx, w, mix):
    # circular-mean smoothing; complex arithmetic expressed with real cos/sin
    cr = jnp.cos(p)
    ci = jnp.sin(p)
    wr = jnp.sum(cr[idx] * w, axis=1)
    wi = jnp.sum(ci[idx] * w, axis=1)
    mr = (1.0 - mix) * cr + mix * wr
    mi = (1.0 - mix) * ci + mix * wi
    return jnp.arctan2(mi, mr)          # torch.angle of mixed complex


def reference(time_vector, linear_trend, constant_offset, seasonal_amplitudes,
              seasonal_phases, longterm_amplitudes, longterm_phases,
              longterm_periods, spatial_weights, neighbor_weights,
              neighbor_indices):
    periods = jnp.array([0.25, 0.5, 1.0], dtype=jnp.float32)
    mix = jax.nn.sigmoid(spatial_weights)
    te = time_vector[None, :]                              # [1, T] broadcast to [N, T]
    signals = constant_offset[:, None] + linear_trend[:, None] * te
    for i in range(3):
        amp = _smooth(seasonal_amplitudes[:, i], neighbor_indices, neighbor_weights, mix)
        ph = _smooth_phase(seasonal_phases[:, i], neighbor_indices, neighbor_weights, mix)
        freq = 1.0 / periods[i]
        signals = signals + amp[:, None] * jnp.sin(2.0 * np.pi * freq * te + ph[:, None])
    for i in range(2):
        amp = longterm_amplitudes[:, i][:, None]
        ph = longterm_phases[:, i][:, None]
        freq = 1.0 / longterm_periods[i]
        signals = signals + amp * jnp.sin(2.0 * np.pi * freq * te + ph)
    return signals

if __name__ == "__main__":
    import jax
    _d = setup_inputs()
    print(jax.jit(kernel)(*tuple(_d.values())))

</pallas_src>

<mosaic_0001>
#map = affine_map<(d0, d1) -> (0, 0)>
#map1 = affine_map<(d0, d1) -> (0)>
#map2 = affine_map<(d0, d1) -> (0, 0, 0)>
module attributes {stable_mosaic.version = 14 : i64} {
  func.func @_sc_smooth_body(%arg0: i32, %arg1: i32, %arg2: memref<100000x16xf32, #tpu.memory_space<hbm>>, %arg3: memref<100000x16xi32, #tpu.memory_space<hbm>>, %arg4: memref<100000x16xf32, #tpu.memory_space<hbm>>, %arg5: memref<100000xf32, #tpu.memory_space<hbm>>, %arg6: memref<3x100000x16xf32, #tpu.memory_space<hbm>>, %arg7: memref<2x640x16xi32, #tpu.memory_space<vmem>>, %arg8: memref<2x640x16xf32, #tpu.memory_space<vmem>>, %arg9: memref<640x16xf32, #tpu.memory_space<vmem>>, %arg10: memref<2x640xf32, #tpu.memory_space<vmem>>, %arg11: memref<10240xi32, #tpu.memory_space<vmem>>, %arg12: memref<16x128x16xf32, #tpu.memory_space<vmem>>, %arg13: memref<3x640x16xf32, #tpu.memory_space<vmem>>, %arg14: memref<20x!tpu.dma_semaphore, #tpu.memory_space<semaphore_mem>>) attributes {dimension_semantics = [#tpu.dimension_semantics<core_parallel>, #tpu.dimension_semantics<subcore_parallel>], iteration_bounds = array<i64: 2, 16>, scalar_prefetch = 0 : i64, scratch_operands = 8 : i64, tpu.core_type = #tpu.core_type<sc_vector_subcore>, window_params = [{transform_indices = #map}, {transform_indices = #map}, {transform_indices = #map}, {transform_indices = #map1}, {transform_indices = #map2}]} {
    %mul3A = arith.constant 2 : i32
    %mul3A_0 = arith.muli %arg1, %mul3A : i32
    %add3A = arith.addi %mul3A_0, %arg0 : i32
    %iota3A = tpu.iota {dimensions = array<i32: 0>} : vector<16xi32>
    %shift_right_arithmetic3A = arith.constant 3 : i32
    %shift_right_arithmetic3A_1 = vector.broadcast %shift_right_arithmetic3A : i32 to vector<16xi32>
    %shift_right_arithmetic3A_2 = arith.shrsi %iota3A, %shift_right_arithmetic3A_1 : vector<16xi32>
    %mul3A_3 = arith.constant 3200 : i32
    %mul3A_4 = arith.muli %add3A, %mul3A_3 : i32
    %add3A_5 = arith.constant 0 : i32
    %add3A_6 = arith.addi %mul3A_4, %add3A_5 : i32
    %min3A = arith.constant 99360 : i32
    %min3A_7 = arith.minsi %add3A_6, %min3A : i32
    %multiple_of3A = tpu.assume_multiple %min3A_7, 8 : i32
    %dma_start3A = arith.constant 0 : i32
    %dma_start3A_8 = arith.constant 16 : i32
    %dma_start3A_9 = arith.constant 0 : i32
    %dma_start3A_10 = arith.constant 0 : i32
    %dma_start3A_11 = tpu.memref_slice %arg7[%dma_start3A, %dma_start3A_9, %dma_start3A_10] : memref<2x640x16xi32, #tpu.memory_space<vmem>> -> memref<1x640x16xi32, #tpu.memory_space<vmem>>
    %dma_start3A_12 = tpu.memref_squeeze %dma_start3A_11 : memref<1x640x16xi32, #tpu.memory_space<vmem>> -> memref<640x16xi32, #tpu.memory_space<vmem>>
    %dma_start3A_13 = arith.constant 0 : i32
    %dma_start3A_14 = tpu.memref_slice %arg3[%multiple_of3A, %dma_start3A_13] : memref<100000x16xi32, #tpu.memory_space<hbm>> -> memref<640x16xi32, #tpu.memory_space<hbm>>
    %dma_start3A_15 = tpu.memref_slice %arg14[%dma_start3A_8] : memref<20x!tpu.dma_semaphore, #tpu.memory_space<semaphore_mem>> -> memref<1x!tpu.dma_semaphore, #tpu.memory_space<semaphore_mem>>
    %dma_start3A_16 = tpu.memref_squeeze %dma_start3A_15 : memref<1x!tpu.dma_semaphore, #tpu.memory_space<semaphore_mem>> -> memref<!tpu.dma_semaphore, #tpu.memory_space<semaphore_mem>>
    %dma_start3A_17 = arith.constant 0 : i32
    %dma_start3A_18 = arith.constant 0 : i32
    %dma_start3A_19 = tpu.memref_slice %arg7[%dma_start3A, %dma_start3A_17, %dma_start3A_18] : memref<2x640x16xi32, #tpu.memory_space<vmem>> -> memref<1x640x16xi32, #tpu.memory_space<vmem>>
    %dma_start3A_20 = tpu.memref_squeeze %dma_start3A_19 : memref<1x640x16xi32, #tpu.memory_space<vmem>> -> memref<640x16xi32, #tpu.memory_space<vmem>>
    %dma_start3A_21 = arith.constant 0 : i32
    %dma_start3A_22 = tpu.memref_slice %arg3[%multiple_of3A, %dma_start3A_21] : memref<100000x16xi32, #tpu.memory_space<hbm>> -> memref<640x16xi32, #tpu.memory_space<hbm>>
    tpu.enqueue_dma source(%dma_start3A_22 : memref<640x16xi32, #tpu.memory_space<hbm>>) target(%dma_start3A_20 : memref<640x16xi32, #tpu.memory_space<vmem>>) target_semaphore(%dma_start3A_16 : memref<!tpu.dma_semaphore, #tpu.memory_space<semaphore_mem>>)
    %dma_start3A_23 = arith.constant 0 : i32
    %dma_start3A_24 = arith.constant 17 : i32
    %dma_start3A_25 = arith.constant 0 : i32
    %dma_start3A_26 = arith.constant 0 : i32
    %dma_start3A_27 = tpu.memref_slice %arg8[%dma_start3A_23, %dma_start3A_25, %dma_start3A_26] : memref<2x640x16xf32, #tpu.memory_space<vmem>> -> memref<1x640x16xf32, #tpu.memory_space<vmem>>
    %dma_start3A_28 = tpu.memref_squeeze %dma_start3A_27 : memref<1x640x16xf32, #tpu.memory_space<vmem>> -> memref<640x16xf32, #tpu.memory_space<vmem>>
    %dma_start3A_29 = arith.constant 0 : i32
    %dma_start3A_30 = tpu.memref_slice %arg4[%multiple_of3A, %dma_start3A_29] : memref<100000x16xf32, #tpu.memory_space<hbm>> -> memref<640x16xf32, #tpu.memory_space<hbm>>
    %dma_start3A_31 = tpu.memref_slice %arg14[%dma_start3A_24] : memref<20x!tpu.dma_semaphore, #tpu.memory_space<semaphore_mem>> -> memref<1x!tpu.dma_semaphore, #tpu.memory_space<semaphore_mem>>
    %dma_start3A_32 = tpu.memref_squeeze %dma_start3A_31 : memref<1x!tpu.dma_semaphore, #tpu.memory_space<semaphore_mem>> -> memref<!tpu.dma_semaphore, #tpu.memory_space<semaphore_mem>>
    %dma_start3A_33 = arith.constant 0 : i32
    %dma_start3A_34 = arith.constant 0 : i32
    %dma_start3A_35 = tpu.memref_slice %arg8[%dma_start3A_23, %dma_start3A_33, %dma_start3A_34] : memref<2x640x16xf32, #tpu.memory_space<vmem>> -> memref<1x640x16xf32, #tpu.memory_space<vmem>>
    %dma_start3A_36 = tpu.memref_squeeze %dma_start3A_35 : memref<1x640x16xf32, #tpu.memory_space<vmem>> -> memref<640x16xf32, #tpu.memory_space<vmem>>
    %dma_start3A_37 = arith.constant 0 : i32
    %dma_start3A_38 = tpu.memref_slice %arg4[%multiple_of3A, %dma_start3A_37] : memref<100000x16xf32, #tpu.memory_space<hbm>> -> memref<640x16xf32, #tpu.memory_space<hbm>>
    tpu.enqueue_dma source(%dma_start3A_38 : memref<640x16xf32, #tpu.memory_space<hbm>>) target(%dma_start3A_36 : memref<640x16xf32, #tpu.memory_space<vmem>>) target_semaphore(%dma_start3A_32 : memref<!tpu.dma_semaphore, #tpu.memory_space<semaphore_mem>>)
    %dma_start3A_39 = arith.constant 0 : i32
    %dma_start3A_40 = arith.constant 18 : i32
    %dma_start3A_41 = arith.constant 0 : i32
    %dma_start3A_42 = tpu.memref_slice %arg10[%dma_start3A_39, %dma_start3A_41] : memref<2x640xf32, #tpu.memory_space<vmem>> -> memref<1x640xf32, #tpu.memory_space<vmem>>
    %dma_start3A_43 = tpu.memref_squeeze %dma_start3A_42 : memref<1x640xf32, #tpu.memory_space<vmem>> -> memref<640xf32, #tpu.memory_space<vmem>>
    %dma_start3A_44 = tpu.memref_slice %arg5[%multiple_of3A] : memref<100000xf32, #tpu.memory_space<hbm>> -> memref<640xf32, #tpu.memory_space<hbm>>
    %dma_start3A_45 = tpu.memref_slice %arg14[%dma_start3A_40] : memref<20x!tpu.dma_semaphore, #tpu.memory_space<semaphore_mem>> -> memref<1x!tpu.dma_semaphore, #tpu.memory_space<semaphore_mem>>
    %dma_start3A_46 = tpu.memref_squeeze %dma_start3A_45 : memref<1x!tpu.dma_semaphore, #tpu.memory_space<semaphore_mem>> -> memref<!tpu.dma_semaphore, #tpu.memory_space<semaphore_mem>>
    %dma_start3A_47 = arith.constant 0 : i32
    %dma_start3A_48 = tpu.memref_slice %arg10[%dma_start3A_39, %dma_start3A_47] : memref<2x640xf32, #tpu.memory_space<vmem>> -> memref<1x640xf32, #tpu.memory_space<vmem>>
    %dma_start3A_49 = tpu.memref_squeeze %dma_start3A_48 : memref<1x640xf32, #tpu.memory_space<vmem>> -> memref<640xf32, #tpu.memory_space<vmem>>
    %dma_start3A_50 = tpu.memref_slice %arg5[%multiple_of3A] : memref<100000xf32, #tpu.memory_space<hbm>> -> memref<640xf32, #tpu.memory_space<hbm>>
    tpu.enqueue_dma source(%dma_start3A_50 : memref<640xf32, #tpu.memory_space<hbm>>) target(%dma_start3A_49 : memref<640xf32, #tpu.memory_space<vmem>>) target_semaphore(%dma_start3A_46 : memref<!tpu.dma_semaphore, #tpu.memory_space<semaphore_mem>>)
    %dma_wait3A = arith.constant 0 : i32
    %dma_wait3A_51 = arith.constant 16 : i32
    %dma_wait3A_52 = arith.constant 0 : i32
    %dma_wait3A_53 = arith.constant 0 : i32
    %dma_wait3A_54 = tpu.memref_slice %arg7[%dma_wait3A, %dma_wait3A_52, %dma_wait3A_53] : memref<2x640x16xi32, #tpu.memory_space<vmem>> -> memref<1x640x16xi32, #tpu.memory_space<vmem>>
    %dma_wait3A_55 = tpu.memref_squeeze %dma_wait3A_54 : memref<1x640x16xi32, #tpu.memory_space<vmem>> -> memref<640x16xi32, #tpu.memory_space<vmem>>
    %dma_wait3A_56 = arith.constant 0 : i32
    %dma_wait3A_57 = arith.constant 0 : i32
    %dma_wait3A_58 = tpu.memref_slice %arg3[%dma_wait3A_56, %dma_wait3A_57] : memref<100000x16xi32, #tpu.memory_space<hbm>> -> memref<640x16xi32, #tpu.memory_space<hbm>>
    %dma_wait3A_59 = tpu.memref_slice %arg14[%dma_wait3A_51] : memref<20x!tpu.dma_semaphore, #tpu.memory_space<semaphore_mem>> -> memref<1x!tpu.dma_semaphore, #tpu.memory_space<semaphore_mem>>
    %dma_wait3A_60 = tpu.memref_squeeze %dma_wait3A_59 : memref<1x!tpu.dma_semaphore, #tpu.memory_space<semaphore_mem>> -> memref<!tpu.dma_semaphore, #tpu.memory_space<semaphore_mem>>
    %dma_wait3A_61 = arith.constant 0 : i32
    %dma_wait3A_62 = arith.constant 0 : i32
    %dma_wait3A_63 = tpu.memref_slice %arg7[%dma_wait3A, %dma_wait3A_61, %dma_wait3A_62] : memref<2x640x16xi32, #tpu.memory_space<vmem>> -> memref<1x640x16xi32, #tpu.memory_space<vmem>>
    %dma_wait3A_64 = tpu.memref_squeeze %dma_wait3A_63 : memref<1x640x16xi32, #tpu.memory_space<vmem>> -> memref<640x16xi32, #tpu.memory_space<vmem>>
    %dma_wait3A_65 = arith.constant 0 : i32
    %dma_wait3A_66 = arith.constant 0 : i32
    %dma_wait3A_67 = tpu.memref_slice %arg3[%dma_wait3A_65, %dma_wait3A_66] : memref<100000x16xi32, #tpu.memory_space<hbm>> -> memref<640x16xi32, #tpu.memory_space<hbm>>
    tpu.wait_dma2 semaphore(%dma_wait3A_60 : memref<!tpu.dma_semaphore, #tpu.memory_space<semaphore_mem>>) src(%dma_wait3A_67 : memref<640x16xi32, #tpu.memory_space<hbm>>) dst(%dma_wait3A_64 : memref<640x16xi32, #tpu.memory_space<vmem>>)
    %dma_wait3A_68 = arith.constant 0 : i32
    %dma_wait3A_69 = arith.constant 17 : i32
    %dma_wait3A_70 = arith.constant 0 : i32
    %dma_wait3A_71 = arith.constant 0 : i32
    %dma_wait3A_72 = tpu.memref_slice %arg8[%dma_wait3A_68, %dma_wait3A_70, %dma_wait3A_71] : memref<2x640x16xf32, #tpu.memory_space<vmem>> -> memref<1x640x16xf32, #tpu.memory_space<vmem>>
    %dma_wait3A_73 = tpu.memref_squeeze %dma_wait3A_72 : memref<1x640x16xf32, #tpu.memory_space<vmem>> -> memref<640x16xf32, #tpu.memory_space<vmem>>
    %dma_wait3A_74 = arith.constant 0 : i32
    %dma_wait3A_75 = arith.constant 0 : i32
    %dma_wait3A_76 = tpu.memref_slice %arg4[%dma_wait3A_74, %dma_wait3A_75] : memref<100000x16xf32, #tpu.memory_space<hbm>> -> memref<640x16xf32, #tpu.memory_space<hbm>>
    %dma_wait3A_77 = tpu.memref_slice %arg14[%dma_wait3A_69] : memref<20x!tpu.dma_semaphore, #tpu.memory_space<semaphore_mem>> -> memref<1x!tpu.dma_semaphore, #tpu.memory_space<semaphore_mem>>
    %dma_wait3A_78 = tpu.memref_squeeze %dma_wait3A_77 : memref<1x!tpu.dma_semaphore, #tpu.memory_space<semaphore_mem>> -> memref<!tpu.dma_semaphore, #tpu.memory_space<semaphore_mem>>
    %dma_wait3A_79 = arith.constant 0 : i32
    %dma_wait3A_80 = arith.constant 0 : i32
    %dma_wait3A_81 = tpu.memref_slice %arg8[%dma_wait3A_68, %dma_wait3A_79, %dma_wait3A_80] : memref<2x640x16xf32, #tpu.memory_space<vmem>> -> memref<1x640x16xf32, #tpu.memory_space<vmem>>
    %dma_wait3A_82 = tpu.memref_squeeze %dma_wait3A_81 : memref<1x640x16xf32, #tpu.memory_space<vmem>> -> memref<640x16xf32, #tpu.memory_space<vmem>>
    %dma_wait3A_83 = arith.constant 0 : i32
    %dma_wait3A_84 = arith.constant 0 : i32
    %dma_wait3A_85 = tpu.memref_slice %arg4[%dma_wait3A_83, %dma_wait3A_84] : memref<100000x16xf32, #tpu.memory_space<hbm>> -> memref<640x16xf32, #tpu.memory_space<hbm>>
    tpu.wait_dma2 semaphore(%dma_wait3A_78 : memref<!tpu.dma_semaphore, #tpu.memory_space<semaphore_mem>>) src(%dma_wait3A_85 : memref<640x16xf32, #tpu.memory_space<hbm>>) dst(%dma_wait3A_82 : memref<640x16xf32, #tpu.memory_space<vmem>>)
    %dma_wait3A_86 = arith.constant 0 : i32
    %dma_wait3A_87 = arith.constant 18 : i32
    %dma_wait3A_88 = arith.constant 0 : i32
    %dma_wait3A_89 = tpu.memref_slice %arg10[%dma_wait3A_86, %dma_wait3A_88] : memref<2x640xf32, #tpu.memory_space<vmem>> -> memref<1x640xf32, #tpu.memory_space<vmem>>
    %dma_wait3A_90 = tpu.memref_squeeze %dma_wait3A_89 : memref<1x640xf32, #tpu.memory_space<vmem>> -> memref<640xf32, #tpu.memory_space<vmem>>
    %dma_wait3A_91 = arith.constant 0 : i32
    %dma_wait3A_92 = tpu.memref_slice %arg5[%dma_wait3A_91] : memref<100000xf32, #tpu.memory_space<hbm>> -> memref<640xf32, #tpu.memory_space<hbm>>
    %dma_wait3A_93 = tpu.memref_slice %arg14[%dma_wait3A_87] : memref<20x!tpu.dma_semaphore, #tpu.memory_space<semaphore_mem>> -> memref<1x!tpu.dma_semaphore, #tpu.memory_space<semaphore_mem>>
    %dma_wait3A_94 = tpu.memref_squeeze %dma_wait3A_93 : memref<1x!tpu.dma_semaphore, #tpu.memory_space<semaphore_mem>> -> memref<!tpu.dma_semaphore, #tpu.memory_space<semaphore_mem>>
    %dma_wait3A_95 = arith.constant 0 : i32
    %dma_wait3A_96 = tpu.memref_slice %arg10[%dma_wait3A_86, %dma_wait3A_95] : memref<2x640xf32, #tpu.memory_space<vmem>> -> memref<1x640xf32, #tpu.memory_space<vmem>>
    %dma_wait3A_97 = tpu.memref_squeeze %dma_wait3A_96 : memref<1x640xf32, #tpu.memory_space<vmem>> -> memref<640xf32, #tpu.memory_space<vmem>>
    %dma_wait3A_98 = arith.constant 0 : i32
    %dma_wait3A_99 = tpu.memref_slice %arg5[%dma_wait3A_98] : memref<100000xf32, #tpu.memory_space<hbm>> -> memref<640xf32, #tpu.memory_space<hbm>>
    tpu.wait_dma2 semaphore(%dma_wait3A_94 : memref<!tpu.dma_semaphore, #tpu.memory_space<semaphore_mem>>) src(%dma_wait3A_99 : memref<640xf32, #tpu.memory_space<hbm>>) dst(%dma_wait3A_97 : memref<640xf32, #tpu.memory_space<vmem>>)
    %scan3A = arith.constant 0 : i32
    %scan3A_100 = arith.constant 0 : i32
    %scan3A_101 = arith.constant 5 : i32
    %scan3A_102 = arith.addi %scan3A_100, %scan3A_101 : i32
    %scan3A_103 = arith.constant 1 : i32
    scf.for %scan3A_105 = %scan3A_100 to %scan3A_102 step %scan3A_103  : i32 {
      %rem3A = arith.constant 2 : i32
      %rem3A_106 = arith.remsi %scan3A_105, %rem3A : i32
      %mul3A_107 = arith.constant 3200 : i32
      %mul3A_108 = arith.muli %add3A, %mul3A_107 : i32
      %mul3A_109 = arith.constant 640 : i32
      %mul3A_110 = arith.muli %scan3A_105, %mul3A_109 : i32
      %add3A_111 = arith.addi %mul3A_108, %mul3A_110 : i32
      %min3A_112 = arith.constant 99360 : i32
      %min3A_113 = arith.minsi %add3A_111, %min3A_112 : i32
      %multiple_of3A_114 = tpu.assume_multiple %min3A_113, 8 : i32
      %add3A_115 = arith.constant 1 : i32
      %add3A_116 = arith.addi %scan3A_105, %add3A_115 : i32
      %lt3A = arith.constant 5 : i32
      %lt3A_117 = arith.cmpi slt, %add3A_116, %lt3A : i32
      %convert_element_type3A = arith.extui %lt3A_117 : i1 to i32
      %cond3A = arith.constant 0 : i32
      %cond3A_118 = arith.cmpi ne, %convert_element_type3A, %cond3A : i32
      scf.if %cond3A_118 {
        %add3A_351 = arith.constant 1 : i32
        %add3A_352 = arith.addi %scan3A_105, %add3A_351 : i32
        %sub3A = arith.constant 1 : i32
        %sub3A_353 = arith.subi %sub3A, %rem3A_106 : i32
        %mul3A_354 = arith.constant 3200 : i32
        %mul3A_355 = arith.muli %add3A, %mul3A_354 : i32
        %mul3A_356 = arith.constant 640 : i32
        %mul3A_357 = arith.muli %add3A_352, %mul3A_356 : i32
        %add3A_358 = arith.addi %mul3A_355, %mul3A_357 : i32
        %min3A_359 = arith.constant 99360 : i32
        %min3A_360 = arith.minsi %add3A_358, %min3A_359 : i32
        %multiple_of3A_361 = tpu.assume_multiple %min3A_360, 8 : i32
        %dma_start3A_362 = arith.constant 16 : i32
        %dma_start3A_363 = arith.constant 0 : i32
        %dma_start3A_364 = arith.constant 0 : i32
        %dma_start3A_365 = tpu.memref_slice %arg7[%sub3A_353, %dma_start3A_363, %dma_start3A_364] : memref<2x640x16xi32, #tpu.memory_space<vmem>> -> memref<1x640x16xi32, #tpu.memory_space<vmem>>
        %dma_start3A_366 = tpu.memref_squeeze %dma_start3A_365 : memref<1x640x16xi32, #tpu.memory_space<vmem>> -> memref<640x16xi32, #tpu.memory_space<vmem>>
        %dma_start3A_367 = arith.constant 0 : i32
        %dma_start3A_368 = tpu.memref_slice %arg3[%multiple_of3A_361, %dma_start3A_367] : memref<100000x16xi32, #tpu.memory_space<hbm>> -> memref<640x16xi32, #tpu.memory_space<hbm>>
        %dma_start3A_369 = tpu.memref_slice %arg14[%dma_start3A_362] : memref<20x!tpu.dma_semaphore, #tpu.memory_space<semaphore_mem>> -> memref<1x!tpu.dma_semaphore, #tpu.memory_space<semaphore_mem>>
        %dma_start3A_370 = tpu.memref_squeeze %dma_start3A_369 : memref<1x!tpu.dma_semaphore, #tpu.memory_space<semaphore_mem>> -> memref<!tpu.dma_semaphore, #tpu.memory_space<semaphore_mem>>
        %dma_start3A_371 = arith.constant 0 : i32
        %dma_start3A_372 = arith.constant 0 : i32
        %dma_start3A_373 = tpu.memref_slice %arg7[%sub3A_353, %dma_start3A_371, %dma_start3A_372] : memref<2x640x16xi32, #tpu.memory_space<vmem>> -> memref<1x640x16xi32, #tpu.memory_space<vmem>>
        %dma_start3A_374 = tpu.memref_squeeze %dma_start3A_373 : memref<1x640x16xi32, #tpu.memory_space<vmem>> -> memref<640x16xi32, #tpu.memory_space<vmem>>
        %dma_start3A_375 = arith.constant 0 : i32
        %dma_start3A_376 = tpu.memref_slice %arg3[%multiple_of3A_361, %dma_start3A_375] : memref<100000x16xi32, #tpu.memory_space<hbm>> -> memref<640x16xi32, #tpu.memory_space<hbm>>
        tpu.enqueue_dma source(%dma_start3A_376 : memref<640x16xi32, #tpu.memory_space<hbm>>) target(%dma_start3A_374 : memref<640x16xi32, #tpu.memory_space<vmem>>) target_semaphore(%dma_start3A_370 : memref<!tpu.dma_semaphore, #tpu.memory_space<semaphore_mem>>)
        %dma_start3A_377 = arith.constant 17 : i32
        %dma_start3A_378 = arith.constant 0 : i32
        %dma_start3A_379 = arith.constant 0 : i32
        %dma_start3A_380 = tpu.memref_slice %arg8[%sub3A_353, %dma_start3A_378, %dma_start3A_379] : memref<2x640x16xf32, #tpu.memory_space<vmem>> -> memref<1x640x16xf32, #tpu.memory_space<vmem>>
        %dma_start3A_381 = tpu.memref_squeeze %dma_start3A_380 : memref<1x640x16xf32, #tpu.memory_space<vmem>> -> memref<640x16xf32, #tpu.memory_space<vmem>>
        %dma_start3A_382 = arith.constant 0 : i32
        %dma_start3A_383 = tpu.memref_slice %arg4[%multiple_of3A_361, %dma_start3A_382] : memref<100000x16xf32, #tpu.memory_space<hbm>> -> memref<640x16xf32, #tpu.memory_space<hbm>>
        %dma_start3A_384 = tpu.memref_slice %arg14[%dma_start3A_377] : memref<20x!tpu.dma_semaphore, #tpu.memory_space<semaphore_mem>> -> memref<1x!tpu.dma_semaphore, #tpu.memory_space<semaphore_mem>>
        %dma_start3A_385 = tpu.memref_squeeze %dma_start3A_384 : memref<1x!tpu.dma_semaphore, #tpu.memory_space<semaphore_mem>> -> memref<!tpu.dma_semaphore, #tpu.memory_space<semaphore_mem>>
        %dma_start3A_386 = arith.constant 0 : i32
        %dma_start3A_387 = arith.constant 0 : i32
        %dma_start3A_388 = tpu.memref_slice %arg8[%sub3A_353, %dma_start3A_386, %dma_start3A_387] : memref<2x640x16xf32, #tpu.memory_space<vmem>> -> memref<1x640x16xf32, #tpu.memory_space<vmem>>
        %dma_start3A_389 = tpu.memref_squeeze %dma_start3A_388 : memref<1x640x16xf32, #tpu.memory_space<vmem>> -> memref<640x16xf32, #tpu.memory_space<vmem>>
        %dma_start3A_390 = arith.constant 0 : i32
        %dma_start3A_391 = tpu.memref_slice %arg4[%multiple_of3A_361, %dma_start3A_390] : memref<100000x16xf32, #tpu.memory_space<hbm>> -> memref<640x16xf32, #tpu.memory_space<hbm>>
        tpu.enqueue_dma source(%dma_start3A_391 : memref<640x16xf32, #tpu.memory_space<hbm>>) target(%dma_start3A_389 : memref<640x16xf32, #tpu.memory_space<vmem>>) target_semaphore(%dma_start3A_385 : memref<!tpu.dma_semaphore, #tpu.memory_space<semaphore_mem>>)
        %dma_start3A_392 = arith.constant 18 : i32
        %dma_start3A_393 = arith.constant 0 : i32
        %dma_start3A_394 = tpu.memref_slice %arg10[%sub3A_353, %dma_start3A_393] : memref<2x640xf32, #tpu.memory_space<vmem>> -> memref<1x640xf32, #tpu.memory_space<vmem>>
        %dma_start3A_395 = tpu.memref_squeeze %dma_start3A_394 : memref<1x640xf32, #tpu.memory_space<vmem>> -> memref<640xf32, #tpu.memory_space<vmem>>
        %dma_start3A_396 = tpu.memref_slice %arg5[%multiple_of3A_361] : memref<100000xf32, #tpu.memory_space<hbm>> -> memref<640xf32, #tpu.memory_space<hbm>>
        %dma_start3A_397 = tpu.memref_slice %arg14[%dma_start3A_392] : memref<20x!tpu.dma_semaphore, #tpu.memory_space<semaphore_mem>> -> memref<1x!tpu.dma_semaphore, #tpu.memory_space<semaphore_mem>>
        %dma_start3A_398 = tpu.memref_squeeze %dma_start3A_397 : memref<1x!tpu.dma_semaphore, #tpu.memory_space<semaphore_mem>> -> memref<!tpu.dma_semaphore, #tpu.memory_space<semaphore_mem>>
        %dma_start3A_399 = arith.constant 0 : i32
        %dma_start3A_400 = tpu.memref_slice %arg10[%sub3A_353, %dma_start3A_399] : memref<2x640xf32, #tpu.memory_space<vmem>> -> memref<1x640xf32, #tpu.memory_space<vmem>>
        %dma_start3A_401 = tpu.memref_squeeze %dma_start3A_400 : memref<1x640xf32, #tpu.memory_space<vmem>> -> memref<640xf32, #tpu.memory_space<vmem>>
        %dma_start3A_402 = tpu.memref_slice %arg5[%multiple_of3A_361] : memref<100000xf32, #tpu.memory_space<hbm>> -> memref<640xf32, #tpu.memory_space<hbm>>
        tpu.enqueue_dma source(%dma_start3A_402 : memref<640xf32, #tpu.memory_space<hbm>>) target(%dma_start3A_401 : memref<640xf32, #tpu.memory_space<vmem>>) target_semaphore(%dma_start3A_398 : memref<!tpu.dma_semaphore, #tpu.memory_space<semaphore_mem>>)
      } else {
      }
      "tpu.region"() ({
        %run_scoped3A_351 = tpu.sem_alloc : memref<!tpu.dma_semaphore, #tpu.memory_space<semaphore_mem>>
        %dma_start3A_352 = arith.constant 0 : i32
        %dma_start3A_353 = tpu.memref_slice %arg2[%multiple_of3A_114, %dma_start3A_352] : memref<100000x16xf32, #tpu.memory_space<hbm>> -> memref<640x16xf32, #tpu.memory_space<hbm>>
        %dma_start3A_354 = arith.constant 0 : i32
        %dma_start3A_355 = tpu.memref_slice %arg2[%multiple_of3A_114, %dma_start3A_354] : memref<100000x16xf32, #tpu.memory_space<hbm>> -> memref<640x16xf32, #tpu.memory_space<hbm>>
        tpu.enqueue_dma source(%dma_start3A_355 : memref<640x16xf32, #tpu.memory_space<hbm>>) target(%arg9 : memref<640x16xf32, #tpu.memory_space<vmem>>) target_semaphore(%run_scoped3A_351 : memref<!tpu.dma_semaphore, #tpu.memory_space<semaphore_mem>>)
        %dma_wait3A_356 = arith.constant 0 : i32
        %dma_wait3A_357 = tpu.memref_slice %arg2[%multiple_of3A_114, %dma_wait3A_356] : memref<100000x16xf32, #tpu.memory_space<hbm>> -> memref<640x16xf32, #tpu.memory_space<hbm>>
        %dma_wait3A_358 = arith.constant 0 : i32
        %dma_wait3A_359 = tpu.memref_slice %arg2[%multiple_of3A_114, %dma_wait3A_358] : memref<100000x16xf32, #tpu.memory_space<hbm>> -> memref<640x16xf32, #tpu.memory_space<hbm>>
        tpu.wait_dma2 semaphore(%run_scoped3A_351 : memref<!tpu.dma_semaphore, #tpu.memory_space<semaphore_mem>>) src(%dma_wait3A_359 : memref<640x16xf32, #tpu.memory_space<hbm>>) dst(%arg9 : memref<640x16xf32, #tpu.memory_space<vmem>>)
        tpu.yield
      }) : () -> ()
      %scan3A_119 = arith.constant 0 : i32
      %scan3A_120 = arith.constant 0 : i32
      %scan3A_121 = arith.constant 640 : i32
      %scan3A_122 = arith.addi %scan3A_120, %scan3A_121 : i32
      %scan3A_123 = arith.constant 1 : i32
      scf.for %scan3A_351 = %scan3A_120 to %scan3A_122 step %scan3A_123  : i32 {
        %get3A = arith.index_cast %rem3A_106 : i32 to index
        %get3A_352 = arith.index_cast %scan3A_351 : i32 to index
        %get3A_353 = arith.constant 0 : index
        %get3A_354 = tpu.vector_load %arg7[%get3A, %get3A_352, %get3A_353] {strides = array<i32>} : memref<2x640x16xi32, #tpu.memory_space<vmem>>, vector<16xi32>,
        %mul3A_355 = arith.constant 16 : i32
        %mul3A_356 = arith.muli %scan3A_351, %mul3A_355 : i32
        %swap3A = arith.index_cast %mul3A_356 : i32 to index
        %swap3A_357 = tpu.vector_load %arg11[%swap3A] {strides = array<i32>} : memref<10240xi32, #tpu.memory_space<vmem>>, vector<16xi32>,
        tpu.vector_store %arg11[%swap3A], %get3A_354 {strides = array<i32>} : memref<10240xi32, #tpu.memory_space<vmem>>, vector<16xi32>,
      }
      %scan3A_124 = arith.constant 640 : i32
      %dma_start3A_125 = arith.constant 0 : i32
      %dma_start3A_126 = arith.constant 0 : i32
      %dma_start3A_127 = arith.constant 0 : i32
      %dma_start3A_128 = arith.constant 0 : i32
      %dma_start3A_129 = tpu.memref_slice %arg12[%dma_start3A_125, %dma_start3A_127, %dma_start3A_128] : memref<16x128x16xf32, #tpu.memory_space<vmem>> -> memref<1x128x16xf32, #tpu.memory_space<vmem>>
      %dma_start3A_130 = tpu.memref_squeeze %dma_start3A_129 : memref<1x128x16xf32, #tpu.memory_space<vmem>> -> memref<128x16xf32, #tpu.memory_space<vmem>>
      %dma_start3A_131 = arith.constant 0 : i32
      %dma_start3A_132 = tpu.memref_slice %arg11[%dma_start3A_131] : memref<10240xi32, #tpu.memory_space<vmem>> -> memref<128xi32, #tpu.memory_space<vmem>>
      %dma_start3A_133 = arith.constant 0 : i32
      %dma_start3A_134 = arith.constant 0 : i32
      %dma_start3A_135 = tpu.memref_slice %arg2[%dma_start3A_133, %dma_start3A_134] : memref<100000x16xf32, #tpu.memory_space<hbm>> -> memref<100000x16xf32, #tpu.memory_space<hbm>>
      %dma_start3A_136 = tpu.memref_slice %arg14[%dma_start3A_126] : memref<20x!tpu.dma_semaphore, #tpu.memory_space<semaphore_mem>> -> memref<1x!tpu.dma_semaphore, #tpu.memory_space<semaphore_mem>>
      %dma_start3A_137 = tpu.memref_squeeze %dma_start3A_136 : memref<1x!tpu.dma_semaphore, #tpu.memory_space<semaphore_mem>> -> memref<!tpu.dma_semaphore, #tpu.memory_space<semaphore_mem>>
      tpu.enqueue_indirect_dma source(%dma_start3A_135 : memref<100000x16xf32, #tpu.memory_space<hbm>>) target(%dma_start3A_130 : memref<128x16xf32, #tpu.memory_space<vmem>>) offsets(%dma_start3A_132 : memref<128xi32, #tpu.memory_space<vmem>>) semaphore(%dma_start3A_137 : memref<!tpu.dma_semaphore, #tpu.memory_space<semaphore_mem>>)
      %dma_start3A_138 = arith.constant 1 : i32
      %dma_start3A_139 = arith.constant 1 : i32
      %dma_start3A_140 = arith.constant 0 : i32
      %dma_start3A_141 = arith.constant 0 : i32
      %dma_start3A_142 = tpu.memref_slice %arg12[%dma_start3A_138, %dma_start3A_140, %dma_start3A_141] : memref<16x128x16xf32, #tpu.memory_space<vmem>> -> memref<1x128x16xf32, #tpu.memory_space<vmem>>
      %dma_start3A_143 = tpu.memref_squeeze %dma_start3A_142 : memref<1x128x16xf32, #tpu.memory_space<vmem>> -> memref<128x16xf32, #tpu.memory_space<vmem>>
      %dma_start3A_144 = arith.constant 128 : i32
      %dma_start3A_145 = tpu.memref_slice %arg11[%dma_start3A_144] : memref<10240xi32, #tpu.memory_space<vmem>> -> memref<128xi32, #tpu.memory_space<vmem>>
      %dma_start3A_146 = arith.constant 0 : i32
      %dma_start3A_147 = arith.constant 0 : i32
      %dma_start3A_148 = tpu.memref_slice %arg2[%dma_start3A_146, %dma_start3A_147] : memref<100000x16xf32, #tpu.memory_space<hbm>> -> memref<100000x16xf32, #tpu.memory_space<hbm>>
      %dma_start3A_149 = tpu.memref_slice %arg14[%dma_start3A_139] : memref<20x!tpu.dma_semaphore, #tpu.memory_space<semaphore_mem>> -> memref<1x!tpu.dma_semaphore, #tpu.memory_space<semaphore_mem>>
      %dma_start3A_150 = tpu.memref_squeeze %dma_start3A_149 : memref<1x!tpu.dma_semaphore, #tpu.memory_space<semaphore_mem>> -> memref<!tpu.dma_semaphore, #tpu.memory_space<semaphore_mem>>
      tpu.enqueue_indirect_dma source(%dma_start3A_148 : memref<100000x16xf32, #tpu.memory_space<hbm>>) target(%dma_start3A_143 : memref<128x16xf32, #tpu.memory_space<vmem>>) offsets(%dma_start3A_145 : memref<128xi32, #tpu.memory_space<vmem>>) semaphore(%dma_start3A_150 : memref<!tpu.dma_semaphore, #tpu.memory_space<semaphore_mem>>)
      %dma_start3A_151 = arith.constant 2 : i32
      %dma_start3A_152 = arith.constant 2 : i32
      %dma_start3A_153 = arith.constant 0 : i32
      %dma_start3A_154 = arith.constant 0 : i32
      %dma_start3A_155 = tpu.memref_slice %arg12[%dma_start3A_151, %dma_start3A_153, %dma_start3A_154] : memref<16x128x16xf32, #tpu.memory_space<vmem>> -> memref<1x128x16xf32, #tpu.memory_space<vmem>>
      %dma_start3A_156 = tpu.memref_squeeze %dma_start3A_155 : memref<1x128x16xf32, #tpu.memory_space<vmem>> -> memref<128x16xf32, #tpu.memory_space<vmem>>
      %dma_start3A_157 = arith.constant 256 : i32
      %dma_start3A_158 = tpu.memref_slice %arg11[%dma_start3A_157] : memref<10240xi32, #tpu.memory_space<vmem>> -> memref<128xi32, #tpu.memory_space<vmem>>
      %dma_start3A_159 = arith.constant 0 : i32
      %dma_start3A_160 = arith.constant 0 : i32
      %dma_start3A_161 = tpu.memref_slice %arg2[%dma_start3A_159, %dma_start3A_160] : memref<100000x16xf32, #tpu.memory_space<hbm>> -> memref<100000x16xf32, #tpu.memory_space<hbm>>
      %dma_start3A_162 = tpu.memref_slice %arg14[%dma_start3A_152] : memref<20x!tpu.dma_semaphore, #tpu.memory_space<semaphore_mem>> -> memref<1x!tpu.dma_semaphore, #tpu.memory_space<semaphore_mem>>
      %dma_start3A_163 = tpu.memref_squeeze %dma_start3A_162 : memref<1x!tpu.dma_semaphore, #tpu.memory_space<semaphore_mem>> -> memref<!tpu.dma_semaphore, #tpu.memory_space<semaphore_mem>>
      tpu.enqueue_indirect_dma source(%dma_start3A_161 : memref<100000x16xf32, #tpu.memory_space<hbm>>) target(%dma_start3A_156 : memref<128x16xf32, #tpu.memory_space<vmem>>) offsets(%dma_start3A_158 : memref<128xi32, #tpu.memory_space<vmem>>) semaphore(%dma_start3A_163 : memref<!tpu.dma_semaphore, #tpu.memory_space<semaphore_mem>>)
      %dma_start3A_164 = arith.constant 3 : i32
      %dma_start3A_165 = arith.constant 3 : i32
      %dma_start3A_166 = arith.constant 0 : i32
      %dma_start3A_167 = arith.constant 0 : i32
      %dma_start3A_168 = tpu.memref_slice %arg12[%dma_start3A_164, %dma_start3A_166, %dma_start3A_167] : memref<16x128x16xf32, #tpu.memory_space<vmem>> -> memref<1x128x16xf32, #tpu.memory_space<vmem>>
      %dma_start3A_169 = tpu.memref_squeeze %dma_start3A_168 : memref<1x128x16xf32, #tpu.memory_space<vmem>> -> memref<128x16xf32, #tpu.memory_space<vmem>>
      %dma_start3A_170 = arith.constant 384 : i32
      %dma_start3A_171 = tpu.memref_slice %arg11[%dma_start3A_170] : memref<10240xi32, #tpu.memory_space<vmem>> -> memref<128xi32, #tpu.memory_space<vmem>>
      %dma_start3A_172 = arith.constant 0 : i32
      %dma_start3A_173 = arith.constant 0 : i32
      %dma_start3A_174 = tpu.memref_slice %arg2[%dma_start3A_172, %dma_start3A_173] : memref<100000x16xf32, #tpu.memory_space<hbm>> -> memref<100000x16xf32, #tpu.memory_space<hbm>>
      %dma_start3A_175 = tpu.memref_slice %arg14[%dma_start3A_165] : memref<20x!tpu.dma_semaphore, #tpu.memory_space<semaphore_mem>> -> memref<1x!tpu.dma_semaphore, #tpu.memory_space<semaphore_mem>>
      %dma_start3A_176 = tpu.memref_squeeze %dma_start3A_175 : memref<1x!tpu.dma_semaphore, #tpu.memory_space<semaphore_mem>> -> memref<!tpu.dma_semaphore, #tpu.memory_space<semaphore_mem>>
      tpu.enqueue_indirect_dma source(%dma_start3A_174 : memref<100000x16xf32, #tpu.memory_space<hbm>>) target(%dma_start3A_169 : memref<128x16xf32, #tpu.memory_space<vmem>>) offsets(%dma_start3A_171 : memref<128xi32, #tpu.memory_space<vmem>>) semaphore(%dma_start3A_176 : memref<!tpu.dma_semaphore, #tpu.memory_space<semaphore_mem>>)
      %dma_start3A_177 = arith.constant 4 : i32
      %dma_start3A_178 = arith.constant 4 : i32
      %dma_start3A_179 = arith.constant 0 : i32
      %dma_start3A_180 = arith.constant 0 : i32
      %dma_start3A_181 = tpu.memref_slice %arg12[%dma_start3A_177, %dma_start3A_179, %dma_start3A_180] : memref<16x128x16xf32, #tpu.memory_space<vmem>> -> memref<1x128x16xf32, #tpu.memory_space<vmem>>
      %dma_start3A_182 = tpu.memref_squeeze %dma_start3A_181 : memref<1x128x16xf32, #tpu.memory_space<vmem>> -> memref<128x16xf32, #tpu.memory_space<vmem>>
      %dma_start3A_183 = arith.constant 512 : i32
      %dma_start3A_184 = tpu.memref_slice %arg11[%dma_start3A_183] : memref<10240xi32, #tpu.memory_space<vmem>> -> memref<128xi32, #tpu.memory_space<vmem>>
      %dma_start3A_185 = arith.constant 0 : i32
      %dma_start3A_186 = arith.constant 0 : i32
      %dma_start3A_187 = tpu.memref_slice %arg2[%dma_start3A_185, %dma_start3A_186] : memref<100000x16xf32, #tpu.memory_space<hbm>> -> memref<100000x16xf32, #tpu.memory_space<hbm>>
      %dma_start3A_188 = tpu.memref_slice %arg14[%dma_start3A_178] : memref<20x!tpu.dma_semaphore, #tpu.memory_space<semaphore_mem>> -> memref<1x!tpu.dma_semaphore, #tpu.memory_space<semaphore_mem>>
      %dma_start3A_189 = tpu.memref_squeeze %dma_start3A_188 : memref<1x!tpu.dma_semaphore, #tpu.memory_space<semaphore_mem>> -> memref<!tpu.dma_semaphore, #tpu.memory_space<semaphore_mem>>
      tpu.enqueue_indirect_dma source(%dma_start3A_187 : memref<100000x16xf32, #tpu.memory_space<hbm>>) target(%dma_start3A_182 : memref<128x16xf32, #tpu.memory_space<vmem>>) offsets(%dma_start3A_184 : memref<128xi32, #tpu.memory_space<vmem>>) semaphore(%dma_start3A_189 : memref<!tpu.dma_semaphore, #tpu.memory_space<semaphore_mem>>)
      %dma_start3A_190 = arith.constant 5 : i32
      %dma_start3A_191 = arith.constant 5 : i32
      %dma_start3A_192 = arith.constant 0 : i32
      %dma_start3A_193 = arith.constant 0 : i32
      %dma_start3A_194 = tpu.memref_slice %arg12[%dma_start3A_190, %dma_start3A_192, %dma_start3A_193] : memref<16x128x16xf32, #tpu.memory_space<vmem>> -> memref<1x128x16xf32, #tpu.memory_space<vmem>>
      %dma_start3A_195 = tpu.memref_squeeze %dma_start3A_194 : memref<1x128x16xf32, #tpu.memory_space<vmem>> -> memref<128x16xf32, #tpu.memory_space<vmem>>
      %dma_start3A_196 = arith.constant 640 : i32
      %dma_start3A_197 = tpu.memref_slice %arg11[%dma_start3A_196] : memref<10240xi32, #tpu.memory_space<vmem>> -> memref<128xi32, #tpu.memory_space<vmem>>
      %dma_start3A_198 = arith.constant 0 : i32
      %dma_start3A_199 = arith.constant 0 : i32
      %dma_start3A_200 = tpu.memref_slice %arg2[%dma_start3A_198, %dma_start3A_199] : memref<100000x16xf32, #tpu.memory_space<hbm>> -> memref<100000x16xf32, #tpu.memory_space<hbm>>
      %dma_start3A_201 = tpu.memref_slice %arg14[%dma_start3A_191] : memref<20x!tpu.dma_semaphore, #tpu.memory_space<semaphore_mem>> -> memref<1x!tpu.dma_semaphore, #tpu.memory_space<semaphore_mem>>
      %dma_start3A_202 = tpu.memref_squeeze %dma_start3A_201 : memref<1x!tpu.dma_semaphore, #tpu.memory_space<semaphore_mem>> -> memref<!tpu.dma_semaphore, #tpu.memory_space<semaphore_mem>>
      tpu.enqueue_indirect_dma source(%dma_start3A_200 : memref<100000x16xf32, #tpu.memory_space<hbm>>) target(%dma_start3A_195 : memref<128x16xf32, #tpu.memory_space<vmem>>) offsets(%dma_start3A_197 : memref<128xi32, #tpu.memory_space<vmem>>) semaphore(%dma_start3A_202 : memref<!tpu.dma_semaphore, #tpu.memory_space<semaphore_mem>>)
      %dma_start3A_203 = arith.constant 6 : i32
      %dma_start3A_204 = arith.constant 6 : i32
      %dma_start3A_205 = arith.constant 0 : i32
      %dma_start3A_206 = arith.constant 0 : i32
      %dma_start3A_207 = tpu.memref_slice %arg12[%dma_start3A_203, %dma_start3A_205, %dma_start3A_206] : memref<16x128x16xf32, #tpu.memory_space<vmem>> -> memref<1x128x16xf32, #tpu.memory_space<vmem>>
      %dma_start3A_208 = tpu.memref_squeeze %dma_start3A_207 : memref<1x128x16xf32, #tpu.memory_space<vmem>> -> memref<128x16xf32, #tpu.memory_space<vmem>>
      %dma_start3A_209 = arith.constant 768 : i32
      %dma_start3A_210 = tpu.memref_slice %arg11[%dma_start3A_209] : memref<10240xi32, #tpu.memory_space<vmem>> -> memref<128xi32, #tpu.memory_space<vmem>>
      %dma_start3A_211 = arith.constant 0 : i32
      %dma_start3A_212 = arith.constant 0 : i32
      %dma_start3A_213 = tpu.memref_slice %arg2[%dma_start3A_211, %dma_start3A_212] : memref<100000x16xf32, #tpu.memory_space<hbm>> -> memref<100000x16xf32, #tpu.memory_space<hbm>>
      %dma_start3A_214 = tpu.memref_slice %arg14[%dma_start3A_204] : memref<20x!tpu.dma_semaphore, #tpu.memory_space<semaphore_mem>> -> memref<1x!tpu.dma_semaphore, #tpu.memory_space<semaphore_mem>>
      %dma_start3A_215 = tpu.memref_squeeze %dma_start3A_214 : memref<1x!tpu.dma_semaphore, #tpu.memory_space<semaphore_mem>> -> memref<!tpu.dma_semaphore, #tpu.memory_space<semaphore_mem>>
      tpu.enqueue_indirect_dma source(%dma_start3A_213 : memref<100000x16xf32, #tpu.memory_space<hbm>>) target(%dma_start3A_208 : memref<128x16xf32, #tpu.memory_space<vmem>>) offsets(%dma_start3A_210 : memref<128xi32, #tpu.memory_space<vmem>>) semaphore(%dma_start3A_215 : memref<!tpu.dma_semaphore, #tpu.memory_space<semaphore_mem>>)
      %dma_start3A_216 = arith.constant 7 : i32
      %dma_start3A_217 = arith.constant 7 : i32
      %dma_start3A_218 = arith.constant 0 : i32
      %dma_start3A_219 = arith.constant 0 : i32
      %dma_start3A_220 = tpu.memref_slice %arg12[%dma_start3A_216, %dma_start3A_218, %dma_start3A_219] : memref<16x128x16xf32, #tpu.memory_space<vmem>> -> memref<1x128x16xf32, #tpu.memory_space<vmem>>
      %dma_start3A_221 = tpu.memref_squeeze %dma_start3A_220 : memref<1x128x16xf32, #tpu.memory_space<vmem>> -> memref<128x16xf32, #tpu.memory_space<vmem>>
      %dma_start3A_222 = arith.constant 896 : i32
      %dma_start3A_223 = tpu.memref_slice %arg11[%dma_start3A_222] : memref<10240xi32, #tpu.memory_space<vmem>> -> memref<128xi32, #tpu.memory_space<vmem>>
      %dma_start3A_224 = arith.constant 0 : i32
      %dma_start3A_225 = arith.constant 0 : i32
      %dma_start3A_226 = tpu.memref_slice %arg2[%dma_start3A_224, %dma_start3A_225] : memref<100000x16xf32, #tpu.memory_space<hbm>> -> memref<100000x16xf32, #tpu.memory_space<hbm>>
      %dma_start3A_227 = tpu.memref_slice %arg14[%dma_start3A_217] : memref<20x!tpu.dma_semaphore, #tpu.memory_space<semaphore_mem>> -> memref<1x!tpu.dma_semaphore, #tpu.memory_space<semaphore_mem>>
      %dma_start3A_228 = tpu.memref_squeeze %dma_start3A_227 : memref<1x!tpu.dma_semaphore, #tpu.memory_space<semaphore_mem>> -> memref<!tpu.dma_semaphore, #tpu.memory_space<semaphore_mem>>
      tpu.enqueue_indirect_dma source(%dma_start3A_226 : memref<100000x16xf32, #tpu.memory_space<hbm>>) target(%dma_start3A_221 : memref<128x16xf32, #tpu.memory_space<vmem>>) offsets(%dma_start3A_223 : memref<128xi32, #tpu.memory_space<vmem>>) semaphore(%dma_start3A_228 : memref<!tpu.dma_semaphore, #tpu.memory_space<semaphore_mem>>)
      %dma_start3A_229 = arith.constant 8 : i32
      %dma_start3A_230 = arith.constant 8 : i32
      %dma_start3A_231 = arith.constant 0 : i32
      %dma_start3A_232 = arith.constant 0 : i32
      %dma_start3A_233 = tpu.memref_slice %arg12[%dma_start3A_229, %dma_start3A_231, %dma_start3A_232] : memref<16x128x16xf32, #tpu.memory_space<vmem>> -> memref<1x128x16xf32, #tpu.memory_space<vmem>>
      %dma_start3A_234 = tpu.memref_squeeze %dma_start3A_233 : memref<1x128x16xf32, #tpu.memory_space<vmem>> -> memref<128x16xf32, #tpu.memory_space<vmem>>
      %dma_start3A_235 = arith.constant 1024 : i32
      %dma_start3A_236 = tpu.memref_slice %arg11[%dma_start3A_235] : memref<10240xi32, #tpu.memory_space<vmem>> -> memref<128xi32, #tpu.memory_space<vmem>>
      %dma_start3A_237 = arith.constant 0 : i32
      %dma_start3A_238 = arith.constant 0 : i32
      %dma_start3A_239 = tpu.memref_slice %arg2[%dma_start3A_237, %dma_start3A_238] : memref<100000x16xf32, #tpu.memory_space<hbm>> -> memref<100000x16xf32, #tpu.memory_space<hbm>>
      %dma_start3A_240 = tpu.memref_slice %arg14[%dma_start3A_230] : memref<20x!tpu.dma_semaphore, #tpu.memory_space<semaphore_mem>> -> memref<1x!tpu.dma_semaphore, #tpu.memory_space<semaphore_mem>>
      %dma_start3A_241 = tpu.memref_squeeze %dma_start3A_240 : memref<1x!tpu.dma_semaphore, #tpu.memory_space<semaphore_mem>> -> memref<!tpu.dma_semaphore, #tpu.memory_space<semaphore_mem>>
      tpu.enqueue_indirect_dma source(%dma_start3A_239 : memref<100000x16xf32, #tpu.memory_space<hbm>>) target(%dma_start3A_234 : memref<128x16xf32, #tpu.memory_space<vmem>>) offsets(%dma_start3A_236 : memref<128xi32, #tpu.memory_space<vmem>>) semaphore(%dma_start3A_241 : memref<!tpu.dma_semaphore, #tpu.memory_space<semaphore_mem>>)
      %dma_start3A_242 = arith.constant 9 : i32
      %dma_start3A_243 = arith.constant 9 : i32
      %dma_start3A_244 = arith.constant 0 : i32
      %dma_start3A_245 = arith.constant 0 : i32
      %dma_start3A_246 = tpu.memref_slice %arg12[%dma_start3A_242, %dma_start3A_244, %dma_start3A_245] : memref<16x128x16xf32, #tpu.memory_space<vmem>> -> memref<1x128x16xf32, #tpu.memory_space<vmem>>
      %dma_start3A_247 = tpu.memref_squeeze %dma_start3A_246 : memref<1x128x16xf32, #tpu.memory_space<vmem>> -> memref<128x16xf32, #tpu.memory_space<vmem>>
      %dma_start3A_248 = arith.constant 1152 : i32
      %dma_start3A_249 = tpu.memref_slice %arg11[%dma_start3A_248] : memref<10240xi32, #tpu.memory_space<vmem>> -> memref<128xi32, #tpu.memory_space<vmem>>
      %dma_start3A_250 = arith.constant 0 : i32
      %dma_start3A_251 = arith.constant 0 : i32
      %dma_start3A_252 = tpu.memref_slice %arg2[%dma_start3A_250, %dma_start3A_251] : memref<100000x16xf32, #tpu.memory_space<hbm>> -> memref<100000x16xf32, #tpu.memory_space<hbm>>
      %dma_start3A_253 = tpu.memref_slice %arg14[%dma_start3A_243] : memref<20x!tpu.dma_semaphore, #tpu.memory_space<semaphore_mem>> -> memref<1x!tpu.dma_semaphore, #tpu.memory_space<semaphore_mem>>
      %dma_start3A_254 = tpu.memref_squeeze %dma_start3A_253 : memref<1x!tpu.dma_semaphore, #tpu.memory_space<semaphore_mem>> -> memref<!tpu.dma_semaphore, #tpu.memory_space<semaphore_mem>>
      tpu.enqueue_indirect_dma source(%dma_start3A_252 : memref<100000x16xf32, #tpu.memory_space<hbm>>) target(%dma_start3A_247 : memref<128x16xf32, #tpu.memory_space<vmem>>) offsets(%dma_start3A_249 : memref<128xi32, #tpu.memory_space<vmem>>) semaphore(%dma_start3A_254 : memref<!tpu.dma_semaphore, #tpu.memory_space<semaphore_mem>>)
      %dma_start3A_255 = arith.constant 10 : i32
      %dma_start3A_256 = arith.constant 10 : i32
      %dma_start3A_257 = arith.constant 0 : i32
      %dma_start3A_258 = arith.constant 0 : i32
      %dma_start3A_259 = tpu.memref_slice %arg12[%dma_start3A_255, %dma_start3A_257, %dma_start3A_258] : memref<16x128x16xf32, #tpu.memory_space<vmem>> -> memref<1x128x16xf32, #tpu.memory_space<vmem>>
      %dma_start3A_260 = tpu.memref_squeeze %dma_start3A_259 : memref<1x128x16xf32, #tpu.memory_space<vmem>> -> memref<128x16xf32, #tpu.memory_space<vmem>>
      %dma_start3A_261 = arith.constant 1280 : i32
      %dma_start3A_262 = tpu.memref_slice %arg11[%dma_start3A_261] : memref<10240xi32, #tpu.memory_space<vmem>> -> memref<128xi32, #tpu.memory_space<vmem>>
      %dma_start3A_263 = arith.constant 0 : i32
      %dma_start3A_264 = arith.constant 0 : i32
      %dma_start3A_265 = tpu.memref_slice %arg2[%dma_start3A_263, %dma_start3A_264] : memref<100000x16xf32, #tpu.memory_space<hbm>> -> memref<100000x16xf32, #tpu.memory_space<hbm>>
      %dma_start3A_266 = tpu.memref_slice %arg14[%dma_start3A_256] : memref<20x!tpu.dma_semaphore, #tpu.memory_space<semaphore_mem>> -> memref<1x!tpu.dma_semaphore, #tpu.memory_space<semaphore_mem>>
      %dma_start3A_267 = tpu.memref_squeeze %dma_start3A_266 : memref<1x!tpu.dma_semaphore, #tpu.memory_space<semaphore_mem>> -> memref<!tpu.dma_semaphore, #tpu.memory_space<semaphore_mem>>
      tpu.enqueue_indirect_dma source(%dma_start3A_265 : memref<100000x16xf32, #tpu.memory_space<hbm>>) target(%dma_start3A_260 : memref<128x16xf32, #tpu.memory_space<vmem>>) offsets(%dma_start3A_262 : memref<128xi32, #tpu.memory_space<vmem>>) semaphore(%dma_start3A_267 : memref<!tpu.dma_semaphore, #tpu.memory_space<semaphore_mem>>)
      %dma_start3A_268 = arith.constant 11 : i32
      %dma_start3A_269 = arith.constant 11 : i32
      %dma_start3A_270 = arith.constant 0 : i32
      %dma_start3A_271 = arith.constant 0 : i32
      %dma_start3A_272 = tpu.memref_slice %arg12[%dma_start3A_268, %dma_start3A_270, %dma_start3A_271] : memref<16x128x16xf32, #tpu.memory_space<vmem>> -> memref<1x128x16xf32, #tpu.memory_space<vmem>>
      %dma_start3A_273 = tpu.memref_squeeze %dma_start3A_272 : memref<1x128x16xf32, #tpu.memory_space<vmem>> -> memref<128x16xf32, #tpu.memory_space<vmem>>
      %dma_start3A_274 = arith.constant 1408 : i32
      %dma_start3A_275 = tpu.memref_slice %arg11[%dma_start3A_274] : memref<10240xi32, #tpu.memory_space<vmem>> -> memref<128xi32, #tpu.memory_space<vmem>>
      %dma_start3A_276 = arith.constant 0 : i32
      %dma_start3A_277 = arith.constant 0 : i32
      %dma_start3A_278 = tpu.memref_slice %arg2[%dma_start3A_276, %dma_start3A_277] : memref<100000x16xf32, #tpu.memory_space<hbm>> -> memref<100000x16xf32, #tpu.memory_space<hbm>>
      %dma_start3A_279 = tpu.memref_slice %arg14[%dma_start3A_269] : memref<20x!tpu.dma_semaphore, #tpu.memory_space<semaphore_mem>> -> memref<1x!tpu.dma_semaphore, #tpu.memory_space<semaphore_mem>>
      %dma_start3A_280 = tpu.memref_squeeze %dma_start3A_279 : memref<1x!tpu.dma_semaphore, #tpu.memory_space<semaphore_mem>> -> memref<!tpu.dma_semaphore, #tpu.memory_space<semaphore_mem>>
      tpu.enqueue_indirect_dma source(%dma_start3A_278 : memref<100000x16xf32, #tpu.memory_space<hbm>>) target(%dma_start3A_273 : memref<128x16xf32, #tpu.memory_space<vmem>>) offsets(%dma_start3A_275 : memref<128xi32, #tpu.memory_space<vmem>>) semaphore(%dma_start3A_280 : memref<!tpu.dma_semaphore, #tpu.memory_space<semaphore_mem>>)
      %dma_start3A_281 = arith.constant 12 : i32
      %dma_start3A_282 = arith.constant 12 : i32
      %dma_start3A_283 = arith.constant 0 : i32
      %dma_start3A_284 = arith.constant 0 : i32
      %dma_start3A_285 = tpu.memref_slice %arg12[%dma_start3A_281, %dma_start3A_283, %dma_start3A_284] : memref<16x128x16xf32, #tpu.memory_space<vmem>> -> memref<1x128x16xf32, #tpu.memory_space<vmem>>
      %dma_start3A_286 = tpu.memref_squeeze %dma_start3A_285 : memref<1x128x16xf32, #tpu.memory_space<vmem>> -> memref<128x16xf32, #tpu.memory_space<vmem>>
      %dma_start3A_287 = arith.constant 1536 : i32
      %dma_start3A_288 = tpu.memref_slice %arg11[%dma_start3A_287] : memref<10240xi32, #tpu.memory_space<vmem>> -> memref<128xi32, #tpu.memory_space<vmem>>
      %dma_start3A_289 = arith.constant 0 : i32
      %dma_start3A_290 = arith.constant 0 : i32
      %dma_start3A_291 = tpu.memref_slice %arg2[%dma_start3A_289, %dma_start3A_290] : memref<100000x16xf32, #tpu.memory_space<hbm>> -> memref<100000x16xf32, #tpu.memory_space<hbm>>
      %dma_start3A_292 = tpu.memref_slice %arg14[%dma_start3A_282] : memref<20x!tpu.dma_semaphore, #tpu.memory_space<semaphore_mem>> -> memref<1x!tpu.dma_semaphore, #tpu.memory_space<semaphore_mem>>
      %dma_start3A_293 = tpu.memref_squeeze %dma_start3A_292 : memref<1x!tpu.dma_semaphore, #tpu.memory_space<semaphore_mem>> -> memref<!tpu.dma_semaphore, #tpu.memory_space<semaphore_mem>>
      tpu.enqueue_indirect_dma source(%dma_start3A_291 : memref<100000x16xf32, #tpu.memory_space<hbm>>) target(%dma_start3A_286 : memref<128x16xf32, #tpu.memory_space<vmem>>) offsets(%dma_start3A_288 : memref<128xi32, #tpu.memory_space<vmem>>) semaphore(%dma_start3A_293 : memref<!tpu.dma_semaphore, #tpu.memory_space<semaphore_mem>>)
      %dma_start3A_294 = arith.constant 13 : i32
      %dma_start3A_295 = arith.constant 13 : i32
      %dma_start3A_296 = arith.constant 0 : i32
      %dma_start3A_297 = arith.constant 0 : i32
      %dma_start3A_298 = tpu.memref_slice %arg12[%dma_start3A_294, %dma_start3A_296, %dma_start3A_297] : memref<16x128x16xf32, #tpu.memory_space<vmem>> -> memref<1x128x16xf32, #tpu.memory_space<vmem>>
      %dma_start3A_299 = tpu.memref_squeeze %dma_start3A_298 : memref<1x128x16xf32, #tpu.memory_space<vmem>> -> memref<128x16xf32, #tpu.memory_space<vmem>>
      %dma_start3A_300 = arith.constant 1664 : i32
      %dma_start3A_301 = tpu.memref_slice %arg11[%dma_start3A_300] : memref<10240xi32, #tpu.memory_space<vmem>> -> memref<128xi32, #tpu.memory_space<vmem>>
      %dma_start3A_302 = arith.constant 0 : i32
      %dma_start3A_303 = arith.constant 0 : i32
      %dma_start3A_304 = tpu.memref_slice %arg2[%dma_start3A_302, %dma_start3A_303] : memref<100000x16xf32, #tpu.memory_space<hbm>> -> memref<100000x16xf32, #tpu.memory_space<hbm>>
      %dma_start3A_305 = tpu.memref_slice %arg14[%dma_start3A_295] : memref<20x!tpu.dma_semaphore, #tpu.memory_space<semaphore_mem>> -> memref<1x!tpu.dma_semaphore, #tpu.memory_space<semaphore_mem>>
      %dma_start3A_306 = tpu.memref_squeeze %dma_start3A_305 : memref<1x!tpu.dma_semaphore, #tpu.memory_space<semaphore_mem>> -> memref<!tpu.dma_semaphore, #tpu.memory_space<semaphore_mem>>
      tpu.enqueue_indirect_dma source(%dma_start3A_304 : memref<100000x16xf32, #tpu.memory_space<hbm>>) target(%dma_start3A_299 : memref<128x16xf32, #tpu.memory_space<vmem>>) offsets(%dma_start3A_301 : memref<128xi32, #tpu.memory_space<vmem>>) semaphore(%dma_start3A_306 : memref<!tpu.dma_semaphore, #tpu.memory_space<semaphore_mem>>)
      %dma_start3A_307 = arith.constant 14 : i32
      %dma_start3A_308 = arith.constant 14 : i32
      %dma_start3A_309 = arith.constant 0 : i32
      %dma_start3A_310 = arith.constant 0 : i32
      %dma_start3A_311 = tpu.memref_slice %arg12[%dma_start3A_307, %dma_start3A_309, %dma_start3A_310] : memref<16x128x16xf32, #tpu.memory_space<vmem>> -> memref<1x128x16xf32, #tpu.memory_space<vmem>>
      %dma_start3A_312 = tpu.memref_squeeze %dma_start3A_311 : memref<1x128x16xf32, #tpu.memory_space<vmem>> -> memref<128x16xf32, #tpu.memory_space<vmem>>
      %dma_start3A_313 = arith.constant 1792 : i32
      %dma_start3A_314 = tpu.memref_slice %arg11[%dma_start3A_313] : memref<10240xi32, #tpu.memory_space<vmem>> -> memref<128xi32, #tpu.memory_space<vmem>>
      %dma_start3A_315 = arith.constant 0 : i32
      %dma_start3A_316 = arith.constant 0 : i32
      %dma_start3A_317 = tpu.memref_slice %arg2[%dma_start3A_315, %dma_start3A_316] : memref<100000x16xf32, #tpu.memory_space<hbm>> -> memref<100000x16xf32, #tpu.memory_space<hbm>>
      %dma_start3A_318 = tpu.memref_slice %arg14[%dma_start3A_308] : memref<20x!tpu.dma_semaphore, #tpu.memory_space<semaphore_mem>> -> memref<1x!tpu.dma_semaphore, #tpu.memory_space<semaphore_mem>>
      %dma_start3A_319 = tpu.memref_squeeze %dma_start3A_318 : memref<1x!tpu.dma_semaphore, #tpu.memory_space<semaphore_mem>> -> memref<!tpu.dma_semaphore, #tpu.memory_space<semaphore_mem>>
      tpu.enqueue_indirect_dma source(%dma_start3A_317 : memref<100000x16xf32, #tpu.memory_space<hbm>>) target(%dma_start3A_312 : memref<128x16xf32, #tpu.memory_space<vmem>>) offsets(%dma_start3A_314 : memref<128xi32, #tpu.memory_space<vmem>>) semaphore(%dma_start3A_319 : memref<!tpu.dma_semaphore, #tpu.memory_space<semaphore_mem>>)
      %dma_start3A_320 = arith.constant 15 : i32
      %dma_start3A_321 = arith.constant 15 : i32
      %dma_start3A_322 = arith.constant 0 : i32
      %dma_start3A_323 = arith.constant 0 : i32
      %dma_start3A_324 = tpu.memref_slice %arg12[%dma_start3A_320, %dma_start3A_322, %dma_start3A_323] : memref<16x128x16xf32, #tpu.memory_space<vmem>> -> memref<1x128x16xf32, #tpu.memory_space<vmem>>
      %dma_start3A_325 = tpu.memref_squeeze %dma_start3A_324 : memref<1x128x16xf32, #tpu.memory_space<vmem>> -> memref<128x16xf32, #tpu.memory_space<vmem>>
      %dma_start3A_326 = arith.constant 1920 : i32
      %dma_start3A_327 = tpu.memref_slice %arg11[%dma_start3A_326] : memref<10240xi32, #tpu.memory_space<vmem>> -> memref<128xi32, #tpu.memory_space<vmem>>
      %dma_start3A_328 = arith.constant 0 : i32
      %dma_start3A_329 = arith.constant 0 : i32
      %dma_start3A_330 = tpu.memref_slice %arg2[%dma_start3A_328, %dma_start3A_329] : memref<100000x16xf32, #tpu.memory_space<hbm>> -> memref<100000x16xf32, #tpu.memory_space<hbm>>
      %dma_start3A_331 = tpu.memref_slice %arg14[%dma_start3A_321] : memref<20x!tpu.dma_semaphore, #tpu.memory_space<semaphore_mem>> -> memref<1x!tpu.dma_semaphore, #tpu.memory_space<semaphore_mem>>
      %dma_start3A_332 = tpu.memref_squeeze %dma_start3A_331 : memref<1x!tpu.dma_semaphore, #tpu.memory_space<semaphore_mem>> -> memref<!tpu.dma_semaphore, #tpu.memory_space<semaphore_mem>>
      tpu.enqueue_indirect_dma source(%dma_start3A_330 : memref<100000x16xf32, #tpu.memory_space<hbm>>) target(%dma_start3A_325 : memref<128x16xf32, #tpu.memory_space<vmem>>) offsets(%dma_start3A_327 : memref<128xi32, #tpu.memory_space<vmem>>) semaphore(%dma_start3A_332 : memref<!tpu.dma_semaphore, #tpu.memory_space<semaphore_mem>>)
      %scan3A_333 = arith.constant 0 : i32
      %scan3A_334 = arith.constant 0 : i32
      %scan3A_335 = arith.constant 5 : i32
      %scan3A_336 = arith.addi %scan3A_334, %scan3A_335 : i32
      %scan3A_337 = arith.constant 1 : i32
      scf.for %scan3A_351 = %scan3A_334 to %scan3A_336 step %scan3A_337  : i32 {
        %mul3A_352 = arith.constant 8 : i32
        %mul3A_353 = arith.muli %mul3A_352, %scan3A_351 : i32
        %add3A_354 = arith.constant 0 : i32
        %add3A_355 = arith.addi %mul3A_353, %add3A_354 : i32
        %dma_wait3A_356 = arith.constant 0 : i32
        %dma_wait3A_357 = arith.constant 0 : i32
        %dma_wait3A_358 = arith.constant 0 : i32
        %dma_wait3A_359 = arith.constant 0 : i32
        %dma_wait3A_360 = tpu.memref_slice %arg12[%dma_wait3A_356, %dma_wait3A_358, %dma_wait3A_359] : memref<16x128x16xf32, #tpu.memory_space<vmem>> -> memref<1x128x16xf32, #tpu.memory_space<vmem>>
        %dma_wait3A_361 = tpu.memref_squeeze %dma_wait3A_360 : memref<1x128x16xf32, #tpu.memory_space<vmem>> -> memref<128x16xf32, #tpu.memory_space<vmem>>
        %dma_wait3A_362 = arith.constant 0 : i32
        %dma_wait3A_363 = arith.constant 0 : i32
        %dma_wait3A_364 = tpu.memref_slice %arg2[%dma_wait3A_362, %dma_wait3A_363] : memref<100000x16xf32, #tpu.memory_space<hbm>> -> memref<128x16xf32, #tpu.memory_space<hbm>>
        %dma_wait3A_365 = tpu.memref_slice %arg14[%dma_wait3A_357] : memref<20x!tpu.dma_semaphore, #tpu.memory_space<semaphore_mem>> -> memref<1x!tpu.dma_semaphore, #tpu.memory_space<semaphore_mem>>
        %dma_wait3A_366 = tpu.memref_squeeze %dma_wait3A_365 : memref<1x!tpu.dma_semaphore, #tpu.memory_space<semaphore_mem>> -> memref<!tpu.dma_semaphore, #tpu.memory_space<semaphore_mem>>
        %dma_wait3A_367 = arith.constant 0 : i32
        %dma_wait3A_368 = arith.constant 0 : i32
        %dma_wait3A_369 = tpu.memref_slice %arg12[%dma_wait3A_356, %dma_wait3A_367, %dma_wait3A_368] : memref<16x128x16xf32, #tpu.memory_space<vmem>> -> memref<1x128x16xf32, #tpu.memory_space<vmem>>
        %dma_wait3A_370 = tpu.memref_squeeze %dma_wait3A_369 : memref<1x128x16xf32, #tpu.memory_space<vmem>> -> memref<128x16xf32, #tpu.memory_space<vmem>>
        %dma_wait3A_371 = arith.constant 0 : i32
        %dma_wait3A_372 = arith.constant 0 : i32
        %dma_wait3A_373 = tpu.memref_slice %arg2[%dma_wait3A_371, %dma_wait3A_372] : memref<100000x16xf32, #tpu.memory_space<hbm>> -> memref<128x16xf32, #tpu.memory_space<hbm>>
        tpu.wait_dma2 semaphore(%dma_wait3A_366 : memref<!tpu.dma_semaphore, #tpu.memory_space<semaphore_mem>>) src(%dma_wait3A_373 : memref<128x16xf32, #tpu.memory_space<hbm>>) dst(%dma_wait3A_370 : memref<128x16xf32, #tpu.memory_space<vmem>>)
        %dma_wait3A_374 = arith.constant 1 : i32
        %dma_wait3A_375 = arith.constant 1 : i32
        %dma_wait3A_376 = arith.constant 0 : i32
        %dma_wait3A_377 = arith.constant 0 : i32
        %dma_wait3A_378 = tpu.memref_slice %arg12[%dma_wait3A_374, %dma_wait3A_376, %dma_wait3A_377] : memref<16x128x16xf32, #tpu.memory_space<vmem>> -> memref<1x128x16xf32, #tpu.memory_space<vmem>>
        %dma_wait3A_379 = tpu.memref_squeeze %dma_wait3A_378 : memref<1x128x16xf32, #tpu.memory_space<vmem>> -> memref<128x16xf32, #tpu.memory_space<vmem>>
        %dma_wait3A_380 = arith.constant 0 : i32
        %dma_wait3A_381 = arith.constant 0 : i32
        %dma_wait3A_382 = tpu.memref_slice %arg2[%dma_wait3A_380, %dma_wait3A_381] : memref<100000x16xf32, #tpu.memory_space<hbm>> -> memref<128x16xf32, #tpu.memory_space<hbm>>
        %dma_wait3A_383 = tpu.memref_slice %arg14[%dma_wait3A_375] : memref<20x!tpu.dma_semaphore, #tpu.memory_space<semaphore_mem>> -> memref<1x!tpu.dma_semaphore, #tpu.memory_space<semaphore_mem>>
        %dma_wait3A_384 = tpu.memref_squeeze %dma_wait3A_383 : memref<1x!tpu.dma_semaphore, #tpu.memory_space<semaphore_mem>> -> memref<!tpu.dma_semaphore, #tpu.memory_space<semaphore_mem>>
        %dma_wait3A_385 = arith.constant 0 : i32
        %dma_wait3A_386 = arith.constant 0 : i32
        %dma_wait3A_387 = tpu.memref_slice %arg12[%dma_wait3A_374, %dma_wait3A_385, %dma_wait3A_386] : memref<16x128x16xf32, #tpu.memory_space<vmem>> -> memref<1x128x16xf32, #tpu.memory_space<vmem>>
        %dma_wait3A_388 = tpu.memref_squeeze %dma_wait3A_387 : memref<1x128x16xf32, #tpu.memory_space<vmem>> -> memref<128x16xf32, #tpu.memory_space<vmem>>
        %dma_wait3A_389 = arith.constant 0 : i32
        %dma_wait3A_390 = arith.constant 0 : i32
        %dma_wait3A_391 = tpu.memref_slice %arg2[%dma_wait3A_389, %dma_wait3A_390] : memref<100000x16xf32, #tpu.memory_space<hbm>> -> memref<128x16xf32, #tpu.memory_space<hbm>>
        tpu.wait_dma2 semaphore(%dma_wait3A_384 : memref<!tpu.dma_semaphore, #tpu.memory_space<semaphore_mem>>) src(%dma_wait3A_391 : memref<128x16xf32, #tpu.memory_space<hbm>>) dst(%dma_wait3A_388 : memref<128x16xf32, #tpu.memory_space<vmem>>)
        %mul3A_392 = arith.constant 16 : i32
        %mul3A_393 = arith.muli %add3A_355, %mul3A_392 : i32
        %add3A_394 = vector.broadcast %mul3A_393 : i32 to vector<16xi32>
        %add3A_395 = arith.addi %add3A_394, %iota3A : vector<16xi32>
        %broadcast_in_dim3A = vector.broadcast %rem3A_106 : i32 to vector<16xi32>
        %add3A_396 = arith.constant 0 : i32
        %add3A_397 = vector.broadcast %add3A_396 : i32 to vector<16xi32>
        %add3A_398 = arith.addi %add3A_397, %shift_right_arithmetic3A_2 : vector<16xi32>
        %and3A = arith.constant 7 : i32
        %and3A_399 = vector.broadcast %and3A : i32 to vector<16xi32>
        %and3A_400 = arith.andi %iota3A, %and3A_399 : vector<16xi32>
        %mul3A_401 = arith.constant 16 : i32
        %mul3A_402 = vector.broadcast %mul3A_401 : i32 to vector<16xi32>
        %mul3A_403 = arith.muli %and3A_400, %mul3A_402 : vector<16xi32>
        %broadcast_in_dim3A_404 = arith.constant 0.000000e+00 : f32
        %broadcast_in_dim3A_405 = vector.broadcast %broadcast_in_dim3A_404 : f32 to vector<16xf32>
        %broadcast_in_dim3A_406 = arith.constant 0.000000e+00 : f32
        %broadcast_in_dim3A_407 = vector.broadcast %broadcast_in_dim3A_406 : f32 to vector<16xf32>
        %broadcast_in_dim3A_408 = arith.constant 0.000000e+00 : f32
        %broadcast_in_dim3A_409 = vector.broadcast %broadcast_in_dim3A_408 : f32 to vector<16xf32>
        %broadcast_in_dim3A_410 = arith.constant 0.000000e+00 : f32
        %broadcast_in_dim3A_411 = vector.broadcast %broadcast_in_dim3A_410 : f32 to vector<16xf32>
        %broadcast_in_dim3A_412 = arith.constant 0.000000e+00 : f32
        %broadcast_in_dim3A_413 = vector.broadcast %broadcast_in_dim3A_412 : f32 to vector<16xf32>
        %broadcast_in_dim3A_414 = arith.constant 0.000000e+00 : f32
        %broadcast_in_dim3A_415 = vector.broadcast %broadcast_in_dim3A_414 : f32 to vector<16xf32>
        %broadcast_in_dim3A_416 = arith.constant 0.000000e+00 : f32
        %broadcast_in_dim3A_417 = vector.broadcast %broadcast_in_dim3A_416 : f32 to vector<16xf32>
        %broadcast_in_dim3A_418 = arith.constant 0.000000e+00 : f32
        %broadcast_in_dim3A_419 = vector.broadcast %broadcast_in_dim3A_418 : f32 to vector<16xf32>
        %broadcast_in_dim3A_420 = arith.constant 0.000000e+00 : f32
        %broadcast_in_dim3A_421 = vector.broadcast %broadcast_in_dim3A_420 : f32 to vector<16xf32>
        %scan3A_422 = arith.constant 0 : i32
        %scan3A_423 = arith.constant 16 : i32
        %scan3A_424 = arith.addi %scan3A_422, %scan3A_423 : i32
        %scan3A_425 = arith.constant 1 : i32
        %scan3A_426:9 = scf.for %scan3A_1857 = %scan3A_422 to %scan3A_424 step %scan3A_425 iter_args(%scan3A_1858 = %broadcast_in_dim3A_405, %scan3A_1859 = %broadcast_in_dim3A_407, %scan3A_1860 = %broadcast_in_dim3A_409, %scan3A_1861 = %broadcast_in_dim3A_411, %scan3A_1862 = %broadcast_in_dim3A_413, %scan3A_1863 = %broadcast_in_dim3A_415, %scan3A_1864 = %broadcast_in_dim3A_417, %scan3A_1865 = %broadcast_in_dim3A_419, %scan3A_1866 = %broadcast_in_dim3A_421) -> (vector<16xf32>, vector<16xf32>, vector<16xf32>, vector<16xf32>, vector<16xf32>, vector<16xf32>, vector<16xf32>, vector<16xf32>, vector<16xf32>)  : i32 {
          %broadcast_in_dim3A_1867 = vector.broadcast %scan3A_1857 : i32 to vector<16xi32>
          %gather3A_1868 = tpu.vector_load_idx %arg8[%broadcast_in_dim3A, %add3A_395, %broadcast_in_dim3A_1867] : memref<2x640x16xf32, #tpu.memory_space<vmem>>[vector<16xi32>, vector<16xi32>, vector<16xi32>], vector<16xf32>,
          %add3A_1869 = vector.broadcast %scan3A_1857 : i32 to vector<16xi32>
          %add3A_1870 = arith.addi %mul3A_403, %add3A_1869 : vector<16xi32>
          %broadcast_in_dim3A_1871 = arith.constant 0 : i32
          %broadcast_in_dim3A_1872 = vector.broadcast %broadcast_in_dim3A_1871 : i32 to vector<16xi32>
          %gather3A_1873 = tpu.vector_load_idx %arg12[%add3A_398, %add3A_1870, %broadcast_in_dim3A_1872] : memref<16x128x16xf32, #tpu.memory_space<vmem>>[vector<16xi32>, vector<16xi32>, vector<16xi32>], vector<16xf32>,
          %mul3A_1874 = arith.mulf %gather3A_1868, %gather3A_1873 : vector<16xf32>
          %add3A_1875 = arith.addf %scan3A_1858, %mul3A_1874 : vector<16xf32>
          %broadcast_in_dim3A_1876 = arith.constant 1 : i32
          %broadcast_in_dim3A_1877 = vector.broadcast %broadcast_in_dim3A_1876 : i32 to vector<16xi32>
          %gather3A_1878 = tpu.vector_load_idx %arg12[%add3A_398, %add3A_1870, %broadcast_in_dim3A_1877] : memref<16x128x16xf32, #tpu.memory_space<vmem>>[vector<16xi32>, vector<16xi32>, vector<16xi32>], vector<16xf32>,
          %mul3A_1879 = arith.mulf %gather3A_1868, %gather3A_1878 : vector<16xf32>
          %add3A_1880 = arith.addf %scan3A_1859, %mul3A_1879 : vector<16xf32>
          %broadcast_in_dim3A_1881 = arith.constant 2 : i32
          %broadcast_in_dim3A_1882 = vector.broadcast %broadcast_in_dim3A_1881 : i32 to vector<16xi32>
          %gather3A_1883 = tpu.vector_load_idx %arg12[%add3A_398, %add3A_1870, %broadcast_in_dim3A_1882] : memref<16x128x16xf32, #tpu.memory_space<vmem>>[vector<16xi32>, vector<16xi32>, vector<16xi32>], vector<16xf32>,
          %mul3A_1884 = arith.mulf %gather3A_1868, %gather3A_1883 : vector<16xf32>
          %add3A_1885 = arith.addf %scan3A_1860, %mul3A_1884 : vector<16xf32>
          %broadcast_in_dim3A_1886 = arith.constant 3 : i32
          %broadcast_in_dim3A_1887 = vector.broadcast %broadcast_in_dim3A_1886 : i32 to vector<16xi32>
          %gather3A_1888 = tpu.vector_load_idx %arg12[%add3A_398, %add3A_1870, %broadcast_in_dim3A_1887] : memref<16x128x16xf32, #tpu.memory_space<vmem>>[vector<16xi32>, vector<16xi32>, vector<16xi32>], vector<16xf32>,
          %mul3A_1889 = arith.mulf %gather3A_1868, %gather3A_1888 : vector<16xf32>
          %add3A_1890 = arith.addf %scan3A_1861, %mul3A_1889 : vector<16xf32>
          %broadcast_in_dim3A_1891 = arith.constant 4 : i32
          %broadcast_in_dim3A_1892 = vector.broadcast %broadcast_in_dim3A_1891 : i32 to vector<16xi32>
          %gather3A_1893 = tpu.vector_load_idx %arg12[%add3A_398, %add3A_1870, %broadcast_in_dim3A_1892] : memref<16x128x16xf32, #tpu.memory_space<vmem>>[vector<16xi32>, vector<16xi32>, vector<16xi32>], vector<16xf32>,
          %mul3A_1894 = arith.mulf %gather3A_1868, %gather3A_1893 : vector<16xf32>
          %add3A_1895 = arith.addf %scan3A_1862, %mul3A_1894 : vector<16xf32>
          %broadcast_in_dim3A_1896 = arith.constant 5 : i32
          %broadcast_in_dim3A_1897 = vector.broadcast %broadcast_in_dim3A_1896 : i32 to vector<16xi32>
          %gather3A_1898 = tpu.vector_load_idx %arg12[%add3A_398, %add3A_1870, %broadcast_in_dim3A_1897] : memref<16x128x16xf32, #tpu.memory_space<vmem>>[vector<16xi32>, vector<16xi32>, vector<16xi32>], vector<16xf32>,
          %mul3A_1899 = arith.mulf %gather3A_1868, %gather3A_1898 : vector<16xf32>
          %add3A_1900 = arith.addf %scan3A_1863, %mul3A_1899 : vector<16xf32>
          %broadcast_in_dim3A_1901 = arith.constant 6 : i32
          %broadcast_in_dim3A_1902 = vector.broadcast %broadcast_in_dim3A_1901 : i32 to vector<16xi32>
          %gather3A_1903 = tpu.vector_load_idx %arg12[%add3A_398, %add3A_1870, %broadcast_in_dim3A_1902] : memref<16x128x16xf32, #tpu.memory_space<vmem>>[vector<16xi32>, vector<16xi32>, vector<16xi32>], vector<16xf32>,
          %mul3A_1904 = arith.mulf %gather3A_1868, %gather3A_1903 : vector<16xf32>
          %add3A_1905 = arith.addf %scan3A_1864, %mul3A_1904 : vector<16xf32>
          %broadcast_in_dim3A_1906 = arith.constant 7 : i32
          %broadcast_in_dim3A_1907 = vector.broadcast %broadcast_in_dim3A_1906 : i32 to vector<16xi32>
          %gather3A_1908 = tpu.vector_load_idx %arg12[%add3A_398, %add3A_1870, %broadcast_in_dim3A_1907] : memref<16x128x16xf32, #tpu.memory_space<vmem>>[vector<16xi32>, vector<16xi32>, vector<16xi32>], vector<16xf32>,
          %mul3A_1909 = arith.mulf %gather3A_1868, %gather3A_1908 : vector<16xf32>
          %add3A_1910 = arith.addf %scan3A_1865, %mul3A_1909 : vector<16xf32>
          %broadcast_in_dim3A_1911 = arith.constant 8 : i32
          %broadcast_in_dim3A_1912 = vector.broadcast %broadcast_in_dim3A_1911 : i32 to vector<16xi32>
          %gather3A_1913 = tpu.vector_load_idx %arg12[%add3A_398, %add3A_1870, %broadcast_in_dim3A_1912] : memref<16x128x16xf32, #tpu.memory_space<vmem>>[vector<16xi32>, vector<16xi32>, vector<16xi32>], vector<16xf32>,
          %mul3A_1914 = arith.mulf %gather3A_1868, %gather3A_1913 : vector<16xf32>
          %add3A_1915 = arith.addf %scan3A_1866, %mul3A_1914 : vector<16xf32>
          scf.yield %add3A_1875, %add3A_1880, %add3A_1885, %add3A_1890, %add3A_1895, %add3A_1900, %add3A_1905, %add3A_1910, %add3A_1915 : vector<16xf32>, vector<16xf32>, vector<16xf32>, vector<16xf32>, vector<16xf32>, vector<16xf32>, vector<16xf32>, vector<16xf32>, vector<16xf32>
        }
        %scan3A_427 = arith.constant 16 : i32
        %gather3A = tpu.vector_load_idx %arg10[%broadcast_in_dim3A, %add3A_395] : memref<2x640xf32, #tpu.memory_space<vmem>>[vector<16xi32>, vector<16xi32>], vector<16xf32>,
        %neg3A = arith.constant 0.000000e+00 : f32
        %neg3A_428 = vector.broadcast %neg3A : f32 to vector<16xf32>
        %neg3A_429 = arith.subf %neg3A_428, %gather3A : vector<16xf32>
        %exp3A = math.exp %neg3A_429 : vector<16xf32>
        %add3A_430 = arith.constant 1.000000e+00 : f32
        %add3A_431 = vector.broadcast %add3A_430 : f32 to vector<16xf32>
        %add3A_432 = arith.addf %add3A_431, %exp3A : vector<16xf32>
        %div3A = arith.constant 1.000000e+00 : f32
        %div3A_433 = vector.broadcast %div3A : f32 to vector<16xf32>
        %div3A_434 = arith.divf %div3A_433, %add3A_432 : vector<16xf32>
        %sub3A = arith.constant 1.000000e+00 : f32
        %sub3A_435 = vector.broadcast %sub3A : f32 to vector<16xf32>
        %sub3A_436 = arith.subf %sub3A_435, %div3A_434 : vector<16xf32>
        %broadcast_in_dim3A_437 = arith.constant 0 : i32
        %broadcast_in_dim3A_438 = vector.broadcast %broadcast_in_dim3A_437 : i32 to vector<16xi32>
        %gather3A_439 = tpu.vector_load_idx %arg9[%add3A_395, %broadcast_in_dim3A_438] : memref<640x16xf32, #tpu.memory_space<vmem>>[vector<16xi32>, vector<16xi32>], vector<16xf32>,
        %mul3A_440 = arith.mulf %sub3A_436, %gather3A_439 : vector<16xf32>
        %mul3A_441 = arith.mulf %div3A_434, %scan3A_426#0 : vector<16xf32>
        %add3A_442 = arith.addf %mul3A_440, %mul3A_441 : vector<16xf32>
        %broadcast_in_dim3A_443 = arith.constant 0 : i32
        %broadcast_in_dim3A_444 = vector.broadcast %broadcast_in_dim3A_443 : i32 to vector<16xi32>
        %broadcast_in_dim3A_445 = arith.constant 0 : i32
        %broadcast_in_dim3A_446 = vector.broadcast %broadcast_in_dim3A_445 : i32 to vector<16xi32>
        tpu.vector_store_idx %arg13[%broadcast_in_dim3A_444, %add3A_395, %broadcast_in_dim3A_446], %add3A_442 : memref<3x640x16xf32, #tpu.memory_space<vmem>>[vector<16xi32>, vector<16xi32>, vector<16xi32>], vector<16xf32>,
        %broadcast_in_dim3A_447 = arith.constant 1 : i32
        %broadcast_in_dim3A_448 = vector.broadcast %broadcast_in_dim3A_447 : i32 to vector<16xi32>
        %gather3A_449 = tpu.vector_load_idx %arg9[%add3A_395, %broadcast_in_dim3A_448] : memref<640x16xf32, #tpu.memory_space<vmem>>[vector<16xi32>, vector<16xi32>], vector<16xf32>,
        %mul3A_450 = arith.mulf %sub3A_436, %gather3A_449 : vector<16xf32>
        %mul3A_451 = arith.mulf %div3A_434, %scan3A_426#1 : vector<16xf32>
        %add3A_452 = arith.addf %mul3A_450, %mul3A_451 : vector<16xf32>
        %broadcast_in_dim3A_453 = arith.constant 0 : i32
        %broadcast_in_dim3A_454 = vector.broadcast %broadcast_in_dim3A_453 : i32 to vector<16xi32>
        %broadcast_in_dim3A_455 = arith.constant 1 : i32
        %broadcast_in_dim3A_456 = vector.broadcast %broadcast_in_dim3A_455 : i32 to vector<16xi32>
        tpu.vector_store_idx %arg13[%broadcast_in_dim3A_454, %add3A_395, %broadcast_in_dim3A_456], %add3A_452 : memref<3x640x16xf32, #tpu.memory_space<vmem>>[vector<16xi32>, vector<16xi32>, vector<16xi32>], vector<16xf32>,
        %broadcast_in_dim3A_457 = arith.constant 2 : i32
        %broadcast_in_dim3A_458 = vector.broadcast %broadcast_in_dim3A_457 : i32 to vector<16xi32>
        %gather3A_459 = tpu.vector_load_idx %arg9[%add3A_395, %broadcast_in_dim3A_458] : memref<640x16xf32, #tpu.memory_space<vmem>>[vector<16xi32>, vector<16xi32>], vector<16xf32>,
        %mul3A_460 = arith.mulf %sub3A_436, %gather3A_459 : vector<16xf32>
        %mul3A_461 = arith.mulf %div3A_434, %scan3A_426#2 : vector<16xf32>
        %add3A_462 = arith.addf %mul3A_460, %mul3A_461 : vector<16xf32>
        %broadcast_in_dim3A_463 = arith.constant 0 : i32
        %broadcast_in_dim3A_464 = vector.broadcast %broadcast_in_dim3A_463 : i32 to vector<16xi32>
        %broadcast_in_dim3A_465 = arith.constant 2 : i32
        %broadcast_in_dim3A_466 = vector.broadcast %broadcast_in_dim3A_465 : i32 to vector<16xi32>
        tpu.vector_store_idx %arg13[%broadcast_in_dim3A_464, %add3A_395, %broadcast_in_dim3A_466], %add3A_462 : memref<3x640x16xf32, #tpu.memory_space<vmem>>[vector<16xi32>, vector<16xi32>, vector<16xi32>], vector<16xf32>,
        %broadcast_in_dim3A_467 = arith.constant 3 : i32
        %broadcast_in_dim3A_468 = vector.broadcast %broadcast_in_dim3A_467 : i32 to vector<16xi32>
        %gather3A_469 = tpu.vector_load_idx %arg9[%add3A_395, %broadcast_in_dim3A_468] : memref<640x16xf32, #tpu.memory_space<vmem>>[vector<16xi32>, vector<16xi32>], vector<16xf32>,
        %mul3A_470 = arith.mulf %sub3A_436, %gather3A_469 : vector<16xf32>
        %mul3A_471 = arith.mulf %div3A_434, %scan3A_426#3 : vector<16xf32>
        %add3A_472 = arith.addf %mul3A_470, %mul3A_471 : vector<16xf32>
        %broadcast_in_dim3A_473 = arith.constant 1 : i32
        %broadcast_in_dim3A_474 = vector.broadcast %broadcast_in_dim3A_473 : i32 to vector<16xi32>
        %broadcast_in_dim3A_475 = arith.constant 0 : i32
        %broadcast_in_dim3A_476 = vector.broadcast %broadcast_in_dim3A_475 : i32 to vector<16xi32>
        tpu.vector_store_idx %arg13[%broadcast_in_dim3A_474, %add3A_395, %broadcast_in_dim3A_476], %add3A_472 : memref<3x640x16xf32, #tpu.memory_space<vmem>>[vector<16xi32>, vector<16xi32>, vector<16xi32>], vector<16xf32>,
        %broadcast_in_dim3A_477 = arith.constant 4 : i32
        %broadcast_in_dim3A_478 = vector.broadcast %broadcast_in_dim3A_477 : i32 to vector<16xi32>
        %gather3A_479 = tpu.vector_load_idx %arg9[%add3A_395, %broadcast_in_dim3A_478] : memref<640x16xf32, #tpu.memory_space<vmem>>[vector<16xi32>, vector<16xi32>], vector<16xf32>,
        %mul3A_480 = arith.mulf %sub3A_436, %gather3A_479 : vector<16xf32>
        %mul3A_481 = arith.mulf %div3A_434, %scan3A_426#4 : vector<16xf32>
        %add3A_482 = arith.addf %mul3A_480, %mul3A_481 : vector<16xf32>
        %broadcast_in_dim3A_483 = arith.constant 1 : i32
        %broadcast_in_dim3A_484 = vector.broadcast %broadcast_in_dim3A_483 : i32 to vector<16xi32>
        %broadcast_in_dim3A_485 = arith.constant 1 : i32
        %broadcast_in_dim3A_486 = vector.broadcast %broadcast_in_dim3A_485 : i32 to vector<16xi32>
        tpu.vector_store_idx %arg13[%broadcast_in_dim3A_484, %add3A_395, %broadcast_in_dim3A_486], %add3A_482 : memref<3x640x16xf32, #tpu.memory_space<vmem>>[vector<16xi32>, vector<16xi32>, vector<16xi32>], vector<16xf32>,
        %broadcast_in_dim3A_487 = arith.constant 5 : i32
        %broadcast_in_dim3A_488 = vector.broadcast %broadcast_in_dim3A_487 : i32 to vector<16xi32>
        %gather3A_489 = tpu.vector_load_idx %arg9[%add3A_395, %broadcast_in_dim3A_488] : memref<640x16xf32, #tpu.memory_space<vmem>>[vector<16xi32>, vector<16xi32>], vector<16xf32>,
        %mul3A_490 = arith.mulf %sub3A_436, %gather3A_489 : vector<16xf32>
        %mul3A_491 = arith.mulf %div3A_434, %scan3A_426#5 : vector<16xf32>
        %add3A_492 = arith.addf %mul3A_490, %mul3A_491 : vector<16xf32>
        %broadcast_in_dim3A_493 = arith.constant 1 : i32
        %broadcast_in_dim3A_494 = vector.broadcast %broadcast_in_dim3A_493 : i32 to vector<16xi32>
        %broadcast_in_dim3A_495 = arith.constant 2 : i32
        %broadcast_in_dim3A_496 = vector.broadcast %broadcast_in_dim3A_495 : i32 to vector<16xi32>
        tpu.vector_store_idx %arg13[%broadcast_in_dim3A_494, %add3A_395, %broadcast_in_dim3A_496], %add3A_492 : memref<3x640x16xf32, #tpu.memory_space<vmem>>[vector<16xi32>, vector<16xi32>, vector<16xi32>], vector<16xf32>,
        %broadcast_in_dim3A_497 = arith.constant 6 : i32
        %broadcast_in_dim3A_498 = vector.broadcast %broadcast_in_dim3A_497 : i32 to vector<16xi32>
        %gather3A_499 = tpu.vector_load_idx %arg9[%add3A_395, %broadcast_in_dim3A_498] : memref<640x16xf32, #tpu.memory_space<vmem>>[vector<16xi32>, vector<16xi32>], vector<16xf32>,
        %mul3A_500 = arith.mulf %sub3A_436, %gather3A_499 : vector<16xf32>
        %mul3A_501 = arith.mulf %div3A_434, %scan3A_426#6 : vector<16xf32>
        %add3A_502 = arith.addf %mul3A_500, %mul3A_501 : vector<16xf32>
        %broadcast_in_dim3A_503 = arith.constant 2 : i32
        %broadcast_in_dim3A_504 = vector.broadcast %broadcast_in_dim3A_503 : i32 to vector<16xi32>
        %broadcast_in_dim3A_505 = arith.constant 0 : i32
        %broadcast_in_dim3A_506 = vector.broadcast %broadcast_in_dim3A_505 : i32 to vector<16xi32>
        tpu.vector_store_idx %arg13[%broadcast_in_dim3A_504, %add3A_395, %broadcast_in_dim3A_506], %add3A_502 : memref<3x640x16xf32, #tpu.memory_space<vmem>>[vector<16xi32>, vector<16xi32>, vector<16xi32>], vector<16xf32>,
        %broadcast_in_dim3A_507 = arith.constant 7 : i32
        %broadcast_in_dim3A_508 = vector.broadcast %broadcast_in_dim3A_507 : i32 to vector<16xi32>
        %gather3A_509 = tpu.vector_load_idx %arg9[%add3A_395, %broadcast_in_dim3A_508] : memref<640x16xf32, #tpu.memory_space<vmem>>[vector<16xi32>, vector<16xi32>], vector<16xf32>,
        %mul3A_510 = arith.mulf %sub3A_436, %gather3A_509 : vector<16xf32>
        %mul3A_511 = arith.mulf %div3A_434, %scan3A_426#7 : vector<16xf32>
        %add3A_512 = arith.addf %mul3A_510, %mul3A_511 : vector<16xf32>
        %broadcast_in_dim3A_513 = arith.constant 2 : i32
        %broadcast_in_dim3A_514 = vector.broadcast %broadcast_in_dim3A_513 : i32 to vector<16xi32>
        %broadcast_in_dim3A_515 = arith.constant 1 : i32
        %broadcast_in_dim3A_516 = vector.broadcast %broadcast_in_dim3A_515 : i32 to vector<16xi32>
        tpu.vector_store_idx %arg13[%broadcast_in_dim3A_514, %add3A_395, %broadcast_in_dim3A_516], %add3A_512 : memref<3x640x16xf32, #tpu.memory_space<vmem>>[vector<16xi32>, vector<16xi32>, vector<16xi32>], vector<16xf32>,
        %broadcast_in_dim3A_517 = arith.constant 8 : i32
        %broadcast_in_dim3A_518 = vector.broadcast %broadcast_in_dim3A_517 : i32 to vector<16xi32>
        %gather3A_519 = tpu.vector_load_idx %arg9[%add3A_395, %broadcast_in_dim3A_518] : memref<640x16xf32, #tpu.memory_space<vmem>>[vector<16xi32>, vector<16xi32>], vector<16xf32>,
        %mul3A_520 = arith.mulf %sub3A_436, %gather3A_519 : vector<16xf32>
        %mul3A_521 = arith.mulf %div3A_434, %scan3A_426#8 : vector<16xf32>
        %add3A_522 = arith.addf %mul3A_520, %mul3A_521 : vector<16xf32>
        %broadcast_in_dim3A_523 = arith.constant 2 : i32
        %broadcast_in_dim3A_524 = vector.broadcast %broadcast_in_dim3A_523 : i32 to vector<16xi32>
        %broadcast_in_dim3A_525 = arith.constant 2 : i32
        %broadcast_in_dim3A_526 = vector.broadcast %broadcast_in_dim3A_525 : i32 to vector<16xi32>
        tpu.vector_store_idx %arg13[%broadcast_in_dim3A_524, %add3A_395, %broadcast_in_dim3A_526], %add3A_522 : memref<3x640x16xf32, #tpu.memory_space<vmem>>[vector<16xi32>, vector<16xi32>, vector<16xi32>], vector<16xf32>,
        %add3A_527 = arith.constant 8 : i32
        %add3A_528 = arith.addi %add3A_355, %add3A_527 : i32
        %lt3A_529 = arith.constant 40 : i32
        %lt3A_530 = arith.cmpi slt, %add3A_528, %lt3A_529 : i32
        %convert_element_type3A_531 = arith.extui %lt3A_530 : i1 to i32
        %cond3A_532 = arith.constant 0 : i32
        %cond3A_533 = arith.cmpi ne, %convert_element_type3A_531, %cond3A_532 : i32
        scf.if %cond3A_533 {
          %mul3A_1857 = arith.constant 2 : i32
          %mul3A_1858 = arith.muli %mul3A_1857, %add3A_355 : i32
          %add3A_1859 = arith.constant 16 : i32
          %add3A_1860 = arith.addi %mul3A_1858, %add3A_1859 : i32
          %mul3A_1861 = arith.constant 128 : i32
          %mul3A_1862 = arith.muli %add3A_1860, %mul3A_1861 : i32
          %dma_start3A_1863 = arith.constant 0 : i32
          %dma_start3A_1864 = arith.constant 0 : i32
          %dma_start3A_1865 = arith.constant 0 : i32
          %dma_start3A_1866 = arith.constant 0 : i32
          %dma_start3A_1867 = tpu.memref_slice %arg12[%dma_start3A_1863, %dma_start3A_1865, %dma_start3A_1866] : memref<16x128x16xf32, #tpu.memory_space<vmem>> -> memref<1x128x16xf32, #tpu.memory_space<vmem>>
          %dma_start3A_1868 = tpu.memref_squeeze %dma_start3A_1867 : memref<1x128x16xf32, #tpu.memory_space<vmem>> -> memref<128x16xf32, #tpu.memory_space<vmem>>
          %dma_start3A_1869 = tpu.memref_slice %arg11[%mul3A_1862] : memref<10240xi32, #tpu.memory_space<vmem>> -> memref<128xi32, #tpu.memory_space<vmem>>
          %dma_start3A_1870 = arith.constant 0 : i32
          %dma_start3A_1871 = arith.constant 0 : i32
          %dma_start3A_1872 = tpu.memref_slice %arg2[%dma_start3A_1870, %dma_start3A_1871] : memref<100000x16xf32, #tpu.memory_space<hbm>> -> memref<100000x16xf32, #tpu.memory_space<hbm>>
          %dma_start3A_1873 = tpu.memref_slice %arg14[%dma_start3A_1864] : memref<20x!tpu.dma_semaphore, #tpu.memory_space<semaphore_mem>> -> memref<1x!tpu.dma_semaphore, #tpu.memory_space<semaphore_mem>>
          %dma_start3A_1874 = tpu.memref_squeeze %dma_start3A_1873 : memref<1x!tpu.dma_semaphore, #tpu.memory_space<semaphore_mem>> -> memref<!tpu.dma_semaphore, #tpu.memory_space<semaphore_mem>>
          tpu.enqueue_indirect_dma source(%dma_start3A_1872 : memref<100000x16xf32, #tpu.memory_space<hbm>>) target(%dma_start3A_1868 : memref<128x16xf32, #tpu.memory_space<vmem>>) offsets(%dma_start3A_1869 : memref<128xi32, #tpu.memory_space<vmem>>) semaphore(%dma_start3A_1874 : memref<!tpu.dma_semaphore, #tpu.memory_space<semaphore_mem>>)
          %mul3A_1875 = arith.constant 2 : i32
          %mul3A_1876 = arith.muli %mul3A_1875, %add3A_355 : i32
          %add3A_1877 = arith.constant 17 : i32
          %add3A_1878 = arith.addi %mul3A_1876, %add3A_1877 : i32
          %mul3A_1879 = arith.constant 128 : i32
          %mul3A_1880 = arith.muli %add3A_1878, %mul3A_1879 : i32
          %dma_start3A_1881 = arith.constant 1 : i32
          %dma_start3A_1882 = arith.constant 1 : i32
          %dma_start3A_1883 = arith.constant 0 : i32
          %dma_start3A_1884 = arith.constant 0 : i32
          %dma_start3A_1885 = tpu.memref_slice %arg12[%dma_start3A_1881, %dma_start3A_1883, %dma_start3A_1884] : memref<16x128x16xf32, #tpu.memory_space<vmem>> -> memref<1x128x16xf32, #tpu.memory_space<vmem>>
          %dma_start3A_1886 = tpu.memref_squeeze %dma_start3A_1885 : memref<1x128x16xf32, #tpu.memory_space<vmem>> -> memref<128x16xf32, #tpu.memory_space<vmem>>
          %dma_start3A_1887 = tpu.memref_slice %arg11[%mul3A_1880] : memref<10240xi32, #tpu.memory_space<vmem>> -> memref<128xi32, #tpu.memory_space<vmem>>
          %dma_start3A_1888 = arith.constant 0 : i32
          %dma_start3A_1889 = arith.constant 0 : i32
          %dma_start3A_1890 = tpu.memref_slice %arg2[%dma_start3A_1888, %dma_start3A_1889] : memref<100000x16xf32, #tpu.memory_space<hbm>> -> memref<100000x16xf32, #tpu.memory_space<hbm>>
          %dma_start3A_1891 = tpu.memref_slice %arg14[%dma_start3A_1882] : memref<20x!tpu.dma_semaphore, #tpu.memory_space<semaphore_mem>> -> memref<1x!tpu.dma_semaphore, #tpu.memory_space<semaphore_mem>>
          %dma_start3A_1892 = tpu.memref_squeeze %dma_start3A_1891 : memref<1x!tpu.dma_semaphore, #tpu.memory_space<semaphore_mem>> -> memref<!tpu.dma_semaphore, #tpu.memory_space<semaphore_mem>>
          tpu.enqueue_indirect_dma source(%dma_start3A_1890 : memref<100000x16xf32, #tpu.memory_space<hbm>>) target(%dma_start3A_1886 : memref<128x16xf32, #tpu.memory_space<vmem>>) offsets(%dma_start3A_1887 : memref<128xi32, #tpu.memory_space<vmem>>) semaphore(%dma_start3A_1892 : memref<!tpu.dma_semaphore, #tpu.memory_space<semaphore_mem>>)
        } else {
        }
        %mul3A_534 = arith.constant 8 : i32
        %mul3A_535 = arith.muli %mul3A_534, %scan3A_351 : i32
        %add3A_536 = arith.constant 1 : i32
        %add3A_537 = arith.addi %mul3A_535, %add3A_536 : i32
        %dma_wait3A_538 = arith.constant 2 : i32
        %dma_wait3A_539 = arith.constant 2 : i32
        %dma_wait3A_540 = arith.constant 0 : i32
        %dma_wait3A_541 = arith.constant 0 : i32
        %dma_wait3A_542 = tpu.memref_slice %arg12[%dma_wait3A_538, %dma_wait3A_540, %dma_wait3A_541] : memref<16x128x16xf32, #tpu.memory_space<vmem>> -> memref<1x128x16xf32, #tpu.memory_space<vmem>>
        %dma_wait3A_543 = tpu.memref_squeeze %dma_wait3A_542 : memref<1x128x16xf32, #tpu.memory_space<vmem>> -> memref<128x16xf32, #tpu.memory_space<vmem>>
        %dma_wait3A_544 = arith.constant 0 : i32
        %dma_wait3A_545 = arith.constant 0 : i32
        %dma_wait3A_546 = tpu.memref_slice %arg2[%dma_wait3A_544, %dma_wait3A_545] : memref<100000x16xf32, #tpu.memory_space<hbm>> -> memref<128x16xf32, #tpu.memory_space<hbm>>
        %dma_wait3A_547 = tpu.memref_slice %arg14[%dma_wait3A_539] : memref<20x!tpu.dma_semaphore, #tpu.memory_space<semaphore_mem>> -> memref<1x!tpu.dma_semaphore, #tpu.memory_space<semaphore_mem>>
        %dma_wait3A_548 = tpu.memref_squeeze %dma_wait3A_547 : memref<1x!tpu.dma_semaphore, #tpu.memory_space<semaphore_mem>> -> memref<!tpu.dma_semaphore, #tpu.memory_space<semaphore_mem>>
        %dma_wait3A_549 = arith.constant 0 : i32
        %dma_wait3A_550 = arith.constant 0 : i32
        %dma_wait3A_551 = tpu.memref_slice %arg12[%dma_wait3A_538, %dma_wait3A_549, %dma_wait3A_550] : memref<16x128x16xf32, #tpu.memory_space<vmem>> -> memref<1x128x16xf32, #tpu.memory_space<vmem>>
        %dma_wait3A_552 = tpu.memref_squeeze %dma_wait3A_551 : memref<1x128x16xf32, #tpu.memory_space<vmem>> -> memref<128x16xf32, #tpu.memory_space<vmem>>
        %dma_wait3A_553 = arith.constant 0 : i32
        %dma_wait3A_554 = arith.constant 0 : i32
        %dma_wait3A_555 = tpu.memref_slice %arg2[%dma_wait3A_553, %dma_wait3A_554] : memref<100000x16xf32, #tpu.memory_space<hbm>> -> memref<128x16xf32, #tpu.memory_space<hbm>>
        tpu.wait_dma2 semaphore(%dma_wait3A_548 : memref<!tpu.dma_semaphore, #tpu.memory_space<semaphore_mem>>) src(%dma_wait3A_555 : memref<128x16xf32, #tpu.memory_space<hbm>>) dst(%dma_wait3A_552 : memref<128x16xf32, #tpu.memory_space<vmem>>)
        %dma_wait3A_556 = arith.constant 3 : i32
        %dma_wait3A_557 = arith.constant 3 : i32
        %dma_wait3A_558 = arith.constant 0 : i32
        %dma_wait3A_559 = arith.constant 0 : i32
        %dma_wait3A_560 = tpu.memref_slice %arg12[%dma_wait3A_556, %dma_wait3A_558, %dma_wait3A_559] : memref<16x128x16xf32, #tpu.memory_space<vmem>> -> memref<1x128x16xf32, #tpu.memory_space<vmem>>
        %dma_wait3A_561 = tpu.memref_squeeze %dma_wait3A_560 : memref<1x128x16xf32, #tpu.memory_space<vmem>> -> memref<128x16xf32, #tpu.memory_space<vmem>>
        %dma_wait3A_562 = arith.constant 0 : i32
        %dma_wait3A_563 = arith.constant 0 : i32
        %dma_wait3A_564 = tpu.memref_slice %arg2[%dma_wait3A_562, %dma_wait3A_563] : memref<100000x16xf32, #tpu.memory_space<hbm>> -> memref<128x16xf32, #tpu.memory_space<hbm>>
        %dma_wait3A_565 = tpu.memref_slice %arg14[%dma_wait3A_557] : memref<20x!tpu.dma_semaphore, #tpu.memory_space<semaphore_mem>> -> memref<1x!tpu.dma_semaphore, #tpu.memory_space<semaphore_mem>>
        %dma_wait3A_566 = tpu.memref_squeeze %dma_wait3A_565 : memref<1x!tpu.dma_semaphore, #tpu.memory_space<semaphore_mem>> -> memref<!tpu.dma_semaphore, #tpu.memory_space<semaphore_mem>>
        %dma_wait3A_567 = arith.constant 0 : i32
        %dma_wait3A_568 = arith.constant 0 : i32
        %dma_wait3A_569 = tpu.memref_slice %arg12[%dma_wait3A_556, %dma_wait3A_567, %dma_wait3A_568] : memref<16x128x16xf32, #tpu.memory_space<vmem>> -> memref<1x128x16xf32, #tpu.memory_space<vmem>>
        %dma_wait3A_570 = tpu.memref_squeeze %dma_wait3A_569 : memref<1x128x16xf32, #tpu.memory_space<vmem>> -> memref<128x16xf32, #tpu.memory_space<vmem>>
        %dma_wait3A_571 = arith.constant 0 : i32
        %dma_wait3A_572 = arith.constant 0 : i32
        %dma_wait3A_573 = tpu.memref_slice %arg2[%dma_wait3A_571, %dma_wait3A_572] : memref<100000x16xf32, #tpu.memory_space<hbm>> -> memref<128x16xf32, #tpu.memory_space<hbm>>
        tpu.wait_dma2 semaphore(%dma_wait3A_566 : memref<!tpu.dma_semaphore, #tpu.memory_space<semaphore_mem>>) src(%dma_wait3A_573 : memref<128x16xf32, #tpu.memory_space<hbm>>) dst(%dma_wait3A_570 : memref<128x16xf32, #tpu.memory_space<vmem>>)
        %mul3A_574 = arith.constant 16 : i32
        %mul3A_575 = arith.muli %add3A_537, %mul3A_574 : i32
        %add3A_576 = vector.broadcast %mul3A_575 : i32 to vector<16xi32>
        %add3A_577 = arith.addi %add3A_576, %iota3A : vector<16xi32>
        %broadcast_in_dim3A_578 = vector.broadcast %rem3A_106 : i32 to vector<16xi32>
        %add3A_579 = arith.constant 2 : i32
        %add3A_580 = vector.broadcast %add3A_579 : i32 to vector<16xi32>
        %add3A_581 = arith.addi %add3A_580, %shift_right_arithmetic3A_2 : vector<16xi32>
        %and3A_582 = arith.constant 7 : i32
        %and3A_583 = vector.broadcast %and3A_582 : i32 to vector<16xi32>
        %and3A_584 = arith.andi %iota3A, %and3A_583 : vector<16xi32>
        %mul3A_585 = arith.constant 16 : i32
        %mul3A_586 = vector.broadcast %mul3A_585 : i32 to vector<16xi32>
        %mul3A_587 = arith.muli %and3A_584, %mul3A_586 : vector<16xi32>
        %broadcast_in_dim3A_588 = arith.constant 0.000000e+00 : f32
        %broadcast_in_dim3A_589 = vector.broadcast %broadcast_in_dim3A_588 : f32 to vector<16xf32>
        %broadcast_in_dim3A_590 = arith.constant 0.000000e+00 : f32
        %broadcast_in_dim3A_591 = vector.broadcast %broadcast_in_dim3A_590 : f32 to vector<16xf32>
        %broadcast_in_dim3A_592 = arith.constant 0.000000e+00 : f32
        %broadcast_in_dim3A_593 = vector.broadcast %broadcast_in_dim3A_592 : f32 to vector<16xf32>
        %broadcast_in_dim3A_594 = arith.constant 0.000000e+00 : f32
        %broadcast_in_dim3A_595 = vector.broadcast %broadcast_in_dim3A_594 : f32 to vector<16xf32>
        %broadcast_in_dim3A_596 = arith.constant 0.000000e+00 : f32
        %broadcast_in_dim3A_597 = vector.broadcast %broadcast_in_dim3A_596 : f32 to vector<16xf32>
        %broadcast_in_dim3A_598 = arith.constant 0.000000e+00 : f32
        %broadcast_in_dim3A_599 = vector.broadcast %broadcast_in_dim3A_598 : f32 to vector<16xf32>
        %broadcast_in_dim3A_600 = arith.constant 0.000000e+00 : f32
        %broadcast_in_dim3A_601 = vector.broadcast %broadcast_in_dim3A_600 : f32 to vector<16xf32>
        %broadcast_in_dim3A_602 = arith.constant 0.000000e+00 : f32
        %broadcast_in_dim3A_603 = vector.broadcast %broadcast_in_dim3A_602 : f32 to vector<16xf32>
        %broadcast_in_dim3A_604 = arith.constant 0.000000e+00 : f32
        %broadcast_in_dim3A_605 = vector.broadcast %broadcast_in_dim3A_604 : f32 to vector<16xf32>
        %scan3A_606 = arith.constant 0 : i32
        %scan3A_607 = arith.constant 16 : i32
        %scan3A_608 = arith.addi %scan3A_606, %scan3A_607 : i32
        %scan3A_609 = arith.constant 1 : i32
        %scan3A_610:9 = scf.for %scan3A_1857 = %scan3A_606 to %scan3A_608 step %scan3A_609 iter_args(%scan3A_1858 = %broadcast_in_dim3A_589, %scan3A_1859 = %broadcast_in_dim3A_591, %scan3A_1860 = %broadcast_in_dim3A_593, %scan3A_1861 = %broadcast_in_dim3A_595, %scan3A_1862 = %broadcast_in_dim3A_597, %scan3A_1863 = %broadcast_in_dim3A_599, %scan3A_1864 = %broadcast_in_dim3A_601, %scan3A_1865 = %broadcast_in_dim3A_603, %scan3A_1866 = %broadcast_in_dim3A_605) -> (vector<16xf32>, vector<16xf32>, vector<16xf32>, vector<16xf32>, vector<16xf32>, vector<16xf32>, vector<16xf32>, vector<16xf32>, vector<16xf32>)  : i32 {
          %broadcast_in_dim3A_1867 = vector.broadcast %scan3A_1857 : i32 to vector<16xi32>
          %gather3A_1868 = tpu.vector_load_idx %arg8[%broadcast_in_dim3A_578, %add3A_577, %broadcast_in_dim3A_1867] : memref<2x640x16xf32, #tpu.memory_space<vmem>>[vector<16xi32>, vector<16xi32>, vector<16xi32>], vector<16xf32>,
          %add3A_1869 = vector.broadcast %scan3A_1857 : i32 to vector<16xi32>
          %add3A_1870 = arith.addi %mul3A_587, %add3A_1869 : vector<16xi32>
          %broadcast_in_dim3A_1871 = arith.constant 0 : i32
          %broadcast_in_dim3A_1872 = vector.broadcast %broadcast_in_dim3A_1871 : i32 to vector<16xi32>
          %gather3A_1873 = tpu.vector_load_idx %arg12[%add3A_581, %add3A_1870, %broadcast_in_dim3A_1872] : memref<16x128x16xf32, #tpu.memory_space<vmem>>[vector<16xi32>, vector<16xi32>, vector<16xi32>], vector<16xf32>,
          %mul3A_1874 = arith.mulf %gather3A_1868, %gather3A_1873 : vector<16xf32>
          %add3A_1875 = arith.addf %scan3A_1858, %mul3A_1874 : vector<16xf32>
          %broadcast_in_dim3A_1876 = arith.constant 1 : i32
          %broadcast_in_dim3A_1877 = vector.broadcast %broadcast_in_dim3A_1876 : i32 to vector<16xi32>
          %gather3A_1878 = tpu.vector_load_idx %arg12[%add3A_581, %add3A_1870, %broadcast_in_dim3A_1877] : memref<16x128x16xf32, #tpu.memory_space<vmem>>[vector<16xi32>, vector<16xi32>, vector<16xi32>], vector<16xf32>,
          %mul3A_1879 = arith.mulf %gather3A_1868, %gather3A_1878 : vector<16xf32>
          %add3A_1880 = arith.addf %scan3A_1859, %mul3A_1879 : vector<16xf32>
          %broadcast_in_dim3A_1881 = arith.constant 2 : i32
          %broadcast_in_dim3A_1882 = vector.broadcast %broadcast_in_dim3A_1881 : i32 to vector<16xi32>
          %gather3A_1883 = tpu.vector_load_idx %arg12[%add3A_581, %add3A_1870, %broadcast_in_dim3A_1882] : memref<16x128x16xf32, #tpu.memory_space<vmem>>[vector<16xi32>, vector<16xi32>, vector<16xi32>], vector<16xf32>,
          %mul3A_1884 = arith.mulf %gather3A_1868, %gather3A_1883 : vector<16xf32>
          %add3A_1885 = arith.addf %scan3A_1860, %mul3A_1884 : vector<16xf32>
          %broadcast_in_dim3A_1886 = arith.constant 3 : i32
          %broadcast_in_dim3A_1887 = vector.broadcast %broadcast_in_dim3A_1886 : i32 to vector<16xi32>
          %gather3A_1888 = tpu.vector_load_idx %arg12[%add3A_581, %add3A_1870, %broadcast_in_dim3A_1887] : memref<16x128x16xf32, #tpu.memory_space<vmem>>[vector<16xi32>, vector<16xi32>, vector<16xi32>], vector<16xf32>,
          %mul3A_1889 = arith.mulf %gather3A_1868, %gather3A_1888 : vector<16xf32>
          %add3A_1890 = arith.addf %scan3A_1861, %mul3A_1889 : vector<16xf32>
          %broadcast_in_dim3A_1891 = arith.constant 4 : i32
          %broadcast_in_dim3A_1892 = vector.broadcast %broadcast_in_dim3A_1891 : i32 to vector<16xi32>
          %gather3A_1893 = tpu.vector_load_idx %arg12[%add3A_581, %add3A_1870, %broadcast_in_dim3A_1892] : memref<16x128x16xf32, #tpu.memory_space<vmem>>[vector<16xi32>, vector<16xi32>, vector<16xi32>], vector<16xf32>,
          %mul3A_1894 = arith.mulf %gather3A_1868, %gather3A_1893 : vector<16xf32>
          %add3A_1895 = arith.addf %scan3A_1862, %mul3A_1894 : vector<16xf32>
          %broadcast_in_dim3A_1896 = arith.constant 5 : i32
          %broadcast_in_dim3A_1897 = vector.broadcast %broadcast_in_dim3A_1896 : i32 to vector<16xi32>
          %gather3A_1898 = tpu.vector_load_idx %arg12[%add3A_581, %add3A_1870, %broadcast_in_dim3A_1897] : memref<16x128x16xf32, #tpu.memory_space<vmem>>[vector<16xi32>, vector<16xi32>, vector<16xi32>], vector<16xf32>,
          %mul3A_1899 = arith.mulf %gather3A_1868, %gather3A_1898 : vector<16xf32>
          %add3A_1900 = arith.addf %scan3A_1863, %mul3A_1899 : vector<16xf32>
          %broadcast_in_dim3A_1901 = arith.constant 6 : i32
          %broadcast_in_dim3A_1902 = vector.broadcast %broadcast_in_dim3A_1901 : i32 to vector<16xi32>
          %gather3A_1903 = tpu.vector_load_idx %arg12[%add3A_581, %add3A_1870, %broadcast_in_dim3A_1902] : memref<16x128x16xf32, #tpu.memory_space<vmem>>[vector<16xi32>, vector<16xi32>, vector<16xi32>], vector<16xf32>,
          %mul3A_1904 = arith.mulf %gather3A_1868, %gather3A_1903 : vector<16xf32>
          %add3A_1905 = arith.addf %scan3A_1864, %mul3A_1904 : vector<16xf32>
          %broadcast_in_dim3A_1906 = arith.constant 7 : i32
          %broadcast_in_dim3A_1907 = vector.broadcast %broadcast_in_dim3A_1906 : i32 to vector<16xi32>
          %gather3A_1908 = tpu.vector_load_idx %arg12[%add3A_581, %add3A_1870, %broadcast_in_dim3A_1907] : memref<16x128x16xf32, #tpu.memory_space<vmem>>[vector<16xi32>, vector<16xi32>, vector<16xi32>], vector<16xf32>,
          %mul3A_1909 = arith.mulf %gather3A_1868, %gather3A_1908 : vector<16xf32>
          %add3A_1910 = arith.addf %scan3A_1865, %mul3A_1909 : vector<16xf32>
          %broadcast_in_dim3A_1911 = arith.constant 8 : i32
          %broadcast_in_dim3A_1912 = vector.broadcast %broadcast_in_dim3A_1911 : i32 to vector<16xi32>
          %gather3A_1913 = tpu.vector_load_idx %arg12[%add3A_581, %add3A_1870, %broadcast_in_dim3A_1912] : memref<16x128x16xf32, #tpu.memory_space<vmem>>[vector<16xi32>, vector<16xi32>, vector<16xi32>], vector<16xf32>,
          %mul3A_1914 = arith.mulf %gather3A_1868, %gather3A_1913 : vector<16xf32>
          %add3A_1915 = arith.addf %scan3A_1866, %mul3A_1914 : vector<16xf32>
          scf.yield %add3A_1875, %add3A_1880, %add3A_1885, %add3A_1890, %add3A_1895, %add3A_1900, %add3A_1905, %add3A_1910, %add3A_1915 : vector<16xf32>, vector<16xf32>, vector<16xf32>, vector<16xf32>, vector<16xf32>, vector<16xf32>, vector<16xf32>, vector<16xf32>, vector<16xf32>
        }
        %scan3A_611 = arith.constant 16 : i32
        %gather3A_612 = tpu.vector_load_idx %arg10[%broadcast_in_dim3A_578, %add3A_577] : memref<2x640xf32, #tpu.memory_space<vmem>>[vector<16xi32>, vector<16xi32>], vector<16xf32>,
        %neg3A_613 = arith.constant 0.000000e+00 : f32
        %neg3A_614 = vector.broadcast %neg3A_613 : f32 to vector<16xf32>
        %neg3A_615 = arith.subf %neg3A_614, %gather3A_612 : vector<16xf32>
        %exp3A_616 = math.exp %neg3A_615 : vector<16xf32>
        %add3A_617 = arith.constant 1.000000e+00 : f32
        %add3A_618 = vector.broadcast %add3A_617 : f32 to vector<16xf32>
        %add3A_619 = arith.addf %add3A_618, %exp3A_616 : vector<16xf32>
        %div3A_620 = arith.constant 1.000000e+00 : f32
        %div3A_621 = vector.broadcast %div3A_620 : f32 to vector<16xf32>
        %div3A_622 = arith.divf %div3A_621, %add3A_619 : vector<16xf32>
        %sub3A_623 = arith.constant 1.000000e+00 : f32
        %sub3A_624 = vector.broadcast %sub3A_623 : f32 to vector<16xf32>
        %sub3A_625 = arith.subf %sub3A_624, %div3A_622 : vector<16xf32>
        %broadcast_in_dim3A_626 = arith.constant 0 : i32
        %broadcast_in_dim3A_627 = vector.broadcast %broadcast_in_dim3A_626 : i32 to vector<16xi32>
        %gather3A_628 = tpu.vector_load_idx %arg9[%add3A_577, %broadcast_in_dim3A_627] : memref<640x16xf32, #tpu.memory_space<vmem>>[vector<16xi32>, vector<16xi32>], vector<16xf32>,
        %mul3A_629 = arith.mulf %sub3A_625, %gather3A_628 : vector<16xf32>
        %mul3A_630 = arith.mulf %div3A_622, %scan3A_610#0 : vector<16xf32>
        %add3A_631 = arith.addf %mul3A_629, %mul3A_630 : vector<16xf32>
        %broadcast_in_dim3A_632 = arith.constant 0 : i32
        %broadcast_in_dim3A_633 = vector.broadcast %broadcast_in_dim3A_632 : i32 to vector<16xi32>
        %broadcast_in_dim3A_634 = arith.constant 0 : i32
        %broadcast_in_dim3A_635 = vector.broadcast %broadcast_in_dim3A_634 : i32 to vector<16xi32>
        tpu.vector_store_idx %arg13[%broadcast_in_dim3A_633, %add3A_577, %broadcast_in_dim3A_635], %add3A_631 : memref<3x640x16xf32, #tpu.memory_space<vmem>>[vector<16xi32>, vector<16xi32>, vector<16xi32>], vector<16xf32>,
        %broadcast_in_dim3A_636 = arith.constant 1 : i32
        %broadcast_in_dim3A_637 = vector.broadcast %broadcast_in_dim3A_636 : i32 to vector<16xi32>
        %gather3A_638 = tpu.vector_load_idx %arg9[%add3A_577, %broadcast_in_dim3A_637] : memref<640x16xf32, #tpu.memory_space<vmem>>[vector<16xi32>, vector<16xi32>], vector<16xf32>,
        %mul3A_639 = arith.mulf %sub3A_625, %gather3A_638 : vector<16xf32>
        %mul3A_640 = arith.mulf %div3A_622, %scan3A_610#1 : vector<16xf32>
        %add3A_641 = arith.addf %mul3A_639, %mul3A_640 : vector<16xf32>
        %broadcast_in_dim3A_642 = arith.constant 0 : i32
        %broadcast_in_dim3A_643 = vector.broadcast %broadcast_in_dim3A_642 : i32 to vector<16xi32>
        %broadcast_in_dim3A_644 = arith.constant 1 : i32
        %broadcast_in_dim3A_645 = vector.broadcast %broadcast_in_dim3A_644 : i32 to vector<16xi32>
        tpu.vector_store_idx %arg13[%broadcast_in_dim3A_643, %add3A_577, %broadcast_in_dim3A_645], %add3A_641 : memref<3x640x16xf32, #tpu.memory_space<vmem>>[vector<16xi32>, vector<16xi32>, vector<16xi32>], vector<16xf32>,
        %broadcast_in_dim3A_646 = arith.constant 2 : i32
        %broadcast_in_dim3A_647 = vector.broadcast %broadcast_in_dim3A_646 : i32 to vector<16xi32>
        %gather3A_648 = tpu.vector_load_idx %arg9[%add3A_577, %broadcast_in_dim3A_647] : memref<640x16xf32, #tpu.memory_space<vmem>>[vector<16xi32>, vector<16xi32>], vector<16xf32>,
        %mul3A_649 = arith.mulf %sub3A_625, %gather3A_648 : vector<16xf32>
        %mul3A_650 = arith.mulf %div3A_622, %scan3A_610#2 : vector<16xf32>
        %add3A_651 = arith.addf %mul3A_649, %mul3A_650 : vector<16xf32>
        %broadcast_in_dim3A_652 = arith.constant 0 : i32
        %broadcast_in_dim3A_653 = vector.broadcast %broadcast_in_dim3A_652 : i32 to vector<16xi32>
        %broadcast_in_dim3A_654 = arith.constant 2 : i32
        %broadcast_in_dim3A_655 = vector.broadcast %broadcast_in_dim3A_654 : i32 to vector<16xi32>
        tpu.vector_store_idx %arg13[%broadcast_in_dim3A_653, %add3A_577, %broadcast_in_dim3A_655], %add3A_651 : memref<3x640x16xf32, #tpu.memory_space<vmem>>[vector<16xi32>, vector<16xi32>, vector<16xi32>], vector<16xf32>,
        %broadcast_in_dim3A_656 = arith.constant 3 : i32
        %broadcast_in_dim3A_657 = vector.broadcast %broadcast_in_dim3A_656 : i32 to vector<16xi32>
        %gather3A_658 = tpu.vector_load_idx %arg9[%add3A_577, %broadcast_in_dim3A_657] : memref<640x16xf32, #tpu.memory_space<vmem>>[vector<16xi32>, vector<16xi32>], vector<16xf32>,
        %mul3A_659 = arith.mulf %sub3A_625, %gather3A_658 : vector<16xf32>
        %mul3A_660 = arith.mulf %div3A_622, %scan3A_610#3 : vector<16xf32>
        %add3A_661 = arith.addf %mul3A_659, %mul3A_660 : vector<16xf32>
        %broadcast_in_dim3A_662 = arith.constant 1 : i32
        %broadcast_in_dim3A_663 = vector.broadcast %broadcast_in_dim3A_662 : i32 to vector<16xi32>
        %broadcast_in_dim3A_664 = arith.constant 0 : i32
        %broadcast_in_dim3A_665 = vector.broadcast %broadcast_in_dim3A_664 : i32 to vector<16xi32>
        tpu.vector_store_idx %arg13[%broadcast_in_dim3A_663, %add3A_577, %broadcast_in_dim3A_665], %add3A_661 : memref<3x640x16xf32, #tpu.memory_space<vmem>>[vector<16xi32>, vector<16xi32>, vector<16xi32>], vector<16xf32>,
        %broadcast_in_dim3A_666 = arith.constant 4 : i32
        %broadcast_in_dim3A_667 = vector.broadcast %broadcast_in_dim3A_666 : i32 to vector<16xi32>
        %gather3A_668 = tpu.vector_load_idx %arg9[%add3A_577, %broadcast_in_dim3A_667] : memref<640x16xf32, #tpu.memory_space<vmem>>[vector<16xi32>, vector<16xi32>], vector<16xf32>,
        %mul3A_669 = arith.mulf %sub3A_625, %gather3A_668 : vector<16xf32>
        %mul3A_670 = arith.mulf %div3A_622, %scan3A_610#4 : vector<16xf32>
        %add3A_671 = arith.addf %mul3A_669, %mul3A_670 : vector<16xf32>
        %broadcast_in_dim3A_672 = arith.constant 1 : i32
        %broadcast_in_dim3A_673 = vector.broadcast %broadcast_in_dim3A_672 : i32 to vector<16xi32>
        %broadcast_in_dim3A_674 = arith.constant 1 : i32
        %broadcast_in_dim3A_675 = vector.broadcast %broadcast_in_dim3A_674 : i32 to vector<16xi32>
        tpu.vector_store_idx %arg13[%broadcast_in_dim3A_673, %add3A_577, %broadcast_in_dim3A_675], %add3A_671 : memref<3x640x16xf32, #tpu.memory_space<vmem>>[vector<16xi32>, vector<16xi32>, vector<16xi32>], vector<16xf32>,
        %broadcast_in_dim3A_676 = arith.constant 5 : i32
        %broadcast_in_dim3A_677 = vector.broadcast %broadcast_in_dim3A_676 : i32 to vector<16xi32>
        %gather3A_678 = tpu.vector_load_idx %arg9[%add3A_577, %broadcast_in_dim3A_677] : memref<640x16xf32, #tpu.memory_space<vmem>>[vector<16xi32>, vector<16xi32>], vector<16xf32>,
        %mul3A_679 = arith.mulf %sub3A_625, %gather3A_678 : vector<16xf32>
        %mul3A_680 = arith.mulf %div3A_622, %scan3A_610#5 : vector<16xf32>
        %add3A_681 = arith.addf %mul3A_679, %mul3A_680 : vector<16xf32>
        %broadcast_in_dim3A_682 = arith.constant 1 : i32
        %broadcast_in_dim3A_683 = vector.broadcast %broadcast_in_dim3A_682 : i32 to vector<16xi32>
        %broadcast_in_dim3A_684 = arith.constant 2 : i32
        %broadcast_in_dim3A_685 = vector.broadcast %broadcast_in_dim3A_684 : i32 to vector<16xi32>
        tpu.vector_store_idx %arg13[%broadcast_in_dim3A_683, %add3A_577, %broadcast_in_dim3A_685], %add3A_681 : memref<3x640x16xf32, #tpu.memory_space<vmem>>[vector<16xi32>, vector<16xi32>, vector<16xi32>], vector<16xf32>,
        %broadcast_in_dim3A_686 = arith.constant 6 : i32
        %broadcast_in_dim3A_687 = vector.broadcast %broadcast_in_dim3A_686 : i32 to vector<16xi32>
        %gather3A_688 = tpu.vector_load_idx %arg9[%add3A_577, %broadcast_in_dim3A_687] : memref<640x16xf32, #tpu.memory_space<vmem>>[vector<16xi32>, vector<16xi32>], vector<16xf32>,
        %mul3A_689 = arith.mulf %sub3A_625, %gather3A_688 : vector<16xf32>
        %mul3A_690 = arith.mulf %div3A_622, %scan3A_610#6 : vector<16xf32>
        %add3A_691 = arith.addf %mul3A_689, %mul3A_690 : vector<16xf32>
        %broadcast_in_dim3A_692 = arith.constant 2 : i32
        %broadcast_in_dim3A_693 = vector.broadcast %broadcast_in_dim3A_692 : i32 to vector<16xi32>
        %broadcast_in_dim3A_694 = arith.constant 0 : i32
        %broadcast_in_dim3A_695 = vector.broadcast %broadcast_in_dim3A_694 : i32 to vector<16xi32>
        tpu.vector_store_idx %arg13[%broadcast_in_dim3A_693, %add3A_577, %broadcast_in_dim3A_695], %add3A_691 : memref<3x640x16xf32, #tpu.memory_space<vmem>>[vector<16xi32>, vector<16xi32>, vector<16xi32>], vector<16xf32>,
        %broadcast_in_dim3A_696 = arith.constant 7 : i32
        %broadcast_in_dim3A_697 = vector.broadcast %broadcast_in_dim3A_696 : i32 to vector<16xi32>
        %gather3A_698 = tpu.vector_load_idx %arg9[%add3A_577, %broadcast_in_dim3A_697] : memref<640x16xf32, #tpu.memory_space<vmem>>[vector<16xi32>, vector<16xi32>], vector<16xf32>,
        %mul3A_699 = arith.mulf %sub3A_625, %gather3A_698 : vector<16xf32>
        %mul3A_700 = arith.mulf %div3A_622, %scan3A_610#7 : vector<16xf32>
        %add3A_701 = arith.addf %mul3A_699, %mul3A_700 : vector<16xf32>
        %broadcast_in_dim3A_702 = arith.constant 2 : i32
        %broadcast_in_dim3A_703 = vector.broadcast %broadcast_in_dim3A_702 : i32 to vector<16xi32>
        %broadcast_in_dim3A_704 = arith.constant 1 : i32
        %broadcast_in_dim3A_705 = vector.broadcast %broadcast_in_dim3A_704 : i32 to vector<16xi32>
        tpu.vector_store_idx %arg13[%broadcast_in_dim3A_703, %add3A_577, %broadcast_in_dim3A_705], %add3A_701 : memref<3x640x16xf32, #tpu.memory_space<vmem>>[vector<16xi32>, vector<16xi32>, vector<16xi32>], vector<16xf32>,
        %broadcast_in_dim3A_706 = arith.constant 8 : i32
        %broadcast_in_dim3A_707 = vector.broadcast %broadcast_in_dim3A_706 : i32 to vector<16xi32>
        %gather3A_708 = tpu.vector_load_idx %arg9[%add3A_577, %broadcast_in_dim3A_707] : memref<640x16xf32, #tpu.memory_space<vmem>>[vector<16xi32>, vector<16xi32>], vector<16xf32>,
        %mul3A_709 = arith.mulf %sub3A_625, %gather3A_708 : vector<16xf32>
        %mul3A_710 = arith.mulf %div3A_622, %scan3A_610#8 : vector<16xf32>
        %add3A_711 = arith.addf %mul3A_709, %mul3A_710 : vector<16xf32>
        %broadcast_in_dim3A_712 = arith.constant 2 : i32
        %broadcast_in_dim3A_713 = vector.broadcast %broadcast_in_dim3A_712 : i32 to vector<16xi32>
        %broadcast_in_dim3A_714 = arith.constant 2 : i32
        %broadcast_in_dim3A_715 = vector.broadcast %broadcast_in_dim3A_714 : i32 to vector<16xi32>
        tpu.vector_store_idx %arg13[%broadcast_in_dim3A_713, %add3A_577, %broadcast_in_dim3A_715], %add3A_711 : memref<3x640x16xf32, #tpu.memory_space<vmem>>[vector<16xi32>, vector<16xi32>, vector<16xi32>], vector<16xf32>,
        %add3A_716 = arith.constant 8 : i32
        %add3A_717 = arith.addi %add3A_537, %add3A_716 : i32
        %lt3A_718 = arith.constant 40 : i32
        %lt3A_719 = arith.cmpi slt, %add3A_717, %lt3A_718 : i32
        %convert_element_type3A_720 = arith.extui %lt3A_719 : i1 to i32
        %cond3A_721 = arith.constant 0 : i32
        %cond3A_722 = arith.cmpi ne, %convert_element_type3A_720, %cond3A_721 : i32
        scf.if %cond3A_722 {
          %mul3A_1857 = arith.constant 2 : i32
          %mul3A_1858 = arith.muli %mul3A_1857, %add3A_537 : i32
          %add3A_1859 = arith.constant 16 : i32
          %add3A_1860 = arith.addi %mul3A_1858, %add3A_1859 : i32
          %mul3A_1861 = arith.constant 128 : i32
          %mul3A_1862 = arith.muli %add3A_1860, %mul3A_1861 : i32
          %dma_start3A_1863 = arith.constant 2 : i32
          %dma_start3A_1864 = arith.constant 2 : i32
          %dma_start3A_1865 = arith.constant 0 : i32
          %dma_start3A_1866 = arith.constant 0 : i32
          %dma_start3A_1867 = tpu.memref_slice %arg12[%dma_start3A_1863, %dma_start3A_1865, %dma_start3A_1866] : memref<16x128x16xf32, #tpu.memory_space<vmem>> -> memref<1x128x16xf32, #tpu.memory_space<vmem>>
          %dma_start3A_1868 = tpu.memref_squeeze %dma_start3A_1867 : memref<1x128x16xf32, #tpu.memory_space<vmem>> -> memref<128x16xf32, #tpu.memory_space<vmem>>
          %dma_start3A_1869 = tpu.memref_slice %arg11[%mul3A_1862] : memref<10240xi32, #tpu.memory_space<vmem>> -> memref<128xi32, #tpu.memory_space<vmem>>
          %dma_start3A_1870 = arith.constant 0 : i32
          %dma_start3A_1871 = arith.constant 0 : i32
          %dma_start3A_1872 = tpu.memref_slice %arg2[%dma_start3A_1870, %dma_start3A_1871] : memref<100000x16xf32, #tpu.memory_space<hbm>> -> memref<100000x16xf32, #tpu.memory_space<hbm>>
          %dma_start3A_1873 = tpu.memref_slice %arg14[%dma_start3A_1864] : memref<20x!tpu.dma_semaphore, #tpu.memory_space<semaphore_mem>> -> memref<1x!tpu.dma_semaphore, #tpu.memory_space<semaphore_mem>>
          %dma_start3A_1874 = tpu.memref_squeeze %dma_start3A_1873 : memref<1x!tpu.dma_semaphore, #tpu.memory_space<semaphore_mem>> -> memref<!tpu.dma_semaphore, #tpu.memory_space<semaphore_mem>>
          tpu.enqueue_indirect_dma source(%dma_start3A_1872 : memref<100000x16xf32, #tpu.memory_space<hbm>>) target(%dma_start3A_1868 : memref<128x16xf32, #tpu.memory_space<vmem>>) offsets(%dma_start3A_1869 : memref<128xi32, #tpu.memory_space<vmem>>) semaphore(%dma_start3A_1874 : memref<!tpu.dma_semaphore, #tpu.memory_space<semaphore_mem>>)
          %mul3A_1875 = arith.constant 2 : i32
          %mul3A_1876 = arith.muli %mul3A_1875, %add3A_537 : i32
          %add3A_1877 = arith.constant 17 : i32
          %add3A_1878 = arith.addi %mul3A_1876, %add3A_1877 : i32
          %mul3A_1879 = arith.constant 128 : i32
          %mul3A_1880 = arith.muli %add3A_1878, %mul3A_1879 : i32
          %dma_start3A_1881 = arith.constant 3 : i32
          %dma_start3A_1882 = arith.constant 3 : i32
          %dma_start3A_1883 = arith.constant 0 : i32
          %dma_start3A_1884 = arith.constant 0 : i32
          %dma_start3A_1885 = tpu.memref_slice %arg12[%dma_start3A_1881, %dma_start3A_1883, %dma_start3A_1884] : memref<16x128x16xf32, #tpu.memory_space<vmem>> -> memref<1x128x16xf32, #tpu.memory_space<vmem>>
          %dma_start3A_1886 = tpu.memref_squeeze %dma_start3A_1885 : memref<1x128x16xf32, #tpu.memory_space<vmem>> -> memref<128x16xf32, #tpu.memory_space<vmem>>
          %dma_start3A_1887 = tpu.memref_slice %arg11[%mul3A_1880] : memref<10240xi32, #tpu.memory_space<vmem>> -> memref<128xi32, #tpu.memory_space<vmem>>
          %dma_start3A_1888 = arith.constant 0 : i32
          %dma_start3A_1889 = arith.constant 0 : i32
          %dma_start3A_1890 = tpu.memref_slice %arg2[%dma_start3A_1888, %dma_start3A_1889] : memref<100000x16xf32, #tpu.memory_space<hbm>> -> memref<100000x16xf32, #tpu.memory_space<hbm>>
          %dma_start3A_1891 = tpu.memref_slice %arg14[%dma_start3A_1882] : memref<20x!tpu.dma_semaphore, #tpu.memory_space<semaphore_mem>> -> memref<1x!tpu.dma_semaphore, #tpu.memory_space<semaphore_mem>>
          %dma_start3A_1892 = tpu.memref_squeeze %dma_start3A_1891 : memref<1x!tpu.dma_semaphore, #tpu.memory_space<semaphore_mem>> -> memref<!tpu.dma_semaphore, #tpu.memory_space<semaphore_mem>>
          tpu.enqueue_indirect_dma source(%dma_start3A_1890 : memref<100000x16xf32, #tpu.memory_space<hbm>>) target(%dma_start3A_1886 : memref<128x16xf32, #tpu.memory_space<vmem>>) offsets(%dma_start3A_1887 : memref<128xi32, #tpu.memory_space<vmem>>) semaphore(%dma_start3A_1892 : memref<!tpu.dma_semaphore, #tpu.memory_space<semaphore_mem>>)
        } else {
        }
        %mul3A_723 = arith.constant 8 : i32
        %mul3A_724 = arith.muli %mul3A_723, %scan3A_351 : i32
        %add3A_725 = arith.constant 2 : i32
        %add3A_726 = arith.addi %mul3A_724, %add3A_725 : i32
        %dma_wait3A_727 = arith.constant 4 : i32
        %dma_wait3A_728 = arith.constant 4 : i32
        %dma_wait3A_729 = arith.constant 0 : i32
        %dma_wait3A_730 = arith.constant 0 : i32
        %dma_wait3A_731 = tpu.memref_slice %arg12[%dma_wait3A_727, %dma_wait3A_729, %dma_wait3A_730] : memref<16x128x16xf32, #tpu.memory_space<vmem>> -> memref<1x128x16xf32, #tpu.memory_space<vmem>>
        %dma_wait3A_732 = tpu.memref_squeeze %dma_wait3A_731 : memref<1x128x16xf32, #tpu.memory_space<vmem>> -> memref<128x16xf32, #tpu.memory_space<vmem>>
        %dma_wait3A_733 = arith.constant 0 : i32
        %dma_wait3A_734 = arith.constant 0 : i32
        %dma_wait3A_735 = tpu.memref_slice %arg2[%dma_wait3A_733, %dma_wait3A_734] : memref<100000x16xf32, #tpu.memory_space<hbm>> -> memref<128x16xf32, #tpu.memory_space<hbm>>
        %dma_wait3A_736 = tpu.memref_slice %arg14[%dma_wait3A_728] : memref<20x!tpu.dma_semaphore, #tpu.memory_space<semaphore_mem>> -> memref<1x!tpu.dma_semaphore, #tpu.memory_space<semaphore_mem>>
        %dma_wait3A_737 = tpu.memref_squeeze %dma_wait3A_736 : memref<1x!tpu.dma_semaphore, #tpu.memory_space<semaphore_mem>> -> memref<!tpu.dma_semaphore, #tpu.memory_space<semaphore_mem>>
        %dma_wait3A_738 = arith.constant 0 : i32
        %dma_wait3A_739 = arith.constant 0 : i32
        %dma_wait3A_740 = tpu.memref_slice %arg12[%dma_wait3A_727, %dma_wait3A_738, %dma_wait3A_739] : memref<16x128x16xf32, #tpu.memory_space<vmem>> -> memref<1x128x16xf32, #tpu.memory_space<vmem>>
        %dma_wait3A_741 = tpu.memref_squeeze %dma_wait3A_740 : memref<1x128x16xf32, #tpu.memory_space<vmem>> -> memref<128x16xf32, #tpu.memory_space<vmem>>
        %dma_wait3A_742 = arith.constant 0 : i32
        %dma_wait3A_743 = arith.constant 0 : i32
        %dma_wait3A_744 = tpu.memref_slice %arg2[%dma_wait3A_742, %dma_wait3A_743] : memref<100000x16xf32, #tpu.memory_space<hbm>> -> memref<128x16xf32, #tpu.memory_space<hbm>>
        tpu.wait_dma2 semaphore(%dma_wait3A_737 : memref<!tpu.dma_semaphore, #tpu.memory_space<semaphore_mem>>) src(%dma_wait3A_744 : memref<128x16xf32, #tpu.memory_space<hbm>>) dst(%dma_wait3A_741 : memref<128x16xf32, #tpu.memory_space<vmem>>)
        %dma_wait3A_745 = arith.constant 5 : i32
        %dma_wait3A_746 = arith.constant 5 : i32
        %dma_wait3A_747 = arith.constant 0 : i32
        %dma_wait3A_748 = arith.constant 0 : i32
        %dma_wait3A_749 = tpu.memref_slice %arg12[%dma_wait3A_745, %dma_wait3A_747, %dma_wait3A_748] : memref<16x128x16xf32, #tpu.memory_space<vmem>> -> memref<1x128x16xf32, #tpu.memory_space<vmem>>
        %dma_wait3A_750 = tpu.memref_squeeze %dma_wait3A_749 : memref<1x128x16xf32, #tpu.memory_space<vmem>> -> memref<128x16xf32, #tpu.memory_space<vmem>>
        %dma_wait3A_751 = arith.constant 0 : i32
        %dma_wait3A_752 = arith.constant 0 : i32
        %dma_wait3A_753 = tpu.memref_slice %arg2[%dma_wait3A_751, %dma_wait3A_752] : memref<100000x16xf32, #tpu.memory_space<hbm>> -> memref<128x16xf32, #tpu.memory_space<hbm>>
        %dma_wait3A_754 = tpu.memref_slice %arg14[%dma_wait3A_746] : memref<20x!tpu.dma_semaphore, #tpu.memory_space<semaphore_mem>> -> memref<1x!tpu.dma_semaphore, #tpu.memory_space<semaphore_mem>>
        %dma_wait3A_755 = tpu.memref_squeeze %dma_wait3A_754 : memref<1x!tpu.dma_semaphore, #tpu.memory_space<semaphore_mem>> -> memref<!tpu.dma_semaphore, #tpu.memory_space<semaphore_mem>>
        %dma_wait3A_756 = arith.constant 0 : i32
        %dma_wait3A_757 = arith.constant 0 : i32
        %dma_wait3A_758 = tpu.memref_slice %arg12[%dma_wait3A_745, %dma_wait3A_756, %dma_wait3A_757] : memref<16x128x16xf32, #tpu.memory_space<vmem>> -> memref<1x128x16xf32, #tpu.memory_space<vmem>>
        %dma_wait3A_759 = tpu.memref_squeeze %dma_wait3A_758 : memref<1x128x16xf32, #tpu.memory_space<vmem>> -> memref<128x16xf32, #tpu.memory_space<vmem>>
        %dma_wait3A_760 = arith.constant 0 : i32
        %dma_wait3A_761 = arith.constant 0 : i32
        %dma_wait3A_762 = tpu.memref_slice %arg2[%dma_wait3A_760, %dma_wait3A_761] : memref<100000x16xf32, #tpu.memory_space<hbm>> -> memref<128x16xf32, #tpu.memory_space<hbm>>
        tpu.wait_dma2 semaphore(%dma_wait3A_755 : memref<!tpu.dma_semaphore, #tpu.memory_space<semaphore_mem>>) src(%dma_wait3A_762 : memref<128x16xf32, #tpu.memory_space<hbm>>) dst(%dma_wait3A_759 : memref<128x16xf32, #tpu.memory_space<vmem>>)
        %mul3A_763 = arith.constant 16 : i32
        %mul3A_764 = arith.muli %add3A_726, %mul3A_763 : i32
        %add3A_765 = vector.broadcast %mul3A_764 : i32 to vector<16xi32>
        %add3A_766 = arith.addi %add3A_765, %iota3A : vector<16xi32>
        %broadcast_in_dim3A_767 = vector.broadcast %rem3A_106 : i32 to vector<16xi32>
        %add3A_768 = arith.constant 4 : i32
        %add3A_769 = vector.broadcast %add3A_768 : i32 to vector<16xi32>
        %add3A_770 = arith.addi %add3A_769, %shift_right_arithmetic3A_2 : vector<16xi32>
        %and3A_771 = arith.constant 7 : i32
        %and3A_772 = vector.broadcast %and3A_771 : i32 to vector<16xi32>
        %and3A_773 = arith.andi %iota3A, %and3A_772 : vector<16xi32>
        %mul3A_774 = arith.constant 16 : i32
        %mul3A_775 = vector.broadcast %mul3A_774 : i32 to vector<16xi32>
        %mul3A_776 = arith.muli %and3A_773, %mul3A_775 : vector<16xi32>
        %broadcast_in_dim3A_777 = arith.constant 0.000000e+00 : f32
        %broadcast_in_dim3A_778 = vector.broadcast %broadcast_in_dim3A_777 : f32 to vector<16xf32>
        %broadcast_in_dim3A_779 = arith.constant 0.000000e+00 : f32
        %broadcast_in_dim3A_780 = vector.broadcast %broadcast_in_dim3A_779 : f32 to vector<16xf32>
        %broadcast_in_dim3A_781 = arith.constant 0.000000e+00 : f32
        %broadcast_in_dim3A_782 = vector.broadcast %broadcast_in_dim3A_781 : f32 to vector<16xf32>
        %broadcast_in_dim3A_783 = arith.constant 0.000000e+00 : f32
        %broadcast_in_dim3A_784 = vector.broadcast %broadcast_in_dim3A_783 : f32 to vector<16xf32>
        %broadcast_in_dim3A_785 = arith.constant 0.000000e+00 : f32
        %broadcast_in_dim3A_786 = vector.broadcast %broadcast_in_dim3A_785 : f32 to vector<16xf32>
        %broadcast_in_dim3A_787 = arith.constant 0.000000e+00 : f32
        %broadcast_in_dim3A_788 = vector.broadcast %broadcast_in_dim3A_787 : f32 to vector<16xf32>
        %broadcast_in_dim3A_789 = arith.constant 0.000000e+00 : f32
        %broadcast_in_dim3A_790 = vector.broadcast %broadcast_in_dim3A_789 : f32 to vector<16xf32>
        %broadcast_in_dim3A_791 = arith.constant 0.000000e+00 : f32
        %broadcast_in_dim3A_792 = vector.broadcast %broadcast_in_dim3A_791 : f32 to vector<16xf32>
        %broadcast_in_dim3A_793 = arith.constant 0.000000e+00 : f32
        %broadcast_in_dim3A_794 = vector.broadcast %broadcast_in_dim3A_793 : f32 to vector<16xf32>
        %scan3A_795 = arith.constant 0 : i32
        %scan3A_796 = arith.constant 16 : i32
        %scan3A_797 = arith.addi %scan3A_795, %scan3A_796 : i32
        %scan3A_798 = arith.constant 1 : i32
        %scan3A_799:9 = scf.for %scan3A_1857 = %scan3A_795 to %scan3A_797 step %scan3A_798 iter_args(%scan3A_1858 = %broadcast_in_dim3A_778, %scan3A_1859 = %broadcast_in_dim3A_780, %scan3A_1860 = %broadcast_in_dim3A_782, %scan3A_1861 = %broadcast_in_dim3A_784, %scan3A_1862 = %broadcast_in_dim3A_786, %scan3A_1863 = %broadcast_in_dim3A_788, %scan3A_1864 = %broadcast_in_dim3A_790, %scan3A_1865 = %broadcast_in_dim3A_792, %scan3A_1866 = %broadcast_in_dim3A_794) -> (vector<16xf32>, vector<16xf32>, vector<16xf32>, vector<16xf32>, vector<16xf32>, vector<16xf32>, vector<16xf32>, vector<16xf32>, vector<16xf32>)  : i32 {
          %broadcast_in_dim3A_1867 = vector.broadcast %scan3A_1857 : i32 to vector<16xi32>
          %gather3A_1868 = tpu.vector_load_idx %arg8[%broadcast_in_dim3A_767, %add3A_766, %broadcast_in_dim3A_1867] : memref<2x640x16xf32, #tpu.memory_space<vmem>>[vector<16xi32>, vector<16xi32>, vector<16xi32>], vector<16xf32>,
          %add3A_1869 = vector.broadcast %scan3A_1857 : i32 to vector<16xi32>
          %add3A_1870 = arith.addi %mul3A_776, %add3A_1869 : vector<16xi32>
          %broadcast_in_dim3A_1871 = arith.constant 0 : i32
          %broadcast_in_dim3A_1872 = vector.broadcast %broadcast_in_dim3A_1871 : i32 to vector<16xi32>
          %gather3A_1873 = tpu.vector_load_idx %arg12[%add3A_770, %add3A_1870, %broadcast_in_dim3A_1872] : memref<16x128x16xf32, #tpu.memory_space<vmem>>[vector<16xi32>, vector<16xi32>, vector<16xi32>], vector<16xf32>,
          %mul3A_1874 = arith.mulf %gather3A_1868, %gather3A_1873 : vector<16xf32>
          %add3A_1875 = arith.addf %scan3A_1858, %mul3A_1874 : vector<16xf32>
          %broadcast_in_dim3A_1876 = arith.constant 1 : i32
          %broadcast_in_dim3A_1877 = vector.broadcast %broadcast_in_dim3A_1876 : i32 to vector<16xi32>
          %gather3A_1878 = tpu.vector_load_idx %arg12[%add3A_770, %add3A_1870, %broadcast_in_dim3A_1877] : memref<16x128x16xf32, #tpu.memory_space<vmem>>[vector<16xi32>, vector<16xi32>, vector<16xi32>], vector<16xf32>,
          %mul3A_1879 = arith.mulf %gather3A_1868, %gather3A_1878 : vector<16xf32>
          %add3A_1880 = arith.addf %scan3A_1859, %mul3A_1879 : vector<16xf32>
          %broadcast_in_dim3A_1881 = arith.constant 2 : i32
          %broadcast_in_dim3A_1882 = vector.broadcast %broadcast_in_dim3A_1881 : i32 to vector<16xi32>
          %gather3A_1883 = tpu.vector_load_idx %arg12[%add3A_770, %add3A_1870, %broadcast_in_dim3A_1882] : memref<16x128x16xf32, #tpu.memory_space<vmem>>[vector<16xi32>, vector<16xi32>, vector<16xi32>], vector<16xf32>,
          %mul3A_1884 = arith.mulf %gather3A_1868, %gather3A_1883 : vector<16xf32>
          %add3A_1885 = arith.addf %scan3A_1860, %mul3A_1884 : vector<16xf32>
          %broadcast_in_dim3A_1886 = arith.constant 3 : i32
          %broadcast_in_dim3A_1887 = vector.broadcast %broadcast_in_dim3A_1886 : i32 to vector<16xi32>
          %gather3A_1888 = tpu.vector_load_idx %arg12[%add3A_770, %add3A_1870, %broadcast_in_dim3A_1887] : memref<16x128x16xf32, #tpu.memory_space<vmem>>[vector<16xi32>, vector<16xi32>, vector<16xi32>], vector<16xf32>,
          %mul3A_1889 = arith.mulf %gather3A_1868, %gather3A_1888 : vector<16xf32>
          %add3A_1890 = arith.addf %scan3A_1861, %mul3A_1889 : vector<16xf32>
          %broadcast_in_dim3A_1891 = arith.constant 4 : i32
          %broadcast_in_dim3A_1892 = vector.broadcast %broadcast_in_dim3A_1891 : i32 to vector<16xi32>
          %gather3A_1893 = tpu.vector_load_idx %arg12[%add3A_770, %add3A_1870, %broadcast_in_dim3A_1892] : memref<16x128x16xf32, #tpu.memory_space<vmem>>[vector<16xi32>, vector<16xi32>, vector<16xi32>], vector<16xf32>,
          %mul3A_1894 = arith.mulf %gather3A_1868, %gather3A_1893 : vector<16xf32>
          %add3A_1895 = arith.addf %scan3A_1862, %mul3A_1894 : vector<16xf32>
          %broadcast_in_dim3A_1896 = arith.constant 5 : i32
          %broadcast_in_dim3A_1897 = vector.broadcast %broadcast_in_dim3A_1896 : i32 to vector<16xi32>
          %gather3A_1898 = tpu.vector_load_idx %arg12[%add3A_770, %add3A_1870, %broadcast_in_dim3A_1897] : memref<16x128x16xf32, #tpu.memory_space<vmem>>[vector<16xi32>, vector<16xi32>, vector<16xi32>], vector<16xf32>,
          %mul3A_1899 = arith.mulf %gather3A_1868, %gather3A_1898 : vector<16xf32>
          %add3A_1900 = arith.addf %scan3A_1863, %mul3A_1899 : vector<16xf32>
          %broadcast_in_dim3A_1901 = arith.constant 6 : i32
          %broadcast_in_dim3A_1902 = vector.broadcast %broadcast_in_dim3A_1901 : i32 to vector<16xi32>
          %gather3A_1903 = tpu.vector_load_idx %arg12[%add3A_770, %add3A_1870, %broadcast_in_dim3A_1902] : memref<16x128x16xf32, #tpu.memory_space<vmem>>[vector<16xi32>, vector<16xi32>, vector<16xi32>], vector<16xf32>,
          %mul3A_1904 = arith.mulf %gather3A_1868, %gather3A_1903 : vector<16xf32>
          %add3A_1905 = arith.addf %scan3A_1864, %mul3A_1904 : vector<16xf32>
          %broadcast_in_dim3A_1906 = arith.constant 7 : i32
          %broadcast_in_dim3A_1907 = vector.broadcast %broadcast_in_dim3A_1906 : i32 to vector<16xi32>
          %gather3A_1908 = tpu.vector_load_idx %arg12[%add3A_770, %add3A_1870, %broadcast_in_dim3A_1907] : memref<16x128x16xf32, #tpu.memory_space<vmem>>[vector<16xi32>, vector<16xi32>, vector<16xi32>], vector<16xf32>,
          %mul3A_1909 = arith.mulf %gather3A_1868, %gather3A_1908 : vector<16xf32>
          %add3A_1910 = arith.addf %scan3A_1865, %mul3A_1909 : vector<16xf32>
          %broadcast_in_dim3A_1911 = arith.constant 8 : i32
          %broadcast_in_dim3A_1912 = vector.broadcast %broadcast_in_dim3A_1911 : i32 to vector<16xi32>
          %gather3A_1913 = tpu.vector_load_idx %arg12[%add3A_770, %add3A_1870, %broadcast_in_dim3A_1912] : memref<16x128x16xf32, #tpu.memory_space<vmem>>[vector<16xi32>, vector<16xi32>, vector<16xi32>], vector<16xf32>,
          %mul3A_1914 = arith.mulf %gather3A_1868, %gather3A_1913 : vector<16xf32>
          %add3A_1915 = arith.addf %scan3A_1866, %mul3A_1914 : vector<16xf32>
          scf.yield %add3A_1875, %add3A_1880, %add3A_1885, %add3A_1890, %add3A_1895, %add3A_1900, %add3A_1905, %add3A_1910, %add3A_1915 : vector<16xf32>, vector<16xf32>, vector<16xf32>, vector<16xf32>, vector<16xf32>, vector<16xf32>, vector<16xf32>, vector<16xf32>, vector<16xf32>
        }
        %scan3A_800 = arith.constant 16 : i32
        %gather3A_801 = tpu.vector_load_idx %arg10[%broadcast_in_dim3A_767, %add3A_766] : memref<2x640xf32, #tpu.memory_space<vmem>>[vector<16xi32>, vector<16xi32>], vector<16xf32>,
        %neg3A_802 = arith.constant 0.000000e+00 : f32
        %neg3A_803 = vector.broadcast %neg3A_802 : f32 to vector<16xf32>
        %neg3A_804 = arith.subf %neg3A_803, %gather3A_801 : vector<16xf32>
        %exp3A_805 = math.exp %neg3A_804 : vector<16xf32>
        %add3A_806 = arith.constant 1.000000e+00 : f32
        %add3A_807 = vector.broadcast %add3A_806 : f32 to vector<16xf32>
        %add3A_808 = arith.addf %add3A_807, %exp3A_805 : vector<16xf32>
        %div3A_809 = arith.constant 1.000000e+00 : f32
        %div3A_810 = vector.broadcast %div3A_809 : f32 to vector<16xf32>
        %div3A_811 = arith.divf %div3A_810, %add3A_808 : vector<16xf32>
        %sub3A_812 = arith.constant 1.000000e+00 : f32
        %sub3A_813 = vector.broadcast %sub3A_812 : f32 to vector<16xf32>
        %sub3A_814 = arith.subf %sub3A_813, %div3A_811 : vector<16xf32>
        %broadcast_in_dim3A_815 = arith.constant 0 : i32
        %broadcast_in_dim3A_816 = vector.broadcast %broadcast_in_dim3A_815 : i32 to vector<16xi32>
        %gather3A_817 = tpu.vector_load_idx %arg9[%add3A_766, %broadcast_in_dim3A_816] : memref<640x16xf32, #tpu.memory_space<vmem>>[vector<16xi32>, vector<16xi32>], vector<16xf32>,
        %mul3A_818 = arith.mulf %sub3A_814, %gather3A_817 : vector<16xf32>
        %mul3A_819 = arith.mulf %div3A_811, %scan3A_799#0 : vector<16xf32>
        %add3A_820 = arith.addf %mul3A_818, %mul3A_819 : vector<16xf32>
        %broadcast_in_dim3A_821 = arith.constant 0 : i32
        %broadcast_in_dim3A_822 = vector.broadcast %broadcast_in_dim3A_821 : i32 to vector<16xi32>
        %broadcast_in_dim3A_823 = arith.constant 0 : i32
        %broadcast_in_dim3A_824 = vector.broadcast %broadcast_in_dim3A_823 : i32 to vector<16xi32>
        tpu.vector_store_idx %arg13[%broadcast_in_dim3A_822, %add3A_766, %broadcast_in_dim3A_824], %add3A_820 : memref<3x640x16xf32, #tpu.memory_space<vmem>>[vector<16xi32>, vector<16xi32>, vector<16xi32>], vector<16xf32>,
        %broadcast_in_dim3A_825 = arith.constant 1 : i32
        %broadcast_in_dim3A_826 = vector.broadcast %broadcast_in_dim3A_825 : i32 to vector<16xi32>
        %gather3A_827 = tpu.vector_load_idx %arg9[%add3A_766, %broadcast_in_dim3A_826] : memref<640x16xf32, #tpu.memory_space<vmem>>[vector<16xi32>, vector<16xi32>], vector<16xf32>,
        %mul3A_828 = arith.mulf %sub3A_814, %gather3A_827 : vector<16xf32>
        %mul3A_829 = arith.mulf %div3A_811, %scan3A_799#1 : vector<16xf32>
        %add3A_830 = arith.addf %mul3A_828, %mul3A_829 : vector<16xf32>
        %broadcast_in_dim3A_831 = arith.constant 0 : i32
        %broadcast_in_dim3A_832 = vector.broadcast %broadcast_in_dim3A_831 : i32 to vector<16xi32>
        %broadcast_in_dim3A_833 = arith.constant 1 : i32
        %broadcast_in_dim3A_834 = vector.broadcast %broadcast_in_dim3A_833 : i32 to vector<16xi32>
        tpu.vector_store_idx %arg13[%broadcast_in_dim3A_832, %add3A_766, %broadcast_in_dim3A_834], %add3A_830 : memref<3x640x16xf32, #tpu.memory_space<vmem>>[vector<16xi32>, vector<16xi32>, vector<16xi32>], vector<16xf32>,
        %broadcast_in_dim3A_835 = arith.constant 2 : i32
        %broadcast_in_dim3A_836 = vector.broadcast %broadcast_in_dim3A_835 : i32 to vector<16xi32>
        %gather3A_837 = tpu.vector_load_idx %arg9[%add3A_766, %broadcast_in_dim3A_836] : memref<640x16xf32, #tpu.memory_space<vmem>>[vector<16xi32>, vector<16xi32>], vector<16xf32>,
        %mul3A_838 = arith.mulf %sub3A_814, %gather3A_837 : vector<16xf32>
        %mul3A_839 = arith.mulf %div3A_811, %scan3A_799#2 : vector<16xf32>
        %add3A_840 = arith.addf %mul3A_838, %mul3A_839 : vector<16xf32>
        %broadcast_in_dim3A_841 = arith.constant 0 : i32
        %broadcast_in_dim3A_842 = vector.broadcast %broadcast_in_dim3A_841 : i32 to vector<16xi32>
        %broadcast_in_dim3A_843 = arith.constant 2 : i32
        %broadcast_in_dim3A_844 = vector.broadcast %broadcast_in_dim3A_843 : i32 to vector<16xi32>
        tpu.vector_store_idx %arg13[%broadcast_in_dim3A_842, %add3A_766, %broadcast_in_dim3A_844], %add3A_840 : memref<3x640x16xf32, #tpu.memory_space<vmem>>[vector<16xi32>, vector<16xi32>, vector<16xi32>], vector<16xf32>,
        %broadcast_in_dim3A_845 = arith.constant 3 : i32
        %broadcast_in_dim3A_846 = vector.broadcast %broadcast_in_dim3A_845 : i32 to vector<16xi32>
        %gather3A_847 = tpu.vector_load_idx %arg9[%add3A_766, %broadcast_in_dim3A_846] : memref<640x16xf32, #tpu.memory_space<vmem>>[vector<16xi32>, vector<16xi32>], vector<16xf32>,
        %mul3A_848 = arith.mulf %sub3A_814, %gather3A_847 : vector<16xf32>
        %mul3A_849 = arith.mulf %div3A_811, %scan3A_799#3 : vector<16xf32>
        %add3A_850 = arith.addf %mul3A_848, %mul3A_849 : vector<16xf32>
        %broadcast_in_dim3A_851 = arith.constant 1 : i32
        %broadcast_in_dim3A_852 = vector.broadcast %broadcast_in_dim3A_851 : i32 to vector<16xi32>
        %broadcast_in_dim3A_853 = arith.constant 0 : i32
        %broadcast_in_dim3A_854 = vector.broadcast %broadcast_in_dim3A_853 : i32 to vector<16xi32>
        tpu.vector_store_idx %arg13[%broadcast_in_dim3A_852, %add3A_766, %broadcast_in_dim3A_854], %add3A_850 : memref<3x640x16xf32, #tpu.memory_space<vmem>>[vector<16xi32>, vector<16xi32>, vector<16xi32>], vector<16xf32>,
        %broadcast_in_dim3A_855 = arith.constant 4 : i32
        %broadcast_in_dim3A_856 = vector.broadcast %broadcast_in_dim3A_855 : i32 to vector<16xi32>
        %gather3A_857 = tpu.vector_load_idx %arg9[%add3A_766, %broadcast_in_dim3A_856] : memref<640x16xf32, #tpu.memory_space<vmem>>[vector<16xi32>, vector<16xi32>], vector<16xf32>,
        %mul3A_858 = arith.mulf %sub3A_814, %gather3A_857 : vector<16xf32>
        %mul3A_859 = arith.mulf %div3A_811, %scan3A_799#4 : vector<16xf32>
        %add3A_860 = arith.addf %mul3A_858, %mul3A_859 : vector<16xf32>
        %broadcast_in_dim3A_861 = arith.constant 1 : i32
        %broadcast_in_dim3A_862 = vector.broadcast %broadcast_in_dim3A_861 : i32 to vector<16xi32>
        %broadcast_in_dim3A_863 = arith.constant 1 : i32
        %broadcast_in_dim3A_864 = vector.broadcast %broadcast_in_dim3A_863 : i32 to vector<16xi32>
        tpu.vector_store_idx %arg13[%broadcast_in_dim3A_862, %add3A_766, %broadcast_in_dim3A_864], %add3A_860 : memref<3x640x16xf32, #tpu.memory_space<vmem>>[vector<16xi32>, vector<16xi32>, vector<16xi32>], vector<16xf32>,
        %broadcast_in_dim3A_865 = arith.constant 5 : i32
        %broadcast_in_dim3A_866 = vector.broadcast %broadcast_in_dim3A_865 : i32 to vector<16xi32>
        %gather3A_867 = tpu.vector_load_idx %arg9[%add3A_766, %broadcast_in_dim3A_866] : memref<640x16xf32, #tpu.memory_space<vmem>>[vector<16xi32>, vector<16xi32>], vector<16xf32>,
        %mul3A_868 = arith.mulf %sub3A_814, %gather3A_867 : vector<16xf32>
        %mul3A_869 = arith.mulf %div3A_811, %scan3A_799#5 : vector<16xf32>
        %add3A_870 = arith.addf %mul3A_868, %mul3A_869 : vector<16xf32>
        %broadcast_in_dim3A_871 = arith.constant 1 : i32
        %broadcast_in_dim3A_872 = vector.broadcast %broadcast_in_dim3A_871 : i32 to vector<16xi32>
        %broadcast_in_dim3A_873 = arith.constant 2 : i32
        %broadcast_in_dim3A_874 = vector.broadcast %broadcast_in_dim3A_873 : i32 to vector<16xi32>
        tpu.vector_store_idx %arg13[%broadcast_in_dim3A_872, %add3A_766, %broadcast_in_dim3A_874], %add3A_870 : memref<3x640x16xf32, #tpu.memory_space<vmem>>[vector<16xi32>, vector<16xi32>, vector<16xi32>], vector<16xf32>,
        %broadcast_in_dim3A_875 = arith.constant 6 : i32
        %broadcast_in_dim3A_876 = vector.broadcast %broadcast_in_dim3A_875 : i32 to vector<16xi32>
        %gather3A_877 = tpu.vector_load_idx %arg9[%add3A_766, %broadcast_in_dim3A_876] : memref<640x16xf32, #tpu.memory_space<vmem>>[vector<16xi32>, vector<16xi32>], vector<16xf32>,
        %mul3A_878 = arith.mulf %sub3A_814, %gather3A_877 : vector<16xf32>
        %mul3A_879 = arith.mulf %div3A_811, %scan3A_799#6 : vector<16xf32>
        %add3A_880 = arith.addf %mul3A_878, %mul3A_879 : vector<16xf32>
        %broadcast_in_dim3A_881 = arith.constant 2 : i32
        %broadcast_in_dim3A_882 = vector.broadcast %broadcast_in_dim3A_881 : i32 to vector<16xi32>
        %broadcast_in_dim3A_883 = arith.constant 0 : i32
        %broadcast_in_dim3A_884 = vector.broadcast %broadcast_in_dim3A_883 : i32 to vector<16xi32>
        tpu.vector_store_idx %arg13[%broadcast_in_dim3A_882, %add3A_766, %broadcast_in_dim3A_884], %add3A_880 : memref<3x640x16xf32, #tpu.memory_space<vmem>>[vector<16xi32>, vector<16xi32>, vector<16xi32>], vector<16xf32>,
        %broadcast_in_dim3A_885 = arith.constant 7 : i32
        %broadcast_in_dim3A_886 = vector.broadcast %broadcast_in_dim3A_885 : i32 to vector<16xi32>
        %gather3A_887 = tpu.vector_load_idx %arg9[%add3A_766, %broadcast_in_dim3A_886] : memref<640x16xf32, #tpu.memory_space<vmem>>[vector<16xi32>, vector<16xi32>], vector<16xf32>,
        %mul3A_888 = arith.mulf %sub3A_814, %gather3A_887 : vector<16xf32>
        %mul3A_889 = arith.mulf %div3A_811, %scan3A_799#7 : vector<16xf32>
        %add3A_890 = arith.addf %mul3A_888, %mul3A_889 : vector<16xf32>
        %broadcast_in_dim3A_891 = arith.constant 2 : i32
        %broadcast_in_dim3A_892 = vector.broadcast %broadcast_in_dim3A_891 : i32 to vector<16xi32>
        %broadcast_in_dim3A_893 = arith.constant 1 : i32
        %broadcast_in_dim3A_894 = vector.broadcast %broadcast_in_dim3A_893 : i32 to vector<16xi32>
        tpu.vector_store_idx %arg13[%broadcast_in_dim3A_892, %add3A_766, %broadcast_in_dim3A_894], %add3A_890 : memref<3x640x16xf32, #tpu.memory_space<vmem>>[vector<16xi32>, vector<16xi32>, vector<16xi32>], vector<16xf32>,
        %broadcast_in_dim3A_895 = arith.constant 8 : i32
        %broadcast_in_dim3A_896 = vector.broadcast %broadcast_in_dim3A_895 : i32 to vector<16xi32>
        %gather3A_897 = tpu.vector_load_idx %arg9[%add3A_766, %broadcast_in_dim3A_896] : memref<640x16xf32, #tpu.memory_space<vmem>>[vector<16xi32>, vector<16xi32>], vector<16xf32>,
        %mul3A_898 = arith.mulf %sub3A_814, %gather3A_897 : vector<16xf32>
        %mul3A_899 = arith.mulf %div3A_811, %scan3A_799#8 : vector<16xf32>
        %add3A_900 = arith.addf %mul3A_898, %mul3A_899 : vector<16xf32>
        %broadcast_in_dim3A_901 = arith.constant 2 : i32
        %broadcast_in_dim3A_902 = vector.broadcast %broadcast_in_dim3A_901 : i32 to vector<16xi32>
        %broadcast_in_dim3A_903 = arith.constant 2 : i32
        %broadcast_in_dim3A_904 = vector.broadcast %broadcast_in_dim3A_903 : i32 to vector<16xi32>
        tpu.vector_store_idx %arg13[%broadcast_in_dim3A_902, %add3A_766, %broadcast_in_dim3A_904], %add3A_900 : memref<3x640x16xf32, #tpu.memory_space<vmem>>[vector<16xi32>, vector<16xi32>, vector<16xi32>], vector<16xf32>,
        %add3A_905 = arith.constant 8 : i32
        %add3A_906 = arith.addi %add3A_726, %add3A_905 : i32
        %lt3A_907 = arith.constant 40 : i32
        %lt3A_908 = arith.cmpi slt, %add3A_906, %lt3A_907 : i32
        %convert_element_type3A_909 = arith.extui %lt3A_908 : i1 to i32
        %cond3A_910 = arith.constant 0 : i32
        %cond3A_911 = arith.cmpi ne, %convert_element_type3A_909, %cond3A_910 : i32
        scf.if %cond3A_911 {
          %mul3A_1857 = arith.constant 2 : i32
          %mul3A_1858 = arith.muli %mul3A_1857, %add3A_726 : i32
          %add3A_1859 = arith.constant 16 : i32
          %add3A_1860 = arith.addi %mul3A_1858, %add3A_1859 : i32
          %mul3A_1861 = arith.constant 128 : i32
          %mul3A_1862 = arith.muli %add3A_1860, %mul3A_1861 : i32
          %dma_start3A_1863 = arith.constant 4 : i32
          %dma_start3A_1864 = arith.constant 4 : i32
          %dma_start3A_1865 = arith.constant 0 : i32
          %dma_start3A_1866 = arith.constant 0 : i32
          %dma_start3A_1867 = tpu.memref_slice %arg12[%dma_start3A_1863, %dma_start3A_1865, %dma_start3A_1866] : memref<16x128x16xf32, #tpu.memory_space<vmem>> -> memref<1x128x16xf32, #tpu.memory_space<vmem>>
          %dma_start3A_1868 = tpu.memref_squeeze %dma_start3A_1867 : memref<1x128x16xf32, #tpu.memory_space<vmem>> -> memref<128x16xf32, #tpu.memory_space<vmem>>
          %dma_start3A_1869 = tpu.memref_slice %arg11[%mul3A_1862] : memref<10240xi32, #tpu.memory_space<vmem>> -> memref<128xi32, #tpu.memory_space<vmem>>
          %dma_start3A_1870 = arith.constant 0 : i32
          %dma_start3A_1871 = arith.constant 0 : i32
          %dma_start3A_1872 = tpu.memref_slice %arg2[%dma_start3A_1870, %dma_start3A_1871] : memref<100000x16xf32, #tpu.memory_space<hbm>> -> memref<100000x16xf32, #tpu.memory_space<hbm>>
          %dma_start3A_1873 = tpu.memref_slice %arg14[%dma_start3A_1864] : memref<20x!tpu.dma_semaphore, #tpu.memory_space<semaphore_mem>> -> memref<1x!tpu.dma_semaphore, #tpu.memory_space<semaphore_mem>>
          %dma_start3A_1874 = tpu.memref_squeeze %dma_start3A_1873 : memref<1x!tpu.dma_semaphore, #tpu.memory_space<semaphore_mem>> -> memref<!tpu.dma_semaphore, #tpu.memory_space<semaphore_mem>>
          tpu.enqueue_indirect_dma source(%dma_start3A_1872 : memref<100000x16xf32, #tpu.memory_space<hbm>>) target(%dma_start3A_1868 : memref<128x16xf32, #tpu.memory_space<vmem>>) offsets(%dma_start3A_1869 : memref<128xi32, #tpu.memory_space<vmem>>) semaphore(%dma_start3A_1874 : memref<!tpu.dma_semaphore, #tpu.memory_space<semaphore_mem>>)
          %mul3A_1875 = arith.constant 2 : i32
          %mul3A_1876 = arith.muli %mul3A_1875, %add3A_726 : i32
          %add3A_1877 = arith.constant 17 : i32
          %add3A_1878 = arith.addi %mul3A_1876, %add3A_1877 : i32
          %mul3A_1879 = arith.constant 128 : i32
          %mul3A_1880 = arith.muli %add3A_1878, %mul3A_1879 : i32
          %dma_start3A_1881 = arith.constant 5 : i32
          %dma_start3A_1882 = arith.constant 5 : i32
          %dma_start3A_1883 = arith.constant 0 : i32
          %dma_start3A_1884 = arith.constant 0 : i32
          %dma_start3A_1885 = tpu.memref_slice %arg12[%dma_start3A_1881, %dma_start3A_1883, %dma_start3A_1884] : memref<16x128x16xf32, #tpu.memory_space<vmem>> -> memref<1x128x16xf32, #tpu.memory_space<vmem>>
          %dma_start3A_1886 = tpu.memref_squeeze %dma_start3A_1885 : memref<1x128x16xf32, #tpu.memory_space<vmem>> -> memref<128x16xf32, #tpu.memory_space<vmem>>
          %dma_start3A_1887 = tpu.memref_slice %arg11[%mul3A_1880] : memref<10240xi32, #tpu.memory_space<vmem>> -> memref<128xi32, #tpu.memory_space<vmem>>
          %dma_start3A_1888 = arith.constant 0 : i32
          %dma_start3A_1889 = arith.constant 0 : i32
          %dma_start3A_1890 = tpu.memref_slice %arg2[%dma_start3A_1888, %dma_start3A_1889] : memref<100000x16xf32, #tpu.memory_space<hbm>> -> memref<100000x16xf32, #tpu.memory_space<hbm>>
          %dma_start3A_1891 = tpu.memref_slice %arg14[%dma_start3A_1882] : memref<20x!tpu.dma_semaphore, #tpu.memory_space<semaphore_mem>> -> memref<1x!tpu.dma_semaphore, #tpu.memory_space<semaphore_mem>>
          %dma_start3A_1892 = tpu.memref_squeeze %dma_start3A_1891 : memref<1x!tpu.dma_semaphore, #tpu.memory_space<semaphore_mem>> -> memref<!tpu.dma_semaphore, #tpu.memory_space<semaphore_mem>>
          tpu.enqueue_indirect_dma source(%dma_start3A_1890 : memref<100000x16xf32, #tpu.memory_space<hbm>>) target(%dma_start3A_1886 : memref<128x16xf32, #tpu.memory_space<vmem>>) offsets(%dma_start3A_1887 : memref<128xi32, #tpu.memory_space<vmem>>) semaphore(%dma_start3A_1892 : memref<!tpu.dma_semaphore, #tpu.memory_space<semaphore_mem>>)
        } else {
        }
        %mul3A_912 = arith.constant 8 : i32
        %mul3A_913 = arith.muli %mul3A_912, %scan3A_351 : i32
        %add3A_914 = arith.constant 3 : i32
        %add3A_915 = arith.addi %mul3A_913, %add3A_914 : i32
        %dma_wait3A_916 = arith.constant 6 : i32
        %dma_wait3A_917 = arith.constant 6 : i32
        %dma_wait3A_918 = arith.constant 0 : i32
        %dma_wait3A_919 = arith.constant 0 : i32
        %dma_wait3A_920 = tpu.memref_slice %arg12[%dma_wait3A_916, %dma_wait3A_918, %dma_wait3A_919] : memref<16x128x16xf32, #tpu.memory_space<vmem>> -> memref<1x128x16xf32, #tpu.memory_space<vmem>>
        %dma_wait3A_921 = tpu.memref_squeeze %dma_wait3A_920 : memref<1x128x16xf32, #tpu.memory_space<vmem>> -> memref<128x16xf32, #tpu.memory_space<vmem>>
        %dma_wait3A_922 = arith.constant 0 : i32
        %dma_wait3A_923 = arith.constant 0 : i32
        %dma_wait3A_924 = tpu.memref_slice %arg2[%dma_wait3A_922, %dma_wait3A_923] : memref<100000x16xf32, #tpu.memory_space<hbm>> -> memref<128x16xf32, #tpu.memory_space<hbm>>
        %dma_wait3A_925 = tpu.memref_slice %arg14[%dma_wait3A_917] : memref<20x!tpu.dma_semaphore, #tpu.memory_space<semaphore_mem>> -> memref<1x!tpu.dma_semaphore, #tpu.memory_space<semaphore_mem>>
        %dma_wait3A_926 = tpu.memref_squeeze %dma_wait3A_925 : memref<1x!tpu.dma_semaphore, #tpu.memory_space<semaphore_mem>> -> memref<!tpu.dma_semaphore, #tpu.memory_space<semaphore_mem>>
        %dma_wait3A_927 = arith.constant 0 : i32
        %dma_wait3A_928 = arith.constant 0 : i32
        %dma_wait3A_929 = tpu.memref_slice %arg12[%dma_wait3A_916, %dma_wait3A_927, %dma_wait3A_928] : memref<16x128x16xf32, #tpu.memory_space<vmem>> -> memref<1x128x16xf32, #tpu.memory_space<vmem>>
        %dma_wait3A_930 = tpu.memref_squeeze %dma_wait3A_929 : memref<1x128x16xf32, #tpu.memory_space<vmem>> -> memref<128x16xf32, #tpu.memory_space<vmem>>
        %dma_wait3A_931 = arith.constant 0 : i32
        %dma_wait3A_932 = arith.constant 0 : i32
        %dma_wait3A_933 = tpu.memref_slice %arg2[%dma_wait3A_931, %dma_wait3A_932] : memref<100000x16xf32, #tpu.memory_space<hbm>> -> memref<128x16xf32, #tpu.memory_space<hbm>>
        tpu.wait_dma2 semaphore(%dma_wait3A_926 : memref<!tpu.dma_semaphore, #tpu.memory_space<semaphore_mem>>) src(%dma_wait3A_933 : memref<128x16xf32, #tpu.memory_space<hbm>>) dst(%dma_wait3A_930 : memref<128x16xf32, #tpu.memory_space<vmem>>)
        %dma_wait3A_934 = arith.constant 7 : i32
        %dma_wait3A_935 = arith.constant 7 : i32
        %dma_wait3A_936 = arith.constant 0 : i32
        %dma_wait3A_937 = arith.constant 0 : i32
        %dma_wait3A_938 = tpu.memref_slice %arg12[%dma_wait3A_934, %dma_wait3A_936, %dma_wait3A_937] : memref<16x128x16xf32, #tpu.memory_space<vmem>> -> memref<1x128x16xf32, #tpu.memory_space<vmem>>
        %dma_wait3A_939 = tpu.memref_squeeze %dma_wait3A_938 : memref<1x128x16xf32, #tpu.memory_space<vmem>> -> memref<128x16xf32, #tpu.memory_space<vmem>>
        %dma_wait3A_940 = arith.constant 0 : i32
        %dma_wait3A_941 = arith.constant 0 : i32
        %dma_wait3A_942 = tpu.memref_slice %arg2[%dma_wait3A_940, %dma_wait3A_941] : memref<100000x16xf32, #tpu.memory_space<hbm>> -> memref<128x16xf32, #tpu.memory_space<hbm>>
        %dma_wait3A_943 = tpu.memref_slice %arg14[%dma_wait3A_935] : memref<20x!tpu.dma_semaphore, #tpu.memory_space<semaphore_mem>> -> memref<1x!tpu.dma_semaphore, #tpu.memory_space<semaphore_mem>>
        %dma_wait3A_944 = tpu.memref_squeeze %dma_wait3A_943 : memref<1x!tpu.dma_semaphore, #tpu.memory_space<semaphore_mem>> -> memref<!tpu.dma_semaphore, #tpu.memory_space<semaphore_mem>>
        %dma_wait3A_945 = arith.constant 0 : i32
        %dma_wait3A_946 = arith.constant 0 : i32
        %dma_wait3A_947 = tpu.memref_slice %arg12[%dma_wait3A_934, %dma_wait3A_945, %dma_wait3A_946] : memref<16x128x16xf32, #tpu.memory_space<vmem>> -> memref<1x128x16xf32, #tpu.memory_space<vmem>>
        %dma_wait3A_948 = tpu.memref_squeeze %dma_wait3A_947 : memref<1x128x16xf32, #tpu.memory_space<vmem>> -> memref<128x16xf32, #tpu.memory_space<vmem>>
        %dma_wait3A_949 = arith.constant 0 : i32
        %dma_wait3A_950 = arith.constant 0 : i32
        %dma_wait3A_951 = tpu.memref_slice %arg2[%dma_wait3A_949, %dma_wait3A_950] : memref<100000x16xf32, #tpu.memory_space<hbm>> -> memref<128x16xf32, #tpu.memory_space<hbm>>
        tpu.wait_dma2 semaphore(%dma_wait3A_944 : memref<!tpu.dma_semaphore, #tpu.memory_space<semaphore_mem>>) src(%dma_wait3A_951 : memref<128x16xf32, #tpu.memory_space<hbm>>) dst(%dma_wait3A_948 : memref<128x16xf32, #tpu.memory_space<vmem>>)
        %mul3A_952 = arith.constant 16 : i32
        %mul3A_953 = arith.muli %add3A_915, %mul3A_952 : i32
        %add3A_954 = vector.broadcast %mul3A_953 : i32 to vector<16xi32>
        %add3A_955 = arith.addi %add3A_954, %iota3A : vector<16xi32>
        %broadcast_in_dim3A_956 = vector.broadcast %rem3A_106 : i32 to vector<16xi32>
        %add3A_957 = arith.constant 6 : i32
        %add3A_958 = vector.broadcast %add3A_957 : i32 to vector<16xi32>
        %add3A_959 = arith.addi %add3A_958, %shift_right_arithmetic3A_2 : vector<16xi32>
        %and3A_960 = arith.constant 7 : i32
        %and3A_961 = vector.broadcast %and3A_960 : i32 to vector<16xi32>
        %and3A_962 = arith.andi %iota3A, %and3A_961 : vector<16xi32>
        %mul3A_963 = arith.constant 16 : i32
        %mul3A_964 = vector.broadcast %mul3A_963 : i32 to vector<16xi32>
        %mul3A_965 = arith.muli %and3A_962, %mul3A_964 : vector<16xi32>
        %broadcast_in_dim3A_966 = arith.constant 0.000000e+00 : f32
        %broadcast_in_dim3A_967 = vector.broadcast %broadcast_in_dim3A_966 : f32 to vector<16xf32>
        %broadcast_in_dim3A_968 = arith.constant 0.000000e+00 : f32
        %broadcast_in_dim3A_969 = vector.broadcast %broadcast_in_dim3A_968 : f32 to vector<16xf32>
        %broadcast_in_dim3A_970 = arith.constant 0.000000e+00 : f32
        %broadcast_in_dim3A_971 = vector.broadcast %broadcast_in_dim3A_970 : f32 to vector<16xf32>
        %broadcast_in_dim3A_972 = arith.constant 0.000000e+00 : f32
        %broadcast_in_dim3A_973 = vector.broadcast %broadcast_in_dim3A_972 : f32 to vector<16xf32>
        %broadcast_in_dim3A_974 = arith.constant 0.000000e+00 : f32
        %broadcast_in_dim3A_975 = vector.broadcast %broadcast_in_dim3A_974 : f32 to vector<16xf32>
        %broadcast_in_dim3A_976 = arith.constant 0.000000e+00 : f32
        %broadcast_in_dim3A_977 = vector.broadcast %broadcast_in_dim3A_976 : f32 to vector<16xf32>
        %broadcast_in_dim3A_978 = arith.constant 0.000000e+00 : f32
        %broadcast_in_dim3A_979 = vector.broadcast %broadcast_in_dim3A_978 : f32 to vector<16xf32>
        %broadcast_in_dim3A_980 = arith.constant 0.000000e+00 : f32
        %broadcast_in_dim3A_981 = vector.broadcast %broadcast_in_dim3A_980 : f32 to vector<16xf32>
        %broadcast_in_dim3A_982 = arith.constant 0.000000e+00 : f32
        %broadcast_in_dim3A_983 = vector.broadcast %broadcast_in_dim3A_982 : f32 to vector<16xf32>
        %scan3A_984 = arith.constant 0 : i32
        %scan3A_985 = arith.constant 16 : i32
        %scan3A_986 = arith.addi %scan3A_984, %scan3A_985 : i32
        %scan3A_987 = arith.constant 1 : i32
        %scan3A_988:9 = scf.for %scan3A_1857 = %scan3A_984 to %scan3A_986 step %scan3A_987 iter_args(%scan3A_1858 = %broadcast_in_dim3A_967, %scan3A_1859 = %broadcast_in_dim3A_969, %scan3A_1860 = %broadcast_in_dim3A_971, %scan3A_1861 = %broadcast_in_dim3A_973, %scan3A_1862 = %broadcast_in_dim3A_975, %scan3A_1863 = %broadcast_in_dim3A_977, %scan3A_1864 = %broadcast_in_dim3A_979, %scan3A_1865 = %broadcast_in_dim3A_981, %scan3A_1866 = %broadcast_in_dim3A_983) -> (vector<16xf32>, vector<16xf32>, vector<16xf32>, vector<16xf32>, vector<16xf32>, vector<16xf32>, vector<16xf32>, vector<16xf32>, vector<16xf32>)  : i32 {
          %broadcast_in_dim3A_1867 = vector.broadcast %scan3A_1857 : i32 to vector<16xi32>
          %gather3A_1868 = tpu.vector_load_idx %arg8[%broadcast_in_dim3A_956, %add3A_955, %broadcast_in_dim3A_1867] : memref<2x640x16xf32, #tpu.memory_space<vmem>>[vector<16xi32>, vector<16xi32>, vector<16xi32>], vector<16xf32>,
          %add3A_1869 = vector.broadcast %scan3A_1857 : i32 to vector<16xi32>
          %add3A_1870 = arith.addi %mul3A_965, %add3A_1869 : vector<16xi32>
          %broadcast_in_dim3A_1871 = arith.constant 0 : i32
          %broadcast_in_dim3A_1872 = vector.broadcast %broadcast_in_dim3A_1871 : i32 to vector<16xi32>
          %gather3A_1873 = tpu.vector_load_idx %arg12[%add3A_959, %add3A_1870, %broadcast_in_dim3A_1872] : memref<16x128x16xf32, #tpu.memory_space<vmem>>[vector<16xi32>, vector<16xi32>, vector<16xi32>], vector<16xf32>,
          %mul3A_1874 = arith.mulf %gather3A_1868, %gather3A_1873 : vector<16xf32>
          %add3A_1875 = arith.addf %scan3A_1858, %mul3A_1874 : vector<16xf32>
          %broadcast_in_dim3A_1876 = arith.constant 1 : i32
          %broadcast_in_dim3A_1877 = vector.broadcast %broadcast_in_dim3A_1876 : i32 to vector<16xi32>
          %gather3A_1878 = tpu.vector_load_idx %arg12[%add3A_959, %add3A_1870, %broadcast_in_dim3A_1877] : memref<16x128x16xf32, #tpu.memory_space<vmem>>[vector<16xi32>, vector<16xi32>, vector<16xi32>], vector<16xf32>,
          %mul3A_1879 = arith.mulf %gather3A_1868, %gather3A_1878 : vector<16xf32>
          %add3A_1880 = arith.addf %scan3A_1859, %mul3A_1879 : vector<16xf32>
          %broadcast_in_dim3A_1881 = arith.constant 2 : i32
          %broadcast_in_dim3A_1882 = vector.broadcast %broadcast_in_dim3A_1881 : i32 to vector<16xi32>
          %gather3A_1883 = tpu.vector_load_idx %arg12[%add3A_959, %add3A_1870, %broadcast_in_dim3A_1882] : memref<16x128x16xf32, #tpu.memory_space<vmem>>[vector<16xi32>, vector<16xi32>, vector<16xi32>], vector<16xf32>,
          %mul3A_1884 = arith.mulf %gather3A_1868, %gather3A_1883 : vector<16xf32>
          %add3A_1885 = arith.addf %scan3A_1860, %mul3A_1884 : vector<16xf32>
          %broadcast_in_dim3A_1886 = arith.constant 3 : i32
          %broadcast_in_dim3A_1887 = vector.broadcast %broadcast_in_dim3A_1886 : i32 to vector<16xi32>
          %gather3A_1888 = tpu.vector_load_idx %arg12[%add3A_959, %add3A_1870, %broadcast_in_dim3A_1887] : memref<16x128x16xf32, #tpu.memory_space<vmem>>[vector<16xi32>, vector<16xi32>, vector<16xi32>], vector<16xf32>,
          %mul3A_1889 = arith.mulf %gather3A_1868, %gather3A_1888 : vector<16xf32>
          %add3A_1890 = arith.addf %scan3A_1861, %mul3A_1889 : vector<16xf32>
          %broadcast_in_dim3A_1891 = arith.constant 4 : i32
          %broadcast_in_dim3A_1892 = vector.broadcast %broadcast_in_dim3A_1891 : i32 to vector<16xi32>
          %gather3A_1893 = tpu.vector_load_idx %arg12[%add3A_959, %add3A_1870, %broadcast_in_dim3A_1892] : memref<16x128x16xf32, #tpu.memory_space<vmem>>[vector<16xi32>, vector<16xi32>, vector<16xi32>], vector<16xf32>,
          %mul3A_1894 = arith.mulf %gather3A_1868, %gather3A_1893 : vector<16xf32>
          %add3A_1895 = arith.addf %scan3A_1862, %mul3A_1894 : vector<16xf32>
          %broadcast_in_dim3A_1896 = arith.constant 5 : i32
          %broadcast_in_dim3A_1897 = vector.broadcast %broadcast_in_dim3A_1896 : i32 to vector<16xi32>
          %gather3A_1898 = tpu.vector_load_idx %arg12[%add3A_959, %add3A_1870, %broadcast_in_dim3A_1897] : memref<16x128x16xf32, #tpu.memory_space<vmem>>[vector<16xi32>, vector<16xi32>, vector<16xi32>], vector<16xf32>,
          %mul3A_1899 = arith.mulf %gather3A_1868, %gather3A_1898 : vector<16xf32>
          %add3A_1900 = arith.addf %scan3A_1863, %mul3A_1899 : vector<16xf32>
          %broadcast_in_dim3A_1901 = arith.constant 6 : i32
          %broadcast_in_dim3A_1902 = vector.broadcast %broadcast_in_dim3A_1901 : i32 to vector<16xi32>
          %gather3A_1903 = tpu.vector_load_idx %arg12[%add3A_959, %add3A_1870, %broadcast_in_dim3A_1902] : memref<16x128x16xf32, #tpu.memory_space<vmem>>[vector<16xi32>, vector<16xi32>, vector<16xi32>], vector<16xf32>,
          %mul3A_1904 = arith.mulf %gather3A_1868, %gather3A_1903 : vector<16xf32>
          %add3A_1905 = arith.addf %scan3A_1864, %mul3A_1904 : vector<16xf32>
          %broadcast_in_dim3A_1906 = arith.constant 7 : i32
          %broadcast_in_dim3A_1907 = vector.broadcast %broadcast_in_dim3A_1906 : i32 to vector<16xi32>
          %gather3A_1908 = tpu.vector_load_idx %arg12[%add3A_959, %add3A_1870, %broadcast_in_dim3A_1907] : memref<16x128x16xf32, #tpu.memory_space<vmem>>[vector<16xi32>, vector<16xi32>, vector<16xi32>], vector<16xf32>,
          %mul3A_1909 = arith.mulf %gather3A_1868, %gather3A_1908 : vector<16xf32>
          %add3A_1910 = arith.addf %scan3A_1865, %mul3A_1909 : vector<16xf32>
          %broadcast_in_dim3A_1911 = arith.constant 8 : i32
          %broadcast_in_dim3A_1912 = vector.broadcast %broadcast_in_dim3A_1911 : i32 to vector<16xi32>
          %gather3A_1913 = tpu.vector_load_idx %arg12[%add3A_959, %add3A_1870, %broadcast_in_dim3A_1912] : memref<16x128x16xf32, #tpu.memory_space<vmem>>[vector<16xi32>, vector<16xi32>, vector<16xi32>], vector<16xf32>,
          %mul3A_1914 = arith.mulf %gather3A_1868, %gather3A_1913 : vector<16xf32>
          %add3A_1915 = arith.addf %scan3A_1866, %mul3A_1914 : vector<16xf32>
          scf.yield %add3A_1875, %add3A_1880, %add3A_1885, %add3A_1890, %add3A_1895, %add3A_1900, %add3A_1905, %add3A_1910, %add3A_1915 : vector<16xf32>, vector<16xf32>, vector<16xf32>, vector<16xf32>, vector<16xf32>, vector<16xf32>, vector<16xf32>, vector<16xf32>, vector<16xf32>
        }
        %scan3A_989 = arith.constant 16 : i32
        %gather3A_990 = tpu.vector_load_idx %arg10[%broadcast_in_dim3A_956, %add3A_955] : memref<2x640xf32, #tpu.memory_space<vmem>>[vector<16xi32>, vector<16xi32>], vector<16xf32>,
        %neg3A_991 = arith.constant 0.000000e+00 : f32
        %neg3A_992 = vector.broadcast %neg3A_991 : f32 to vector<16xf32>
        %neg3A_993 = arith.subf %neg3A_992, %gather3A_990 : vector<16xf32>
        %exp3A_994 = math.exp %neg3A_993 : vector<16xf32>
        %add3A_995 = arith.constant 1.000000e+00 : f32
        %add3A_996 = vector.broadcast %add3A_995 : f32 to vector<16xf32>
        %add3A_997 = arith.addf %add3A_996, %exp3A_994 : vector<16xf32>
        %div3A_998 = arith.constant 1.000000e+00 : f32
        %div3A_999 = vector.broadcast %div3A_998 : f32 to vector<16xf32>
        %div3A_1000 = arith.divf %div3A_999, %add3A_997 : vector<16xf32>
        %sub3A_1001 = arith.constant 1.000000e+00 : f32
        %sub3A_1002 = vector.broadcast %sub3A_1001 : f32 to vector<16xf32>
        %sub3A_1003 = arith.subf %sub3A_1002, %div3A_1000 : vector<16xf32>
        %broadcast_in_dim3A_1004 = arith.constant 0 : i32
        %broadcast_in_dim3A_1005 = vector.broadcast %broadcast_in_dim3A_1004 : i32 to vector<16xi32>
        %gather3A_1006 = tpu.vector_load_idx %arg9[%add3A_955, %broadcast_in_dim3A_1005] : memref<640x16xf32, #tpu.memory_space<vmem>>[vector<16xi32>, vector<16xi32>], vector<16xf32>,
        %mul3A_1007 = arith.mulf %sub3A_1003, %gather3A_1006 : vector<16xf32>
        %mul3A_1008 = arith.mulf %div3A_1000, %scan3A_988#0 : vector<16xf32>
        %add3A_1009 = arith.addf %mul3A_1007, %mul3A_1008 : vector<16xf32>
        %broadcast_in_dim3A_1010 = arith.constant 0 : i32
        %broadcast_in_dim3A_1011 = vector.broadcast %broadcast_in_dim3A_1010 : i32 to vector<16xi32>
        %broadcast_in_dim3A_1012 = arith.constant 0 : i32
        %broadcast_in_dim3A_1013 = vector.broadcast %broadcast_in_dim3A_1012 : i32 to vector<16xi32>
        tpu.vector_store_idx %arg13[%broadcast_in_dim3A_1011, %add3A_955, %broadcast_in_dim3A_1013], %add3A_1009 : memref<3x640x16xf32, #tpu.memory_space<vmem>>[vector<16xi32>, vector<16xi32>, vector<16xi32>], vector<16xf32>,
        %broadcast_in_dim3A_1014 = arith.constant 1 : i32
        %broadcast_in_dim3A_1015 = vector.broadcast %broadcast_in_dim3A_1014 : i32 to vector<16xi32>
        %gather3A_1016 = tpu.vector_load_idx %arg9[%add3A_955, %broadcast_in_dim3A_1015] : memref<640x16xf32, #tpu.memory_space<vmem>>[vector<16xi32>, vector<16xi32>], vector<16xf32>,
        %mul3A_1017 = arith.mulf %sub3A_1003, %gather3A_1016 : vector<16xf32>
        %mul3A_1018 = arith.mulf %div3A_1000, %scan3A_988#1 : vector<16xf32>
        %add3A_1019 = arith.addf %mul3A_1017, %mul3A_1018 : vector<16xf32>
        %broadcast_in_dim3A_1020 = arith.constant 0 : i32
        %broadcast_in_dim3A_1021 = vector.broadcast %broadcast_in_dim3A_1020 : i32 to vector<16xi32>
        %broadcast_in_dim3A_1022 = arith.constant 1 : i32
        %broadcast_in_dim3A_1023 = vector.broadcast %broadcast_in_dim3A_1022 : i32 to vector<16xi32>
        tpu.vector_store_idx %arg13[%broadcast_in_dim3A_1021, %add3A_955, %broadcast_in_dim3A_1023], %add3A_1019 : memref<3x640x16xf32, #tpu.memory_space<vmem>>[vector<16xi32>, vector<16xi32>, vector<16xi32>], vector<16xf32>,
        %broadcast_in_dim3A_1024 = arith.constant 2 : i32
        %broadcast_in_dim3A_1025 = vector.broadcast %broadcast_in_dim3A_1024 : i32 to vector<16xi32>
        %gather3A_1026 = tpu.vector_load_idx %arg9[%add3A_955, %broadcast_in_dim3A_1025] : memref<640x16xf32, #tpu.memory_space<vmem>>[vector<16xi32>, vector<16xi32>], vector<16xf32>,
        %mul3A_1027 = arith.mulf %sub3A_1003, %gather3A_1026 : vector<16xf32>
        %mul3A_1028 = arith.mulf %div3A_1000, %scan3A_988#2 : vector<16xf32>
        %add3A_1029 = arith.addf %mul3A_1027, %mul3A_1028 : vector<16xf32>
        %broadcast_in_dim3A_1030 = arith.constant 0 : i32
        %broadcast_in_dim3A_1031 = vector.broadcast %broadcast_in_dim3A_1030 : i32 to vector<16xi32>
        %broadcast_in_dim3A_1032 = arith.constant 2 : i32
        %broadcast_in_dim3A_1033 = vector.broadcast %broadcast_in_dim3A_1032 : i32 to vector<16xi32>
        tpu.vector_store_idx %arg13[%broadcast_in_dim3A_1031, %add3A_955, %broadcast_in_dim3A_1033], %add3A_1029 : memref<3x640x16xf32, #tpu.memory_space<vmem>>[vector<16xi32>, vector<16xi32>, vector<16xi32>], vector<16xf32>,
        %broadcast_in_dim3A_1034 = arith.constant 3 : i32
        %broadcast_in_dim3A_1035 = vector.broadcast %broadcast_in_dim3A_1034 : i32 to vector<16xi32>
        %gather3A_1036 = tpu.vector_load_idx %arg9[%add3A_955, %broadcast_in_dim3A_1035] : memref<640x16xf32, #tpu.memory_space<vmem>>[vector<16xi32>, vector<16xi32>], vector<16xf32>,
        %mul3A_1037 = arith.mulf %sub3A_1003, %gather3A_1036 : vector<16xf32>
        %mul3A_1038 = arith.mulf %div3A_1000, %scan3A_988#3 : vector<16xf32>
        %add3A_1039 = arith.addf %mul3A_1037, %mul3A_1038 : vector<16xf32>
        %broadcast_in_dim3A_1040 = arith.constant 1 : i32
        %broadcast_in_dim3A_1041 = vector.broadcast %broadcast_in_dim3A_1040 : i32 to vector<16xi32>
        %broadcast_in_dim3A_1042 = arith.constant 0 : i32
        %broadcast_in_dim3A_1043 = vector.broadcast %broadcast_in_dim3A_1042 : i32 to vector<16xi32>
        tpu.vector_store_idx %arg13[%broadcast_in_dim3A_1041, %add3A_955, %broadcast_in_dim3A_1043], %add3A_1039 : memref<3x640x16xf32, #tpu.memory_space<vmem>>[vector<16xi32>, vector<16xi32>, vector<16xi32>], vector<16xf32>,
        %broadcast_in_dim3A_1044 = arith.constant 4 : i32
        %broadcast_in_dim3A_1045 = vector.broadcast %broadcast_in_dim3A_1044 : i32 to vector<16xi32>
        %gather3A_1046 = tpu.vector_load_idx %arg9[%add3A_955, %broadcast_in_dim3A_1045] : memref<640x16xf32, #tpu.memory_space<vmem>>[vector<16xi32>, vector<16xi32>], vector<16xf32>,
        %mul3A_1047 = arith.mulf %sub3A_1003, %gather3A_1046 : vector<16xf32>
        %mul3A_1048 = arith.mulf %div3A_1000, %scan3A_988#4 : vector<16xf32>
        %add3A_1049 = arith.addf %mul3A_1047, %mul3A_1048 : vector<16xf32>
        %broadcast_in_dim3A_1050 = arith.constant 1 : i32
        %broadcast_in_dim3A_1051 = vector.broadcast %broadcast_in_dim3A_1050 : i32 to vector<16xi32>
        %broadcast_in_dim3A_1052 = arith.constant 1 : i32
        %broadcast_in_dim3A_1053 = vector.broadcast %broadcast_in_dim3A_1052 : i32 to vector<16xi32>
        tpu.vector_store_idx %arg13[%broadcast_in_dim3A_1051, %add3A_955, %broadcast_in_dim3A_1053], %add3A_1049 : memref<3x640x16xf32, #tpu.memory_space<vmem>>[vector<16xi32>, vector<16xi32>, vector<16xi32>], vector<16xf32>,
        %broadcast_in_dim3A_1054 = arith.constant 5 : i32
        %broadcast_in_dim3A_1055 = vector.broadcast %broadcast_in_dim3A_1054 : i32 to vector<16xi32>
        %gather3A_1056 = tpu.vector_load_idx %arg9[%add3A_955, %broadcast_in_dim3A_1055] : memref<640x16xf32, #tpu.memory_space<vmem>>[vector<16xi32>, vector<16xi32>], vector<16xf32>,
        %mul3A_1057 = arith.mulf %sub3A_1003, %gather3A_1056 : vector<16xf32>
        %mul3A_1058 = arith.mulf %div3A_1000, %scan3A_988#5 : vector<16xf32>
        %add3A_1059 = arith.addf %mul3A_1057, %mul3A_1058 : vector<16xf32>
        %broadcast_in_dim3A_1060 = arith.constant 1 : i32
        %broadcast_in_dim3A_1061 = vector.broadcast %broadcast_in_dim3A_1060 : i32 to vector<16xi32>
        %broadcast_in_dim3A_1062 = arith.constant 2 : i32
        %broadcast_in_dim3A_1063 = vector.broadcast %broadcast_in_dim3A_1062 : i32 to vector<16xi32>
        tpu.vector_store_idx %arg13[%broadcast_in_dim3A_1061, %add3A_955, %broadcast_in_dim3A_1063], %add3A_1059 : memref<3x640x16xf32, #tpu.memory_space<vmem>>[vector<16xi32>, vector<16xi32>, vector<16xi32>], vector<16xf32>,
        %broadcast_in_dim3A_1064 = arith.constant 6 : i32
        %broadcast_in_dim3A_1065 = vector.broadcast %broadcast_in_dim3A_1064 : i32 to vector<16xi32>
        %gather3A_1066 = tpu.vector_load_idx %arg9[%add3A_955, %broadcast_in_dim3A_1065] : memref<640x16xf32, #tpu.memory_space<vmem>>[vector<16xi32>, vector<16xi32>], vector<16xf32>,
        %mul3A_1067 = arith.mulf %sub3A_1003, %gather3A_1066 : vector<16xf32>
        %mul3A_1068 = arith.mulf %div3A_1000, %scan3A_988#6 : vector<16xf32>
        %add3A_1069 = arith.addf %mul3A_1067, %mul3A_1068 : vector<16xf32>
        %broadcast_in_dim3A_1070 = arith.constant 2 : i32
        %broadcast_in_dim3A_1071 = vector.broadcast %broadcast_in_dim3A_1070 : i32 to vector<16xi32>
        %broadcast_in_dim3A_1072 = arith.constant 0 : i32
        %broadcast_in_dim3A_1073 = vector.broadcast %broadcast_in_dim3A_1072 : i32 to vector<16xi32>
        tpu.vector_store_idx %arg13[%broadcast_in_dim3A_1071, %add3A_955, %broadcast_in_dim3A_1073], %add3A_1069 : memref<3x640x16xf32, #tpu.memory_space<vmem>>[vector<16xi32>, vector<16xi32>, vector<16xi32>], vector<16xf32>,
        %broadcast_in_dim3A_1074 = arith.constant 7 : i32
        %broadcast_in_dim3A_1075 = vector.broadcast %broadcast_in_dim3A_1074 : i32 to vector<16xi32>
        %gather3A_1076 = tpu.vector_load_idx %arg9[%add3A_955, %broadcast_in_dim3A_1075] : memref<640x16xf32, #tpu.memory_space<vmem>>[vector<16xi32>, vector<16xi32>], vector<16xf32>,
        %mul3A_1077 = arith.mulf %sub3A_1003, %gather3A_1076 : vector<16xf32>
        %mul3A_1078 = arith.mulf %div3A_1000, %scan3A_988#7 : vector<16xf32>
        %add3A_1079 = arith.addf %mul3A_1077, %mul3A_1078 : vector<16xf32>
        %broadcast_in_dim3A_1080 = arith.constant 2 : i32
        %broadcast_in_dim3A_1081 = vector.broadcast %broadcast_in_dim3A_1080 : i32 to vector<16xi32>
        %broadcast_in_dim3A_1082 = arith.constant 1 : i32
        %broadcast_in_dim3A_1083 = vector.broadcast %broadcast_in_dim3A_1082 : i32 to vector<16xi32>
        tpu.vector_store_idx %arg13[%broadcast_in_dim3A_1081, %add3A_955, %broadcast_in_dim3A_1083], %add3A_1079 : memref<3x640x16xf32, #tpu.memory_space<vmem>>[vector<16xi32>, vector<16xi32>, vector<16xi32>], vector<16xf32>,
        %broadcast_in_dim3A_1084 = arith.constant 8 : i32
        %broadcast_in_dim3A_1085 = vector.broadcast %broadcast_in_dim3A_1084 : i32 to vector<16xi32>
        %gather3A_1086 = tpu.vector_load_idx %arg9[%add3A_955, %broadcast_in_dim3A_1085] : memref<640x16xf32, #tpu.memory_space<vmem>>[vector<16xi32>, vector<16xi32>], vector<16xf32>,
        %mul3A_1087 = arith.mulf %sub3A_1003, %gather3A_1086 : vector<16xf32>
        %mul3A_1088 = arith.mulf %div3A_1000, %scan3A_988#8 : vector<16xf32>
        %add3A_1089 = arith.addf %mul3A_1087, %mul3A_1088 : vector<16xf32>
        %broadcast_in_dim3A_1090 = arith.constant 2 : i32
        %broadcast_in_dim3A_1091 = vector.broadcast %broadcast_in_dim3A_1090 : i32 to vector<16xi32>
        %broadcast_in_dim3A_1092 = arith.constant 2 : i32
        %broadcast_in_dim3A_1093 = vector.broadcast %broadcast_in_dim3A_1092 : i32 to vector<16xi32>
        tpu.vector_store_idx %arg13[%broadcast_in_dim3A_1091, %add3A_955, %broadcast_in_dim3A_1093], %add3A_1089 : memref<3x640x16xf32, #tpu.memory_space<vmem>>[vector<16xi32>, vector<16xi32>, vector<16xi32>], vector<16xf32>,
        %add3A_1094 = arith.constant 8 : i32
        %add3A_1095 = arith.addi %add3A_915, %add3A_1094 : i32
        %lt3A_1096 = arith.constant 40 : i32
        %lt3A_1097 = arith.cmpi slt, %add3A_1095, %lt3A_1096 : i32
        %convert_element_type3A_1098 = arith.extui %lt3A_1097 : i1 to i32
        %cond3A_1099 = arith.constant 0 : i32
        %cond3A_1100 = arith.cmpi ne, %convert_element_type3A_1098, %cond3A_1099 : i32
        scf.if %cond3A_1100 {
          %mul3A_1857 = arith.constant 2 : i32
          %mul3A_1858 = arith.muli %mul3A_1857, %add3A_915 : i32
          %add3A_1859 = arith.constant 16 : i32
          %add3A_1860 = arith.addi %mul3A_1858, %add3A_1859 : i32
          %mul3A_1861 = arith.constant 128 : i32
          %mul3A_1862 = arith.muli %add3A_1860, %mul3A_1861 : i32
          %dma_start3A_1863 = arith.constant 6 : i32
          %dma_start3A_1864 = arith.constant 6 : i32
          %dma_start3A_1865 = arith.constant 0 : i32
          %dma_start3A_1866 = arith.constant 0 : i32
          %dma_start3A_1867 = tpu.memref_slice %arg12[%dma_start3A_1863, %dma_start3A_1865, %dma_start3A_1866] : memref<16x128x16xf32, #tpu.memory_space<vmem>> -> memref<1x128x16xf32, #tpu.memory_space<vmem>>
          %dma_start3A_1868 = tpu.memref_squeeze %dma_start3A_1867 : memref<1x128x16xf32, #tpu.memory_space<vmem>> -> memref<128x16xf32, #tpu.memory_space<vmem>>
          %dma_start3A_1869 = tpu.memref_slice %arg11[%mul3A_1862] : memref<10240xi32, #tpu.memory_space<vmem>> -> memref<128xi32, #tpu.memory_space<vmem>>
          %dma_start3A_1870 = arith.constant 0 : i32
          %dma_start3A_1871 = arith.constant 0 : i32
          %dma_start3A_1872 = tpu.memref_slice %arg2[%dma_start3A_1870, %dma_start3A_1871] : memref<100000x16xf32, #tpu.memory_space<hbm>> -> memref<100000x16xf32, #tpu.memory_space<hbm>>
          %dma_start3A_1873 = tpu.memref_slice %arg14[%dma_start3A_1864] : memref<20x!tpu.dma_semaphore, #tpu.memory_space<semaphore_mem>> -> memref<1x!tpu.dma_semaphore, #tpu.memory_space<semaphore_mem>>
          %dma_start3A_1874 = tpu.memref_squeeze %dma_start3A_1873 : memref<1x!tpu.dma_semaphore, #tpu.memory_space<semaphore_mem>> -> memref<!tpu.dma_semaphore, #tpu.memory_space<semaphore_mem>>
          tpu.enqueue_indirect_dma source(%dma_start3A_1872 : memref<100000x16xf32, #tpu.memory_space<hbm>>) target(%dma_start3A_1868 : memref<128x16xf32, #tpu.memory_space<vmem>>) offsets(%dma_start3A_1869 : memref<128xi32, #tpu.memory_space<vmem>>) semaphore(%dma_start3A_1874 : memref<!tpu.dma_semaphore, #tpu.memory_space<semaphore_mem>>)
          %mul3A_1875 = arith.constant 2 : i32
          %mul3A_1876 = arith.muli %mul3A_1875, %add3A_915 : i32
          %add3A_1877 = arith.constant 17 : i32
          %add3A_1878 = arith.addi %mul3A_1876, %add3A_1877 : i32
          %mul3A_1879 = arith.constant 128 : i32
          %mul3A_1880 = arith.muli %add3A_1878, %mul3A_1879 : i32
          %dma_start3A_1881 = arith.constant 7 : i32
          %dma_start3A_1882 = arith.constant 7 : i32
          %dma_start3A_1883 = arith.constant 0 : i32
          %dma_start3A_1884 = arith.constant 0 : i32
          %dma_start3A_1885 = tpu.memref_slice %arg12[%dma_start3A_1881, %dma_start3A_1883, %dma_start3A_1884] : memref<16x128x16xf32, #tpu.memory_space<vmem>> -> memref<1x128x16xf32, #tpu.memory_space<vmem>>
          %dma_start3A_1886 = tpu.memref_squeeze %dma_start3A_1885 : memref<1x128x16xf32, #tpu.memory_space<vmem>> -> memref<128x16xf32, #tpu.memory_space<vmem>>
          %dma_start3A_1887 = tpu.memref_slice %arg11[%mul3A_1880] : memref<10240xi32, #tpu.memory_space<vmem>> -> memref<128xi32, #tpu.memory_space<vmem>>
          %dma_start3A_1888 = arith.constant 0 : i32
          %dma_start3A_1889 = arith.constant 0 : i32
          %dma_start3A_1890 = tpu.memref_slice %arg2[%dma_start3A_1888, %dma_start3A_1889] : memref<100000x16xf32, #tpu.memory_space<hbm>> -> memref<100000x16xf32, #tpu.memory_space<hbm>>
          %dma_start3A_1891 = tpu.memref_slice %arg14[%dma_start3A_1882] : memref<20x!tpu.dma_semaphore, #tpu.memory_space<semaphore_mem>> -> memref<1x!tpu.dma_semaphore, #tpu.memory_space<semaphore_mem>>
          %dma_start3A_1892 = tpu.memref_squeeze %dma_start3A_1891 : memref<1x!tpu.dma_semaphore, #tpu.memory_space<semaphore_mem>> -> memref<!tpu.dma_semaphore, #tpu.memory_space<semaphore_mem>>
          tpu.enqueue_indirect_dma source(%dma_start3A_1890 : memref<100000x16xf32, #tpu.memory_space<hbm>>) target(%dma_start3A_1886 : memref<128x16xf32, #tpu.memory_space<vmem>>) offsets(%dma_start3A_1887 : memref<128xi32, #tpu.memory_space<vmem>>) semaphore(%dma_start3A_1892 : memref<!tpu.dma_semaphore, #tpu.memory_space<semaphore_mem>>)
        } else {
        }
        %mul3A_1101 = arith.constant 8 : i32
        %mul3A_1102 = arith.muli %mul3A_1101, %scan3A_351 : i32
        %add3A_1103 = arith.constant 4 : i32
        %add3A_1104 = arith.addi %mul3A_1102, %add3A_1103 : i32
        %dma_wait3A_1105 = arith.constant 8 : i32
        %dma_wait3A_1106 = arith.constant 8 : i32
        %dma_wait3A_1107 = arith.constant 0 : i32
        %dma_wait3A_1108 = arith.constant 0 : i32
        %dma_wait3A_1109 = tpu.memref_slice %arg12[%dma_wait3A_1105, %dma_wait3A_1107, %dma_wait3A_1108] : memref<16x128x16xf32, #tpu.memory_space<vmem>> -> memref<1x128x16xf32, #tpu.memory_space<vmem>>
        %dma_wait3A_1110 = tpu.memref_squeeze %dma_wait3A_1109 : memref<1x128x16xf32, #tpu.memory_space<vmem>> -> memref<128x16xf32, #tpu.memory_space<vmem>>
        %dma_wait3A_1111 = arith.constant 0 : i32
        %dma_wait3A_1112 = arith.constant 0 : i32
        %dma_wait3A_1113 = tpu.memref_slice %arg2[%dma_wait3A_1111, %dma_wait3A_1112] : memref<100000x16xf32, #tpu.memory_space<hbm>> -> memref<128x16xf32, #tpu.memory_space<hbm>>
        %dma_wait3A_1114 = tpu.memref_slice %arg14[%dma_wait3A_1106] : memref<20x!tpu.dma_semaphore, #tpu.memory_space<semaphore_mem>> -> memref<1x!tpu.dma_semaphore, #tpu.memory_space<semaphore_mem>>
        %dma_wait3A_1115 = tpu.memref_squeeze %dma_wait3A_1114 : memref<1x!tpu.dma_semaphore, #tpu.memory_space<semaphore_mem>> -> memref<!tpu.dma_semaphore, #tpu.memory_space<semaphore_mem>>
        %dma_wait3A_1116 = arith.constant 0 : i32
        %dma_wait3A_1117 = arith.constant 0 : i32
        %dma_wait3A_1118 = tpu.memref_slice %arg12[%dma_wait3A_1105, %dma_wait3A_1116, %dma_wait3A_1117] : memref<16x128x16xf32, #tpu.memory_space<vmem>> -> memref<1x128x16xf32, #tpu.memory_space<vmem>>
        %dma_wait3A_1119 = tpu.memref_squeeze %dma_wait3A_1118 : memref<1x128x16xf32, #tpu.memory_space<vmem>> -> memref<128x16xf32, #tpu.memory_space<vmem>>
        %dma_wait3A_1120 = arith.constant 0 : i32
        %dma_wait3A_1121 = arith.constant 0 : i32
        %dma_wait3A_1122 = tpu.memref_slice %arg2[%dma_wait3A_1120, %dma_wait3A_1121] : memref<100000x16xf32, #tpu.memory_space<hbm>> -> memref<128x16xf32, #tpu.memory_space<hbm>>
        tpu.wait_dma2 semaphore(%dma_wait3A_1115 : memref<!tpu.dma_semaphore, #tpu.memory_space<semaphore_mem>>) src(%dma_wait3A_1122 : memref<128x16xf32, #tpu.memory_space<hbm>>) dst(%dma_wait3A_1119 : memref<128x16xf32, #tpu.memory_space<vmem>>)
        %dma_wait3A_1123 = arith.constant 9 : i32
        %dma_wait3A_1124 = arith.constant 9 : i32
        %dma_wait3A_1125 = arith.constant 0 : i32
        %dma_wait3A_1126 = arith.constant 0 : i32
        %dma_wait3A_1127 = tpu.memref_slice %arg12[%dma_wait3A_1123, %dma_wait3A_1125, %dma_wait3A_1126] : memref<16x128x16xf32, #tpu.memory_space<vmem>> -> memref<1x128x16xf32, #tpu.memory_space<vmem>>
        %dma_wait3A_1128 = tpu.memref_squeeze %dma_wait3A_1127 : memref<1x128x16xf32, #tpu.memory_space<vmem>> -> memref<128x16xf32, #tpu.memory_space<vmem>>
        %dma_wait3A_1129 = arith.constant 0 : i32
        %dma_wait3A_1130 = arith.constant 0 : i32
        %dma_wait3A_1131 = tpu.memref_slice %arg2[%dma_wait3A_1129, %dma_wait3A_1130] : memref<100000x16xf32, #tpu.memory_space<hbm>> -> memref<128x16xf32, #tpu.memory_space<hbm>>
        %dma_wait3A_1132 = tpu.memref_slice %arg14[%dma_wait3A_1124] : memref<20x!tpu.dma_semaphore, #tpu.memory_space<semaphore_mem>> -> memref<1x!tpu.dma_semaphore, #tpu.memory_space<semaphore_mem>>
        %dma_wait3A_1133 = tpu.memref_squeeze %dma_wait3A_1132 : memref<1x!tpu.dma_semaphore, #tpu.memory_space<semaphore_mem>> -> memref<!tpu.dma_semaphore, #tpu.memory_space<semaphore_mem>>
        %dma_wait3A_1134 = arith.constant 0 : i32
        %dma_wait3A_1135 = arith.constant 0 : i32
        %dma_wait3A_1136 = tpu.memref_slice %arg12[%dma_wait3A_1123, %dma_wait3A_1134, %dma_wait3A_1135] : memref<16x128x16xf32, #tpu.memory_space<vmem>> -> memref<1x128x16xf32, #tpu.memory_space<vmem>>
        %dma_wait3A_1137 = tpu.memref_squeeze %dma_wait3A_1136 : memref<1x128x16xf32, #tpu.memory_space<vmem>> -> memref<128x16xf32, #tpu.memory_space<vmem>>
        %dma_wait3A_1138 = arith.constant 0 : i32
        %dma_wait3A_1139 = arith.constant 0 : i32
        %dma_wait3A_1140 = tpu.memref_slice %arg2[%dma_wait3A_1138, %dma_wait3A_1139] : memref<100000x16xf32, #tpu.memory_space<hbm>> -> memref<128x16xf32, #tpu.memory_space<hbm>>
        tpu.wait_dma2 semaphore(%dma_wait3A_1133 : memref<!tpu.dma_semaphore, #tpu.memory_space<semaphore_mem>>) src(%dma_wait3A_1140 : memref<128x16xf32, #tpu.memory_space<hbm>>) dst(%dma_wait3A_1137 : memref<128x16xf32, #tpu.memory_space<vmem>>)
        %mul3A_1141 = arith.constant 16 : i32
        %mul3A_1142 = arith.muli %add3A_1104, %mul3A_1141 : i32
        %add3A_1143 = vector.broadcast %mul3A_1142 : i32 to vector<16xi32>
        %add3A_1144 = arith.addi %add3A_1143, %iota3A : vector<16xi32>
        %broadcast_in_dim3A_1145 = vector.broadcast %rem3A_106 : i32 to vector<16xi32>
        %add3A_1146 = arith.constant 8 : i32
        %add3A_1147 = vector.broadcast %add3A_1146 : i32 to vector<16xi32>
        %add3A_1148 = arith.addi %add3A_1147, %shift_right_arithmetic3A_2 : vector<16xi32>
        %and3A_1149 = arith.constant 7 : i32
        %and3A_1150 = vector.broadcast %and3A_1149 : i32 to vector<16xi32>
        %and3A_1151 = arith.andi %iota3A, %and3A_1150 : vector<16xi32>
        %mul3A_1152 = arith.constant 16 : i32
        %mul3A_1153 = vector.broadcast %mul3A_1152 : i32 to vector<16xi32>
        %mul3A_1154 = arith.muli %and3A_1151, %mul3A_1153 : vector<16xi32>
        %broadcast_in_dim3A_1155 = arith.constant 0.000000e+00 : f32
        %broadcast_in_dim3A_1156 = vector.broadcast %broadcast_in_dim3A_1155 : f32 to vector<16xf32>
        %broadcast_in_dim3A_1157 = arith.constant 0.000000e+00 : f32
        %broadcast_in_dim3A_1158 = vector.broadcast %broadcast_in_dim3A_1157 : f32 to vector<16xf32>
        %broadcast_in_dim3A_1159 = arith.constant 0.000000e+00 : f32
        %broadcast_in_dim3A_1160 = vector.broadcast %broadcast_in_dim3A_1159 : f32 to vector<16xf32>
        %broadcast_in_dim3A_1161 = arith.constant 0.000000e+00 : f32
        %broadcast_in_dim3A_1162 = vector.broadcast %broadcast_in_dim3A_1161 : f32 to vector<16xf32>
        %broadcast_in_dim3A_1163 = arith.constant 0.000000e+00 : f32
        %broadcast_in_dim3A_1164 = vector.broadcast %broadcast_in_dim3A_1163 : f32 to vector<16xf32>
        %broadcast_in_dim3A_1165 = arith.constant 0.000000e+00 : f32
        %broadcast_in_dim3A_1166 = vector.broadcast %broadcast_in_dim3A_1165 : f32 to vector<16xf32>
        %broadcast_in_dim3A_1167 = arith.constant 0.000000e+00 : f32
        %broadcast_in_dim3A_1168 = vector.broadcast %broadcast_in_dim3A_1167 : f32 to vector<16xf32>
        %broadcast_in_dim3A_1169 = arith.constant 0.000000e+00 : f32
        %broadcast_in_dim3A_1170 = vector.broadcast %broadcast_in_dim3A_1169 : f32 to vector<16xf32>
        %broadcast_in_dim3A_1171 = arith.constant 0.000000e+00 : f32
        %broadcast_in_dim3A_1172 = vector.broadcast %broadcast_in_dim3A_1171 : f32 to vector<16xf32>
        %scan3A_1173 = arith.constant 0 : i32
        %scan3A_1174 = arith.constant 16 : i32
        %scan3A_1175 = arith.addi %scan3A_1173, %scan3A_1174 : i32
        %scan3A_1176 = arith.constant 1 : i32
        %scan3A_1177:9 = scf.for %scan3A_1857 = %scan3A_1173 to %scan3A_1175 step %scan3A_1176 iter_args(%scan3A_1858 = %broadcast_in_dim3A_1156, %scan3A_1859 = %broadcast_in_dim3A_1158, %scan3A_1860 = %broadcast_in_dim3A_1160, %scan3A_1861 = %broadcast_in_dim3A_1162, %scan3A_1862 = %broadcast_in_dim3A_1164, %scan3A_1863 = %broadcast_in_dim3A_1166, %scan3A_1864 = %broadcast_in_dim3A_1168, %scan3A_1865 = %broadcast_in_dim3A_1170, %scan3A_1866 = %broadcast_in_dim3A_1172) -> (vector<16xf32>, vector<16xf32>, vector<16xf32>, vector<16xf32>, vector<16xf32>, vector<16xf32>, vector<16xf32>, vector<16xf32>, vector<16xf32>)  : i32 {
          %broadcast_in_dim3A_1867 = vector.broadcast %scan3A_1857 : i32 to vector<16xi32>
          %gather3A_1868 = tpu.vector_load_idx %arg8[%broadcast_in_dim3A_1145, %add3A_1144, %broadcast_in_dim3A_1867] : memref<2x640x16xf32, #tpu.memory_space<vmem>>[vector<16xi32>, vector<16xi32>, vector<16xi32>], vector<16xf32>,
          %add3A_1869 = vector.broadcast %scan3A_1857 : i32 to vector<16xi32>
          %add3A_1870 = arith.addi %mul3A_1154, %add3A_1869 : vector<16xi32>
          %broadcast_in_dim3A_1871 = arith.constant 0 : i32
          %broadcast_in_dim3A_1872 = vector.broadcast %broadcast_in_dim3A_1871 : i32 to vector<16xi32>
          %gather3A_1873 = tpu.vector_load_idx %arg12[%add3A_1148, %add3A_1870, %broadcast_in_dim3A_1872] : memref<16x128x16xf32, #tpu.memory_space<vmem>>[vector<16xi32>, vector<16xi32>, vector<16xi32>], vector<16xf32>,
          %mul3A_1874 = arith.mulf %gather3A_1868, %gather3A_1873 : vector<16xf32>
          %add3A_1875 = arith.addf %scan3A_1858, %mul3A_1874 : vector<16xf32>
          %broadcast_in_dim3A_1876 = arith.constant 1 : i32
          %broadcast_in_dim3A_1877 = vector.broadcast %broadcast_in_dim3A_1876 : i32 to vector<16xi32>
          %gather3A_1878 = tpu.vector_load_idx %arg12[%add3A_1148, %add3A_1870, %broadcast_in_dim3A_1877] : memref<16x128x16xf32, #tpu.memory_space<vmem>>[vector<16xi32>, vector<16xi32>, vector<16xi32>], vector<16xf32>,
          %mul3A_1879 = arith.mulf %gather3A_1868, %gather3A_1878 : vector<16xf32>
          %add3A_1880 = arith.addf %scan3A_1859, %mul3A_1879 : vector<16xf32>
          %broadcast_in_dim3A_1881 = arith.constant 2 : i32
          %broadcast_in_dim3A_1882 = vector.broadcast %broadcast_in_dim3A_1881 : i32 to vector<16xi32>
          %gather3A_1883 = tpu.vector_load_idx %arg12[%add3A_1148, %add3A_1870, %broadcast_in_dim3A_1882] : memref<16x128x16xf32, #tpu.memory_space<vmem>>[vector<16xi32>, vector<16xi32>, vector<16xi32>], vector<16xf32>,
          %mul3A_1884 = arith.mulf %gather3A_1868, %gather3A_1883 : vector<16xf32>
          %add3A_1885 = arith.addf %scan3A_1860, %mul3A_1884 : vector<16xf32>
          %broadcast_in_dim3A_1886 = arith.constant 3 : i32
          %broadcast_in_dim3A_1887 = vector.broadcast %broadcast_in_dim3A_1886 : i32 to vector<16xi32>
          %gather3A_1888 = tpu.vector_load_idx %arg12[%add3A_1148, %add3A_1870, %broadcast_in_dim3A_1887] : memref<16x128x16xf32, #tpu.memory_space<vmem>>[vector<16xi32>, vector<16xi32>, vector<16xi32>], vector<16xf32>,
          %mul3A_1889 = arith.mulf %gather3A_1868, %gather3A_1888 : vector<16xf32>
          %add3A_1890 = arith.addf %scan3A_1861, %mul3A_1889 : vector<16xf32>
          %broadcast_in_dim3A_1891 = arith.constant 4 : i32
          %broadcast_in_dim3A_1892 = vector.broadcast %broadcast_in_dim3A_1891 : i32 to vector<16xi32>
          %gather3A_1893 = tpu.vector_load_idx %arg12[%add3A_1148, %add3A_1870, %broadcast_in_dim3A_1892] : memref<16x128x16xf32, #tpu.memory_space<vmem>>[vector<16xi32>, vector<16xi32>, vector<16xi32>], vector<16xf32>,
          %mul3A_1894 = arith.mulf %gather3A_1868, %gather3A_1893 : vector<16xf32>
          %add3A_1895 = arith.addf %scan3A_1862, %mul3A_1894 : vector<16xf32>
          %broadcast_in_dim3A_1896 = arith.constant 5 : i32
          %broadcast_in_dim3A_1897 = vector.broadcast %broadcast_in_dim3A_1896 : i32 to vector<16xi32>
          %gather3A_1898 = tpu.vector_load_idx %arg12[%add3A_1148, %add3A_1870, %broadcast_in_dim3A_1897] : memref<16x128x16xf32, #tpu.memory_space<vmem>>[vector<16xi32>, vector<16xi32>, vector<16xi32>], vector<16xf32>,
          %mul3A_1899 = arith.mulf %gather3A_1868, %gather3A_1898 : vector<16xf32>
          %add3A_1900 = arith.addf %scan3A_1863, %mul3A_1899 : vector<16xf32>
          %broadcast_in_dim3A_1901 = arith.constant 6 : i32
          %broadcast_in_dim3A_1902 = vector.broadcast %broadcast_in_dim3A_1901 : i32 to vector<16xi32>
          %gather3A_1903 = tpu.vector_load_idx %arg12[%add3A_1148, %add3A_1870, %broadcast_in_dim3A_1902] : memref<16x128x16xf32, #tpu.memory_space<vmem>>[vector<16xi32>, vector<16xi32>, vector<16xi32>], vector<16xf32>,
          %mul3A_1904 = arith.mulf %gather3A_1868, %gather3A_1903 : vector<16xf32>
          %add3A_1905 = arith.addf %scan3A_1864, %mul3A_1904 : vector<16xf32>
          %broadcast_in_dim3A_1906 = arith.constant 7 : i32
          %broadcast_in_dim3A_1907 = vector.broadcast %broadcast_in_dim3A_1906 : i32 to vector<16xi32>
          %gather3A_1908 = tpu.vector_load_idx %arg12[%add3A_1148, %add3A_1870, %broadcast_in_dim3A_1907] : memref<16x128x16xf32, #tpu.memory_space<vmem>>[vector<16xi32>, vector<16xi32>, vector<16xi32>], vector<16xf32>,
          %mul3A_1909 = arith.mulf %gather3A_1868, %gather3A_1908 : vector<16xf32>
          %add3A_1910 = arith.addf %scan3A_1865, %mul3A_1909 : vector<16xf32>
          %broadcast_in_dim3A_1911 = arith.constant 8 : i32
          %broadcast_in_dim3A_1912 = vector.broadcast %broadcast_in_dim3A_1911 : i32 to vector<16xi32>
          %gather3A_1913 = tpu.vector_load_idx %arg12[%add3A_1148, %add3A_1870, %broadcast_in_dim3A_1912] : memref<16x128x16xf32, #tpu.memory_space<vmem>>[vector<16xi32>, vector<16xi32>, vector<16xi32>], vector<16xf32>,
          %mul3A_1914 = arith.mulf %gather3A_1868, %gather3A_1913 : vector<16xf32>
          %add3A_1915 = arith.addf %scan3A_1866, %mul3A_1914 : vector<16xf32>
          scf.yield %add3A_1875, %add3A_1880, %add3A_1885, %add3A_1890, %add3A_1895, %add3A_1900, %add3A_1905, %add3A_1910, %add3A_1915 : vector<16xf32>, vector<16xf32>, vector<16xf32>, vector<16xf32>, vector<16xf32>, vector<16xf32>, vector<16xf32>, vector<16xf32>, vector<16xf32>
        }
        %scan3A_1178 = arith.constant 16 : i32
        %gather3A_1179 = tpu.vector_load_idx %arg10[%broadcast_in_dim3A_1145, %add3A_1144] : memref<2x640xf32, #tpu.memory_space<vmem>>[vector<16xi32>, vector<16xi32>], vector<16xf32>,
        %neg3A_1180 = arith.constant 0.000000e+00 : f32
        %neg3A_1181 = vector.broadcast %neg3A_1180 : f32 to vector<16xf32>
        %neg3A_1182 = arith.subf %neg3A_1181, %gather3A_1179 : vector<16xf32>
        %exp3A_1183 = math.exp %neg3A_1182 : vector<16xf32>
        %add3A_1184 = arith.constant 1.000000e+00 : f32
        %add3A_1185 = vector.broadcast %add3A_1184 : f32 to vector<16xf32>
        %add3A_1186 = arith.addf %add3A_1185, %exp3A_1183 : vector<16xf32>
        %div3A_1187 = arith.constant 1.000000e+00 : f32
        %div3A_1188 = vector.broadcast %div3A_1187 : f32 to vector<16xf32>
        %div3A_1189 = arith.divf %div3A_1188, %add3A_1186 : vector<16xf32>
        %sub3A_1190 = arith.constant 1.000000e+00 : f32
        %sub3A_1191 = vector.broadcast %sub3A_1190 : f32 to vector<16xf32>
        %sub3A_1192 = arith.subf %sub3A_1191, %div3A_1189 : vector<16xf32>
        %broadcast_in_dim3A_1193 = arith.constant 0 : i32
        %broadcast_in_dim3A_1194 = vector.broadcast %broadcast_in_dim3A_1193 : i32 to vector<16xi32>
        %gather3A_1195 = tpu.vector_load_idx %arg9[%add3A_1144, %broadcast_in_dim3A_1194] : memref<640x16xf32, #tpu.memory_space<vmem>>[vector<16xi32>, vector<16xi32>], vector<16xf32>,
        %mul3A_1196 = arith.mulf %sub3A_1192, %gather3A_1195 : vector<16xf32>
        %mul3A_1197 = arith.mulf %div3A_1189, %scan3A_1177#0 : vector<16xf32>
        %add3A_1198 = arith.addf %mul3A_1196, %mul3A_1197 : vector<16xf32>
        %broadcast_in_dim3A_1199 = arith.constant 0 : i32
        %broadcast_in_dim3A_1200 = vector.broadcast %broadcast_in_dim3A_1199 : i32 to vector<16xi32>
        %broadcast_in_dim3A_1201 = arith.constant 0 : i32
        %broadcast_in_dim3A_1202 = vector.broadcast %broadcast_in_dim3A_1201 : i32 to vector<16xi32>
        tpu.vector_store_idx %arg13[%broadcast_in_dim3A_1200, %add3A_1144, %broadcast_in_dim3A_1202], %add3A_1198 : memref<3x640x16xf32, #tpu.memory_space<vmem>>[vector<16xi32>, vector<16xi32>, vector<16xi32>], vector<16xf32>,
        %broadcast_in_dim3A_1203 = arith.constant 1 : i32
        %broadcast_in_dim3A_1204 = vector.broadcast %broadcast_in_dim3A_1203 : i32 to vector<16xi32>
        %gather3A_1205 = tpu.vector_load_idx %arg9[%add3A_1144, %broadcast_in_dim3A_1204] : memref<640x16xf32, #tpu.memory_space<vmem>>[vector<16xi32>, vector<16xi32>], vector<16xf32>,
        %mul3A_1206 = arith.mulf %sub3A_1192, %gather3A_1205 : vector<16xf32>
        %mul3A_1207 = arith.mulf %div3A_1189, %scan3A_1177#1 : vector<16xf32>
        %add3A_1208 = arith.addf %mul3A_1206, %mul3A_1207 : vector<16xf32>
        %broadcast_in_dim3A_1209 = arith.constant 0 : i32
        %broadcast_in_dim3A_1210 = vector.broadcast %broadcast_in_dim3A_1209 : i32 to vector<16xi32>
        %broadcast_in_dim3A_1211 = arith.constant 1 : i32
        %broadcast_in_dim3A_1212 = vector.broadcast %broadcast_in_dim3A_1211 : i32 to vector<16xi32>
        tpu.vector_store_idx %arg13[%broadcast_in_dim3A_1210, %add3A_1144, %broadcast_in_dim3A_1212], %add3A_1208 : memref<3x640x16xf32, #tpu.memory_space<vmem>>[vector<16xi32>, vector<16xi32>, vector<16xi32>], vector<16xf32>,
        %broadcast_in_dim3A_1213 = arith.constant 2 : i32
        %broadcast_in_dim3A_1214 = vector.broadcast %broadcast_in_dim3A_1213 : i32 to vector<16xi32>
        %gather3A_1215 = tpu.vector_load_idx %arg9[%add3A_1144, %broadcast_in_dim3A_1214] : memref<640x16xf32, #tpu.memory_space<vmem>>[vector<16xi32>, vector<16xi32>], vector<16xf32>,
        %mul3A_1216 = arith.mulf %sub3A_1192, %gather3A_1215 : vector<16xf32>
        %mul3A_1217 = arith.mulf %div3A_1189, %scan3A_1177#2 : vector<16xf32>
        %add3A_1218 = arith.addf %mul3A_1216, %mul3A_1217 : vector<16xf32>
        %broadcast_in_dim3A_1219 = arith.constant 0 : i32
        %broadcast_in_dim3A_1220 = vector.broadcast %broadcast_in_dim3A_1219 : i32 to vector<16xi32>
        %broadcast_in_dim3A_1221 = arith.constant 2 : i32
        %broadcast_in_dim3A_1222 = vector.broadcast %broadcast_in_dim3A_1221 : i32 to vector<16xi32>
        tpu.vector_store_idx %arg13[%broadcast_in_dim3A_1220, %add3A_1144, %broadcast_in_dim3A_1222], %add3A_1218 : memref<3x640x16xf32, #tpu.memory_space<vmem>>[vector<16xi32>, vector<16xi32>, vector<16xi32>], vector<16xf32>,
        %broadcast_in_dim3A_1223 = arith.constant 3 : i32
        %broadcast_in_dim3A_1224 = vector.broadcast %broadcast_in_dim3A_1223 : i32 to vector<16xi32>
        %gather3A_1225 = tpu.vector_load_idx %arg9[%add3A_1144, %broadcast_in_dim3A_1224] : memref<640x16xf32, #tpu.memory_space<vmem>>[vector<16xi32>, vector<16xi32>], vector<16xf32>,
        %mul3A_1226 = arith.mulf %sub3A_1192, %gather3A_1225 : vector<16xf32>
        %mul3A_1227 = arith.mulf %div3A_1189, %scan3A_1177#3 : vector<16xf32>
        %add3A_1228 = arith.addf %mul3A_1226, %mul3A_1227 : vector<16xf32>
        %broadcast_in_dim3A_1229 = arith.constant 1 : i32
        %broadcast_in_dim3A_1230 = vector.broadcast %broadcast_in_dim3A_1229 : i32 to vector<16xi32>
        %broadcast_in_dim3A_1231 = arith.constant 0 : i32
        %broadcast_in_dim3A_1232 = vector.broadcast %broadcast_in_dim3A_1231 : i32 to vector<16xi32>
        tpu.vector_store_idx %arg13[%broadcast_in_dim3A_1230, %add3A_1144, %broadcast_in_dim3A_1232], %add3A_1228 : memref<3x640x16xf32, #tpu.memory_space<vmem>>[vector<16xi32>, vector<16xi32>, vector<16xi32>], vector<16xf32>,
        %broadcast_in_dim3A_1233 = arith.constant 4 : i32
        %broadcast_in_dim3A_1234 = vector.broadcast %broadcast_in_dim3A_1233 : i32 to vector<16xi32>
        %gather3A_1235 = tpu.vector_load_idx %arg9[%add3A_1144, %broadcast_in_dim3A_1234] : memref<640x16xf32, #tpu.memory_space<vmem>>[vector<16xi32>, vector<16xi32>], vector<16xf32>,
        %mul3A_1236 = arith.mulf %sub3A_1192, %gather3A_1235 : vector<16xf32>
        %mul3A_1237 = arith.mulf %div3A_1189, %scan3A_1177#4 : vector<16xf32>
        %add3A_1238 = arith.addf %mul3A_1236, %mul3A_1237 : vector<16xf32>
        %broadcast_in_dim3A_1239 = arith.constant 1 : i32
        %broadcast_in_dim3A_1240 = vector.broadcast %broadcast_in_dim3A_1239 : i32 to vector<16xi32>
        %broadcast_in_dim3A_1241 = arith.constant 1 : i32
        %broadcast_in_dim3A_1242 = vector.broadcast %broadcast_in_dim3A_1241 : i32 to vector<16xi32>
        tpu.vector_store_idx %arg13[%broadcast_in_dim3A_1240, %add3A_1144, %broadcast_in_dim3A_1242], %add3A_1238 : memref<3x640x16xf32, #tpu.memory_space<vmem>>[vector<16xi32>, vector<16xi32>, vector<16xi32>], vector<16xf32>,
        %broadcast_in_dim3A_1243 = arith.constant 5 : i32
        %broadcast_in_dim3A_1244 = vector.broadcast %broadcast_in_dim3A_1243 : i32 to vector<16xi32>
        %gather3A_1245 = tpu.vector_load_idx %arg9[%add3A_1144, %broadcast_in_dim3A_1244] : memref<640x16xf32, #tpu.memory_space<vmem>>[vector<16xi32>, vector<16xi32>], vector<16xf32>,
        %mul3A_1246 = arith.mulf %sub3A_1192, %gather3A_1245 : vector<16xf32>
        %mul3A_1247 = arith.mulf %div3A_1189, %scan3A_1177#5 : vector<16xf32>
        %add3A_1248 = arith.addf %mul3A_1246, %mul3A_1247 : vector<16xf32>
        %broadcast_in_dim3A_1249 = arith.constant 1 : i32
        %broadcast_in_dim3A_1250 = vector.broadcast %broadcast_in_dim3A_1249 : i32 to vector<16xi32>
        %broadcast_in_dim3A_1251 = arith.constant 2 : i32
        %broadcast_in_dim3A_1252 = vector.broadcast %broadcast_in_dim3A_1251 : i32 to vector<16xi32>
        tpu.vector_store_idx %arg13[%broadcast_in_dim3A_1250, %add3A_1144, %broadcast_in_dim3A_1252], %add3A_1248 : memref<3x640x16xf32, #tpu.memory_space<vmem>>[vector<16xi32>, vector<16xi32>, vector<16xi32>], vector<16xf32>,
        %broadcast_in_dim3A_1253 = arith.constant 6 : i32
        %broadcast_in_dim3A_1254 = vector.broadcast %broadcast_in_dim3A_1253 : i32 to vector<16xi32>
        %gather3A_1255 = tpu.vector_load_idx %arg9[%add3A_1144, %broadcast_in_dim3A_1254] : memref<640x16xf32, #tpu.memory_space<vmem>>[vector<16xi32>, vector<16xi32>], vector<16xf32>,
        %mul3A_1256 = arith.mulf %sub3A_1192, %gather3A_1255 : vector<16xf32>
        %mul3A_1257 = arith.mulf %div3A_1189, %scan3A_1177#6 : vector<16xf32>
        %add3A_1258 = arith.addf %mul3A_1256, %mul3A_1257 : vector<16xf32>
        %broadcast_in_dim3A_1259 = arith.constant 2 : i32
        %broadcast_in_dim3A_1260 = vector.broadcast %broadcast_in_dim3A_1259 : i32 to vector<16xi32>
        %broadcast_in_dim3A_1261 = arith.constant 0 : i32
        %broadcast_in_dim3A_1262 = vector.broadcast %broadcast_in_dim3A_1261 : i32 to vector<16xi32>
        tpu.vector_store_idx %arg13[%broadcast_in_dim3A_1260, %add3A_1144, %broadcast_in_dim3A_1262], %add3A_1258 : memref<3x640x16xf32, #tpu.memory_space<vmem>>[vector<16xi32>, vector<16xi32>, vector<16xi32>], vector<16xf32>,
        %broadcast_in_dim3A_1263 = arith.constant 7 : i32
        %broadcast_in_dim3A_1264 = vector.broadcast %broadcast_in_dim3A_1263 : i32 to vector<16xi32>
        %gather3A_1265 = tpu.vector_load_idx %arg9[%add3A_1144, %broadcast_in_dim3A_1264] : memref<640x16xf32, #tpu.memory_space<vmem>>[vector<16xi32>, vector<16xi32>], vector<16xf32>,
        %mul3A_1266 = arith.mulf %sub3A_1192, %gather3A_1265 : vector<16xf32>
        %mul3A_1267 = arith.mulf %div3A_1189, %scan3A_1177#7 : vector<16xf32>
        %add3A_1268 = arith.addf %mul3A_1266, %mul3A_1267 : vector<16xf32>
        %broadcast_in_dim3A_1269 = arith.constant 2 : i32
        %broadcast_in_dim3A_1270 = vector.broadcast %broadcast_in_dim3A_1269 : i32 to vector<16xi32>
        %broadcast_in_dim3A_1271 = arith.constant 1 : i32
        %broadcast_in_dim3A_1272 = vector.broadcast %broadcast_in_dim3A_1271 : i32 to vector<16xi32>
        tpu.vector_store_idx %arg13[%broadcast_in_dim3A_1270, %add3A_1144, %broadcast_in_dim3A_1272], %add3A_1268 : memref<3x640x16xf32, #tpu.memory_space<vmem>>[vector<16xi32>, vector<16xi32>, vector<16xi32>], vector<16xf32>,
        %broadcast_in_dim3A_1273 = arith.constant 8 : i32
        %broadcast_in_dim3A_1274 = vector.broadcast %broadcast_in_dim3A_1273 : i32 to vector<16xi32>
        %gather3A_1275 = tpu.vector_load_idx %arg9[%add3A_1144, %broadcast_in_dim3A_1274] : memref<640x16xf32, #tpu.memory_space<vmem>>[vector<16xi32>, vector<16xi32>], vector<16xf32>,
        %mul3A_1276 = arith.mulf %sub3A_1192, %gather3A_1275 : vector<16xf32>
        %mul3A_1277 = arith.mulf %div3A_1189, %scan3A_1177#8 : vector<16xf32>
        %add3A_1278 = arith.addf %mul3A_1276, %mul3A_1277 : vector<16xf32>
        %broadcast_in_dim3A_1279 = arith.constant 2 : i32
        %broadcast_in_dim3A_1280 = vector.broadcast %broadcast_in_dim3A_1279 : i32 to vector<16xi32>
        %broadcast_in_dim3A_1281 = arith.constant 2 : i32
        %broadcast_in_dim3A_1282 = vector.broadcast %broadcast_in_dim3A_1281 : i32 to vector<16xi32>
        tpu.vector_store_idx %arg13[%broadcast_in_dim3A_1280, %add3A_1144, %broadcast_in_dim3A_1282], %add3A_1278 : memref<3x640x16xf32, #tpu.memory_space<vmem>>[vector<16xi32>, vector<16xi32>, vector<16xi32>], vector<16xf32>,
        %add3A_1283 = arith.constant 8 : i32
        %add3A_1284 = arith.addi %add3A_1104, %add3A_1283 : i32
        %lt3A_1285 = arith.constant 40 : i32
        %lt3A_1286 = arith.cmpi slt, %add3A_1284, %lt3A_1285 : i32
        %convert_element_type3A_1287 = arith.extui %lt3A_1286 : i1 to i32
        %cond3A_1288 = arith.constant 0 : i32
        %cond3A_1289 = arith.cmpi ne, %convert_element_type3A_1287, %cond3A_1288 : i32
        scf.if %cond3A_1289 {
          %mul3A_1857 = arith.constant 2 : i32
          %mul3A_1858 = arith.muli %mul3A_1857, %add3A_1104 : i32
          %add3A_1859 = arith.constant 16 : i32
          %add3A_1860 = arith.addi %mul3A_1858, %add3A_1859 : i32
          %mul3A_1861 = arith.constant 128 : i32
          %mul3A_1862 = arith.muli %add3A_1860, %mul3A_1861 : i32
          %dma_start3A_1863 = arith.constant 8 : i32
          %dma_start3A_1864 = arith.constant 8 : i32
          %dma_start3A_1865 = arith.constant 0 : i32
          %dma_start3A_1866 = arith.constant 0 : i32
          %dma_start3A_1867 = tpu.memref_slice %arg12[%dma_start3A_1863, %dma_start3A_1865, %dma_start3A_1866] : memref<16x128x16xf32, #tpu.memory_space<vmem>> -> memref<1x128x16xf32, #tpu.memory_space<vmem>>
          %dma_start3A_1868 = tpu.memref_squeeze %dma_start3A_1867 : memref<1x128x16xf32, #tpu.memory_space<vmem>> -> memref<128x16xf32, #tpu.memory_space<vmem>>
          %dma_start3A_1869 = tpu.memref_slice %arg11[%mul3A_1862] : memref<10240xi32, #tpu.memory_space<vmem>> -> memref<128xi32, #tpu.memory_space<vmem>>
          %dma_start3A_1870 = arith.constant 0 : i32
          %dma_start3A_1871 = arith.constant 0 : i32
          %dma_start3A_1872 = tpu.memref_slice %arg2[%dma_start3A_1870, %dma_start3A_1871] : memref<100000x16xf32, #tpu.memory_space<hbm>> -> memref<100000x16xf32, #tpu.memory_space<hbm>>
          %dma_start3A_1873 = tpu.memref_slice %arg14[%dma_start3A_1864] : memref<20x!tpu.dma_semaphore, #tpu.memory_space<semaphore_mem>> -> memref<1x!tpu.dma_semaphore, #tpu.memory_space<semaphore_mem>>
          %dma_start3A_1874 = tpu.memref_squeeze %dma_start3A_1873 : memref<1x!tpu.dma_semaphore, #tpu.memory_space<semaphore_mem>> -> memref<!tpu.dma_semaphore, #tpu.memory_space<semaphore_mem>>
          tpu.enqueue_indirect_dma source(%dma_start3A_1872 : memref<100000x16xf32, #tpu.memory_space<hbm>>) target(%dma_start3A_1868 : memref<128x16xf32, #tpu.memory_space<vmem>>) offsets(%dma_start3A_1869 : memref<128xi32, #tpu.memory_space<vmem>>) semaphore(%dma_start3A_1874 : memref<!tpu.dma_semaphore, #tpu.memory_space<semaphore_mem>>)
          %mul3A_1875 = arith.constant 2 : i32
          %mul3A_1876 = arith.muli %mul3A_1875, %add3A_1104 : i32
          %add3A_1877 = arith.constant 17 : i32
          %add3A_1878 = arith.addi %mul3A_1876, %add3A_1877 : i32
          %mul3A_1879 = arith.constant 128 : i32
          %mul3A_1880 = arith.muli %add3A_1878, %mul3A_1879 : i32
          %dma_start3A_1881 = arith.constant 9 : i32
          %dma_start3A_1882 = arith.constant 9 : i32
          %dma_start3A_1883 = arith.constant 0 : i32
          %dma_start3A_1884 = arith.constant 0 : i32
          %dma_start3A_1885 = tpu.memref_slice %arg12[%dma_start3A_1881, %dma_start3A_1883, %dma_start3A_1884] : memref<16x128x16xf32, #tpu.memory_space<vmem>> -> memref<1x128x16xf32, #tpu.memory_space<vmem>>
          %dma_start3A_1886 = tpu.memref_squeeze %dma_start3A_1885 : memref<1x128x16xf32, #tpu.memory_space<vmem>> -> memref<128x16xf32, #tpu.memory_space<vmem>>
          %dma_start3A_1887 = tpu.memref_slice %arg11[%mul3A_1880] : memref<10240xi32, #tpu.memory_space<vmem>> -> memref<128xi32, #tpu.memory_space<vmem>>
          %dma_start3A_1888 = arith.constant 0 : i32
          %dma_start3A_1889 = arith.constant 0 : i32
          %dma_start3A_1890 = tpu.memref_slice %arg2[%dma_start3A_1888, %dma_start3A_1889] : memref<100000x16xf32, #tpu.memory_space<hbm>> -> memref<100000x16xf32, #tpu.memory_space<hbm>>
          %dma_start3A_1891 = tpu.memref_slice %arg14[%dma_start3A_1882] : memref<20x!tpu.dma_semaphore, #tpu.memory_space<semaphore_mem>> -> memref<1x!tpu.dma_semaphore, #tpu.memory_space<semaphore_mem>>
          %dma_start3A_1892 = tpu.memref_squeeze %dma_start3A_1891 : memref<1x!tpu.dma_semaphore, #tpu.memory_space<semaphore_mem>> -> memref<!tpu.dma_semaphore, #tpu.memory_space<semaphore_mem>>
          tpu.enqueue_indirect_dma source(%dma_start3A_1890 : memref<100000x16xf32, #tpu.memory_space<hbm>>) target(%dma_start3A_1886 : memref<128x16xf32, #tpu.memory_space<vmem>>) offsets(%dma_start3A_1887 : memref<128xi32, #tpu.memory_space<vmem>>) semaphore(%dma_start3A_1892 : memref<!tpu.dma_semaphore, #tpu.memory_space<semaphore_mem>>)
        } else {
        }
        %mul3A_1290 = arith.constant 8 : i32
        %mul3A_1291 = arith.muli %mul3A_1290, %scan3A_351 : i32
        %add3A_1292 = arith.constant 5 : i32
        %add3A_1293 = arith.addi %mul3A_1291, %add3A_1292 : i32
        %dma_wait3A_1294 = arith.constant 10 : i32
        %dma_wait3A_1295 = arith.constant 10 : i32
        %dma_wait3A_1296 = arith.constant 0 : i32
        %dma_wait3A_1297 = arith.constant 0 : i32
        %dma_wait3A_1298 = tpu.memref_slice %arg12[%dma_wait3A_1294, %dma_wait3A_1296, %dma_wait3A_1297] : memref<16x128x16xf32, #tpu.memory_space<vmem>> -> memref<1x128x16xf32, #tpu.memory_space<vmem>>
        %dma_wait3A_1299 = tpu.memref_squeeze %dma_wait3A_1298 : memref<1x128x16xf32, #tpu.memory_space<vmem>> -> memref<128x16xf32, #tpu.memory_space<vmem>>
        %dma_wait3A_1300 = arith.constant 0 : i32
        %dma_wait3A_1301 = arith.constant 0 : i32
        %dma_wait3A_1302 = tpu.memref_slice %arg2[%dma_wait3A_1300, %dma_wait3A_1301] : memref<100000x16xf32, #tpu.memory_space<hbm>> -> memref<128x16xf32, #tpu.memory_space<hbm>>
        %dma_wait3A_1303 = tpu.memref_slice %arg14[%dma_wait3A_1295] : memref<20x!tpu.dma_semaphore, #tpu.memory_space<semaphore_mem>> -> memref<1x!tpu.dma_semaphore, #tpu.memory_space<semaphore_mem>>
        %dma_wait3A_1304 = tpu.memref_squeeze %dma_wait3A_1303 : memref<1x!tpu.dma_semaphore, #tpu.memory_space<semaphore_mem>> -> memref<!tpu.dma_semaphore, #tpu.memory_space<semaphore_mem>>
        %dma_wait3A_1305 = arith.constant 0 : i32
        %dma_wait3A_1306 = arith.constant 0 : i32
        %dma_wait3A_1307 = tpu.memref_slice %arg12[%dma_wait3A_1294, %dma_wait3A_1305, %dma_wait3A_1306] : memref<16x128x16xf32, #tpu.memory_space<vmem>> -> memref<1x128x16xf32, #tpu.memory_space<vmem>>
        %dma_wait3A_1308 = tpu.memref_squeeze %dma_wait3A_1307 : memref<1x128x16xf32, #tpu.memory_space<vmem>> -> memref<128x16xf32, #tpu.memory_space<vmem>>
        %dma_wait3A_1309 = arith.constant 0 : i32
        %dma_wait3A_1310 = arith.constant 0 : i32
        %dma_wait3A_1311 = tpu.memref_slice %arg2[%dma_wait3A_1309, %dma_wait3A_1310] : memref<100000x16xf32, #tpu.memory_space<hbm>> -> memref<128x16xf32, #tpu.memory_space<hbm>>
        tpu.wait_dma2 semaphore(%dma_wait3A_1304 : memref<!tpu.dma_semaphore, #tpu.memory_space<semaphore_mem>>) src(%dma_wait3A_1311 : memref<128x16xf32, #tpu.memory_space<hbm>>) dst(%dma_wait3A_1308 : memref<128x16xf32, #tpu.memory_space<vmem>>)
        %dma_wait3A_1312 = arith.constant 11 : i32
        %dma_wait3A_1313 = arith.constant 11 : i32
        %dma_wait3A_1314 = arith.constant 0 : i32
        %dma_wait3A_1315 = arith.constant 0 : i32
        %dma_wait3A_1316 = tpu.memref_slice %arg12[%dma_wait3A_1312, %dma_wait3A_1314, %dma_wait3A_1315] : memref<16x128x16xf32, #tpu.memory_space<vmem>> -> memref<1x128x16xf32, #tpu.memory_space<vmem>>
        %dma_wait3A_1317 = tpu.memref_squeeze %dma_wait3A_1316 : memref<1x128x16xf32, #tpu.memory_space<vmem>> -> memref<128x16xf32, #tpu.memory_space<vmem>>
        %dma_wait3A_1318 = arith.constant 0 : i32
        %dma_wait3A_1319 = arith.constant 0 : i32
        %dma_wait3A_1320 = tpu.memref_slice %arg2[%dma_wait3A_1318, %dma_wait3A_1319] : memref<100000x16xf32, #tpu.memory_space<hbm>> -> memref<128x16xf32, #tpu.memory_space<hbm>>
        %dma_wait3A_1321 = tpu.memref_slice %arg14[%dma_wait3A_1313] : memref<20x!tpu.dma_semaphore, #tpu.memory_space<semaphore_mem>> -> memref<1x!tpu.dma_semaphore, #tpu.memory_space<semaphore_mem>>
        %dma_wait3A_1322 = tpu.memref_squeeze %dma_wait3A_1321 : memref<1x!tpu.dma_semaphore, #tpu.memory_space<semaphore_mem>> -> memref<!tpu.dma_semaphore, #tpu.memory_space<semaphore_mem>>
        %dma_wait3A_1323 = arith.constant 0 : i32
        %dma_wait3A_1324 = arith.constant 0 : i32
        %dma_wait3A_1325 = tpu.memref_slice %arg12[%dma_wait3A_1312, %dma_wait3A_1323, %dma_wait3A_1324] : memref<16x128x16xf32, #tpu.memory_space<vmem>> -> memref<1x128x16xf32, #tpu.memory_space<vmem>>
        %dma_wait3A_1326 = tpu.memref_squeeze %dma_wait3A_1325 : memref<1x128x16xf32, #tpu.memory_space<vmem>> -> memref<128x16xf32, #tpu.memory_space<vmem>>
        %dma_wait3A_1327 = arith.constant 0 : i32
        %dma_wait3A_1328 = arith.constant 0 : i32
        %dma_wait3A_1329 = tpu.memref_slice %arg2[%dma_wait3A_1327, %dma_wait3A_1328] : memref<100000x16xf32, #tpu.memory_space<hbm>> -> memref<128x16xf32, #tpu.memory_space<hbm>>
        tpu.wait_dma2 semaphore(%dma_wait3A_1322 : memref<!tpu.dma_semaphore, #tpu.memory_space<semaphore_mem>>) src(%dma_wait3A_1329 : memref<128x16xf32, #tpu.memory_space<hbm>>) dst(%dma_wait3A_1326 : memref<128x16xf32, #tpu.memory_space<vmem>>)
        %mul3A_1330 = arith.constant 16 : i32
        %mul3A_1331 = arith.muli %add3A_1293, %mul3A_1330 : i32
        %add3A_1332 = vector.broadcast %mul3A_1331 : i32 to vector<16xi32>
        %add3A_1333 = arith.addi %add3A_1332, %iota3A : vector<16xi32>
        %broadcast_in_dim3A_1334 = vector.broadcast %rem3A_106 : i32 to vector<16xi32>
        %add3A_1335 = arith.constant 10 : i32
        %add3A_1336 = vector.broadcast %add3A_1335 : i32 to vector<16xi32>
        %add3A_1337 = arith.addi %add3A_1336, %shift_right_arithmetic3A_2 : vector<16xi32>
        %and3A_1338 = arith.constant 7 : i32
        %and3A_1339 = vector.broadcast %and3A_1338 : i32 to vector<16xi32>
        %and3A_1340 = arith.andi %iota3A, %and3A_1339 : vector<16xi32>
        %mul3A_1341 = arith.constant 16 : i32
        %mul3A_1342 = vector.broadcast %mul3A_1341 : i32 to vector<16xi32>
        %mul3A_1343 = arith.muli %and3A_1340, %mul3A_1342 : vector<16xi32>
        %broadcast_in_dim3A_1344 = arith.constant 0.000000e+00 : f32
        %broadcast_in_dim3A_1345 = vector.broadcast %broadcast_in_dim3A_1344 : f32 to vector<16xf32>
        %broadcast_in_dim3A_1346 = arith.constant 0.000000e+00 : f32
        %broadcast_in_dim3A_1347 = vector.broadcast %broadcast_in_dim3A_1346 : f32 to vector<16xf32>
        %broadcast_in_dim3A_1348 = arith.constant 0.000000e+00 : f32
        %broadcast_in_dim3A_1349 = vector.broadcast %broadcast_in_dim3A_1348 : f32 to vector<16xf32>
        %broadcast_in_dim3A_1350 = arith.constant 0.000000e+00 : f32
        %broadcast_in_dim3A_1351 = vector.broadcast %broadcast_in_dim3A_1350 : f32 to vector<16xf32>
        %broadcast_in_dim3A_1352 = arith.constant 0.000000e+00 : f32
        %broadcast_in_dim3A_1353 = vector.broadcast %broadcast_in_dim3A_1352 : f32 to vector<16xf32>
        %broadcast_in_dim3A_1354 = arith.constant 0.000000e+00 : f32
        %broadcast_in_dim3A_1355 = vector.broadcast %broadcast_in_dim3A_1354 : f32 to vector<16xf32>
        %broadcast_in_dim3A_1356 = arith.constant 0.000000e+00 : f32
        %broadcast_in_dim3A_1357 = vector.broadcast %broadcast_in_dim3A_1356 : f32 to vector<16xf32>
        %broadcast_in_dim3A_1358 = arith.constant 0.000000e+00 : f32
        %broadcast_in_dim3A_1359 = vector.broadcast %broadcast_in_dim3A_1358 : f32 to vector<16xf32>
        %broadcast_in_dim3A_1360 = arith.constant 0.000000e+00 : f32
        %broadcast_in_dim3A_1361 = vector.broadcast %broadcast_in_dim3A_1360 : f32 to vector<16xf32>
        %scan3A_1362 = arith.constant 0 : i32
        %scan3A_1363 = arith.constant 16 : i32
        %scan3A_1364 = arith.addi %scan3A_1362, %scan3A_1363 : i32
        %scan3A_1365 = arith.constant 1 : i32
        %scan3A_1366:9 = scf.for %scan3A_1857 = %scan3A_1362 to %scan3A_1364 step %scan3A_1365 iter_args(%scan3A_1858 = %broadcast_in_dim3A_1345, %scan3A_1859 = %broadcast_in_dim3A_1347, %scan3A_1860 = %broadcast_in_dim3A_1349, %scan3A_1861 = %broadcast_in_dim3A_1351, %scan3A_1862 = %broadcast_in_dim3A_1353, %scan3A_1863 = %broadcast_in_dim3A_1355, %scan3A_1864 = %broadcast_in_dim3A_1357, %scan3A_1865 = %broadcast_in_dim3A_1359, %scan3A_1866 = %broadcast_in_dim3A_1361) -> (vector<16xf32>, vector<16xf32>, vector<16xf32>, vector<16xf32>, vector<16xf32>, vector<16xf32>, vector<16xf32>, vector<16xf32>, vector<16xf32>)  : i32 {
          %broadcast_in_dim3A_1867 = vector.broadcast %scan3A_1857 : i32 to vector<16xi32>
          %gather3A_1868 = tpu.vector_load_idx %arg8[%broadcast_in_dim3A_1334, %add3A_1333, %broadcast_in_dim3A_1867] : memref<2x640x16xf32, #tpu.memory_space<vmem>>[vector<16xi32>, vector<16xi32>, vector<16xi32>], vector<16xf32>,
          %add3A_1869 = vector.broadcast %scan3A_1857 : i32 to vector<16xi32>
          %add3A_1870 = arith.addi %mul3A_1343, %add3A_1869 : vector<16xi32>
          %broadcast_in_dim3A_1871 = arith.constant 0 : i32
          %broadcast_in_dim3A_1872 = vector.broadcast %broadcast_in_dim3A_1871 : i32 to vector<16xi32>
          %gather3A_1873 = tpu.vector_load_idx %arg12[%add3A_1337, %add3A_1870, %broadcast_in_dim3A_1872] : memref<16x128x16xf32, #tpu.memory_space<vmem>>[vector<16xi32>, vector<16xi32>, vector<16xi32>], vector<16xf32>,
          %mul3A_1874 = arith.mulf %gather3A_1868, %gather3A_1873 : vector<16xf32>
          %add3A_1875 = arith.addf %scan3A_1858, %mul3A_1874 : vector<16xf32>
          %broadcast_in_dim3A_1876 = arith.constant 1 : i32
          %broadcast_in_dim3A_1877 = vector.broadcast %broadcast_in_dim3A_1876 : i32 to vector<16xi32>
          %gather3A_1878 = tpu.vector_load_idx %arg12[%add3A_1337, %add3A_1870, %broadcast_in_dim3A_1877] : memref<16x128x16xf32, #tpu.memory_space<vmem>>[vector<16xi32>, vector<16xi32>, vector<16xi32>], vector<16xf32>,
          %mul3A_1879 = arith.mulf %gather3A_1868, %gather3A_1878 : vector<16xf32>
          %add3A_1880 = arith.addf %scan3A_1859, %mul3A_1879 : vector<16xf32>
          %broadcast_in_dim3A_1881 = arith.constant 2 : i32
          %broadcast_in_dim3A_1882 = vector.broadcast %broadcast_in_dim3A_1881 : i32 to vector<16xi32>
          %gather3A_1883 = tpu.vector_load_idx %arg12[%add3A_1337, %add3A_1870, %broadcast_in_dim3A_1882] : memref<16x128x16xf32, #tpu.memory_space<vmem>>[vector<16xi32>, vector<16xi32>, vector<16xi32>], vector<16xf32>,
          %mul3A_1884 = arith.mulf %gather3A_1868, %gather3A_1883 : vector<16xf32>
          %add3A_1885 = arith.addf %scan3A_1860, %mul3A_1884 : vector<16xf32>
          %broadcast_in_dim3A_1886 = arith.constant 3 : i32
          %broadcast_in_dim3A_1887 = vector.broadcast %broadcast_in_dim3A_1886 : i32 to vector<16xi32>
          %gather3A_1888 = tpu.vector_load_idx %arg12[%add3A_1337, %add3A_1870, %broadcast_in_dim3A_1887] : memref<16x128x16xf32, #tpu.memory_space<vmem>>[vector<16xi32>, vector<16xi32>, vector<16xi32>], vector<16xf32>,
          %mul3A_1889 = arith.mulf %gather3A_1868, %gather3A_1888 : vector<16xf32>
          %add3A_1890 = arith.addf %scan3A_1861, %mul3A_1889 : vector<16xf32>
          %broadcast_in_dim3A_1891 = arith.constant 4 : i32
          %broadcast_in_dim3A_1892 = vector.broadcast %broadcast_in_dim3A_1891 : i32 to vector<16xi32>
          %gather3A_1893 = tpu.vector_load_idx %arg12[%add3A_1337, %add3A_1870, %broadcast_in_dim3A_1892] : memref<16x128x16xf32, #tpu.memory_space<vmem>>[vector<16xi32>, vector<16xi32>, vector<16xi32>], vector<16xf32>,
          %mul3A_1894 = arith.mulf %gather3A_1868, %gather3A_1893 : vector<16xf32>
          %add3A_1895 = arith.addf %scan3A_1862, %mul3A_1894 : vector<16xf32>
          %broadcast_in_dim3A_1896 = arith.constant 5 : i32
          %broadcast_in_dim3A_1897 = vector.broadcast %broadcast_in_dim3A_1896 : i32 to vector<16xi32>
          %gather3A_1898 = tpu.vector_load_idx %arg12[%add3A_1337, %add3A_1870, %broadcast_in_dim3A_1897] : memref<16x128x16xf32, #tpu.memory_space<vmem>>[vector<16xi32>, vector<16xi32>, vector<16xi32>], vector<16xf32>,
          %mul3A_1899 = arith.mulf %gather3A_1868, %gather3A_1898 : vector<16xf32>
          %add3A_1900 = arith.addf %scan3A_1863, %mul3A_1899 : vector<16xf32>
          %broadcast_in_dim3A_1901 = arith.constant 6 : i32
          %broadcast_in_dim3A_1902 = vector.broadcast %broadcast_in_dim3A_1901 : i32 to vector<16xi32>
          %gather3A_1903 = tpu.vector_load_idx %arg12[%add3A_1337, %add3A_1870, %broadcast_in_dim3A_1902] : memref<16x128x16xf32, #tpu.memory_space<vmem>>[vector<16xi32>, vector<16xi32>, vector<16xi32>], vector<16xf32>,
          %mul3A_1904 = arith.mulf %gather3A_1868, %gather3A_1903 : vector<16xf32>
          %add3A_1905 = arith.addf %scan3A_1864, %mul3A_1904 : vector<16xf32>
          %broadcast_in_dim3A_1906 = arith.constant 7 : i32
          %broadcast_in_dim3A_1907 = vector.broadcast %broadcast_in_dim3A_1906 : i32 to vector<16xi32>
          %gather3A_1908 = tpu.vector_load_idx %arg12[%add3A_1337, %add3A_1870, %broadcast_in_dim3A_1907] : memref<16x128x16xf32, #tpu.memory_space<vmem>>[vector<16xi32>, vector<16xi32>, vector<16xi32>], vector<16xf32>,
          %mul3A_1909 = arith.mulf %gather3A_1868, %gather3A_1908 : vector<16xf32>
          %add3A_1910 = arith.addf %scan3A_1865, %mul3A_1909 : vector<16xf32>
          %broadcast_in_dim3A_1911 = arith.constant 8 : i32
          %broadcast_in_dim3A_1912 = vector.broadcast %broadcast_in_dim3A_1911 : i32 to vector<16xi32>
          %gather3A_1913 = tpu.vector_load_idx %arg12[%add3A_1337, %add3A_1870, %broadcast_in_dim3A_1912] : memref<16x128x16xf32, #tpu.memory_space<vmem>>[vector<16xi32>, vector<16xi32>, vector<16xi32>], vector<16xf32>,
          %mul3A_1914 = arith.mulf %gather3A_1868, %gather3A_1913 : vector<16xf32>
          %add3A_1915 = arith.addf %scan3A_1866, %mul3A_1914 : vector<16xf32>
          scf.yield %add3A_1875, %add3A_1880, %add3A_1885, %add3A_1890, %add3A_1895, %add3A_1900, %add3A_1905, %add3A_1910, %add3A_1915 : vector<16xf32>, vector<16xf32>, vector<16xf32>, vector<16xf32>, vector<16xf32>, vector<16xf32>, vector<16xf32>, vector<16xf32>, vector<16xf32>
        }
        %scan3A_1367 = arith.constant 16 : i32
        %gather3A_1368 = tpu.vector_load_idx %arg10[%broadcast_in_dim3A_1334, %add3A_1333] : memref<2x640xf32, #tpu.memory_space<vmem>>[vector<16xi32>, vector<16xi32>], vector<16xf32>,
        %neg3A_1369 = arith.constant 0.000000e+00 : f32
        %neg3A_1370 = vector.broadcast %neg3A_1369 : f32 to vector<16xf32>
        %neg3A_1371 = arith.subf %neg3A_1370, %gather3A_1368 : vector<16xf32>
        %exp3A_1372 = math.exp %neg3A_1371 : vector<16xf32>
        %add3A_1373 = arith.constant 1.000000e+00 : f32
        %add3A_1374 = vector.broadcast %add3A_1373 : f32 to vector<16xf32>
        %add3A_1375 = arith.addf %add3A_1374, %exp3A_1372 : vector<16xf32>
        %div3A_1376 = arith.constant 1.000000e+00 : f32
        %div3A_1377 = vector.broadcast %div3A_1376 : f32 to vector<16xf32>
        %div3A_1378 = arith.divf %div3A_1377, %add3A_1375 : vector<16xf32>
        %sub3A_1379 = arith.constant 1.000000e+00 : f32
        %sub3A_1380 = vector.broadcast %sub3A_1379 : f32 to vector<16xf32>
        %sub3A_1381 = arith.subf %sub3A_1380, %div3A_1378 : vector<16xf32>
        %broadcast_in_dim3A_1382 = arith.constant 0 : i32
        %broadcast_in_dim3A_1383 = vector.broadcast %broadcast_in_dim3A_1382 : i32 to vector<16xi32>
        %gather3A_1384 = tpu.vector_load_idx %arg9[%add3A_1333, %broadcast_in_dim3A_1383] : memref<640x16xf32, #tpu.memory_space<vmem>>[vector<16xi32>, vector<16xi32>], vector<16xf32>,
        %mul3A_1385 = arith.mulf %sub3A_1381, %gather3A_1384 : vector<16xf32>
        %mul3A_1386 = arith.mulf %div3A_1378, %scan3A_1366#0 : vector<16xf32>
        %add3A_1387 = arith.addf %mul3A_1385, %mul3A_1386 : vector<16xf32>
        %broadcast_in_dim3A_1388 = arith.constant 0 : i32
        %broadcast_in_dim3A_1389 = vector.broadcast %broadcast_in_dim3A_1388 : i32 to vector<16xi32>
        %broadcast_in_dim3A_1390 = arith.constant 0 : i32
        %broadcast_in_dim3A_1391 = vector.broadcast %broadcast_in_dim3A_1390 : i32 to vector<16xi32>
        tpu.vector_store_idx %arg13[%broadcast_in_dim3A_1389, %add3A_1333, %broadcast_in_dim3A_1391], %add3A_1387 : memref<3x640x16xf32, #tpu.memory_space<vmem>>[vector<16xi32>, vector<16xi32>, vector<16xi32>], vector<16xf32>,
        %broadcast_in_dim3A_1392 = arith.constant 1 : i32
        %broadcast_in_dim3A_1393 = vector.broadcast %broadcast_in_dim3A_1392 : i32 to vector<16xi32>
        %gather3A_1394 = tpu.vector_load_idx %arg9[%add3A_1333, %broadcast_in_dim3A_1393] : memref<640x16xf32, #tpu.memory_space<vmem>>[vector<16xi32>, vector<16xi32>], vector<16xf32>,
        %mul3A_1395 = arith.mulf %sub3A_1381, %gather3A_1394 : vector<16xf32>
        %mul3A_1396 = arith.mulf %div3A_1378, %scan3A_1366#1 : vector<16xf32>
        %add3A_1397 = arith.addf %mul3A_1395, %mul3A_1396 : vector<16xf32>
        %broadcast_in_dim3A_1398 = arith.constant 0 : i32
        %broadcast_in_dim3A_1399 = vector.broadcast %broadcast_in_dim3A_1398 : i32 to vector<16xi32>
        %broadcast_in_dim3A_1400 = arith.constant 1 : i32
        %broadcast_in_dim3A_1401 = vector.broadcast %broadcast_in_dim3A_1400 : i32 to vector<16xi32>
        tpu.vector_store_idx %arg13[%broadcast_in_dim3A_1399, %add3A_1333, %broadcast_in_dim3A_1401], %add3A_1397 : memref<3x640x16xf32, #tpu.memory_space<vmem>>[vector<16xi32>, vector<16xi32>, vector<16xi32>], vector<16xf32>,
        %broadcast_in_dim3A_1402 = arith.constant 2 : i32
        %broadcast_in_dim3A_1403 = vector.broadcast %broadcast_in_dim3A_1402 : i32 to vector<16xi32>
        %gather3A_1404 = tpu.vector_load_idx %arg9[%add3A_1333, %broadcast_in_dim3A_1403] : memref<640x16xf32, #tpu.memory_space<vmem>>[vector<16xi32>, vector<16xi32>], vector<16xf32>,
        %mul3A_1405 = arith.mulf %sub3A_1381, %gather3A_1404 : vector<16xf32>
        %mul3A_1406 = arith.mulf %div3A_1378, %scan3A_1366#2 : vector<16xf32>
        %add3A_1407 = arith.addf %mul3A_1405, %mul3A_1406 : vector<16xf32>
        %broadcast_in_dim3A_1408 = arith.constant 0 : i32
        %broadcast_in_dim3A_1409 = vector.broadcast %broadcast_in_dim3A_1408 : i32 to vector<16xi32>
        %broadcast_in_dim3A_1410 = arith.constant 2 : i32
        %broadcast_in_dim3A_1411 = vector.broadcast %broadcast_in_dim3A_1410 : i32 to vector<16xi32>
        tpu.vector_store_idx %arg13[%broadcast_in_dim3A_1409, %add3A_1333, %broadcast_in_dim3A_1411], %add3A_1407 : memref<3x640x16xf32, #tpu.memory_space<vmem>>[vector<16xi32>, vector<16xi32>, vector<16xi32>], vector<16xf32>,
        %broadcast_in_dim3A_1412 = arith.constant 3 : i32
        %broadcast_in_dim3A_1413 = vector.broadcast %broadcast_in_dim3A_1412 : i32 to vector<16xi32>
        %gather3A_1414 = tpu.vector_load_idx %arg9[%add3A_1333, %broadcast_in_dim3A_1413] : memref<640x16xf32, #tpu.memory_space<vmem>>[vector<16xi32>, vector<16xi32>], vector<16xf32>,
        %mul3A_1415 = arith.mulf %sub3A_1381, %gather3A_1414 : vector<16xf32>
        %mul3A_1416 = arith.mulf %div3A_1378, %scan3A_1366#3 : vector<16xf32>
        %add3A_1417 = arith.addf %mul3A_1415, %mul3A_1416 : vector<16xf32>
        %broadcast_in_dim3A_1418 = arith.constant 1 : i32
        %broadcast_in_dim3A_1419 = vector.broadcast %broadcast_in_dim3A_1418 : i32 to vector<16xi32>
        %broadcast_in_dim3A_1420 = arith.constant 0 : i32
        %broadcast_in_dim3A_1421 = vector.broadcast %broadcast_in_dim3A_1420 : i32 to vector<16xi32>
        tpu.vector_store_idx %arg13[%broadcast_in_dim3A_1419, %add3A_1333, %broadcast_in_dim3A_1421], %add3A_1417 : memref<3x640x16xf32, #tpu.memory_space<vmem>>[vector<16xi32>, vector<16xi32>, vector<16xi32>], vector<16xf32>,
        %broadcast_in_dim3A_1422 = arith.constant 4 : i32
        %broadcast_in_dim3A_1423 = vector.broadcast %broadcast_in_dim3A_1422 : i32 to vector<16xi32>
        %gather3A_1424 = tpu.vector_load_idx %arg9[%add3A_1333, %broadcast_in_dim3A_1423] : memref<640x16xf32, #tpu.memory_space<vmem>>[vector<16xi32>, vector<16xi32>], vector<16xf32>,
        %mul3A_1425 = arith.mulf %sub3A_1381, %gather3A_1424 : vector<16xf32>
        %mul3A_1426 = arith.mulf %div3A_1378, %scan3A_1366#4 : vector<16xf32>
        %add3A_1427 = arith.addf %mul3A_1425, %mul3A_1426 : vector<16xf32>
        %broadcast_in_dim3A_1428 = arith.constant 1 : i32
        %broadcast_in_dim3A_1429 = vector.broadcast %broadcast_in_dim3A_1428 : i32 to vector<16xi32>
        %broadcast_in_dim3A_1430 = arith.constant 1 : i32
        %broadcast_in_dim3A_1431 = vector.broadcast %broadcast_in_dim3A_1430 : i32 to vector<16xi32>
        tpu.vector_store_idx %arg13[%broadcast_in_dim3A_1429, %add3A_1333, %broadcast_in_dim3A_1431], %add3A_1427 : memref<3x640x16xf32, #tpu.memory_space<vmem>>[vector<16xi32>, vector<16xi32>, vector<16xi32>], vector<16xf32>,
        %broadcast_in_dim3A_1432 = arith.constant 5 : i32
        %broadcast_in_dim3A_1433 = vector.broadcast %broadcast_in_dim3A_1432 : i32 to vector<16xi32>
        %gather3A_1434 = tpu.vector_load_idx %arg9[%add3A_1333, %broadcast_in_dim3A_1433] : memref<640x16xf32, #tpu.memory_space<vmem>>[vector<16xi32>, vector<16xi32>], vector<16xf32>,
        %mul3A_1435 = arith.mulf %sub3A_1381, %gather3A_1434 : vector<16xf32>
        %mul3A_1436 = arith.mulf %div3A_1378, %scan3A_1366#5 : vector<16xf32>
        %add3A_1437 = arith.addf %mul3A_1435, %mul3A_1436 : vector<16xf32>
        %broadcast_in_dim3A_1438 = arith.constant 1 : i32
        %broadcast_in_dim3A_1439 = vector.broadcast %broadcast_in_dim3A_1438 : i32 to vector<16xi32>
        %broadcast_in_dim3A_1440 = arith.constant 2 : i32
        %broadcast_in_dim3A_1441 = vector.broadcast %broadcast_in_dim3A_1440 : i32 to vector<16xi32>
        tpu.vector_store_idx %arg13[%broadcast_in_dim3A_1439, %add3A_1333, %broadcast_in_dim3A_1441], %add3A_1437 : memref<3x640x16xf32, #tpu.memory_space<vmem>>[vector<16xi32>, vector<16xi32>, vector<16xi32>], vector<16xf32>,
        %broadcast_in_dim3A_1442 = arith.constant 6 : i32
        %broadcast_in_dim3A_1443 = vector.broadcast %broadcast_in_dim3A_1442 : i32 to vector<16xi32>
        %gather3A_1444 = tpu.vector_load_idx %arg9[%add3A_1333, %broadcast_in_dim3A_1443] : memref<640x16xf32, #tpu.memory_space<vmem>>[vector<16xi32>, vector<16xi32>], vector<16xf32>,
        %mul3A_1445 = arith.mulf %sub3A_1381, %gather3A_1444 : vector<16xf32>
        %mul3A_1446 = arith.mulf %div3A_1378, %scan3A_1366#6 : vector<16xf32>
        %add3A_1447 = arith.addf %mul3A_1445, %mul3A_1446 : vector<16xf32>
        %broadcast_in_dim3A_1448 = arith.constant 2 : i32
        %broadcast_in_dim3A_1449 = vector.broadcast %broadcast_in_dim3A_1448 : i32 to vector<16xi32>
        %broadcast_in_dim3A_1450 = arith.constant 0 : i32
        %broadcast_in_dim3A_1451 = vector.broadcast %broadcast_in_dim3A_1450 : i32 to vector<16xi32>
        tpu.vector_store_idx %arg13[%broadcast_in_dim3A_1449, %add3A_1333, %broadcast_in_dim3A_1451], %add3A_1447 : memref<3x640x16xf32, #tpu.memory_space<vmem>>[vector<16xi32>, vector<16xi32>, vector<16xi32>], vector<16xf32>,
        %broadcast_in_dim3A_1452 = arith.constant 7 : i32
        %broadcast_in_dim3A_1453 = vector.broadcast %broadcast_in_dim3A_1452 : i32 to vector<16xi32>
        %gather3A_1454 = tpu.vector_load_idx %arg9[%add3A_1333, %broadcast_in_dim3A_1453] : memref<640x16xf32, #tpu.memory_space<vmem>>[vector<16xi32>, vector<16xi32>], vector<16xf32>,
        %mul3A_1455 = arith.mulf %sub3A_1381, %gather3A_1454 : vector<16xf32>
        %mul3A_1456 = arith.mulf %div3A_1378, %scan3A_1366#7 : vector<16xf32>
        %add3A_1457 = arith.addf %mul3A_1455, %mul3A_1456 : vector<16xf32>
        %broadcast_in_dim3A_1458 = arith.constant 2 : i32
        %broadcast_in_dim3A_1459 = vector.broadcast %broadcast_in_dim3A_1458 : i32 to vector<16xi32>
        %broadcast_in_dim3A_1460 = arith.constant 1 : i32
        %broadcast_in_dim3A_1461 = vector.broadcast %broadcast_in_dim3A_1460 : i32 to vector<16xi32>
        tpu.vector_store_idx %arg13[%broadcast_in_dim3A_1459, %add3A_1333, %broadcast_in_dim3A_1461], %add3A_1457 : memref<3x640x16xf32, #tpu.memory_space<vmem>>[vector<16xi32>, vector<16xi32>, vector<16xi32>], vector<16xf32>,
        %broadcast_in_dim3A_1462 = arith.constant 8 : i32
        %broadcast_in_dim3A_1463 = vector.broadcast %broadcast_in_dim3A_1462 : i32 to vector<16xi32>
        %gather3A_1464 = tpu.vector_load_idx %arg9[%add3A_1333, %broadcast_in_dim3A_1463] : memref<640x16xf32, #tpu.memory_space<vmem>>[vector<16xi32>, vector<16xi32>], vector<16xf32>,
        %mul3A_1465 = arith.mulf %sub3A_1381, %gather3A_1464 : vector<16xf32>
        %mul3A_1466 = arith.mulf %div3A_1378, %scan3A_1366#8 : vector<16xf32>
        %add3A_1467 = arith.addf %mul3A_1465, %mul3A_1466 : vector<16xf32>
        %broadcast_in_dim3A_1468 = arith.constant 2 : i32
        %broadcast_in_dim3A_1469 = vector.broadcast %broadcast_in_dim3A_1468 : i32 to vector<16xi32>
        %broadcast_in_dim3A_1470 = arith.constant 2 : i32
        %broadcast_in_dim3A_1471 = vector.broadcast %broadcast_in_dim3A_1470 : i32 to vector<16xi32>
        tpu.vector_store_idx %arg13[%broadcast_in_dim3A_1469, %add3A_1333, %broadcast_in_dim3A_1471], %add3A_1467 : memref<3x640x16xf32, #tpu.memory_space<vmem>>[vector<16xi32>, vector<16xi32>, vector<16xi32>], vector<16xf32>,
        %add3A_1472 = arith.constant 8 : i32
        %add3A_1473 = arith.addi %add3A_1293, %add3A_1472 : i32
        %lt3A_1474 = arith.constant 40 : i32
        %lt3A_1475 = arith.cmpi slt, %add3A_1473, %lt3A_1474 : i32
        %convert_element_type3A_1476 = arith.extui %lt3A_1475 : i1 to i32
        %cond3A_1477 = arith.constant 0 : i32
        %cond3A_1478 = arith.cmpi ne, %convert_element_type3A_1476, %cond3A_1477 : i32
        scf.if %cond3A_1478 {
          %mul3A_1857 = arith.constant 2 : i32
          %mul3A_1858 = arith.muli %mul3A_1857, %add3A_1293 : i32
          %add3A_1859 = arith.constant 16 : i32
          %add3A_1860 = arith.addi %mul3A_1858, %add3A_1859 : i32
          %mul3A_1861 = arith.constant 128 : i32
          %mul3A_1862 = arith.muli %add3A_1860, %mul3A_1861 : i32
          %dma_start3A_1863 = arith.constant 10 : i32
          %dma_start3A_1864 = arith.constant 10 : i32
          %dma_start3A_1865 = arith.constant 0 : i32
          %dma_start3A_1866 = arith.constant 0 : i32
          %dma_start3A_1867 = tpu.memref_slice %arg12[%dma_start3A_1863, %dma_start3A_1865, %dma_start3A_1866] : memref<16x128x16xf32, #tpu.memory_space<vmem>> -> memref<1x128x16xf32, #tpu.memory_space<vmem>>
          %dma_start3A_1868 = tpu.memref_squeeze %dma_start3A_1867 : memref<1x128x16xf32, #tpu.memory_space<vmem>> -> memref<128x16xf32, #tpu.memory_space<vmem>>
          %dma_start3A_1869 = tpu.memref_slice %arg11[%mul3A_1862] : memref<10240xi32, #tpu.memory_space<vmem>> -> memref<128xi32, #tpu.memory_space<vmem>>
          %dma_start3A_1870 = arith.constant 0 : i32
          %dma_start3A_1871 = arith.constant 0 : i32
          %dma_start3A_1872 = tpu.memref_slice %arg2[%dma_start3A_1870, %dma_start3A_1871] : memref<100000x16xf32, #tpu.memory_space<hbm>> -> memref<100000x16xf32, #tpu.memory_space<hbm>>
          %dma_start3A_1873 = tpu.memref_slice %arg14[%dma_start3A_1864] : memref<20x!tpu.dma_semaphore, #tpu.memory_space<semaphore_mem>> -> memref<1x!tpu.dma_semaphore, #tpu.memory_space<semaphore_mem>>
          %dma_start3A_1874 = tpu.memref_squeeze %dma_start3A_1873 : memref<1x!tpu.dma_semaphore, #tpu.memory_space<semaphore_mem>> -> memref<!tpu.dma_semaphore, #tpu.memory_space<semaphore_mem>>
          tpu.enqueue_indirect_dma source(%dma_start3A_1872 : memref<100000x16xf32, #tpu.memory_space<hbm>>) target(%dma_start3A_1868 : memref<128x16xf32, #tpu.memory_space<vmem>>) offsets(%dma_start3A_1869 : memref<128xi32, #tpu.memory_space<vmem>>) semaphore(%dma_start3A_1874 : memref<!tpu.dma_semaphore, #tpu.memory_space<semaphore_mem>>)
          %mul3A_1875 = arith.constant 2 : i32
          %mul3A_1876 = arith.muli %mul3A_1875, %add3A_1293 : i32
          %add3A_1877 = arith.constant 17 : i32
          %add3A_1878 = arith.addi %mul3A_1876, %add3A_1877 : i32
          %mul3A_1879 = arith.constant 128 : i32
          %mul3A_1880 = arith.muli %add3A_1878, %mul3A_1879 : i32
          %dma_start3A_1881 = arith.constant 11 : i32
          %dma_start3A_1882 = arith.constant 11 : i32
          %dma_start3A_1883 = arith.constant 0 : i32
          %dma_start3A_1884 = arith.constant 0 : i32
          %dma_start3A_1885 = tpu.memref_slice %arg12[%dma_start3A_1881, %dma_start3A_1883, %dma_start3A_1884] : memref<16x128x16xf32, #tpu.memory_space<vmem>> -> memref<1x128x16xf32, #tpu.memory_space<vmem>>
          %dma_start3A_1886 = tpu.memref_squeeze %dma_start3A_1885 : memref<1x128x16xf32, #tpu.memory_space<vmem>> -> memref<128x16xf32, #tpu.memory_space<vmem>>
          %dma_start3A_1887 = tpu.memref_slice %arg11[%mul3A_1880] : memref<10240xi32, #tpu.memory_space<vmem>> -> memref<128xi32, #tpu.memory_space<vmem>>
          %dma_start3A_1888 = arith.constant 0 : i32
          %dma_start3A_1889 = arith.constant 0 : i32
          %dma_start3A_1890 = tpu.memref_slice %arg2[%dma_start3A_1888, %dma_start3A_1889] : memref<100000x16xf32, #tpu.memory_space<hbm>> -> memref<100000x16xf32, #tpu.memory_space<hbm>>
          %dma_start3A_1891 = tpu.memref_slice %arg14[%dma_start3A_1882] : memref<20x!tpu.dma_semaphore, #tpu.memory_space<semaphore_mem>> -> memref<1x!tpu.dma_semaphore, #tpu.memory_space<semaphore_mem>>
          %dma_start3A_1892 = tpu.memref_squeeze %dma_start3A_1891 : memref<1x!tpu.dma_semaphore, #tpu.memory_space<semaphore_mem>> -> memref<!tpu.dma_semaphore, #tpu.memory_space<semaphore_mem>>
          tpu.enqueue_indirect_dma source(%dma_start3A_1890 : memref<100000x16xf32, #tpu.memory_space<hbm>>) target(%dma_start3A_1886 : memref<128x16xf32, #tpu.memory_space<vmem>>) offsets(%dma_start3A_1887 : memref<128xi32, #tpu.memory_space<vmem>>) semaphore(%dma_start3A_1892 : memref<!tpu.dma_semaphore, #tpu.memory_space<semaphore_mem>>)
        } else {
        }
        %mul3A_1479 = arith.constant 8 : i32
        %mul3A_1480 = arith.muli %mul3A_1479, %scan3A_351 : i32
        %add3A_1481 = arith.constant 6 : i32
        %add3A_1482 = arith.addi %mul3A_1480, %add3A_1481 : i32
        %dma_wait3A_1483 = arith.constant 12 : i32
        %dma_wait3A_1484 = arith.constant 12 : i32
        %dma_wait3A_1485 = arith.constant 0 : i32
        %dma_wait3A_1486 = arith.constant 0 : i32
        %dma_wait3A_1487 = tpu.memref_slice %arg12[%dma_wait3A_1483, %dma_wait3A_1485, %dma_wait3A_1486] : memref<16x128x16xf32, #tpu.memory_space<vmem>> -> memref<1x128x16xf32, #tpu.memory_space<vmem>>
        %dma_wait3A_1488 = tpu.memref_squeeze %dma_wait3A_1487 : memref<1x128x16xf32, #tpu.memory_space<vmem>> -> memref<128x16xf32, #tpu.memory_space<vmem>>
        %dma_wait3A_1489 = arith.constant 0 : i32
        %dma_wait3A_1490 = arith.constant 0 : i32
        %dma_wait3A_1491 = tpu.memref_slice %arg2[%dma_wait3A_1489, %dma_wait3A_1490] : memref<100000x16xf32, #tpu.memory_space<hbm>> -> memref<128x16xf32, #tpu.memory_space<hbm>>
        %dma_wait3A_1492 = tpu.memref_slice %arg14[%dma_wait3A_1484] : memref<20x!tpu.dma_semaphore, #tpu.memory_space<semaphore_mem>> -> memref<1x!tpu.dma_semaphore, #tpu.memory_space<semaphore_mem>>
        %dma_wait3A_1493 = tpu.memref_squeeze %dma_wait3A_1492 : memref<1x!tpu.dma_semaphore, #tpu.memory_space<semaphore_mem>> -> memref<!tpu.dma_semaphore, #tpu.memory_space<semaphore_mem>>
        %dma_wait3A_1494 = arith.constant 0 : i32
        %dma_wait3A_1495 = arith.constant 0 : i32
        %dma_wait3A_1496 = tpu.memref_slice %arg12[%dma_wait3A_1483, %dma_wait3A_1494, %dma_wait3A_1495] : memref<16x128x16xf32, #tpu.memory_space<vmem>> -> memref<1x128x16xf32, #tpu.memory_space<vmem>>
        %dma_wait3A_1497 = tpu.memref_squeeze %dma_wait3A_1496 : memref<1x128x16xf32, #tpu.memory_space<vmem>> -> memref<128x16xf32, #tpu.memory_space<vmem>>
        %dma_wait3A_1498 = arith.constant 0 : i32
        %dma_wait3A_1499 = arith.constant 0 : i32
        %dma_wait3A_1500 = tpu.memref_slice %arg2[%dma_wait3A_1498, %dma_wait3A_1499] : memref<100000x16xf32, #tpu.memory_space<hbm>> -> memref<128x16xf32, #tpu.memory_space<hbm>>
        tpu.wait_dma2 semaphore(%dma_wait3A_1493 : memref<!tpu.dma_semaphore, #tpu.memory_space<semaphore_mem>>) src(%dma_wait3A_1500 : memref<128x16xf32, #tpu.memory_space<hbm>>) dst(%dma_wait3A_1497 : memref<128x16xf32, #tpu.memory_space<vmem>>)
        %dma_wait3A_1501 = arith.constant 13 : i32
        %dma_wait3A_1502 = arith.constant 13 : i32
        %dma_wait3A_1503 = arith.constant 0 : i32
        %dma_wait3A_1504 = arith.constant 0 : i32
        %dma_wait3A_1505 = tpu.memref_slice %arg12[%dma_wait3A_1501, %dma_wait3A_1503, %dma_wait3A_1504] : memref<16x128x16xf32, #tpu.memory_space<vmem>> -> memref<1x128x16xf32, #tpu.memory_space<vmem>>
        %dma_wait3A_1506 = tpu.memref_squeeze %dma_wait3A_1505 : memref<1x128x16xf32, #tpu.memory_space<vmem>> -> memref<128x16xf32, #tpu.memory_space<vmem>>
        %dma_wait3A_1507 = arith.constant 0 : i32
        %dma_wait3A_1508 = arith.constant 0 : i32
        %dma_wait3A_1509 = tpu.memref_slice %arg2[%dma_wait3A_1507, %dma_wait3A_1508] : memref<100000x16xf32, #tpu.memory_space<hbm>> -> memref<128x16xf32, #tpu.memory_space<hbm>>
        %dma_wait3A_1510 = tpu.memref_slice %arg14[%dma_wait3A_1502] : memref<20x!tpu.dma_semaphore, #tpu.memory_space<semaphore_mem>> -> memref<1x!tpu.dma_semaphore, #tpu.memory_space<semaphore_mem>>
        %dma_wait3A_1511 = tpu.memref_squeeze %dma_wait3A_1510 : memref<1x!tpu.dma_semaphore, #tpu.memory_space<semaphore_mem>> -> memref<!tpu.dma_semaphore, #tpu.memory_space<semaphore_mem>>
        %dma_wait3A_1512 = arith.constant 0 : i32
        %dma_wait3A_1513 = arith.constant 0 : i32
        %dma_wait3A_1514 = tpu.memref_slice %arg12[%dma_wait3A_1501, %dma_wait3A_1512, %dma_wait3A_1513] : memref<16x128x16xf32, #tpu.memory_space<vmem>> -> memref<1x128x16xf32, #tpu.memory_space<vmem>>
        %dma_wait3A_1515 = tpu.memref_squeeze %dma_wait3A_1514 : memref<1x128x16xf32, #tpu.memory_space<vmem>> -> memref<128x16xf32, #tpu.memory_space<vmem>>
        %dma_wait3A_1516 = arith.constant 0 : i32
        %dma_wait3A_1517 = arith.constant 0 : i32
        %dma_wait3A_1518 = tpu.memref_slice %arg2[%dma_wait3A_1516, %dma_wait3A_1517] : memref<100000x16xf32, #tpu.memory_space<hbm>> -> memref<128x16xf32, #tpu.memory_space<hbm>>
        tpu.wait_dma2 semaphore(%dma_wait3A_1511 : memref<!tpu.dma_semaphore, #tpu.memory_space<semaphore_mem>>) src(%dma_wait3A_1518 : memref<128x16xf32, #tpu.memory_space<hbm>>) dst(%dma_wait3A_1515 : memref<128x16xf32, #tpu.memory_space<vmem>>)
        %mul3A_1519 = arith.constant 16 : i32
        %mul3A_1520 = arith.muli %add3A_1482, %mul3A_1519 : i32
        %add3A_1521 = vector.broadcast %mul3A_1520 : i32 to vector<16xi32>
        %add3A_1522 = arith.addi %add3A_1521, %iota3A : vector<16xi32>
        %broadcast_in_dim3A_1523 = vector.broadcast %rem3A_106 : i32 to vector<16xi32>
        %add3A_1524 = arith.constant 12 : i32
        %add3A_1525 = vector.broadcast %add3A_1524 : i32 to vector<16xi32>
        %add3A_1526 = arith.addi %add3A_1525, %shift_right_arithmetic3A_2 : vector<16xi32>
        %and3A_1527 = arith.constant 7 : i32
        %and3A_1528 = vector.broadcast %and3A_1527 : i32 to vector<16xi32>
        %and3A_1529 = arith.andi %iota3A, %and3A_1528 : vector<16xi32>
        %mul3A_1530 = arith.constant 16 : i32
        %mul3A_1531 = vector.broadcast %mul3A_1530 : i32 to vector<16xi32>
        %mul3A_1532 = arith.muli %and3A_1529, %mul3A_1531 : vector<16xi32>
        %broadcast_in_dim3A_1533 = arith.constant 0.000000e+00 : f32
        %broadcast_in_dim3A_1534 = vector.broadcast %broadcast_in_dim3A_1533 : f32 to vector<16xf32>
        %broadcast_in_dim3A_1535 = arith.constant 0.000000e+00 : f32
        %broadcast_in_dim3A_1536 = vector.broadcast %broadcast_in_dim3A_1535 : f32 to vector<16xf32>
        %broadcast_in_dim3A_1537 = arith.constant 0.000000e+00 : f32
        %broadcast_in_dim3A_1538 = vector.broadcast %broadcast_in_dim3A_1537 : f32 to vector<16xf32>
        %broadcast_in_dim3A_1539 = arith.constant 0.000000e+00 : f32
        %broadcast_in_dim3A_1540 = vector.broadcast %broadcast_in_dim3A_1539 : f32 to vector<16xf32>
        %broadcast_in_dim3A_1541 = arith.constant 0.000000e+00 : f32
        %broadcast_in_dim3A_1542 = vector.broadcast %broadcast_in_dim3A_1541 : f32 to vector<16xf32>
        %broadcast_in_dim3A_1543 = arith.constant 0.000000e+00 : f32
        %broadcast_in_dim3A_1544 = vector.broadcast %broadcast_in_dim3A_1543 : f32 to vector<16xf32>
        %broadcast_in_dim3A_1545 = arith.constant 0.000000e+00 : f32
        %broadcast_in_dim3A_1546 = vector.broadcast %broadcast_in_dim3A_1545 : f32 to vector<16xf32>
        %broadcast_in_dim3A_1547 = arith.constant 0.000000e+00 : f32
        %broadcast_in_dim3A_1548 = vector.broadcast %broadcast_in_dim3A_1547 : f32 to vector<16xf32>
        %broadcast_in_dim3A_1549 = arith.constant 0.000000e+00 : f32
        %broadcast_in_dim3A_1550 = vector.broadcast %broadcast_in_dim3A_1549 : f32 to vector<16xf32>
        %scan3A_1551 = arith.constant 0 : i32
        %scan3A_1552 = arith.constant 16 : i32
        %scan3A_1553 = arith.addi %scan3A_1551, %scan3A_1552 : i32
        %scan3A_1554 = arith.constant 1 : i32
        %scan3A_1555:9 = scf.for %scan3A_1857 = %scan3A_1551 to %scan3A_1553 step %scan3A_1554 iter_args(%scan3A_1858 = %broadcast_in_dim3A_1534, %scan3A_1859 = %broadcast_in_dim3A_1536, %scan3A_1860 = %broadcast_in_dim3A_1538, %scan3A_1861 = %broadcast_in_dim3A_1540, %scan3A_1862 = %broadcast_in_dim3A_1542, %scan3A_1863 = %broadcast_in_dim3A_1544, %scan3A_1864 = %broadcast_in_dim3A_1546, %scan3A_1865 = %broadcast_in_dim3A_1548, %scan3A_1866 = %broadcast_in_dim3A_1550) -> (vector<16xf32>, vector<16xf32>, vector<16xf32>, vector<16xf32>, vector<16xf32>, vector<16xf32>, vector<16xf32>, vector<16xf32>, vector<16xf32>)  : i32 {
          %broadcast_in_dim3A_1867 = vector.broadcast %scan3A_1857 : i32 to vector<16xi32>
          %gather3A_1868 = tpu.vector_load_idx %arg8[%broadcast_in_dim3A_1523, %add3A_1522, %broadcast_in_dim3A_1867] : memref<2x640x16xf32, #tpu.memory_space<vmem>>[vector<16xi32>, vector<16xi32>, vector<16xi32>], vector<16xf32>,
          %add3A_1869 = vector.broadcast %scan3A_1857 : i32 to vector<16xi32>
          %add3A_1870 = arith.addi %mul3A_1532, %add3A_1869 : vector<16xi32>
          %broadcast_in_dim3A_1871 = arith.constant 0 : i32
          %broadcast_in_dim3A_1872 = vector.broadcast %broadcast_in_dim3A_1871 : i32 to vector<16xi32>
          %gather3A_1873 = tpu.vector_load_idx %arg12[%add3A_1526, %add3A_1870, %broadcast_in_dim3A_1872] : memref<16x128x16xf32, #tpu.memory_space<vmem>>[vector<16xi32>, vector<16xi32>, vector<16xi32>], vector<16xf32>,
          %mul3A_1874 = arith.mulf %gather3A_1868, %gather3A_1873 : vector<16xf32>
          %add3A_1875 = arith.addf %scan3A_1858, %mul3A_1874 : vector<16xf32>
          %broadcast_in_dim3A_1876 = arith.constant 1 : i32
          %broadcast_in_dim3A_1877 = vector.broadcast %broadcast_in_dim3A_1876 : i32 to vector<16xi32>
          %gather3A_1878 = tpu.vector_load_idx %arg12[%add3A_1526, %add3A_1870, %broadcast_in_dim3A_1877] : memref<16x128x16xf32, #tpu.memory_space<vmem>>[vector<16xi32>, vector<16xi32>, vector<16xi32>], vector<16xf32>,
          %mul3A_1879 = arith.mulf %gather3A_1868, %gather3A_1878 : vector<16xf32>
          %add3A_1880 = arith.addf %scan3A_1859, %mul3A_1879 : vector<16xf32>
          %broadcast_in_dim3A_1881 = arith.constant 2 : i32
          %broadcast_in_dim3A_1882 = vector.broadcast %broadcast_in_dim3A_1881 : i32 to vector<16xi32>
          %gather3A_1883 = tpu.vector_load_idx %arg12[%add3A_1526, %add3A_1870, %broadcast_in_dim3A_1882] : memref<16x128x16xf32, #tpu.memory_space<vmem>>[vector<16xi32>, vector<16xi32>, vector<16xi32>], vector<16xf32>,
          %mul3A_1884 = arith.mulf %gather3A_1868, %gather3A_1883 : vector<16xf32>
          %add3A_1885 = arith.addf %scan3A_1860, %mul3A_1884 : vector<16xf32>
          %broadcast_in_dim3A_1886 = arith.constant 3 : i32
          %broadcast_in_dim3A_1887 = vector.broadcast %broadcast_in_dim3A_1886 : i32 to vector<16xi32>
          %gather3A_1888 = tpu.vector_load_idx %arg12[%add3A_1526, %add3A_1870, %broadcast_in_dim3A_1887] : memref<16x128x16xf32, #tpu.memory_space<vmem>>[vector<16xi32>, vector<16xi32>, vector<16xi32>], vector<16xf32>,
          %mul3A_1889 = arith.mulf %gather3A_1868, %gather3A_1888 : vector<16xf32>
          %add3A_1890 = arith.addf %scan3A_1861, %mul3A_1889 : vector<16xf32>
          %broadcast_in_dim3A_1891 = arith.constant 4 : i32
          %broadcast_in_dim3A_1892 = vector.broadcast %broadcast_in_dim3A_1891 : i32 to vector<16xi32>
          %gather3A_1893 = tpu.vector_load_idx %arg12[%add3A_1526, %add3A_1870, %broadcast_in_dim3A_1892] : memref<16x128x16xf32, #tpu.memory_space<vmem>>[vector<16xi32>, vector<16xi32>, vector<16xi32>], vector<16xf32>,
          %mul3A_1894 = arith.mulf %gather3A_1868, %gather3A_1893 : vector<16xf32>
          %add3A_1895 = arith.addf %scan3A_1862, %mul3A_1894 : vector<16xf32>
          %broadcast_in_dim3A_1896 = arith.constant 5 : i32
          %broadcast_in_dim3A_1897 = vector.broadcast %broadcast_in_dim3A_1896 : i32 to vector<16xi32>
          %gather3A_1898 = tpu.vector_load_idx %arg12[%add3A_1526, %add3A_1870, %broadcast_in_dim3A_1897] : memref<16x128x16xf32, #tpu.memory_space<vmem>>[vector<16xi32>, vector<16xi32>, vector<16xi32>], vector<16xf32>,
          %mul3A_1899 = arith.mulf %gather3A_1868, %gather3A_1898 : vector<16xf32>
          %add3A_1900 = arith.addf %scan3A_1863, %mul3A_1899 : vector<16xf32>
          %broadcast_in_dim3A_1901 = arith.constant 6 : i32
          %broadcast_in_dim3A_1902 = vector.broadcast %broadcast_in_dim3A_1901 : i32 to vector<16xi32>
          %gather3A_1903 = tpu.vector_load_idx %arg12[%add3A_1526, %add3A_1870, %broadcast_in_dim3A_1902] : memref<16x128x16xf32, #tpu.memory_space<vmem>>[vector<16xi32>, vector<16xi32>, vector<16xi32>], vector<16xf32>,
          %mul3A_1904 = arith.mulf %gather3A_1868, %gather3A_1903 : vector<16xf32>
          %add3A_1905 = arith.addf %scan3A_1864, %mul3A_1904 : vector<16xf32>
          %broadcast_in_dim3A_1906 = arith.constant 7 : i32
          %broadcast_in_dim3A_1907 = vector.broadcast %broadcast_in_dim3A_1906 : i32 to vector<16xi32>
          %gather3A_1908 = tpu.vector_load_idx %arg12[%add3A_1526, %add3A_1870, %broadcast_in_dim3A_1907] : memref<16x128x16xf32, #tpu.memory_space<vmem>>[vector<16xi32>, vector<16xi32>, vector<16xi32>], vector<16xf32>,
          %mul3A_1909 = arith.mulf %gather3A_1868, %gather3A_1908 : vector<16xf32>
          %add3A_1910 = arith.addf %scan3A_1865, %mul3A_1909 : vector<16xf32>
          %broadcast_in_dim3A_1911 = arith.constant 8 : i32
          %broadcast_in_dim3A_1912 = vector.broadcast %broadcast_in_dim3A_1911 : i32 to vector<16xi32>
          %gather3A_1913 = tpu.vector_load_idx %arg12[%add3A_1526, %add3A_1870, %broadcast_in_dim3A_1912] : memref<16x128x16xf32, #tpu.memory_space<vmem>>[vector<16xi32>, vector<16xi32>, vector<16xi32>], vector<16xf32>,
          %mul3A_1914 = arith.mulf %gather3A_1868, %gather3A_1913 : vector<16xf32>
          %add3A_1915 = arith.addf %scan3A_1866, %mul3A_1914 : vector<16xf32>
          scf.yield %add3A_1875, %add3A_1880, %add3A_1885, %add3A_1890, %add3A_1895, %add3A_1900, %add3A_1905, %add3A_1910, %add3A_1915 : vector<16xf32>, vector<16xf32>, vector<16xf32>, vector<16xf32>, vector<16xf32>, vector<16xf32>, vector<16xf32>, vector<16xf32>, vector<16xf32>
        }
        %scan3A_1556 = arith.constant 16 : i32
        %gather3A_1557 = tpu.vector_load_idx %arg10[%broadcast_in_dim3A_1523, %add3A_1522] : memref<2x640xf32, #tpu.memory_space<vmem>>[vector<16xi32>, vector<16xi32>], vector<16xf32>,
        %neg3A_1558 = arith.constant 0.000000e+00 : f32
        %neg3A_1559 = vector.broadcast %neg3A_1558 : f32 to vector<16xf32>
        %neg3A_1560 = arith.subf %neg3A_1559, %gather3A_1557 : vector<16xf32>
        %exp3A_1561 = math.exp %neg3A_1560 : vector<16xf32>
        %add3A_1562 = arith.constant 1.000000e+00 : f32
        %add3A_1563 = vector.broadcast %add3A_1562 : f32 to vector<16xf32>
        %add3A_1564 = arith.addf %add3A_1563, %exp3A_1561 : vector<16xf32>
        %div3A_1565 = arith.constant 1.000000e+00 : f32
        %div3A_1566 = vector.broadcast %div3A_1565 : f32 to vector<16xf32>
        %div3A_1567 = arith.divf %div3A_1566, %add3A_1564 : vector<16xf32>
        %sub3A_1568 = arith.constant 1.000000e+00 : f32
        %sub3A_1569 = vector.broadcast %sub3A_1568 : f32 to vector<16xf32>
        %sub3A_1570 = arith.subf %sub3A_1569, %div3A_1567 : vector<16xf32>
        %broadcast_in_dim3A_1571 = arith.constant 0 : i32
        %broadcast_in_dim3A_1572 = vector.broadcast %broadcast_in_dim3A_1571 : i32 to vector<16xi32>
        %gather3A_1573 = tpu.vector_load_idx %arg9[%add3A_1522, %broadcast_in_dim3A_1572] : memref<640x16xf32, #tpu.memory_space<vmem>>[vector<16xi32>, vector<16xi32>], vector<16xf32>,
        %mul3A_1574 = arith.mulf %sub3A_1570, %gather3A_1573 : vector<16xf32>
        %mul3A_1575 = arith.mulf %div3A_1567, %scan3A_1555#0 : vector<16xf32>
        %add3A_1576 = arith.addf %mul3A_1574, %mul3A_1575 : vector<16xf32>
        %broadcast_in_dim3A_1577 = arith.constant 0 : i32
        %broadcast_in_dim3A_1578 = vector.broadcast %broadcast_in_dim3A_1577 : i32 to vector<16xi32>
        %broadcast_in_dim3A_1579 = arith.constant 0 : i32
        %broadcast_in_dim3A_1580 = vector.broadcast %broadcast_in_dim3A_1579 : i32 to vector<16xi32>
        tpu.vector_store_idx %arg13[%broadcast_in_dim3A_1578, %add3A_1522, %broadcast_in_dim3A_1580], %add3A_1576 : memref<3x640x16xf32, #tpu.memory_space<vmem>>[vector<16xi32>, vector<16xi32>, vector<16xi32>], vector<16xf32>,
        %broadcast_in_dim3A_1581 = arith.constant 1 : i32
        %broadcast_in_dim3A_1582 = vector.broadcast %broadcast_in_dim3A_1581 : i32 to vector<16xi32>
        %gather3A_1583 = tpu.vector_load_idx %arg9[%add3A_1522, %broadcast_in_dim3A_1582] : memref<640x16xf32, #tpu.memory_space<vmem>>[vector<16xi32>, vector<16xi32>], vector<16xf32>,
        %mul3A_1584 = arith.mulf %sub3A_1570, %gather3A_1583 : vector<16xf32>
        %mul3A_1585 = arith.mulf %div3A_1567, %scan3A_1555#1 : vector<16xf32>
        %add3A_1586 = arith.addf %mul3A_1584, %mul3A_1585 : vector<16xf32>
        %broadcast_in_dim3A_1587 = arith.constant 0 : i32
        %broadcast_in_dim3A_1588 = vector.broadcast %broadcast_in_dim3A_1587 : i32 to vector<16xi32>
        %broadcast_in_dim3A_1589 = arith.constant 1 : i32
        %broadcast_in_dim3A_1590 = vector.broadcast %broadcast_in_dim3A_1589 : i32 to vector<16xi32>
        tpu.vector_store_idx %arg13[%broadcast_in_dim3A_1588, %add3A_1522, %broadcast_in_dim3A_1590], %add3A_1586 : memref<3x640x16xf32, #tpu.memory_space<vmem>>[vector<16xi32>, vector<16xi32>, vector<16xi32>], vector<16xf32>,
        %broadcast_in_dim3A_1591 = arith.constant 2 : i32
        %broadcast_in_dim3A_1592 = vector.broadcast %broadcast_in_dim3A_1591 : i32 to vector<16xi32>
        %gather3A_1593 = tpu.vector_load_idx %arg9[%add3A_1522, %broadcast_in_dim3A_1592] : memref<640x16xf32, #tpu.memory_space<vmem>>[vector<16xi32>, vector<16xi32>], vector<16xf32>,
        %mul3A_1594 = arith.mulf %sub3A_1570, %gather3A_1593 : vector<16xf32>
        %mul3A_1595 = arith.mulf %div3A_1567, %scan3A_1555#2 : vector<16xf32>
        %add3A_1596 = arith.addf %mul3A_1594, %mul3A_1595 : vector<16xf32>
        %broadcast_in_dim3A_1597 = arith.constant 0 : i32
        %broadcast_in_dim3A_1598 = vector.broadcast %broadcast_in_dim3A_1597 : i32 to vector<16xi32>
        %broadcast_in_dim3A_1599 = arith.constant 2 : i32
        %broadcast_in_dim3A_1600 = vector.broadcast %broadcast_in_dim3A_1599 : i32 to vector<16xi32>
        tpu.vector_store_idx %arg13[%broadcast_in_dim3A_1598, %add3A_1522, %broadcast_in_dim3A_1600], %add3A_1596 : memref<3x640x16xf32, #tpu.memory_space<vmem>>[vector<16xi32>, vector<16xi32>, vector<16xi32>], vector<16xf32>,
        %broadcast_in_dim3A_1601 = arith.constant 3 : i32
        %broadcast_in_dim3A_1602 = vector.broadcast %broadcast_in_dim3A_1601 : i32 to vector<16xi32>
        %gather3A_1603 = tpu.vector_load_idx %arg9[%add3A_1522, %broadcast_in_dim3A_1602] : memref<640x16xf32, #tpu.memory_space<vmem>>[vector<16xi32>, vector<16xi32>], vector<16xf32>,
        %mul3A_1604 = arith.mulf %sub3A_1570, %gather3A_1603 : vector<16xf32>
        %mul3A_1605 = arith.mulf %div3A_1567, %scan3A_1555#3 : vector<16xf32>
        %add3A_1606 = arith.addf %mul3A_1604, %mul3A_1605 : vector<16xf32>
        %broadcast_in_dim3A_1607 = arith.constant 1 : i32
        %broadcast_in_dim3A_1608 = vector.broadcast %broadcast_in_dim3A_1607 : i32 to vector<16xi32>
        %broadcast_in_dim3A_1609 = arith.constant 0 : i32
        %broadcast_in_dim3A_1610 = vector.broadcast %broadcast_in_dim3A_1609 : i32 to vector<16xi32>
        tpu.vector_store_idx %arg13[%broadcast_in_dim3A_1608, %add3A_1522, %broadcast_in_dim3A_1610], %add3A_1606 : memref<3x640x16xf32, #tpu.memory_space<vmem>>[vector<16xi32>, vector<16xi32>, vector<16xi32>], vector<16xf32>,
        %broadcast_in_dim3A_1611 = arith.constant 4 : i32
        %broadcast_in_dim3A_1612 = vector.broadcast %broadcast_in_dim3A_1611 : i32 to vector<16xi32>
        %gather3A_1613 = tpu.vector_load_idx %arg9[%add3A_1522, %broadcast_in_dim3A_1612] : memref<640x16xf32, #tpu.memory_space<vmem>>[vector<16xi32>, vector<16xi32>], vector<16xf32>,
        %mul3A_1614 = arith.mulf %sub3A_1570, %gather3A_1613 : vector<16xf32>
        %mul3A_1615 = arith.mulf %div3A_1567, %scan3A_1555#4 : vector<16xf32>
        %add3A_1616 = arith.addf %mul3A_1614, %mul3A_1615 : vector<16xf32>
        %broadcast_in_dim3A_1617 = arith.constant 1 : i32
        %broadcast_in_dim3A_1618 = vector.broadcast %broadcast_in_dim3A_1617 : i32 to vector<16xi32>
        %broadcast_in_dim3A_1619 = arith.constant 1 : i32
        %broadcast_in_dim3A_1620 = vector.broadcast %broadcast_in_dim3A_1619 : i32 to vector<16xi32>
        tpu.vector_store_idx %arg13[%broadcast_in_dim3A_1618, %add3A_1522, %broadcast_in_dim3A_1620], %add3A_1616 : memref<3x640x16xf32, #tpu.memory_space<vmem>>[vector<16xi32>, vector<16xi32>, vector<16xi32>], vector<16xf32>,
        %broadcast_in_dim3A_1621 = arith.constant 5 : i32
        %broadcast_in_dim3A_1622 = vector.broadcast %broadcast_in_dim3A_1621 : i32 to vector<16xi32>
        %gather3A_1623 = tpu.vector_load_idx %arg9[%add3A_1522, %broadcast_in_dim3A_1622] : memref<640x16xf32, #tpu.memory_space<vmem>>[vector<16xi32>, vector<16xi32>], vector<16xf32>,
        %mul3A_1624 = arith.mulf %sub3A_1570, %gather3A_1623 : vector<16xf32>
        %mul3A_1625 = arith.mulf %div3A_1567, %scan3A_1555#5 : vector<16xf32>
        %add3A_1626 = arith.addf %mul3A_1624, %mul3A_1625 : vector<16xf32>
        %broadcast_in_dim3A_1627 = arith.constant 1 : i32
        %broadcast_in_dim3A_1628 = vector.broadcast %broadcast_in_dim3A_1627 : i32 to vector<16xi32>
        %broadcast_in_dim3A_1629 = arith.constant 2 : i32
        %broadcast_in_dim3A_1630 = vector.broadcast %broadcast_in_dim3A_1629 : i32 to vector<16xi32>
        tpu.vector_store_idx %arg13[%broadcast_in_dim3A_1628, %add3A_1522, %broadcast_in_dim3A_1630], %add3A_1626 : memref<3x640x16xf32, #tpu.memory_space<vmem>>[vector<16xi32>, vector<16xi32>, vector<16xi32>], vector<16xf32>,
        %broadcast_in_dim3A_1631 = arith.constant 6 : i32
        %broadcast_in_dim3A_1632 = vector.broadcast %broadcast_in_dim3A_1631 : i32 to vector<16xi32>
        %gather3A_1633 = tpu.vector_load_idx %arg9[%add3A_1522, %broadcast_in_dim3A_1632] : memref<640x16xf32, #tpu.memory_space<vmem>>[vector<16xi32>, vector<16xi32>], vector<16xf32>,
        %mul3A_1634 = arith.mulf %sub3A_1570, %gather3A_1633 : vector<16xf32>
        %mul3A_1635 = arith.mulf %div3A_1567, %scan3A_1555#6 : vector<16xf32>
        %add3A_1636 = arith.addf %mul3A_1634, %mul3A_1635 : vector<16xf32>
        %broadcast_in_dim3A_1637 = arith.constant 2 : i32
        %broadcast_in_dim3A_1638 = vector.broadcast %broadcast_in_dim3A_1637 : i32 to vector<16xi32>
        %broadcast_in_dim3A_1639 = arith.constant 0 : i32
        %broadcast_in_dim3A_1640 = vector.broadcast %broadcast_in_dim3A_1639 : i32 to vector<16xi32>
        tpu.vector_store_idx %arg13[%broadcast_in_dim3A_1638, %add3A_1522, %broadcast_in_dim3A_1640], %add3A_1636 : memref<3x640x16xf32, #tpu.memory_space<vmem>>[vector<16xi32>, vector<16xi32>, vector<16xi32>], vector<16xf32>,
        %broadcast_in_dim3A_1641 = arith.constant 7 : i32
        %broadcast_in_dim3A_1642 = vector.broadcast %broadcast_in_dim3A_1641 : i32 to vector<16xi32>
        %gather3A_1643 = tpu.vector_load_idx %arg9[%add3A_1522, %broadcast_in_dim3A_1642] : memref<640x16xf32, #tpu.memory_space<vmem>>[vector<16xi32>, vector<16xi32>], vector<16xf32>,
        %mul3A_1644 = arith.mulf %sub3A_1570, %gather3A_1643 : vector<16xf32>
        %mul3A_1645 = arith.mulf %div3A_1567, %scan3A_1555#7 : vector<16xf32>
        %add3A_1646 = arith.addf %mul3A_1644, %mul3A_1645 : vector<16xf32>
        %broadcast_in_dim3A_1647 = arith.constant 2 : i32
        %broadcast_in_dim3A_1648 = vector.broadcast %broadcast_in_dim3A_1647 : i32 to vector<16xi32>
        %broadcast_in_dim3A_1649 = arith.constant 1 : i32
        %broadcast_in_dim3A_1650 = vector.broadcast %broadcast_in_dim3A_1649 : i32 to vector<16xi32>
        tpu.vector_store_idx %arg13[%broadcast_in_dim3A_1648, %add3A_1522, %broadcast_in_dim3A_1650], %add3A_1646 : memref<3x640x16xf32, #tpu.memory_space<vmem>>[vector<16xi32>, vector<16xi32>, vector<16xi32>], vector<16xf32>,
        %broadcast_in_dim3A_1651 = arith.constant 8 : i32
        %broadcast_in_dim3A_1652 = vector.broadcast %broadcast_in_dim3A_1651 : i32 to vector<16xi32>
        %gather3A_1653 = tpu.vector_load_idx %arg9[%add3A_1522, %broadcast_in_dim3A_1652] : memref<640x16xf32, #tpu.memory_space<vmem>>[vector<16xi32>, vector<16xi32>], vector<16xf32>,
        %mul3A_1654 = arith.mulf %sub3A_1570, %gather3A_1653 : vector<16xf32>
        %mul3A_1655 = arith.mulf %div3A_1567, %scan3A_1555#8 : vector<16xf32>
        %add3A_1656 = arith.addf %mul3A_1654, %mul3A_1655 : vector<16xf32>
        %broadcast_in_dim3A_1657 = arith.constant 2 : i32
        %broadcast_in_dim3A_1658 = vector.broadcast %broadcast_in_dim3A_1657 : i32 to vector<16xi32>
        %broadcast_in_dim3A_1659 = arith.constant 2 : i32
        %broadcast_in_dim3A_1660 = vector.broadcast %broadcast_in_dim3A_1659 : i32 to vector<16xi32>
        tpu.vector_store_idx %arg13[%broadcast_in_dim3A_1658, %add3A_1522, %broadcast_in_dim3A_1660], %add3A_1656 : memref<3x640x16xf32, #tpu.memory_space<vmem>>[vector<16xi32>, vector<16xi32>, vector<16xi32>], vector<16xf32>,
        %add3A_1661 = arith.constant 8 : i32
        %add3A_1662 = arith.addi %add3A_1482, %add3A_1661 : i32
        %lt3A_1663 = arith.constant 40 : i32
        %lt3A_1664 = arith.cmpi slt, %add3A_1662, %lt3A_1663 : i32
        %convert_element_type3A_1665 = arith.extui %lt3A_1664 : i1 to i32
        %cond3A_1666 = arith.constant 0 : i32
        %cond3A_1667 = arith.cmpi ne, %convert_element_type3A_1665, %cond3A_1666 : i32
        scf.if %cond3A_1667 {
          %mul3A_1857 = arith.constant 2 : i32
          %mul3A_1858 = arith.muli %mul3A_1857, %add3A_1482 : i32
          %add3A_1859 = arith.constant 16 : i32
          %add3A_1860 = arith.addi %mul3A_1858, %add3A_1859 : i32
          %mul3A_1861 = arith.constant 128 : i32
          %mul3A_1862 = arith.muli %add3A_1860, %mul3A_1861 : i32
          %dma_start3A_1863 = arith.constant 12 : i32
          %dma_start3A_1864 = arith.constant 12 : i32
          %dma_start3A_1865 = arith.constant 0 : i32
          %dma_start3A_1866 = arith.constant 0 : i32
          %dma_start3A_1867 = tpu.memref_slice %arg12[%dma_start3A_1863, %dma_start3A_1865, %dma_start3A_1866] : memref<16x128x16xf32, #tpu.memory_space<vmem>> -> memref<1x128x16xf32, #tpu.memory_space<vmem>>
          %dma_start3A_1868 = tpu.memref_squeeze %dma_start3A_1867 : memref<1x128x16xf32, #tpu.memory_space<vmem>> -> memref<128x16xf32, #tpu.memory_space<vmem>>
          %dma_start3A_1869 = tpu.memref_slice %arg11[%mul3A_1862] : memref<10240xi32, #tpu.memory_space<vmem>> -> memref<128xi32, #tpu.memory_space<vmem>>
          %dma_start3A_1870 = arith.constant 0 : i32
          %dma_start3A_1871 = arith.constant 0 : i32
          %dma_start3A_1872 = tpu.memref_slice %arg2[%dma_start3A_1870, %dma_start3A_1871] : memref<100000x16xf32, #tpu.memory_space<hbm>> -> memref<100000x16xf32, #tpu.memory_space<hbm>>
          %dma_start3A_1873 = tpu.memref_slice %arg14[%dma_start3A_1864] : memref<20x!tpu.dma_semaphore, #tpu.memory_space<semaphore_mem>> -> memref<1x!tpu.dma_semaphore, #tpu.memory_space<semaphore_mem>>
          %dma_start3A_1874 = tpu.memref_squeeze %dma_start3A_1873 : memref<1x!tpu.dma_semaphore, #tpu.memory_space<semaphore_mem>> -> memref<!tpu.dma_semaphore, #tpu.memory_space<semaphore_mem>>
          tpu.enqueue_indirect_dma source(%dma_start3A_1872 : memref<100000x16xf32, #tpu.memory_space<hbm>>) target(%dma_start3A_1868 : memref<128x16xf32, #tpu.memory_space<vmem>>) offsets(%dma_start3A_1869 : memref<128xi32, #tpu.memory_space<vmem>>) semaphore(%dma_start3A_1874 : memref<!tpu.dma_semaphore, #tpu.memory_space<semaphore_mem>>)
          %mul3A_1875 = arith.constant 2 : i32
          %mul3A_1876 = arith.muli %mul3A_1875, %add3A_1482 : i32
          %add3A_1877 = arith.constant 17 : i32
          %add3A_1878 = arith.addi %mul3A_1876, %add3A_1877 : i32
          %mul3A_1879 = arith.constant 128 : i32
          %mul3A_1880 = arith.muli %add3A_1878, %mul3A_1879 : i32
          %dma_start3A_1881 = arith.constant 13 : i32
          %dma_start3A_1882 = arith.constant 13 : i32
          %dma_start3A_1883 = arith.constant 0 : i32
          %dma_start3A_1884 = arith.constant 0 : i32
          %dma_start3A_1885 = tpu.memref_slice %arg12[%dma_start3A_1881, %dma_start3A_1883, %dma_start3A_1884] : memref<16x128x16xf32, #tpu.memory_space<vmem>> -> memref<1x128x16xf32, #tpu.memory_space<vmem>>
          %dma_start3A_1886 = tpu.memref_squeeze %dma_start3A_1885 : memref<1x128x16xf32, #tpu.memory_space<vmem>> -> memref<128x16xf32, #tpu.memory_space<vmem>>
          %dma_start3A_1887 = tpu.memref_slice %arg11[%mul3A_1880] : memref<10240xi32, #tpu.memory_space<vmem>> -> memref<128xi32, #tpu.memory_space<vmem>>
          %dma_start3A_1888 = arith.constant 0 : i32
          %dma_start3A_1889 = arith.constant 0 : i32
          %dma_start3A_1890 = tpu.memref_slice %arg2[%dma_start3A_1888, %dma_start3A_1889] : memref<100000x16xf32, #tpu.memory_space<hbm>> -> memref<100000x16xf32, #tpu.memory_space<hbm>>
          %dma_start3A_1891 = tpu.memref_slice %arg14[%dma_start3A_1882] : memref<20x!tpu.dma_semaphore, #tpu.memory_space<semaphore_mem>> -> memref<1x!tpu.dma_semaphore, #tpu.memory_space<semaphore_mem>>
          %dma_start3A_1892 = tpu.memref_squeeze %dma_start3A_1891 : memref<1x!tpu.dma_semaphore, #tpu.memory_space<semaphore_mem>> -> memref<!tpu.dma_semaphore, #tpu.memory_space<semaphore_mem>>
          tpu.enqueue_indirect_dma source(%dma_start3A_1890 : memref<100000x16xf32, #tpu.memory_space<hbm>>) target(%dma_start3A_1886 : memref<128x16xf32, #tpu.memory_space<vmem>>) offsets(%dma_start3A_1887 : memref<128xi32, #tpu.memory_space<vmem>>) semaphore(%dma_start3A_1892 : memref<!tpu.dma_semaphore, #tpu.memory_space<semaphore_mem>>)
        } else {
        }
        %mul3A_1668 = arith.constant 8 : i32
        %mul3A_1669 = arith.muli %mul3A_1668, %scan3A_351 : i32
        %add3A_1670 = arith.constant 7 : i32
        %add3A_1671 = arith.addi %mul3A_1669, %add3A_1670 : i32
        %dma_wait3A_1672 = arith.constant 14 : i32
        %dma_wait3A_1673 = arith.constant 14 : i32
        %dma_wait3A_1674 = arith.constant 0 : i32
        %dma_wait3A_1675 = arith.constant 0 : i32
        %dma_wait3A_1676 = tpu.memref_slice %arg12[%dma_wait3A_1672, %dma_wait3A_1674, %dma_wait3A_1675] : memref<16x128x16xf32, #tpu.memory_space<vmem>> -> memref<1x128x16xf32, #tpu.memory_space<vmem>>
        %dma_wait3A_1677 = tpu.memref_squeeze %dma_wait3A_1676 : memref<1x128x16xf32, #tpu.memory_space<vmem>> -> memref<128x16xf32, #tpu.memory_space<vmem>>
        %dma_wait3A_1678 = arith.constant 0 : i32
        %dma_wait3A_1679 = arith.constant 0 : i32
        %dma_wait3A_1680 = tpu.memref_slice %arg2[%dma_wait3A_1678, %dma_wait3A_1679] : memref<100000x16xf32, #tpu.memory_space<hbm>> -> memref<128x16xf32, #tpu.memory_space<hbm>>
        %dma_wait3A_1681 = tpu.memref_slice %arg14[%dma_wait3A_1673] : memref<20x!tpu.dma_semaphore, #tpu.memory_space<semaphore_mem>> -> memref<1x!tpu.dma_semaphore, #tpu.memory_space<semaphore_mem>>
        %dma_wait3A_1682 = tpu.memref_squeeze %dma_wait3A_1681 : memref<1x!tpu.dma_semaphore, #tpu.memory_space<semaphore_mem>> -> memref<!tpu.dma_semaphore, #tpu.memory_space<semaphore_mem>>
        %dma_wait3A_1683 = arith.constant 0 : i32
        %dma_wait3A_1684 = arith.constant 0 : i32
        %dma_wait3A_1685 = tpu.memref_slice %arg12[%dma_wait3A_1672, %dma_wait3A_1683, %dma_wait3A_1684] : memref<16x128x16xf32, #tpu.memory_space<vmem>> -> memref<1x128x16xf32, #tpu.memory_space<vmem>>
        %dma_wait3A_1686 = tpu.memref_squeeze %dma_wait3A_1685 : memref<1x128x16xf32, #tpu.memory_space<vmem>> -> memref<128x16xf32, #tpu.memory_space<vmem>>
        %dma_wait3A_1687 = arith.constant 0 : i32
        %dma_wait3A_1688 = arith.constant 0 : i32
        %dma_wait3A_1689 = tpu.memref_slice %arg2[%dma_wait3A_1687, %dma_wait3A_1688] : memref<100000x16xf32, #tpu.memory_space<hbm>> -> memref<128x16xf32, #tpu.memory_space<hbm>>
        tpu.wait_dma2 semaphore(%dma_wait3A_1682 : memref<!tpu.dma_semaphore, #tpu.memory_space<semaphore_mem>>) src(%dma_wait3A_1689 : memref<128x16xf32, #tpu.memory_space<hbm>>) dst(%dma_wait3A_1686 : memref<128x16xf32, #tpu.memory_space<vmem>>)
        %dma_wait3A_1690 = arith.constant 15 : i32
        %dma_wait3A_1691 = arith.constant 15 : i32
        %dma_wait3A_1692 = arith.constant 0 : i32
        %dma_wait3A_1693 = arith.constant 0 : i32
        %dma_wait3A_1694 = tpu.memref_slice %arg12[%dma_wait3A_1690, %dma_wait3A_1692, %dma_wait3A_1693] : memref<16x128x16xf32, #tpu.memory_space<vmem>> -> memref<1x128x16xf32, #tpu.memory_space<vmem>>
        %dma_wait3A_1695 = tpu.memref_squeeze %dma_wait3A_1694 : memref<1x128x16xf32, #tpu.memory_space<vmem>> -> memref<128x16xf32, #tpu.memory_space<vmem>>
        %dma_wait3A_1696 = arith.constant 0 : i32
        %dma_wait3A_1697 = arith.constant 0 : i32
        %dma_wait3A_1698 = tpu.memref_slice %arg2[%dma_wait3A_1696, %dma_wait3A_1697] : memref<100000x16xf32, #tpu.memory_space<hbm>> -> memref<128x16xf32, #tpu.memory_space<hbm>>
        %dma_wait3A_1699 = tpu.memref_slice %arg14[%dma_wait3A_1691] : memref<20x!tpu.dma_semaphore, #tpu.memory_space<semaphore_mem>> -> memref<1x!tpu.dma_semaphore, #tpu.memory_space<semaphore_mem>>
        %dma_wait3A_1700 = tpu.memref_squeeze %dma_wait3A_1699 : memref<1x!tpu.dma_semaphore, #tpu.memory_space<semaphore_mem>> -> memref<!tpu.dma_semaphore, #tpu.memory_space<semaphore_mem>>
        %dma_wait3A_1701 = arith.constant 0 : i32
        %dma_wait3A_1702 = arith.constant 0 : i32
        %dma_wait3A_1703 = tpu.memref_slice %arg12[%dma_wait3A_1690, %dma_wait3A_1701, %dma_wait3A_1702] : memref<16x128x16xf32, #tpu.memory_space<vmem>> -> memref<1x128x16xf32, #tpu.memory_space<vmem>>
        %dma_wait3A_1704 = tpu.memref_squeeze %dma_wait3A_1703 : memref<1x128x16xf32, #tpu.memory_space<vmem>> -> memref<128x16xf32, #tpu.memory_space<vmem>>
        %dma_wait3A_1705 = arith.constant 0 : i32
        %dma_wait3A_1706 = arith.constant 0 : i32
        %dma_wait3A_1707 = tpu.memref_slice %arg2[%dma_wait3A_1705, %dma_wait3A_1706] : memref<100000x16xf32, #tpu.memory_space<hbm>> -> memref<128x16xf32, #tpu.memory_space<hbm>>
        tpu.wait_dma2 semaphore(%dma_wait3A_1700 : memref<!tpu.dma_semaphore, #tpu.memory_space<semaphore_mem>>) src(%dma_wait3A_1707 : memref<128x16xf32, #tpu.memory_space<hbm>>) dst(%dma_wait3A_1704 : memref<128x16xf32, #tpu.memory_space<vmem>>)
        %mul3A_1708 = arith.constant 16 : i32
        %mul3A_1709 = arith.muli %add3A_1671, %mul3A_1708 : i32
        %add3A_1710 = vector.broadcast %mul3A_1709 : i32 to vector<16xi32>
        %add3A_1711 = arith.addi %add3A_1710, %iota3A : vector<16xi32>
        %broadcast_in_dim3A_1712 = vector.broadcast %rem3A_106 : i32 to vector<16xi32>
        %add3A_1713 = arith.constant 14 : i32
        %add3A_1714 = vector.broadcast %add3A_1713 : i32 to vector<16xi32>
        %add3A_1715 = arith.addi %add3A_1714, %shift_right_arithmetic3A_2 : vector<16xi32>
        %and3A_1716 = arith.constant 7 : i32
        %and3A_1717 = vector.broadcast %and3A_1716 : i32 to vector<16xi32>
        %and3A_1718 = arith.andi %iota3A, %and3A_1717 : vector<16xi32>
        %mul3A_1719 = arith.constant 16 : i32
        %mul3A_1720 = vector.broadcast %mul3A_1719 : i32 to vector<16xi32>
        %mul3A_1721 = arith.muli %and3A_1718, %mul3A_1720 : vector<16xi32>
        %broadcast_in_dim3A_1722 = arith.constant 0.000000e+00 : f32
        %broadcast_in_dim3A_1723 = vector.broadcast %broadcast_in_dim3A_1722 : f32 to vector<16xf32>
        %broadcast_in_dim3A_1724 = arith.constant 0.000000e+00 : f32
        %broadcast_in_dim3A_1725 = vector.broadcast %broadcast_in_dim3A_1724 : f32 to vector<16xf32>
        %broadcast_in_dim3A_1726 = arith.constant 0.000000e+00 : f32
        %broadcast_in_dim3A_1727 = vector.broadcast %broadcast_in_dim3A_1726 : f32 to vector<16xf32>
        %broadcast_in_dim3A_1728 = arith.constant 0.000000e+00 : f32
        %broadcast_in_dim3A_1729 = vector.broadcast %broadcast_in_dim3A_1728 : f32 to vector<16xf32>
        %broadcast_in_dim3A_1730 = arith.constant 0.000000e+00 : f32
        %broadcast_in_dim3A_1731 = vector.broadcast %broadcast_in_dim3A_1730 : f32 to vector<16xf32>
        %broadcast_in_dim3A_1732 = arith.constant 0.000000e+00 : f32
        %broadcast_in_dim3A_1733 = vector.broadcast %broadcast_in_dim3A_1732 : f32 to vector<16xf32>
        %broadcast_in_dim3A_1734 = arith.constant 0.000000e+00 : f32
        %broadcast_in_dim3A_1735 = vector.broadcast %broadcast_in_dim3A_1734 : f32 to vector<16xf32>
        %broadcast_in_dim3A_1736 = arith.constant 0.000000e+00 : f32
        %broadcast_in_dim3A_1737 = vector.broadcast %broadcast_in_dim3A_1736 : f32 to vector<16xf32>
        %broadcast_in_dim3A_1738 = arith.constant 0.000000e+00 : f32
        %broadcast_in_dim3A_1739 = vector.broadcast %broadcast_in_dim3A_1738 : f32 to vector<16xf32>
        %scan3A_1740 = arith.constant 0 : i32
        %scan3A_1741 = arith.constant 16 : i32
        %scan3A_1742 = arith.addi %scan3A_1740, %scan3A_1741 : i32
        %scan3A_1743 = arith.constant 1 : i32
        %scan3A_1744:9 = scf.for %scan3A_1857 = %scan3A_1740 to %scan3A_1742 step %scan3A_1743 iter_args(%scan3A_1858 = %broadcast_in_dim3A_1723, %scan3A_1859 = %broadcast_in_dim3A_1725, %scan3A_1860 = %broadcast_in_dim3A_1727, %scan3A_1861 = %broadcast_in_dim3A_1729, %scan3A_1862 = %broadcast_in_dim3A_1731, %scan3A_1863 = %broadcast_in_dim3A_1733, %scan3A_1864 = %broadcast_in_dim3A_1735, %scan3A_1865 = %broadcast_in_dim3A_1737, %scan3A_1866 = %broadcast_in_dim3A_1739) -> (vector<16xf32>, vector<16xf32>, vector<16xf32>, vector<16xf32>, vector<16xf32>, vector<16xf32>, vector<16xf32>, vector<16xf32>, vector<16xf32>)  : i32 {
          %broadcast_in_dim3A_1867 = vector.broadcast %scan3A_1857 : i32 to vector<16xi32>
          %gather3A_1868 = tpu.vector_load_idx %arg8[%broadcast_in_dim3A_1712, %add3A_1711, %broadcast_in_dim3A_1867] : memref<2x640x16xf32, #tpu.memory_space<vmem>>[vector<16xi32>, vector<16xi32>, vector<16xi32>], vector<16xf32>,
          %add3A_1869 = vector.broadcast %scan3A_1857 : i32 to vector<16xi32>
          %add3A_1870 = arith.addi %mul3A_1721, %add3A_1869 : vector<16xi32>
          %broadcast_in_dim3A_1871 = arith.constant 0 : i32
          %broadcast_in_dim3A_1872 = vector.broadcast %broadcast_in_dim3A_1871 : i32 to vector<16xi32>
          %gather3A_1873 = tpu.vector_load_idx %arg12[%add3A_1715, %add3A_1870, %broadcast_in_dim3A_1872] : memref<16x128x16xf32, #tpu.memory_space<vmem>>[vector<16xi32>, vector<16xi32>, vector<16xi32>], vector<16xf32>,
          %mul3A_1874 = arith.mulf %gather3A_1868, %gather3A_1873 : vector<16xf32>
          %add3A_1875 = arith.addf %scan3A_1858, %mul3A_1874 : vector<16xf32>
          %broadcast_in_dim3A_1876 = arith.constant 1 : i32
          %broadcast_in_dim3A_1877 = vector.broadcast %broadcast_in_dim3A_1876 : i32 to vector<16xi32>
          %gather3A_1878 = tpu.vector_load_idx %arg12[%add3A_1715, %add3A_1870, %broadcast_in_dim3A_1877] : memref<16x128x16xf32, #tpu.memory_space<vmem>>[vector<16xi32>, vector<16xi32>, vector<16xi32>], vector<16xf32>,
          %mul3A_1879 = arith.mulf %gather3A_1868, %gather3A_1878 : vector<16xf32>
          %add3A_1880 = arith.addf %scan3A_1859, %mul3A_1879 : vector<16xf32>
          %broadcast_in_dim3A_1881 = arith.constant 2 : i32
          %broadcast_in_dim3A_1882 = vector.broadcast %broadcast_in_dim3A_1881 : i32 to vector<16xi32>
          %gather3A_1883 = tpu.vector_load_idx %arg12[%add3A_1715, %add3A_1870, %broadcast_in_dim3A_1882] : memref<16x128x16xf32, #tpu.memory_space<vmem>>[vector<16xi32>, vector<16xi32>, vector<16xi32>], vector<16xf32>,
          %mul3A_1884 = arith.mulf %gather3A_1868, %gather3A_1883 : vector<16xf32>
          %add3A_1885 = arith.addf %scan3A_1860, %mul3A_1884 : vector<16xf32>
          %broadcast_in_dim3A_1886 = arith.constant 3 : i32
          %broadcast_in_dim3A_1887 = vector.broadcast %broadcast_in_dim3A_1886 : i32 to vector<16xi32>
          %gather3A_1888 = tpu.vector_load_idx %arg12[%add3A_1715, %add3A_1870, %broadcast_in_dim3A_1887] : memref<16x128x16xf32, #tpu.memory_space<vmem>>[vector<16xi32>, vector<16xi32>, vector<16xi32>], vector<16xf32>,
          %mul3A_1889 = arith.mulf %gather3A_1868, %gather3A_1888 : vector<16xf32>
          %add3A_1890 = arith.addf %scan3A_1861, %mul3A_1889 : vector<16xf32>
          %broadcast_in_dim3A_1891 = arith.constant 4 : i32
          %broadcast_in_dim3A_1892 = vector.broadcast %broadcast_in_dim3A_1891 : i32 to vector<16xi32>
          %gather3A_1893 = tpu.vector_load_idx %arg12[%add3A_1715, %add3A_1870, %broadcast_in_dim3A_1892] : memref<16x128x16xf32, #tpu.memory_space<vmem>>[vector<16xi32>, vector<16xi32>, vector<16xi32>], vector<16xf32>,
          %mul3A_1894 = arith.mulf %gather3A_1868, %gather3A_1893 : vector<16xf32>
          %add3A_1895 = arith.addf %scan3A_1862, %mul3A_1894 : vector<16xf32>
          %broadcast_in_dim3A_1896 = arith.constant 5 : i32
          %broadcast_in_dim3A_1897 = vector.broadcast %broadcast_in_dim3A_1896 : i32 to vector<16xi32>
          %gather3A_1898 = tpu.vector_load_idx %arg12[%add3A_1715, %add3A_1870, %broadcast_in_dim3A_1897] : memref<16x128x16xf32, #tpu.memory_space<vmem>>[vector<16xi32>, vector<16xi32>, vector<16xi32>], vector<16xf32>,
          %mul3A_1899 = arith.mulf %gather3A_1868, %gather3A_1898 : vector<16xf32>
          %add3A_1900 = arith.addf %scan3A_1863, %mul3A_1899 : vector<16xf32>
          %broadcast_in_dim3A_1901 = arith.constant 6 : i32
          %broadcast_in_dim3A_1902 = vector.broadcast %broadcast_in_dim3A_1901 : i32 to vector<16xi32>
          %gather3A_1903 = tpu.vector_load_idx %arg12[%add3A_1715, %add3A_1870, %broadcast_in_dim3A_1902] : memref<16x128x16xf32, #tpu.memory_space<vmem>>[vector<16xi32>, vector<16xi32>, vector<16xi32>], vector<16xf32>,
          %mul3A_1904 = arith.mulf %gather3A_1868, %gather3A_1903 : vector<16xf32>
          %add3A_1905 = arith.addf %scan3A_1864, %mul3A_1904 : vector<16xf32>
          %broadcast_in_dim3A_1906 = arith.constant 7 : i32
          %broadcast_in_dim3A_1907 = vector.broadcast %broadcast_in_dim3A_1906 : i32 to vector<16xi32>
          %gather3A_1908 = tpu.vector_load_idx %arg12[%add3A_1715, %add3A_1870, %broadcast_in_dim3A_1907] : memref<16x128x16xf32, #tpu.memory_space<vmem>>[vector<16xi32>, vector<16xi32>, vector<16xi32>], vector<16xf32>,
          %mul3A_1909 = arith.mulf %gather3A_1868, %gather3A_1908 : vector<16xf32>
          %add3A_1910 = arith.addf %scan3A_1865, %mul3A_1909 : vector<16xf32>
          %broadcast_in_dim3A_1911 = arith.constant 8 : i32
          %broadcast_in_dim3A_1912 = vector.broadcast %broadcast_in_dim3A_1911 : i32 to vector<16xi32>
          %gather3A_1913 = tpu.vector_load_idx %arg12[%add3A_1715, %add3A_1870, %broadcast_in_dim3A_1912] : memref<16x128x16xf32, #tpu.memory_space<vmem>>[vector<16xi32>, vector<16xi32>, vector<16xi32>], vector<16xf32>,
          %mul3A_1914 = arith.mulf %gather3A_1868, %gather3A_1913 : vector<16xf32>
          %add3A_1915 = arith.addf %scan3A_1866, %mul3A_1914 : vector<16xf32>
          scf.yield %add3A_1875, %add3A_1880, %add3A_1885, %add3A_1890, %add3A_1895, %add3A_1900, %add3A_1905, %add3A_1910, %add3A_1915 : vector<16xf32>, vector<16xf32>, vector<16xf32>, vector<16xf32>, vector<16xf32>, vector<16xf32>, vector<16xf32>, vector<16xf32>, vector<16xf32>
        }
        %scan3A_1745 = arith.constant 16 : i32
        %gather3A_1746 = tpu.vector_load_idx %arg10[%broadcast_in_dim3A_1712, %add3A_1711] : memref<2x640xf32, #tpu.memory_space<vmem>>[vector<16xi32>, vector<16xi32>], vector<16xf32>,
        %neg3A_1747 = arith.constant 0.000000e+00 : f32
        %neg3A_1748 = vector.broadcast %neg3A_1747 : f32 to vector<16xf32>
        %neg3A_1749 = arith.subf %neg3A_1748, %gather3A_1746 : vector<16xf32>
        %exp3A_1750 = math.exp %neg3A_1749 : vector<16xf32>
        %add3A_1751 = arith.constant 1.000000e+00 : f32
        %add3A_1752 = vector.broadcast %add3A_1751 : f32 to vector<16xf32>
        %add3A_1753 = arith.addf %add3A_1752, %exp3A_1750 : vector<16xf32>
        %div3A_1754 = arith.constant 1.000000e+00 : f32
        %div3A_1755 = vector.broadcast %div3A_1754 : f32 to vector<16xf32>
        %div3A_1756 = arith.divf %div3A_1755, %add3A_1753 : vector<16xf32>
        %sub3A_1757 = arith.constant 1.000000e+00 : f32
        %sub3A_1758 = vector.broadcast %sub3A_1757 : f32 to vector<16xf32>
        %sub3A_1759 = arith.subf %sub3A_1758, %div3A_1756 : vector<16xf32>
        %broadcast_in_dim3A_1760 = arith.constant 0 : i32
        %broadcast_in_dim3A_1761 = vector.broadcast %broadcast_in_dim3A_1760 : i32 to vector<16xi32>
        %gather3A_1762 = tpu.vector_load_idx %arg9[%add3A_1711, %broadcast_in_dim3A_1761] : memref<640x16xf32, #tpu.memory_space<vmem>>[vector<16xi32>, vector<16xi32>], vector<16xf32>,
        %mul3A_1763 = arith.mulf %sub3A_1759, %gather3A_1762 : vector<16xf32>
        %mul3A_1764 = arith.mulf %div3A_1756, %scan3A_1744#0 : vector<16xf32>
        %add3A_1765 = arith.addf %mul3A_1763, %mul3A_1764 : vector<16xf32>
        %broadcast_in_dim3A_1766 = arith.constant 0 : i32
        %broadcast_in_dim3A_1767 = vector.broadcast %broadcast_in_dim3A_1766 : i32 to vector<16xi32>
        %broadcast_in_dim3A_1768 = arith.constant 0 : i32
        %broadcast_in_dim3A_1769 = vector.broadcast %broadcast_in_dim3A_1768 : i32 to vector<16xi32>
        tpu.vector_store_idx %arg13[%broadcast_in_dim3A_1767, %add3A_1711, %broadcast_in_dim3A_1769], %add3A_1765 : memref<3x640x16xf32, #tpu.memory_space<vmem>>[vector<16xi32>, vector<16xi32>, vector<16xi32>], vector<16xf32>,
        %broadcast_in_dim3A_1770 = arith.constant 1 : i32
        %broadcast_in_dim3A_1771 = vector.broadcast %broadcast_in_dim3A_1770 : i32 to vector<16xi32>
        %gather3A_1772 = tpu.vector_load_idx %arg9[%add3A_1711, %broadcast_in_dim3A_1771] : memref<640x16xf32, #tpu.memory_space<vmem>>[vector<16xi32>, vector<16xi32>], vector<16xf32>,
        %mul3A_1773 = arith.mulf %sub3A_1759, %gather3A_1772 : vector<16xf32>
        %mul3A_1774 = arith.mulf %div3A_1756, %scan3A_1744#1 : vector<16xf32>
        %add3A_1775 = arith.addf %mul3A_1773, %mul3A_1774 : vector<16xf32>
        %broadcast_in_dim3A_1776 = arith.constant 0 : i32
        %broadcast_in_dim3A_1777 = vector.broadcast %broadcast_in_dim3A_1776 : i32 to vector<16xi32>
        %broadcast_in_dim3A_1778 = arith.constant 1 : i32
        %broadcast_in_dim3A_1779 = vector.broadcast %broadcast_in_dim3A_1778 : i32 to vector<16xi32>
        tpu.vector_store_idx %arg13[%broadcast_in_dim3A_1777, %add3A_1711, %broadcast_in_dim3A_1779], %add3A_1775 : memref<3x640x16xf32, #tpu.memory_space<vmem>>[vector<16xi32>, vector<16xi32>, vector<16xi32>], vector<16xf32>,
        %broadcast_in_dim3A_1780 = arith.constant 2 : i32
        %broadcast_in_dim3A_1781 = vector.broadcast %broadcast_in_dim3A_1780 : i32 to vector<16xi32>
        %gather3A_1782 = tpu.vector_load_idx %arg9[%add3A_1711, %broadcast_in_dim3A_1781] : memref<640x16xf32, #tpu.memory_space<vmem>>[vector<16xi32>, vector<16xi32>], vector<16xf32>,
        %mul3A_1783 = arith.mulf %sub3A_1759, %gather3A_1782 : vector<16xf32>
        %mul3A_1784 = arith.mulf %div3A_1756, %scan3A_1744#2 : vector<16xf32>
        %add3A_1785 = arith.addf %mul3A_1783, %mul3A_1784 : vector<16xf32>
        %broadcast_in_dim3A_1786 = arith.constant 0 : i32
        %broadcast_in_dim3A_1787 = vector.broadcast %broadcast_in_dim3A_1786 : i32 to vector<16xi32>
        %broadcast_in_dim3A_1788 = arith.constant 2 : i32
        %broadcast_in_dim3A_1789 = vector.broadcast %broadcast_in_dim3A_1788 : i32 to vector<16xi32>
        tpu.vector_store_idx %arg13[%broadcast_in_dim3A_1787, %add3A_1711, %broadcast_in_dim3A_1789], %add3A_1785 : memref<3x640x16xf32, #tpu.memory_space<vmem>>[vector<16xi32>, vector<16xi32>, vector<16xi32>], vector<16xf32>,
        %broadcast_in_dim3A_1790 = arith.constant 3 : i32
        %broadcast_in_dim3A_1791 = vector.broadcast %broadcast_in_dim3A_1790 : i32 to vector<16xi32>
        %gather3A_1792 = tpu.vector_load_idx %arg9[%add3A_1711, %broadcast_in_dim3A_1791] : memref<640x16xf32, #tpu.memory_space<vmem>>[vector<16xi32>, vector<16xi32>], vector<16xf32>,
        %mul3A_1793 = arith.mulf %sub3A_1759, %gather3A_1792 : vector<16xf32>
        %mul3A_1794 = arith.mulf %div3A_1756, %scan3A_1744#3 : vector<16xf32>
        %add3A_1795 = arith.addf %mul3A_1793, %mul3A_1794 : vector<16xf32>
        %broadcast_in_dim3A_1796 = arith.constant 1 : i32
        %broadcast_in_dim3A_1797 = vector.broadcast %broadcast_in_dim3A_1796 : i32 to vector<16xi32>
        %broadcast_in_dim3A_1798 = arith.constant 0 : i32
        %broadcast_in_dim3A_1799 = vector.broadcast %broadcast_in_dim3A_1798 : i32 to vector<16xi32>
        tpu.vector_store_idx %arg13[%broadcast_in_dim3A_1797, %add3A_1711, %broadcast_in_dim3A_1799], %add3A_1795 : memref<3x640x16xf32, #tpu.memory_space<vmem>>[vector<16xi32>, vector<16xi32>, vector<16xi32>], vector<16xf32>,
        %broadcast_in_dim3A_1800 = arith.constant 4 : i32
        %broadcast_in_dim3A_1801 = vector.broadcast %broadcast_in_dim3A_1800 : i32 to vector<16xi32>
        %gather3A_1802 = tpu.vector_load_idx %arg9[%add3A_1711, %broadcast_in_dim3A_1801] : memref<640x16xf32, #tpu.memory_space<vmem>>[vector<16xi32>, vector<16xi32>], vector<16xf32>,
        %mul3A_1803 = arith.mulf %sub3A_1759, %gather3A_1802 : vector<16xf32>
        %mul3A_1804 = arith.mulf %div3A_1756, %scan3A_1744#4 : vector<16xf32>
        %add3A_1805 = arith.addf %mul3A_1803, %mul3A_1804 : vector<16xf32>
        %broadcast_in_dim3A_1806 = arith.constant 1 : i32
        %broadcast_in_dim3A_1807 = vector.broadcast %broadcast_in_dim3A_1806 : i32 to vector<16xi32>
        %broadcast_in_dim3A_1808 = arith.constant 1 : i32
        %broadcast_in_dim3A_1809 = vector.broadcast %broadcast_in_dim3A_1808 : i32 to vector<16xi32>
        tpu.vector_store_idx %arg13[%broadcast_in_dim3A_1807, %add3A_1711, %broadcast_in_dim3A_1809], %add3A_1805 : memref<3x640x16xf32, #tpu.memory_space<vmem>>[vector<16xi32>, vector<16xi32>, vector<16xi32>], vector<16xf32>,
        %broadcast_in_dim3A_1810 = arith.constant 5 : i32
        %broadcast_in_dim3A_1811 = vector.broadcast %broadcast_in_dim3A_1810 : i32 to vector<16xi32>
        %gather3A_1812 = tpu.vector_load_idx %arg9[%add3A_1711, %broadcast_in_dim3A_1811] : memref<640x16xf32, #tpu.memory_space<vmem>>[vector<16xi32>, vector<16xi32>], vector<16xf32>,
        %mul3A_1813 = arith.mulf %sub3A_1759, %gather3A_1812 : vector<16xf32>
        %mul3A_1814 = arith.mulf %div3A_1756, %scan3A_1744#5 : vector<16xf32>
        %add3A_1815 = arith.addf %mul3A_1813, %mul3A_1814 : vector<16xf32>
        %broadcast_in_dim3A_1816 = arith.constant 1 : i32
        %broadcast_in_dim3A_1817 = vector.broadcast %broadcast_in_dim3A_1816 : i32 to vector<16xi32>
        %broadcast_in_dim3A_1818 = arith.constant 2 : i32
        %broadcast_in_dim3A_1819 = vector.broadcast %broadcast_in_dim3A_1818 : i32 to vector<16xi32>
        tpu.vector_store_idx %arg13[%broadcast_in_dim3A_1817, %add3A_1711, %broadcast_in_dim3A_1819], %add3A_1815 : memref<3x640x16xf32, #tpu.memory_space<vmem>>[vector<16xi32>, vector<16xi32>, vector<16xi32>], vector<16xf32>,
        %broadcast_in_dim3A_1820 = arith.constant 6 : i32
        %broadcast_in_dim3A_1821 = vector.broadcast %broadcast_in_dim3A_1820 : i32 to vector<16xi32>
        %gather3A_1822 = tpu.vector_load_idx %arg9[%add3A_1711, %broadcast_in_dim3A_1821] : memref<640x16xf32, #tpu.memory_space<vmem>>[vector<16xi32>, vector<16xi32>], vector<16xf32>,
        %mul3A_1823 = arith.mulf %sub3A_1759, %gather3A_1822 : vector<16xf32>
        %mul3A_1824 = arith.mulf %div3A_1756, %scan3A_1744#6 : vector<16xf32>
        %add3A_1825 = arith.addf %mul3A_1823, %mul3A_1824 : vector<16xf32>
        %broadcast_in_dim3A_1826 = arith.constant 2 : i32
        %broadcast_in_dim3A_1827 = vector.broadcast %broadcast_in_dim3A_1826 : i32 to vector<16xi32>
        %broadcast_in_dim3A_1828 = arith.constant 0 : i32
        %broadcast_in_dim3A_1829 = vector.broadcast %broadcast_in_dim3A_1828 : i32 to vector<16xi32>
        tpu.vector_store_idx %arg13[%broadcast_in_dim3A_1827, %add3A_1711, %broadcast_in_dim3A_1829], %add3A_1825 : memref<3x640x16xf32, #tpu.memory_space<vmem>>[vector<16xi32>, vector<16xi32>, vector<16xi32>], vector<16xf32>,
        %broadcast_in_dim3A_1830 = arith.constant 7 : i32
        %broadcast_in_dim3A_1831 = vector.broadcast %broadcast_in_dim3A_1830 : i32 to vector<16xi32>
        %gather3A_1832 = tpu.vector_load_idx %arg9[%add3A_1711, %broadcast_in_dim3A_1831] : memref<640x16xf32, #tpu.memory_space<vmem>>[vector<16xi32>, vector<16xi32>], vector<16xf32>,
        %mul3A_1833 = arith.mulf %sub3A_1759, %gather3A_1832 : vector<16xf32>
        %mul3A_1834 = arith.mulf %div3A_1756, %scan3A_1744#7 : vector<16xf32>
        %add3A_1835 = arith.addf %mul3A_1833, %mul3A_1834 : vector<16xf32>
        %broadcast_in_dim3A_1836 = arith.constant 2 : i32
        %broadcast_in_dim3A_1837 = vector.broadcast %broadcast_in_dim3A_1836 : i32 to vector<16xi32>
        %broadcast_in_dim3A_1838 = arith.constant 1 : i32
        %broadcast_in_dim3A_1839 = vector.broadcast %broadcast_in_dim3A_1838 : i32 to vector<16xi32>
        tpu.vector_store_idx %arg13[%broadcast_in_dim3A_1837, %add3A_1711, %broadcast_in_dim3A_1839], %add3A_1835 : memref<3x640x16xf32, #tpu.memory_space<vmem>>[vector<16xi32>, vector<16xi32>, vector<16xi32>], vector<16xf32>,
        %broadcast_in_dim3A_1840 = arith.constant 8 : i32
        %broadcast_in_dim3A_1841 = vector.broadcast %broadcast_in_dim3A_1840 : i32 to vector<16xi32>
        %gather3A_1842 = tpu.vector_load_idx %arg9[%add3A_1711, %broadcast_in_dim3A_1841] : memref<640x16xf32, #tpu.memory_space<vmem>>[vector<16xi32>, vector<16xi32>], vector<16xf32>,
        %mul3A_1843 = arith.mulf %sub3A_1759, %gather3A_1842 : vector<16xf32>
        %mul3A_1844 = arith.mulf %div3A_1756, %scan3A_1744#8 : vector<16xf32>
        %add3A_1845 = arith.addf %mul3A_1843, %mul3A_1844 : vector<16xf32>
        %broadcast_in_dim3A_1846 = arith.constant 2 : i32
        %broadcast_in_dim3A_1847 = vector.broadcast %broadcast_in_dim3A_1846 : i32 to vector<16xi32>
        %broadcast_in_dim3A_1848 = arith.constant 2 : i32
        %broadcast_in_dim3A_1849 = vector.broadcast %broadcast_in_dim3A_1848 : i32 to vector<16xi32>
        tpu.vector_store_idx %arg13[%broadcast_in_dim3A_1847, %add3A_1711, %broadcast_in_dim3A_1849], %add3A_1845 : memref<3x640x16xf32, #tpu.memory_space<vmem>>[vector<16xi32>, vector<16xi32>, vector<16xi32>], vector<16xf32>,
        %add3A_1850 = arith.constant 8 : i32
        %add3A_1851 = arith.addi %add3A_1671, %add3A_1850 : i32
        %lt3A_1852 = arith.constant 40 : i32
        %lt3A_1853 = arith.cmpi slt, %add3A_1851, %lt3A_1852 : i32
        %convert_element_type3A_1854 = arith.extui %lt3A_1853 : i1 to i32
        %cond3A_1855 = arith.constant 0 : i32
        %cond3A_1856 = arith.cmpi ne, %convert_element_type3A_1854, %cond3A_1855 : i32
        scf.if %cond3A_1856 {
          %mul3A_1857 = arith.constant 2 : i32
          %mul3A_1858 = arith.muli %mul3A_1857, %add3A_1671 : i32
          %add3A_1859 = arith.constant 16 : i32
          %add3A_1860 = arith.addi %mul3A_1858, %add3A_1859 : i32
          %mul3A_1861 = arith.constant 128 : i32
          %mul3A_1862 = arith.muli %add3A_1860, %mul3A_1861 : i32
          %dma_start3A_1863 = arith.constant 14 : i32
          %dma_start3A_1864 = arith.constant 14 : i32
          %dma_start3A_1865 = arith.constant 0 : i32
          %dma_start3A_1866 = arith.constant 0 : i32
          %dma_start3A_1867 = tpu.memref_slice %arg12[%dma_start3A_1863, %dma_start3A_1865, %dma_start3A_1866] : memref<16x128x16xf32, #tpu.memory_space<vmem>> -> memref<1x128x16xf32, #tpu.memory_space<vmem>>
          %dma_start3A_1868 = tpu.memref_squeeze %dma_start3A_1867 : memref<1x128x16xf32, #tpu.memory_space<vmem>> -> memref<128x16xf32, #tpu.memory_space<vmem>>
          %dma_start3A_1869 = tpu.memref_slice %arg11[%mul3A_1862] : memref<10240xi32, #tpu.memory_space<vmem>> -> memref<128xi32, #tpu.memory_space<vmem>>
          %dma_start3A_1870 = arith.constant 0 : i32
          %dma_start3A_1871 = arith.constant 0 : i32
          %dma_start3A_1872 = tpu.memref_slice %arg2[%dma_start3A_1870, %dma_start3A_1871] : memref<100000x16xf32, #tpu.memory_space<hbm>> -> memref<100000x16xf32, #tpu.memory_space<hbm>>
          %dma_start3A_1873 = tpu.memref_slice %arg14[%dma_start3A_1864] : memref<20x!tpu.dma_semaphore, #tpu.memory_space<semaphore_mem>> -> memref<1x!tpu.dma_semaphore, #tpu.memory_space<semaphore_mem>>
          %dma_start3A_1874 = tpu.memref_squeeze %dma_start3A_1873 : memref<1x!tpu.dma_semaphore, #tpu.memory_space<semaphore_mem>> -> memref<!tpu.dma_semaphore, #tpu.memory_space<semaphore_mem>>
          tpu.enqueue_indirect_dma source(%dma_start3A_1872 : memref<100000x16xf32, #tpu.memory_space<hbm>>) target(%dma_start3A_1868 : memref<128x16xf32, #tpu.memory_space<vmem>>) offsets(%dma_start3A_1869 : memref<128xi32, #tpu.memory_space<vmem>>) semaphore(%dma_start3A_1874 : memref<!tpu.dma_semaphore, #tpu.memory_space<semaphore_mem>>)
          %mul3A_1875 = arith.constant 2 : i32
          %mul3A_1876 = arith.muli %mul3A_1875, %add3A_1671 : i32
          %add3A_1877 = arith.constant 17 : i32
          %add3A_1878 = arith.addi %mul3A_1876, %add3A_1877 : i32
          %mul3A_1879 = arith.constant 128 : i32
          %mul3A_1880 = arith.muli %add3A_1878, %mul3A_1879 : i32
          %dma_start3A_1881 = arith.constant 15 : i32
          %dma_start3A_1882 = arith.constant 15 : i32
          %dma_start3A_1883 = arith.constant 0 : i32
          %dma_start3A_1884 = arith.constant 0 : i32
          %dma_start3A_1885 = tpu.memref_slice %arg12[%dma_start3A_1881, %dma_start3A_1883, %dma_start3A_1884] : memref<16x128x16xf32, #tpu.memory_space<vmem>> -> memref<1x128x16xf32, #tpu.memory_space<vmem>>
          %dma_start3A_1886 = tpu.memref_squeeze %dma_start3A_1885 : memref<1x128x16xf32, #tpu.memory_space<vmem>> -> memref<128x16xf32, #tpu.memory_space<vmem>>
          %dma_start3A_1887 = tpu.memref_slice %arg11[%mul3A_1880] : memref<10240xi32, #tpu.memory_space<vmem>> -> memref<128xi32, #tpu.memory_space<vmem>>
          %dma_start3A_1888 = arith.constant 0 : i32
          %dma_start3A_1889 = arith.constant 0 : i32
          %dma_start3A_1890 = tpu.memref_slice %arg2[%dma_start3A_1888, %dma_start3A_1889] : memref<100000x16xf32, #tpu.memory_space<hbm>> -> memref<100000x16xf32, #tpu.memory_space<hbm>>
          %dma_start3A_1891 = tpu.memref_slice %arg14[%dma_start3A_1882] : memref<20x!tpu.dma_semaphore, #tpu.memory_space<semaphore_mem>> -> memref<1x!tpu.dma_semaphore, #tpu.memory_space<semaphore_mem>>
          %dma_start3A_1892 = tpu.memref_squeeze %dma_start3A_1891 : memref<1x!tpu.dma_semaphore, #tpu.memory_space<semaphore_mem>> -> memref<!tpu.dma_semaphore, #tpu.memory_space<semaphore_mem>>
          tpu.enqueue_indirect_dma source(%dma_start3A_1890 : memref<100000x16xf32, #tpu.memory_space<hbm>>) target(%dma_start3A_1886 : memref<128x16xf32, #tpu.memory_space<vmem>>) offsets(%dma_start3A_1887 : memref<128xi32, #tpu.memory_space<vmem>>) semaphore(%dma_start3A_1892 : memref<!tpu.dma_semaphore, #tpu.memory_space<semaphore_mem>>)
        } else {
        }
      }
      %scan3A_338 = arith.constant 5 : i32
      %run_scoped3A = arith.constant 0 : i32
      %run_scoped3A_339 = arith.constant 0 : i32
      "tpu.region"() ({
        %run_scoped3A_351 = tpu.sem_alloc : memref<!tpu.dma_semaphore, #tpu.memory_space<semaphore_mem>>
        %dma_start3A_352 = arith.constant 0 : i32
        %dma_start3A_353 = arith.constant 0 : i32
        %dma_start3A_354 = tpu.memref_slice %arg13[%run_scoped3A, %dma_start3A_352, %dma_start3A_353] : memref<3x640x16xf32, #tpu.memory_space<vmem>> -> memref<1x640x16xf32, #tpu.memory_space<vmem>>
        %dma_start3A_355 = tpu.memref_squeeze %dma_start3A_354 : memref<1x640x16xf32, #tpu.memory_space<vmem>> -> memref<640x16xf32, #tpu.memory_space<vmem>>
        %dma_start3A_356 = arith.constant 0 : i32
        %dma_start3A_357 = tpu.memref_slice %arg6[%run_scoped3A_339, %multiple_of3A_114, %dma_start3A_356] : memref<3x100000x16xf32, #tpu.memory_space<hbm>> -> memref<1x640x16xf32, #tpu.memory_space<hbm>>
        %dma_start3A_358 = tpu.memref_squeeze %dma_start3A_357 : memref<1x640x16xf32, #tpu.memory_space<hbm>> -> memref<640x16xf32, #tpu.memory_space<hbm>>
        %dma_start3A_359 = arith.constant 0 : i32
        %dma_start3A_360 = tpu.memref_slice %arg6[%run_scoped3A_339, %multiple_of3A_114, %dma_start3A_359] : memref<3x100000x16xf32, #tpu.memory_space<hbm>> -> memref<1x640x16xf32, #tpu.memory_space<hbm>>
        %dma_start3A_361 = tpu.memref_squeeze %dma_start3A_360 : memref<1x640x16xf32, #tpu.memory_space<hbm>> -> memref<640x16xf32, #tpu.memory_space<hbm>>
        %dma_start3A_362 = arith.constant 0 : i32
        %dma_start3A_363 = arith.constant 0 : i32
        %dma_start3A_364 = tpu.memref_slice %arg13[%run_scoped3A, %dma_start3A_362, %dma_start3A_363] : memref<3x640x16xf32, #tpu.memory_space<vmem>> -> memref<1x640x16xf32, #tpu.memory_space<vmem>>
        %dma_start3A_365 = tpu.memref_squeeze %dma_start3A_364 : memref<1x640x16xf32, #tpu.memory_space<vmem>> -> memref<640x16xf32, #tpu.memory_space<vmem>>
        tpu.enqueue_dma source(%dma_start3A_365 : memref<640x16xf32, #tpu.memory_space<vmem>>) target(%dma_start3A_361 : memref<640x16xf32, #tpu.memory_space<hbm>>) target_semaphore(%run_scoped3A_351 : memref<!tpu.dma_semaphore, #tpu.memory_space<semaphore_mem>>)
        %dma_wait3A_366 = arith.constant 0 : i32
        %dma_wait3A_367 = arith.constant 0 : i32
        %dma_wait3A_368 = tpu.memref_slice %arg13[%run_scoped3A, %dma_wait3A_366, %dma_wait3A_367] : memref<3x640x16xf32, #tpu.memory_space<vmem>> -> memref<1x640x16xf32, #tpu.memory_space<vmem>>
        %dma_wait3A_369 = tpu.memref_squeeze %dma_wait3A_368 : memref<1x640x16xf32, #tpu.memory_space<vmem>> -> memref<640x16xf32, #tpu.memory_space<vmem>>
        %dma_wait3A_370 = arith.constant 0 : i32
        %dma_wait3A_371 = tpu.memref_slice %arg6[%run_scoped3A_339, %multiple_of3A_114, %dma_wait3A_370] : memref<3x100000x16xf32, #tpu.memory_space<hbm>> -> memref<1x640x16xf32, #tpu.memory_space<hbm>>
        %dma_wait3A_372 = tpu.memref_squeeze %dma_wait3A_371 : memref<1x640x16xf32, #tpu.memory_space<hbm>> -> memref<640x16xf32, #tpu.memory_space<hbm>>
        %dma_wait3A_373 = arith.constant 0 : i32
        %dma_wait3A_374 = tpu.memref_slice %arg6[%run_scoped3A_339, %multiple_of3A_114, %dma_wait3A_373] : memref<3x100000x16xf32, #tpu.memory_space<hbm>> -> memref<1x640x16xf32, #tpu.memory_space<hbm>>
        %dma_wait3A_375 = tpu.memref_squeeze %dma_wait3A_374 : memref<1x640x16xf32, #tpu.memory_space<hbm>> -> memref<640x16xf32, #tpu.memory_space<hbm>>
        %dma_wait3A_376 = arith.constant 0 : i32
        %dma_wait3A_377 = arith.constant 0 : i32
        %dma_wait3A_378 = tpu.memref_slice %arg13[%run_scoped3A, %dma_wait3A_376, %dma_wait3A_377] : memref<3x640x16xf32, #tpu.memory_space<vmem>> -> memref<1x640x16xf32, #tpu.memory_space<vmem>>
        %dma_wait3A_379 = tpu.memref_squeeze %dma_wait3A_378 : memref<1x640x16xf32, #tpu.memory_space<vmem>> -> memref<640x16xf32, #tpu.memory_space<vmem>>
        tpu.wait_dma2 semaphore(%run_scoped3A_351 : memref<!tpu.dma_semaphore, #tpu.memory_space<semaphore_mem>>) src(%dma_wait3A_379 : memref<640x16xf32, #tpu.memory_space<vmem>>) dst(%dma_wait3A_375 : memref<640x16xf32, #tpu.memory_space<hbm>>)
        tpu.yield
      }) : () -> ()
      %run_scoped3A_340 = arith.constant 1 : i32
      %run_scoped3A_341 = arith.constant 1 : i32
      "tpu.region"() ({
        %run_scoped3A_351 = tpu.sem_alloc : memref<!tpu.dma_semaphore, #tpu.memory_space<semaphore_mem>>
        %dma_start3A_352 = arith.constant 0 : i32
        %dma_start3A_353 = arith.constant 0 : i32
        %dma_start3A_354 = tpu.memref_slice %arg13[%run_scoped3A_340, %dma_start3A_352, %dma_start3A_353] : memref<3x640x16xf32, #tpu.memory_space<vmem>> -> memref<1x640x16xf32, #tpu.memory_space<vmem>>
        %dma_start3A_355 = tpu.memref_squeeze %dma_start3A_354 : memref<1x640x16xf32, #tpu.memory_space<vmem>> -> memref<640x16xf32, #tpu.memory_space<vmem>>
        %dma_start3A_356 = arith.constant 0 : i32
        %dma_start3A_357 = tpu.memref_slice %arg6[%run_scoped3A_341, %multiple_of3A_114, %dma_start3A_356] : memref<3x100000x16xf32, #tpu.memory_space<hbm>> -> memref<1x640x16xf32, #tpu.memory_space<hbm>>
        %dma_start3A_358 = tpu.memref_squeeze %dma_start3A_357 : memref<1x640x16xf32, #tpu.memory_space<hbm>> -> memref<640x16xf32, #tpu.memory_space<hbm>>
        %dma_start3A_359 = arith.constant 0 : i32
        %dma_start3A_360 = tpu.memref_slice %arg6[%run_scoped3A_341, %multiple_of3A_114, %dma_start3A_359] : memref<3x100000x16xf32, #tpu.memory_space<hbm>> -> memref<1x640x16xf32, #tpu.memory_space<hbm>>
        %dma_start3A_361 = tpu.memref_squeeze %dma_start3A_360 : memref<1x640x16xf32, #tpu.memory_space<hbm>> -> memref<640x16xf32, #tpu.memory_space<hbm>>
        %dma_start3A_362 = arith.constant 0 : i32
        %dma_start3A_363 = arith.constant 0 : i32
        %dma_start3A_364 = tpu.memref_slice %arg13[%run_scoped3A_340, %dma_start3A_362, %dma_start3A_363] : memref<3x640x16xf32, #tpu.memory_space<vmem>> -> memref<1x640x16xf32, #tpu.memory_space<vmem>>
        %dma_start3A_365 = tpu.memref_squeeze %dma_start3A_364 : memref<1x640x16xf32, #tpu.memory_space<vmem>> -> memref<640x16xf32, #tpu.memory_space<vmem>>
        tpu.enqueue_dma source(%dma_start3A_365 : memref<640x16xf32, #tpu.memory_space<vmem>>) target(%dma_start3A_361 : memref<640x16xf32, #tpu.memory_space<hbm>>) target_semaphore(%run_scoped3A_351 : memref<!tpu.dma_semaphore, #tpu.memory_space<semaphore_mem>>)
        %dma_wait3A_366 = arith.constant 0 : i32
        %dma_wait3A_367 = arith.constant 0 : i32
        %dma_wait3A_368 = tpu.memref_slice %arg13[%run_scoped3A_340, %dma_wait3A_366, %dma_wait3A_367] : memref<3x640x16xf32, #tpu.memory_space<vmem>> -> memref<1x640x16xf32, #tpu.memory_space<vmem>>
        %dma_wait3A_369 = tpu.memref_squeeze %dma_wait3A_368 : memref<1x640x16xf32, #tpu.memory_space<vmem>> -> memref<640x16xf32, #tpu.memory_space<vmem>>
        %dma_wait3A_370 = arith.constant 0 : i32
        %dma_wait3A_371 = tpu.memref_slice %arg6[%run_scoped3A_341, %multiple_of3A_114, %dma_wait3A_370] : memref<3x100000x16xf32, #tpu.memory_space<hbm>> -> memref<1x640x16xf32, #tpu.memory_space<hbm>>
        %dma_wait3A_372 = tpu.memref_squeeze %dma_wait3A_371 : memref<1x640x16xf32, #tpu.memory_space<hbm>> -> memref<640x16xf32, #tpu.memory_space<hbm>>
        %dma_wait3A_373 = arith.constant 0 : i32
        %dma_wait3A_374 = tpu.memref_slice %arg6[%run_scoped3A_341, %multiple_of3A_114, %dma_wait3A_373] : memref<3x100000x16xf32, #tpu.memory_space<hbm>> -> memref<1x640x16xf32, #tpu.memory_space<hbm>>
        %dma_wait3A_375 = tpu.memref_squeeze %dma_wait3A_374 : memref<1x640x16xf32, #tpu.memory_space<hbm>> -> memref<640x16xf32, #tpu.memory_space<hbm>>
        %dma_wait3A_376 = arith.constant 0 : i32
        %dma_wait3A_377 = arith.constant 0 : i32
        %dma_wait3A_378 = tpu.memref_slice %arg13[%run_scoped3A_340, %dma_wait3A_376, %dma_wait3A_377] : memref<3x640x16xf32, #tpu.memory_space<vmem>> -> memref<1x640x16xf32, #tpu.memory_space<vmem>>
        %dma_wait3A_379 = tpu.memref_squeeze %dma_wait3A_378 : memref<1x640x16xf32, #tpu.memory_space<vmem>> -> memref<640x16xf32, #tpu.memory_space<vmem>>
        tpu.wait_dma2 semaphore(%run_scoped3A_351 : memref<!tpu.dma_semaphore, #tpu.memory_space<semaphore_mem>>) src(%dma_wait3A_379 : memref<640x16xf32, #tpu.memory_space<vmem>>) dst(%dma_wait3A_375 : memref<640x16xf32, #tpu.memory_space<hbm>>)
        tpu.yield
      }) : () -> ()
      %run_scoped3A_342 = arith.constant 2 : i32
      %run_scoped3A_343 = arith.constant 2 : i32
      "tpu.region"() ({
        %run_scoped3A_351 = tpu.sem_alloc : memref<!tpu.dma_semaphore, #tpu.memory_space<semaphore_mem>>
        %dma_start3A_352 = arith.constant 0 : i32
        %dma_start3A_353 = arith.constant 0 : i32
        %dma_start3A_354 = tpu.memref_slice %arg13[%run_scoped3A_342, %dma_start3A_352, %dma_start3A_353] : memref<3x640x16xf32, #tpu.memory_space<vmem>> -> memref<1x640x16xf32, #tpu.memory_space<vmem>>
        %dma_start3A_355 = tpu.memref_squeeze %dma_start3A_354 : memref<1x640x16xf32, #tpu.memory_space<vmem>> -> memref<640x16xf32, #tpu.memory_space<vmem>>
        %dma_start3A_356 = arith.constant 0 : i32
        %dma_start3A_357 = tpu.memref_slice %arg6[%run_scoped3A_343, %multiple_of3A_114, %dma_start3A_356] : memref<3x100000x16xf32, #tpu.memory_space<hbm>> -> memref<1x640x16xf32, #tpu.memory_space<hbm>>
        %dma_start3A_358 = tpu.memref_squeeze %dma_start3A_357 : memref<1x640x16xf32, #tpu.memory_space<hbm>> -> memref<640x16xf32, #tpu.memory_space<hbm>>
        %dma_start3A_359 = arith.constant 0 : i32
        %dma_start3A_360 = tpu.memref_slice %arg6[%run_scoped3A_343, %multiple_of3A_114, %dma_start3A_359] : memref<3x100000x16xf32, #tpu.memory_space<hbm>> -> memref<1x640x16xf32, #tpu.memory_space<hbm>>
        %dma_start3A_361 = tpu.memref_squeeze %dma_start3A_360 : memref<1x640x16xf32, #tpu.memory_space<hbm>> -> memref<640x16xf32, #tpu.memory_space<hbm>>
        %dma_start3A_362 = arith.constant 0 : i32
        %dma_start3A_363 = arith.constant 0 : i32
        %dma_start3A_364 = tpu.memref_slice %arg13[%run_scoped3A_342, %dma_start3A_362, %dma_start3A_363] : memref<3x640x16xf32, #tpu.memory_space<vmem>> -> memref<1x640x16xf32, #tpu.memory_space<vmem>>
        %dma_start3A_365 = tpu.memref_squeeze %dma_start3A_364 : memref<1x640x16xf32, #tpu.memory_space<vmem>> -> memref<640x16xf32, #tpu.memory_space<vmem>>
        tpu.enqueue_dma source(%dma_start3A_365 : memref<640x16xf32, #tpu.memory_space<vmem>>) target(%dma_start3A_361 : memref<640x16xf32, #tpu.memory_space<hbm>>) target_semaphore(%run_scoped3A_351 : memref<!tpu.dma_semaphore, #tpu.memory_space<semaphore_mem>>)
        %dma_wait3A_366 = arith.constant 0 : i32
        %dma_wait3A_367 = arith.constant 0 : i32
        %dma_wait3A_368 = tpu.memref_slice %arg13[%run_scoped3A_342, %dma_wait3A_366, %dma_wait3A_367] : memref<3x640x16xf32, #tpu.memory_space<vmem>> -> memref<1x640x16xf32, #tpu.memory_space<vmem>>
        %dma_wait3A_369 = tpu.memref_squeeze %dma_wait3A_368 : memref<1x640x16xf32, #tpu.memory_space<vmem>> -> memref<640x16xf32, #tpu.memory_space<vmem>>
        %dma_wait3A_370 = arith.constant 0 : i32
        %dma_wait3A_371 = tpu.memref_slice %arg6[%run_scoped3A_343, %multiple_of3A_114, %dma_wait3A_370] : memref<3x100000x16xf32, #tpu.memory_space<hbm>> -> memref<1x640x16xf32, #tpu.memory_space<hbm>>
        %dma_wait3A_372 = tpu.memref_squeeze %dma_wait3A_371 : memref<1x640x16xf32, #tpu.memory_space<hbm>> -> memref<640x16xf32, #tpu.memory_space<hbm>>
        %dma_wait3A_373 = arith.constant 0 : i32
        %dma_wait3A_374 = tpu.memref_slice %arg6[%run_scoped3A_343, %multiple_of3A_114, %dma_wait3A_373] : memref<3x100000x16xf32, #tpu.memory_space<hbm>> -> memref<1x640x16xf32, #tpu.memory_space<hbm>>
        %dma_wait3A_375 = tpu.memref_squeeze %dma_wait3A_374 : memref<1x640x16xf32, #tpu.memory_space<hbm>> -> memref<640x16xf32, #tpu.memory_space<hbm>>
        %dma_wait3A_376 = arith.constant 0 : i32
        %dma_wait3A_377 = arith.constant 0 : i32
        %dma_wait3A_378 = tpu.memref_slice %arg13[%run_scoped3A_342, %dma_wait3A_376, %dma_wait3A_377] : memref<3x640x16xf32, #tpu.memory_space<vmem>> -> memref<1x640x16xf32, #tpu.memory_space<vmem>>
        %dma_wait3A_379 = tpu.memref_squeeze %dma_wait3A_378 : memref<1x640x16xf32, #tpu.memory_space<vmem>> -> memref<640x16xf32, #tpu.memory_space<vmem>>
        tpu.wait_dma2 semaphore(%run_scoped3A_351 : memref<!tpu.dma_semaphore, #tpu.memory_space<semaphore_mem>>) src(%dma_wait3A_379 : memref<640x16xf32, #tpu.memory_space<vmem>>) dst(%dma_wait3A_375 : memref<640x16xf32, #tpu.memory_space<hbm>>)
        tpu.yield
      }) : () -> ()
      %add3A_344 = arith.constant 1 : i32
      %add3A_345 = arith.addi %scan3A_105, %add3A_344 : i32
      %lt3A_346 = arith.constant 5 : i32
      %lt3A_347 = arith.cmpi slt, %add3A_345, %lt3A_346 : i32
      %convert_element_type3A_348 = arith.extui %lt3A_347 : i1 to i32
      %cond3A_349 = arith.constant 0 : i32
      %cond3A_350 = arith.cmpi ne, %convert_element_type3A_348, %cond3A_349 : i32
      scf.if %cond3A_350 {
        %sub3A = arith.constant 1 : i32
        %sub3A_351 = arith.subi %sub3A, %rem3A_106 : i32
        %dma_wait3A_352 = arith.constant 16 : i32
        %dma_wait3A_353 = arith.constant 0 : i32
        %dma_wait3A_354 = arith.constant 0 : i32
        %dma_wait3A_355 = tpu.memref_slice %arg7[%sub3A_351, %dma_wait3A_353, %dma_wait3A_354] : memref<2x640x16xi32, #tpu.memory_space<vmem>> -> memref<1x640x16xi32, #tpu.memory_space<vmem>>
        %dma_wait3A_356 = tpu.memref_squeeze %dma_wait3A_355 : memref<1x640x16xi32, #tpu.memory_space<vmem>> -> memref<640x16xi32, #tpu.memory_space<vmem>>
        %dma_wait3A_357 = arith.constant 0 : i32
        %dma_wait3A_358 = arith.constant 0 : i32
        %dma_wait3A_359 = tpu.memref_slice %arg3[%dma_wait3A_357, %dma_wait3A_358] : memref<100000x16xi32, #tpu.memory_space<hbm>> -> memref<640x16xi32, #tpu.memory_space<hbm>>
        %dma_wait3A_360 = tpu.memref_slice %arg14[%dma_wait3A_352] : memref<20x!tpu.dma_semaphore, #tpu.memory_space<semaphore_mem>> -> memref<1x!tpu.dma_semaphore, #tpu.memory_space<semaphore_mem>>
        %dma_wait3A_361 = tpu.memref_squeeze %dma_wait3A_360 : memref<1x!tpu.dma_semaphore, #tpu.memory_space<semaphore_mem>> -> memref<!tpu.dma_semaphore, #tpu.memory_space<semaphore_mem>>
        %dma_wait3A_362 = arith.constant 0 : i32
        %dma_wait3A_363 = arith.constant 0 : i32
        %dma_wait3A_364 = tpu.memref_slice %arg7[%sub3A_351, %dma_wait3A_362, %dma_wait3A_363] : memref<2x640x16xi32, #tpu.memory_space<vmem>> -> memref<1x640x16xi32, #tpu.memory_space<vmem>>
        %dma_wait3A_365 = tpu.memref_squeeze %dma_wait3A_364 : memref<1x640x16xi32, #tpu.memory_space<vmem>> -> memref<640x16xi32, #tpu.memory_space<vmem>>
        %dma_wait3A_366 = arith.constant 0 : i32
        %dma_wait3A_367 = arith.constant 0 : i32
        %dma_wait3A_368 = tpu.memref_slice %arg3[%dma_wait3A_366, %dma_wait3A_367] : memref<100000x16xi32, #tpu.memory_space<hbm>> -> memref<640x16xi32, #tpu.memory_space<hbm>>
        tpu.wait_dma2 semaphore(%dma_wait3A_361 : memref<!tpu.dma_semaphore, #tpu.memory_space<semaphore_mem>>) src(%dma_wait3A_368 : memref<640x16xi32, #tpu.memory_space<hbm>>) dst(%dma_wait3A_365 : memref<640x16xi32, #tpu.memory_space<vmem>>)
        %dma_wait3A_369 = arith.constant 17 : i32
        %dma_wait3A_370 = arith.constant 0 : i32
        %dma_wait3A_371 = arith.constant 0 : i32
        %dma_wait3A_372 = tpu.memref_slice %arg8[%sub3A_351, %dma_wait3A_370, %dma_wait3A_371] : memref<2x640x16xf32, #tpu.memory_space<vmem>> -> memref<1x640x16xf32, #tpu.memory_space<vmem>>
        %dma_wait3A_373 = tpu.memref_squeeze %dma_wait3A_372 : memref<1x640x16xf32, #tpu.memory_space<vmem>> -> memref<640x16xf32, #tpu.memory_space<vmem>>
        %dma_wait3A_374 = arith.constant 0 : i32
        %dma_wait3A_375 = arith.constant 0 : i32
        %dma_wait3A_376 = tpu.memref_slice %arg4[%dma_wait3A_374, %dma_wait3A_375] : memref<100000x16xf32, #tpu.memory_space<hbm>> -> memref<640x16xf32, #tpu.memory_space<hbm>>
        %dma_wait3A_377 = tpu.memref_slice %arg14[%dma_wait3A_369] : memref<20x!tpu.dma_semaphore, #tpu.memory_space<semaphore_mem>> -> memref<1x!tpu.dma_semaphore, #tpu.memory_space<semaphore_mem>>
        %dma_wait3A_378 = tpu.memref_squeeze %dma_wait3A_377 : memref<1x!tpu.dma_semaphore, #tpu.memory_space<semaphore_mem>> -> memref<!tpu.dma_semaphore, #tpu.memory_space<semaphore_mem>>
        %dma_wait3A_379 = arith.constant 0 : i32
        %dma_wait3A_380 = arith.constant 0 : i32
        %dma_wait3A_381 = tpu.memref_slice %arg8[%sub3A_351, %dma_wait3A_379, %dma_wait3A_380] : memref<2x640x16xf32, #tpu.memory_space<vmem>> -> memref<1x640x16xf32, #tpu.memory_space<vmem>>
        %dma_wait3A_382 = tpu.memref_squeeze %dma_wait3A_381 : memref<1x640x16xf32, #tpu.memory_space<vmem>> -> memref<640x16xf32, #tpu.memory_space<vmem>>
        %dma_wait3A_383 = arith.constant 0 : i32
        %dma_wait3A_384 = arith.constant 0 : i32
        %dma_wait3A_385 = tpu.memref_slice %arg4[%dma_wait3A_383, %dma_wait3A_384] : memref<100000x16xf32, #tpu.memory_space<hbm>> -> memref<640x16xf32, #tpu.memory_space<hbm>>
        tpu.wait_dma2 semaphore(%dma_wait3A_378 : memref<!tpu.dma_semaphore, #tpu.memory_space<semaphore_mem>>) src(%dma_wait3A_385 : memref<640x16xf32, #tpu.memory_space<hbm>>) dst(%dma_wait3A_382 : memref<640x16xf32, #tpu.memory_space<vmem>>)
        %dma_wait3A_386 = arith.constant 18 : i32
        %dma_wait3A_387 = arith.constant 0 : i32
        %dma_wait3A_388 = tpu.memref_slice %arg10[%sub3A_351, %dma_wait3A_387] : memref<2x640xf32, #tpu.memory_space<vmem>> -> memref<1x640xf32, #tpu.memory_space<vmem>>
        %dma_wait3A_389 = tpu.memref_squeeze %dma_wait3A_388 : memref<1x640xf32, #tpu.memory_space<vmem>> -> memref<640xf32, #tpu.memory_space<vmem>>
        %dma_wait3A_390 = arith.constant 0 : i32
        %dma_wait3A_391 = tpu.memref_slice %arg5[%dma_wait3A_390] : memref<100000xf32, #tpu.memory_space<hbm>> -> memref<640xf32, #tpu.memory_space<hbm>>
        %dma_wait3A_392 = tpu.memref_slice %arg14[%dma_wait3A_386] : memref<20x!tpu.dma_semaphore, #tpu.memory_space<semaphore_mem>> -> memref<1x!tpu.dma_semaphore, #tpu.memory_space<semaphore_mem>>
        %dma_wait3A_393 = tpu.memref_squeeze %dma_wait3A_392 : memref<1x!tpu.dma_semaphore, #tpu.memory_space<semaphore_mem>> -> memref<!tpu.dma_semaphore, #tpu.memory_space<semaphore_mem>>
        %dma_wait3A_394 = arith.constant 0 : i32
        %dma_wait3A_395 = tpu.memref_slice %arg10[%sub3A_351, %dma_wait3A_394] : memref<2x640xf32, #tpu.memory_space<vmem>> -> memref<1x640xf32, #tpu.memory_space<vmem>>
        %dma_wait3A_396 = tpu.memref_squeeze %dma_wait3A_395 : memref<1x640xf32, #tpu.memory_space<vmem>> -> memref<640xf32, #tpu.memory_space<vmem>>
        %dma_wait3A_397 = arith.constant 0 : i32
        %dma_wait3A_398 = tpu.memref_slice %arg5[%dma_wait3A_397] : memref<100000xf32, #tpu.memory_space<hbm>> -> memref<640xf32, #tpu.memory_space<hbm>>
        tpu.wait_dma2 semaphore(%dma_wait3A_393 : memref<!tpu.dma_semaphore, #tpu.memory_space<semaphore_mem>>) src(%dma_wait3A_398 : memref<640xf32, #tpu.memory_space<hbm>>) dst(%dma_wait3A_396 : memref<640xf32, #tpu.memory_space<vmem>>)
      } else {
      }
    }
    %scan3A_104 = arith.constant 5 : i32
    return
  }
}

module attributes {stable_mosaic.version = 14 : i64} {
  func.func @_prep_body(%arg0: i32, %arg1: memref<2048x128xf32, #tpu.memory_space<vmem>>, %arg2: memref<2048x128xf32, #tpu.memory_space<vmem>>) attributes {dimension_semantics = [#tpu.dimension_semantics<arbitrary>], iteration_bounds = array<i64: 7>, scalar_prefetch = 0 : i64, scratch_operands = 0 : i64, tpu.core_type = #tpu.core_type<tc>, window_params = [{transform_indices = @transform_0, window_bounds = array<i64: 2048, 128>}, {transform_indices = @transform_1, window_bounds = array<i64: 2048, 128>}]} {
    %get3A = arith.constant 0 : index
    %get3A_0 = arith.constant 0 : index
    %get3A_1 = vector.load %arg1[%get3A, %get3A_0] : memref<2048x128xf32, #tpu.memory_space<vmem>>, vector<2048x128xf32>
    %iota3A = tpu.iota {dimensions = array<i32: 1>} : vector<2048x128xi32>
    %jit3A = arith.constant 16 : i32
    %eq3A = arith.constant 0 : i32
    %eq3A_2 = arith.cmpi eq, %jit3A, %eq3A : i32
    %jit3A_3 = arith.constant 1 : i32
    %select_n3A = arith.select %eq3A_2, %jit3A_3, %jit3A : i32
    %rem3A = vector.broadcast %select_n3A : i32 to vector<2048x128xi32>
    %rem3A_4 = arith.remsi %iota3A, %rem3A : vector<2048x128xi32>
    %ne3A = arith.constant 0 : i32
    %ne3A_5 = vector.broadcast %ne3A : i32 to vector<2048x128xi32>
    %ne3A_6 = arith.cmpi ne, %rem3A_4, %ne3A_5 : vector<2048x128xi32>
    %lt3A = arith.constant 0 : i32
    %lt3A_7 = vector.broadcast %lt3A : i32 to vector<2048x128xi32>
    %lt3A_8 = arith.cmpi slt, %rem3A_4, %lt3A_7 : vector<2048x128xi32>
    %lt3A_9 = arith.constant 0 : i32
    %lt3A_10 = arith.cmpi slt, %select_n3A, %lt3A_9 : i32
    %ne3A_11 = vector.broadcast %lt3A_10 : i1 to vector<2048x128xi1>
    %ne3A_12 = vector.broadcast %ne3A_11 : vector<2048x128xi1> to vector<2048x128xi1>
    %ne3A_13 = arith.xori %lt3A_8, %ne3A_12 : vector<2048x128xi1>
    %and3A = arith.andi %ne3A_13, %ne3A_6 : vector<2048x128xi1>
    %add3A = vector.broadcast %select_n3A : i32 to vector<2048x128xi32>
    %add3A_14 = arith.addi %rem3A_4, %add3A : vector<2048x128xi32>
    %select_n3A_15 = arith.select %and3A, %add3A_14, %rem3A_4 : vector<2048x128xi1>, vector<2048x128xi32>
    %lt3A_16 = arith.constant 3 : i32
    %lt3A_17 = vector.broadcast %lt3A_16 : i32 to vector<2048x128xi32>
    %lt3A_18 = arith.cmpi slt, %select_n3A_15, %lt3A_17 : vector<2048x128xi32>
    %lt3A_19 = arith.constant 6 : i32
    %lt3A_20 = vector.broadcast %lt3A_19 : i32 to vector<2048x128xi32>
    %lt3A_21 = arith.cmpi slt, %select_n3A_15, %lt3A_20 : vector<2048x128xi32>
    %cos3A = math.cos %get3A_1 : vector<2048x128xf32>
    %lt3A_22 = arith.constant 9 : i32
    %lt3A_23 = vector.broadcast %lt3A_22 : i32 to vector<2048x128xi32>
    %lt3A_24 = arith.cmpi slt, %select_n3A_15, %lt3A_23 : vector<2048x128xi32>
    %sin3A = math.sin %get3A_1 : vector<2048x128xf32>
    %jit3A_25 = arith.constant 0.000000e+00 : f32
    %broadcast_in_dim3A = vector.broadcast %jit3A_25 : f32 to vector<2048x128xf32>
    %select_n3A_26 = arith.select %lt3A_24, %sin3A, %broadcast_in_dim3A : vector<2048x128xi1>, vector<2048x128xf32>
    %select_n3A_27 = arith.select %lt3A_21, %cos3A, %select_n3A_26 : vector<2048x128xi1>, vector<2048x128xf32>
    %select_n3A_28 = arith.select %lt3A_18, %get3A_1, %select_n3A_27 : vector<2048x128xi1>, vector<2048x128xf32>
    %swap3A = arith.constant 0 : index
    %swap3A_29 = arith.constant 0 : index
    %swap3A_30 = vector.load %arg2[%swap3A, %swap3A_29] : memref<2048x128xf32, #tpu.memory_space<vmem>>, vector<2048x128xf32>
    tpu.vector_store %arg2[%swap3A, %swap3A_29], %select_n3A_28 {strides = array<i32>} : memref<2048x128xf32, #tpu.memory_space<vmem>>, vector<2048x128xf32>,
    return
  }
  func.func @transform_0(%arg0: i32) -> (i32, i32) {
    %c0_i32 = arith.constant 0 : i32
    %c0_i32_0 = arith.constant 0 : i32
    return %arg0, %c0_i32 : i32, i32
  }
  func.func @transform_1(%arg0: i32) -> (i32, i32) {
    %c0_i32 = arith.constant 0 : i32
    %c0_i32_0 = arith.constant 0 : i32
    return %arg0, %c0_i32 : i32, i32
  }
}

module attributes {stable_mosaic.version = 14 : i64} {
  func.func @_prep_lt_body(%arg0: i32, %arg1: memref<2048x128xf32, #tpu.memory_space<vmem>>, %arg2: memref<2048x128xf32, #tpu.memory_space<vmem>>) attributes {dimension_semantics = [#tpu.dimension_semantics<arbitrary>], iteration_bounds = array<i64: 7>, scalar_prefetch = 0 : i64, scratch_operands = 0 : i64, tpu.core_type = #tpu.core_type<tc>, window_params = [{transform_indices = @transform_0, window_bounds = array<i64: 2048, 128>}, {transform_indices = @transform_1, window_bounds = array<i64: 2048, 128>}]} {
    %get3A = arith.constant 0 : index
    %get3A_0 = arith.constant 0 : index
    %get3A_1 = vector.load %arg1[%get3A, %get3A_0] : memref<2048x128xf32, #tpu.memory_space<vmem>>, vector<2048x128xf32>
    %iota3A = tpu.iota {dimensions = array<i32: 1>} : vector<2048x128xi32>
    %jit3A = arith.constant 16 : i32
    %eq3A = arith.constant 0 : i32
    %eq3A_2 = arith.cmpi eq, %jit3A, %eq3A : i32
    %jit3A_3 = arith.constant 1 : i32
    %select_n3A = arith.select %eq3A_2, %jit3A_3, %jit3A : i32
    %rem3A = vector.broadcast %select_n3A : i32 to vector<2048x128xi32>
    %rem3A_4 = arith.remsi %iota3A, %rem3A : vector<2048x128xi32>
    %ne3A = arith.constant 0 : i32
    %ne3A_5 = vector.broadcast %ne3A : i32 to vector<2048x128xi32>
    %ne3A_6 = arith.cmpi ne, %rem3A_4, %ne3A_5 : vector<2048x128xi32>
    %lt3A = arith.constant 0 : i32
    %lt3A_7 = vector.broadcast %lt3A : i32 to vector<2048x128xi32>
    %lt3A_8 = arith.cmpi slt, %rem3A_4, %lt3A_7 : vector<2048x128xi32>
    %lt3A_9 = arith.constant 0 : i32
    %lt3A_10 = arith.cmpi slt, %select_n3A, %lt3A_9 : i32
    %ne3A_11 = vector.broadcast %lt3A_10 : i1 to vector<2048x128xi1>
    %ne3A_12 = vector.broadcast %ne3A_11 : vector<2048x128xi1> to vector<2048x128xi1>
    %ne3A_13 = arith.xori %lt3A_8, %ne3A_12 : vector<2048x128xi1>
    %and3A = arith.andi %ne3A_13, %ne3A_6 : vector<2048x128xi1>
    %add3A = vector.broadcast %select_n3A : i32 to vector<2048x128xi32>
    %add3A_14 = arith.addi %rem3A_4, %add3A : vector<2048x128xi32>
    %select_n3A_15 = arith.select %and3A, %add3A_14, %rem3A_4 : vector<2048x128xi1>, vector<2048x128xi32>
    %lt3A_16 = arith.constant 2 : i32
    %lt3A_17 = vector.broadcast %lt3A_16 : i32 to vector<2048x128xi32>
    %lt3A_18 = arith.cmpi slt, %select_n3A_15, %lt3A_17 : vector<2048x128xi32>
    %cos3A = math.cos %get3A_1 : vector<2048x128xf32>
    %lt3A_19 = arith.constant 4 : i32
    %lt3A_20 = vector.broadcast %lt3A_19 : i32 to vector<2048x128xi32>
    %lt3A_21 = arith.cmpi slt, %select_n3A_15, %lt3A_20 : vector<2048x128xi32>
    %sin3A = math.sin %get3A_1 : vector<2048x128xf32>
    %jit3A_22 = arith.constant 0.000000e+00 : f32
    %broadcast_in_dim3A = vector.broadcast %jit3A_22 : f32 to vector<2048x128xf32>
    %select_n3A_23 = arith.select %lt3A_21, %sin3A, %broadcast_in_dim3A : vector<2048x128xi1>, vector<2048x128xf32>
    %select_n3A_24 = arith.select %lt3A_18, %cos3A, %select_n3A_23 : vector<2048x128xi1>, vector<2048x128xf32>
    %swap3A = arith.constant 0 : index
    %swap3A_25 = arith.constant 0 : index
    %swap3A_26 = vector.load %arg2[%swap3A, %swap3A_25] : memref<2048x128xf32, #tpu.memory_space<vmem>>, vector<2048x128xf32>
    tpu.vector_store %arg2[%swap3A, %swap3A_25], %select_n3A_24 {strides = array<i32>} : memref<2048x128xf32, #tpu.memory_space<vmem>>, vector<2048x128xf32>,
    return
  }
  func.func @transform_0(%arg0: i32) -> (i32, i32) {
    %c0_i32 = arith.constant 0 : i32
    %c0_i32_0 = arith.constant 0 : i32
    return %arg0, %c0_i32 : i32, i32
  }
  func.func @transform_1(%arg0: i32) -> (i32, i32) {
    %c0_i32 = arith.constant 0 : i32
    %c0_i32_0 = arith.constant 0 : i32
    return %arg0, %c0_i32 : i32, i32
  }
}

module attributes {stable_mosaic.version = 14 : i64} {
  func.func @_final_body(%arg0: i32, %arg1: memref<1x128xf32, #tpu.memory_space<vmem>>, %arg2: memref<2048x16xf32, #tpu.memory_space<vmem>>, %arg3: memref<2048x16xf32, #tpu.memory_space<vmem>>, %arg4: memref<3x2048x16xf32, #tpu.memory_space<vmem>>, %arg5: memref<1x2xf32, #tpu.memory_space<vmem>>, %arg6: memref<2048x128xf32, #tpu.memory_space<vmem>>) attributes {dimension_semantics = [#tpu.dimension_semantics<arbitrary>], iteration_bounds = array<i64: 49>, scalar_prefetch = 0 : i64, scratch_operands = 0 : i64, tpu.core_type = #tpu.core_type<tc>, window_params = [{pipeline_mode = #tpu.pipeline_mode<synchronous>, transform_indices = @transform_0, window_bounds = array<i64: 1, 128>}, {transform_indices = @transform_1, window_bounds = array<i64: 2048, 16>}, {transform_indices = @transform_2, window_bounds = array<i64: 2048, 16>}, {transform_indices = @transform_3, window_bounds = array<i64: 3, 2048, 16>}, {pipeline_mode = #tpu.pipeline_mode<synchronous>, transform_indices = @transform_4, window_bounds = array<i64: 1, 2>}, {transform_indices = @transform_5, window_bounds = array<i64: 2048, 128>}]} {
    %get3A = arith.constant 0 : index
    %get3A_0 = arith.constant 0 : index
    %get3A_1 = vector.load %arg1[%get3A, %get3A_0] : memref<1x128xf32, #tpu.memory_space<vmem>>, vector<1x128xf32>
    %get3A_2 = arith.constant 0 : index
    %get3A_3 = arith.constant 0 : index
    %get3A_4 = vector.load %arg2[%get3A_2, %get3A_3] : memref<2048x16xf32, #tpu.memory_space<vmem>>, vector<2048x16xf32>
    %get3A_5 = arith.constant 0 : index
    %get3A_6 = arith.constant 0 : index
    %get3A_7 = vector.load %arg3[%get3A_5, %get3A_6] : memref<2048x16xf32, #tpu.memory_space<vmem>>, vector<2048x16xf32>
    %get3A_8 = arith.constant 0 : index
    %get3A_9 = arith.constant 0 : index
    %get3A_10 = arith.constant 0 : index
    %get3A_11 = vector.load %arg4[%get3A_8, %get3A_9, %get3A_10] : memref<3x2048x16xf32, #tpu.memory_space<vmem>>, vector<3x2048x16xf32>
    %iota3A = tpu.iota {dimensions = array<i32: 1>} : vector<2048x16xi32>
    %lt3A = arith.constant 3 : i32
    %lt3A_12 = vector.broadcast %lt3A : i32 to vector<2048x16xi32>
    %lt3A_13 = arith.cmpi slt, %iota3A, %lt3A_12 : vector<2048x16xi32>
    %slice3A = vector.extract_strided_slice %get3A_11 {offsets = [0, 0, 0], sizes = [1, 2048, 16], strides = [1, 1, 1]} : vector<3x2048x16xf32> to vector<1x2048x16xf32>
    %squeeze3A = vector.shape_cast %slice3A : vector<1x2048x16xf32> to vector<2048x16xf32>
    %jit3A = arith.constant 0.000000e+00 : f32
    %broadcast_in_dim3A = vector.broadcast %jit3A : f32 to vector<2048x16xf32>
    %select_n3A = arith.select %lt3A_13, %squeeze3A, %broadcast_in_dim3A : vector<2048x16xi1>, vector<2048x16xf32>
    %slice3A_14 = vector.extract_strided_slice %get3A_11 {offsets = [1, 0, 0], sizes = [1, 2048, 16], strides = [1, 1, 1]} : vector<3x2048x16xf32> to vector<1x2048x16xf32>
    %squeeze3A_15 = vector.shape_cast %slice3A_14 : vector<1x2048x16xf32> to vector<2048x16xf32>
    %jit3A_16 = arith.constant 0.000000e+00 : f32
    %broadcast_in_dim3A_17 = vector.broadcast %jit3A_16 : f32 to vector<2048x16xf32>
    %select_n3A_18 = arith.select %lt3A_13, %squeeze3A_15, %broadcast_in_dim3A_17 : vector<2048x16xi1>, vector<2048x16xf32>
    %slice3A_19 = vector.extract_strided_slice %get3A_11 {offsets = [2, 0, 0], sizes = [1, 2048, 16], strides = [1, 1, 1]} : vector<3x2048x16xf32> to vector<1x2048x16xf32>
    %squeeze3A_20 = vector.shape_cast %slice3A_19 : vector<1x2048x16xf32> to vector<2048x16xf32>
    %jit3A_21 = arith.constant 0.000000e+00 : f32
    %broadcast_in_dim3A_22 = vector.broadcast %jit3A_21 : f32 to vector<2048x16xf32>
    %select_n3A_23 = arith.select %lt3A_13, %squeeze3A_20, %broadcast_in_dim3A_22 : vector<2048x16xi1>, vector<2048x16xf32>
    %mul3A = arith.mulf %select_n3A_18, %select_n3A_18 : vector<2048x16xf32>
    %mul3A_24 = arith.mulf %select_n3A_23, %select_n3A_23 : vector<2048x16xf32>
    %add3A = arith.addf %mul3A, %mul3A_24 : vector<2048x16xf32>
    %max3A = arith.constant 1.000000e-30 : f32
    %max3A_25 = vector.broadcast %max3A : f32 to vector<2048x16xf32>
    %max3A_26 = arith.maximumf %add3A, %max3A_25 : vector<2048x16xf32>
    %rsqrt3A = math.rsqrt %max3A_26 : vector<2048x16xf32>
    %mul3A_27 = arith.mulf %select_n3A, %rsqrt3A : vector<2048x16xf32>
    %mul3A_28 = arith.mulf %mul3A_27, %select_n3A_18 : vector<2048x16xf32>
    %mul3A_29 = arith.mulf %mul3A_27, %select_n3A_23 : vector<2048x16xf32>
    %mul3A_30 = arith.mulf %get3A_4, %get3A_7 : vector<2048x16xf32>
    %iota3A_31 = tpu.iota {dimensions = array<i32: 0>} : vector<16x128xi32>
    %broadcast_in_dim3A_32 = arith.constant 0.000000e+00 : f32
    %broadcast_in_dim3A_33 = vector.broadcast %broadcast_in_dim3A_32 : f32 to vector<16x128xf32>
    %mul3A_34 = arith.constant 25.1327419 : f32
    %mul3A_35 = vector.broadcast %mul3A_34 : f32 to vector<1x128xf32>
    %mul3A_36 = arith.mulf %mul3A_35, %get3A_1 : vector<1x128xf32>
    %eq3A = arith.constant 0 : i32
    %eq3A_37 = vector.broadcast %eq3A : i32 to vector<16x128xi32>
    %eq3A_38 = arith.cmpi eq, %iota3A_31, %eq3A_37 : vector<16x128xi32>
    %sin3A = math.sin %mul3A_36 : vector<1x128xf32>
    %broadcast_in_dim3A_39 = vector.shape_cast %sin3A : vector<1x128xf32> to vector<1x128xf32>
    %broadcast_in_dim3A_40 = vector.broadcast %broadcast_in_dim3A_39 : vector<1x128xf32> to vector<16x128xf32>
    %select_n3A_41 = arith.select %eq3A_38, %broadcast_in_dim3A_40, %broadcast_in_dim3A_33 : vector<16x128xi1>, vector<16x128xf32>
    %eq3A_42 = arith.constant 0 : i32
    %eq3A_43 = vector.broadcast %eq3A_42 : i32 to vector<16x128xi32>
    %eq3A_44 = arith.cmpi eq, %iota3A_31, %eq3A_43 : vector<16x128xi32>
    %cos3A = math.cos %mul3A_36 : vector<1x128xf32>
    %broadcast_in_dim3A_45 = vector.shape_cast %cos3A : vector<1x128xf32> to vector<1x128xf32>
    %broadcast_in_dim3A_46 = vector.broadcast %broadcast_in_dim3A_45 : vector<1x128xf32> to vector<16x128xf32>
    %select_n3A_47 = arith.select %eq3A_44, %broadcast_in_dim3A_46, %broadcast_in_dim3A_33 : vector<16x128xi1>, vector<16x128xf32>
    %mul3A_48 = arith.constant 12.566371 : f32
    %mul3A_49 = vector.broadcast %mul3A_48 : f32 to vector<1x128xf32>
    %mul3A_50 = arith.mulf %mul3A_49, %get3A_1 : vector<1x128xf32>
    %eq3A_51 = arith.constant 1 : i32
    %eq3A_52 = vector.broadcast %eq3A_51 : i32 to vector<16x128xi32>
    %eq3A_53 = arith.cmpi eq, %iota3A_31, %eq3A_52 : vector<16x128xi32>
    %sin3A_54 = math.sin %mul3A_50 : vector<1x128xf32>
    %broadcast_in_dim3A_55 = vector.shape_cast %sin3A_54 : vector<1x128xf32> to vector<1x128xf32>
    %broadcast_in_dim3A_56 = vector.broadcast %broadcast_in_dim3A_55 : vector<1x128xf32> to vector<16x128xf32>
    %select_n3A_57 = arith.select %eq3A_53, %broadcast_in_dim3A_56, %select_n3A_41 : vector<16x128xi1>, vector<16x128xf32>
    %eq3A_58 = arith.constant 1 : i32
    %eq3A_59 = vector.broadcast %eq3A_58 : i32 to vector<16x128xi32>
    %eq3A_60 = arith.cmpi eq, %iota3A_31, %eq3A_59 : vector<16x128xi32>
    %cos3A_61 = math.cos %mul3A_50 : vector<1x128xf32>
    %broadcast_in_dim3A_62 = vector.shape_cast %cos3A_61 : vector<1x128xf32> to vector<1x128xf32>
    %broadcast_in_dim3A_63 = vector.broadcast %broadcast_in_dim3A_62 : vector<1x128xf32> to vector<16x128xf32>
    %select_n3A_64 = arith.select %eq3A_60, %broadcast_in_dim3A_63, %select_n3A_47 : vector<16x128xi1>, vector<16x128xf32>
    %mul3A_65 = arith.constant 6.28318548 : f32
    %mul3A_66 = vector.broadcast %mul3A_65 : f32 to vector<1x128xf32>
    %mul3A_67 = arith.mulf %mul3A_66, %get3A_1 : vector<1x128xf32>
    %eq3A_68 = arith.constant 2 : i32
    %eq3A_69 = vector.broadcast %eq3A_68 : i32 to vector<16x128xi32>
    %eq3A_70 = arith.cmpi eq, %iota3A_31, %eq3A_69 : vector<16x128xi32>
    %sin3A_71 = math.sin %mul3A_67 : vector<1x128xf32>
    %broadcast_in_dim3A_72 = vector.shape_cast %sin3A_71 : vector<1x128xf32> to vector<1x128xf32>
    %broadcast_in_dim3A_73 = vector.broadcast %broadcast_in_dim3A_72 : vector<1x128xf32> to vector<16x128xf32>
    %select_n3A_74 = arith.select %eq3A_70, %broadcast_in_dim3A_73, %select_n3A_57 : vector<16x128xi1>, vector<16x128xf32>
    %eq3A_75 = arith.constant 2 : i32
    %eq3A_76 = vector.broadcast %eq3A_75 : i32 to vector<16x128xi32>
    %eq3A_77 = arith.cmpi eq, %iota3A_31, %eq3A_76 : vector<16x128xi32>
    %cos3A_78 = math.cos %mul3A_67 : vector<1x128xf32>
    %broadcast_in_dim3A_79 = vector.shape_cast %cos3A_78 : vector<1x128xf32> to vector<1x128xf32>
    %broadcast_in_dim3A_80 = vector.broadcast %broadcast_in_dim3A_79 : vector<1x128xf32> to vector<16x128xf32>
    %select_n3A_81 = arith.select %eq3A_77, %broadcast_in_dim3A_80, %select_n3A_64 : vector<16x128xi1>, vector<16x128xf32>
    %get3A_82 = arith.constant 0 : index
    %get3A_83 = arith.constant 0 : index
    %get3A_84 = vector.load %arg5[%get3A_82, %get3A_83] : memref<1x2xf32, #tpu.memory_space<vmem>>, vector<1x2xf32>
    %mul3A_85 = arith.constant 6.28318548 : f32
    %mul3A_86 = vector.broadcast %mul3A_85 : f32 to vector<1x128xf32>
    %mul3A_87 = arith.mulf %mul3A_86, %get3A_1 : vector<1x128xf32>
    %slice3A_88 = vector.extract_strided_slice %get3A_84 {offsets = [0, 0], sizes = [1, 1], strides = [1, 1]} : vector<1x2xf32> to vector<1x1xf32>
    %div3A = vector.broadcast %slice3A_88 : vector<1x1xf32> to vector<1x128xf32>
    %div3A_89 = arith.divf %mul3A_87, %div3A : vector<1x128xf32>
    %eq3A_90 = arith.constant 0 : i32
    %eq3A_91 = vector.broadcast %eq3A_90 : i32 to vector<16x128xi32>
    %eq3A_92 = arith.cmpi eq, %iota3A_31, %eq3A_91 : vector<16x128xi32>
    %sin3A_93 = math.sin %div3A_89 : vector<1x128xf32>
    %broadcast_in_dim3A_94 = vector.shape_cast %sin3A_93 : vector<1x128xf32> to vector<1x128xf32>
    %broadcast_in_dim3A_95 = vector.broadcast %broadcast_in_dim3A_94 : vector<1x128xf32> to vector<16x128xf32>
    %select_n3A_96 = arith.select %eq3A_92, %broadcast_in_dim3A_95, %broadcast_in_dim3A_33 : vector<16x128xi1>, vector<16x128xf32>
    %eq3A_97 = arith.constant 2 : i32
    %eq3A_98 = vector.broadcast %eq3A_97 : i32 to vector<16x128xi32>
    %eq3A_99 = arith.cmpi eq, %iota3A_31, %eq3A_98 : vector<16x128xi32>
    %cos3A_100 = math.cos %div3A_89 : vector<1x128xf32>
    %broadcast_in_dim3A_101 = vector.shape_cast %cos3A_100 : vector<1x128xf32> to vector<1x128xf32>
    %broadcast_in_dim3A_102 = vector.broadcast %broadcast_in_dim3A_101 : vector<1x128xf32> to vector<16x128xf32>
    %select_n3A_103 = arith.select %eq3A_99, %broadcast_in_dim3A_102, %select_n3A_96 : vector<16x128xi1>, vector<16x128xf32>
    %mul3A_104 = arith.constant 6.28318548 : f32
    %mul3A_105 = vector.broadcast %mul3A_104 : f32 to vector<1x128xf32>
    %mul3A_106 = arith.mulf %mul3A_105, %get3A_1 : vector<1x128xf32>
    %slice3A_107 = vector.extract_strided_slice %get3A_84 {offsets = [0, 1], sizes = [1, 1], strides = [1, 1]} : vector<1x2xf32> to vector<1x1xf32>
    %div3A_108 = vector.broadcast %slice3A_107 : vector<1x1xf32> to vector<1x128xf32>
    %div3A_109 = arith.divf %mul3A_106, %div3A_108 : vector<1x128xf32>
    %eq3A_110 = arith.constant 1 : i32
    %eq3A_111 = vector.broadcast %eq3A_110 : i32 to vector<16x128xi32>
    %eq3A_112 = arith.cmpi eq, %iota3A_31, %eq3A_111 : vector<16x128xi32>
    %sin3A_113 = math.sin %div3A_109 : vector<1x128xf32>
    %broadcast_in_dim3A_114 = vector.shape_cast %sin3A_113 : vector<1x128xf32> to vector<1x128xf32>
    %broadcast_in_dim3A_115 = vector.broadcast %broadcast_in_dim3A_114 : vector<1x128xf32> to vector<16x128xf32>
    %select_n3A_116 = arith.select %eq3A_112, %broadcast_in_dim3A_115, %select_n3A_103 : vector<16x128xi1>, vector<16x128xf32>
    %eq3A_117 = arith.constant 3 : i32
    %eq3A_118 = vector.broadcast %eq3A_117 : i32 to vector<16x128xi32>
    %eq3A_119 = arith.cmpi eq, %iota3A_31, %eq3A_118 : vector<16x128xi32>
    %cos3A_120 = math.cos %div3A_109 : vector<1x128xf32>
    %broadcast_in_dim3A_121 = vector.shape_cast %cos3A_120 : vector<1x128xf32> to vector<1x128xf32>
    %broadcast_in_dim3A_122 = vector.broadcast %broadcast_in_dim3A_121 : vector<1x128xf32> to vector<16x128xf32>
    %select_n3A_123 = arith.select %eq3A_119, %broadcast_in_dim3A_122, %select_n3A_116 : vector<16x128xi1>, vector<16x128xf32>
    %eq3A_124 = arith.constant 4 : i32
    %eq3A_125 = vector.broadcast %eq3A_124 : i32 to vector<16x128xi32>
    %eq3A_126 = arith.cmpi eq, %iota3A_31, %eq3A_125 : vector<16x128xi32>
    %eq3A_127 = arith.constant 5 : i32
    %eq3A_128 = vector.broadcast %eq3A_127 : i32 to vector<16x128xi32>
    %eq3A_129 = arith.cmpi eq, %iota3A_31, %eq3A_128 : vector<16x128xi32>
    %jit3A_130 = arith.constant 0.000000e+00 : f32
    %broadcast_in_dim3A_131 = vector.shape_cast %get3A_1 : vector<1x128xf32> to vector<1x128xf32>
    %broadcast_in_dim3A_132 = vector.broadcast %broadcast_in_dim3A_131 : vector<1x128xf32> to vector<16x128xf32>
    %broadcast_in_dim3A_133 = vector.broadcast %jit3A_130 : f32 to vector<16x128xf32>
    %select_n3A_134 = arith.select %eq3A_129, %broadcast_in_dim3A_132, %broadcast_in_dim3A_133 : vector<16x128xi1>, vector<16x128xf32>
    %jit3A_135 = arith.constant 1.000000e+00 : f32
    %broadcast_in_dim3A_136 = vector.broadcast %jit3A_135 : f32 to vector<16x128xf32>
    %select_n3A_137 = arith.select %eq3A_126, %broadcast_in_dim3A_136, %select_n3A_134 : vector<16x128xi1>, vector<16x128xf32>
    %convert_element_type3A = arith.truncf %get3A_4 : vector<2048x16xf32> to vector<2048x16xbf16>
    %convert_element_type3A_138 = arith.truncf %select_n3A_137 : vector<16x128xf32> to vector<16x128xbf16>
    %dot_general3A = arith.constant dense<0.000000e+00> : vector<2048x128xf32>
    %dot_general3A_139 = tpu.matmul %convert_element_type3A, %convert_element_type3A_138, %dot_general3A {dimension_numbers = #tpu.dot_dimension_numbers<[1], [0], [0], [1], [0, 0, 1, 1], [], []>, transpose_lhs_hint = false} : vector<2048x16xbf16>, vector<16x128xbf16>, vector<2048x128xf32> -> vector<2048x128xf32>
    %convert_element_type3A_140 = arith.truncf %mul3A_28 : vector<2048x16xf32> to vector<2048x16xbf16>
    %convert_element_type3A_141 = arith.truncf %select_n3A_74 : vector<16x128xf32> to vector<16x128xbf16>
    %dot_general3A_142 = arith.constant dense<0.000000e+00> : vector<2048x128xf32>
    %dot_general3A_143 = tpu.matmul %convert_element_type3A_140, %convert_element_type3A_141, %dot_general3A_142 {dimension_numbers = #tpu.dot_dimension_numbers<[1], [0], [0], [1], [0, 0, 1, 1], [], []>, transpose_lhs_hint = false} : vector<2048x16xbf16>, vector<16x128xbf16>, vector<2048x128xf32> -> vector<2048x128xf32>
    %add3A_144 = arith.addf %dot_general3A_139, %dot_general3A_143 : vector<2048x128xf32>
    %convert_element_type3A_145 = arith.truncf %mul3A_29 : vector<2048x16xf32> to vector<2048x16xbf16>
    %convert_element_type3A_146 = arith.truncf %select_n3A_81 : vector<16x128xf32> to vector<16x128xbf16>
    %dot_general3A_147 = arith.constant dense<0.000000e+00> : vector<2048x128xf32>
    %dot_general3A_148 = tpu.matmul %convert_element_type3A_145, %convert_element_type3A_146, %dot_general3A_147 {dimension_numbers = #tpu.dot_dimension_numbers<[1], [0], [0], [1], [0, 0, 1, 1], [], []>, transpose_lhs_hint = false} : vector<2048x16xbf16>, vector<16x128xbf16>, vector<2048x128xf32> -> vector<2048x128xf32>
    %add3A_149 = arith.addf %add3A_144, %dot_general3A_148 : vector<2048x128xf32>
    %convert_element_type3A_150 = arith.truncf %mul3A_30 : vector<2048x16xf32> to vector<2048x16xbf16>
    %convert_element_type3A_151 = arith.truncf %select_n3A_123 : vector<16x128xf32> to vector<16x128xbf16>
    %dot_general3A_152 = arith.constant dense<0.000000e+00> : vector<2048x128xf32>
    %dot_general3A_153 = tpu.matmul %convert_element_type3A_150, %convert_element_type3A_151, %dot_general3A_152 {dimension_numbers = #tpu.dot_dimension_numbers<[1], [0], [0], [1], [0, 0, 1, 1], [], []>, transpose_lhs_hint = false} : vector<2048x16xbf16>, vector<16x128xbf16>, vector<2048x128xf32> -> vector<2048x128xf32>
    %add3A_154 = arith.addf %add3A_149, %dot_general3A_153 : vector<2048x128xf32>
    %swap3A = arith.constant 0 : index
    %swap3A_155 = arith.constant 0 : index
    %swap3A_156 = vector.load %arg6[%swap3A, %swap3A_155] : memref<2048x128xf32, #tpu.memory_space<vmem>>, vector<2048x128xf32>
    tpu.vector_store %arg6[%swap3A, %swap3A_155], %add3A_154 {strides = array<i32>} : memref<2048x128xf32, #tpu.memory_space<vmem>>, vector<2048x128xf32>,
    return
  }
  func.func @transform_0(%arg0: i32) -> (i32, i32) {
    %c0_i32 = arith.constant 0 : i32
    %c0_i32_0 = arith.constant 0 : i32
    %c0_i32_1 = arith.constant 0 : i32
    return %c0_i32, %c0_i32_0 : i32, i32
  }
  func.func @transform_1(%arg0: i32) -> (i32, i32) {
    %c0_i32 = arith.constant 0 : i32
    %c0_i32_0 = arith.constant 0 : i32
    return %arg0, %c0_i32 : i32, i32
  }
  func.func @transform_2(%arg0: i32) -> (i32, i32) {
    %c0_i32 = arith.constant 0 : i32
    %c0_i32_0 = arith.constant 0 : i32
    return %arg0, %c0_i32 : i32, i32
  }
  func.func @transform_3(%arg0: i32) -> (i32, i32, i32) {
    %c0_i32 = arith.constant 0 : i32
    %c0_i32_0 = arith.constant 0 : i32
    %c0_i32_1 = arith.constant 0 : i32
    return %c0_i32, %arg0, %c0_i32_0 : i32, i32, i32
  }
  func.func @transform_4(%arg0: i32) -> (i32, i32) {
    %c0_i32 = arith.constant 0 : i32
    %c0_i32_0 = arith.constant 0 : i32
    %c0_i32_1 = arith.constant 0 : i32
    return %c0_i32, %c0_i32_0 : i32, i32
  }
  func.func @transform_5(%arg0: i32) -> (i32, i32) {
    %c0_i32 = arith.constant 0 : i32
    %c0_i32_0 = arith.constant 0 : i32
    return %arg0, %c0_i32 : i32, i32
  }
}

</mosaic_0001>

<sc_bundles>
// kernel: kernel.6.cloned.1.call-start
scs
__scs_entry_jumppad:
0x0: {  	(pc) =	sbr.rel $0x88, $3  }
0x1: {  	(tag) =	ssettag $0x0;
	lr =	simm.s32 $0x1  }
0x2: {  	[smem:$0x3F96] =	sst lr;
	_ =	strace $0xD0000000  }
0x3: {  	_ = 	snop  }
0x4: {  	_ = 	snop  }
0x5: {  	_ = 	snop  }
0x6: {  	_ = 	snop  }
0x7: {  	_ = 	snop  }
__scs_overlays_trampoline_lowered:
0x8: {  	[smem:$0x3FA5] =	sst s0  }
0x9: {  	[smem:$0x3FA6] =	sst s1  }
0xa: {  	[smem:$0x3FA7] =	sst s2  }
0xb: {  	[smem:$0x3FA8] =	sst s3  }
0xc: {  	[smem:$0x3FA9] =	sst s4  }
0xd: {  	[smem:$0x3FAA] =	sst s5  }
0xe: {  	[smem:$0x3FAB] =	sst s6  }
0xf: {  	[smem:$0x3FAC] =	sst s7  }
0x10: {  	[smem:$0x3FAD] =	sst s8  }
0x11: {  	[smem:$0x3FAE] =	sst s9;
	s0 =	simm.s32 @!p0 $0x0  }
0x12: {  	s1 =	sld [smem:$0x3F94];
	s0 =	simm.s32 @p0 $0x1  }
0x13: {  	[smem:$0x3FAF] =	sst s0;
	s0 =	simm.s32 @!p1 $0x0  }
0x14: {  	s2 =	sld [smem:$0x3F93];
	s0 =	simm.s32 @p1 $0x1  }
0x15: {  	[smem:$0x3FB0] =	sst s0;
	s0 =	simm.s32 @!p2 $0x0  }
0x16: {  	s3 =	sld [smem:$0x3FDB];
	s0 =	simm.s32 @p2 $0x1  }
0x17: {  	s4 =	simm.s32 $0x1BF5;
	[smem:$0x3FB2] =	sst s0  }
0x18: {  	s0 =	sld [smem:$0x3F95];
	_ =	swait.ge [sflag:s4], $0x0  }
0x19: {  	s7 =	sld [smem:$0x3F96]  }
0x1a: {  	s8 =	sadd.s32 $0xFFFFE003, lr  }
0x1b: {  	s9 =	sadd.s32 $0xFFFFFEF7, lr;
	s5 =	simm.s32 $0xFFFFFFFF;
	p2 =	slt.u32 s8, $0xFFFFF086  }
0x1c: {  	p1 =	slt.u32 s9, $0xF7A;
	s5 =	simm.s32 @!p2 $0x0  }
0x1d: {  	s5 =	simm.s32 @p1 $0x1;
	p0 =	seq.s32 s7, s2  }
0x1e: {  	s7 =	smul.u32 @!p0 $0xF7A, s2;
	p2 =	seq.s32 @!p0 s5, $0x0  }
0x1f: {  	s9 =	smul.u32 $0xF7A, s1;
	s8 =	simm.s32 @!p0 $0x1BF5;
	p2 =	por !p2, p0  }
0x20: {  	[sflag:s8] =	ssyncset.s32 @!p0 $0xFFFFF086;
	s6 =	sadd.s32 @!p0 s3, s7;
	s7 =	simm.s32 @!p0 $0x108  }
0x21: {  	s3 =	sadd.s32 s3, s9;
	s6 =	sadd.s32 @!p0 $0x88, s6;
	s7 =	simm.s32 @p2 $0x1082  }
0x22: {  	[simem:s7], [sflag:s8] =	dma.local @!p0 [hbm:s6], $0xF7A  }
0x23: {  	s9 =	sor.u32 $0xD0000000, s2;
	s6 =	simm.s32 $0x108;
	_ =	swait.ge @!p0 [sflag:s8], $0x0  }
0x24: {  	s3 =	sadd.s32 $0x88, s3;
	s6 =	simm.s32 @!p1 $0x1082;
	[sflag:s4] =	ssyncset.s32 $0xFFFFF086  }
0x25: {  	[simem:s6], [sflag:s4] =	dma.local [hbm:s3], $0xF7A  }
0x26: {  	[smem:$0x3F96] =	sst s1;
	(tag) =	ssettag s2;
	_ =	strace s9  }
0x27: {  	s1 =	sld [smem:$0x3FA6]  }
0x28: {  	s2 =	sld [smem:$0x3FA7]  }
0x29: {  	s4 =	sld [smem:$0x3FA9]  }
0x2a: {  	p0 =	seq.s32 s5, $0x0;
	s5 =	sld [smem:$0x3FAA]  }
0x2b: {  	s6 =	sld [smem:$0x3FAB]  }
0x2c: {  	s7 =	sld [smem:$0x3FAC]  }
0x2d: {  	s3 =	simm.s32 $0x108;
	s8 =	sld [smem:$0x3FAD]  }
0x2e: {  	s3 =	simm.s32 @!p0 $0x1082;
	s9 =	sld [smem:$0x3FAE]  }
0x2f: {  	lr =	sadd.s32 s0, s3;
	s0 =	sld [smem:$0x3FA5]  }
0x30: {  	s3 =	sld [smem:$0x3FA8]  }
0x31: {  	[smem:$0x3FB1] =	sst s10  }
0x32: {  	s10 =	sld [smem:$0x3FAF];
	_ =	sdelay $0x3  }
0x33: {  	p0 =	seq.s32 s10, $0x1;
	s10 =	sld [smem:$0x3FB1];
	_ =	sdelay $0x3  }
0x34: {  	[smem:$0x3FB1] =	sst s10  }
0x35: {  	s10 =	sld [smem:$0x3FB0];
	_ =	sdelay $0x3  }
0x36: {  	p1 =	seq.s32 s10, $0x1;
	s10 =	sld [smem:$0x3FB1];
	_ =	sdelay $0x3  }
0x37: {  	[smem:$0x3FB1] =	sst s10  }
0x38: {  	s10 =	sld [smem:$0x3FB2]  }
0x39: {  	_ = 	snop;
	(pc) =	sbr.ind lr, $3  }
0x3a: {  	_ = 	snop  }
0x3b: {  	_ = 	snop  }
0x3c: {  	p2 =	seq.s32 s10, $0x1;
	s10 =	sld [smem:$0x3FB1]  }
0x3d: {  	_ =	shalt  }
0x3e: {  	_ =	shalt  }
0x3f: {  	_ =	shalt  }
0x40: {  	_ =	shalt  }
0x41: {  	_ =	shalt  }
0x42: {  	_ =	shalt  }
0x43: {  	_ =	shalt  }
0x44: {  	_ =	shalt  }
0x45: {  	_ =	shalt  }
0x46: {  	_ =	shalt  }
0x47: {  	_ =	shalt  }
0x48: {  	_ =	shalt  }
0x49: {  	_ =	shalt  }
0x4a: {  	_ =	shalt  }
0x4b: {  	_ =	shalt  }
0x4c: {  	_ =	shalt  }
0x4d: {  	_ =	shalt  }
0x4e: {  	_ =	shalt  }
0x4f: {  	_ =	shalt  }
0x50: {  	_ =	shalt  }
0x51: {  	_ =	shalt  }
0x52: {  	_ =	shalt  }
0x53: {  	_ =	shalt  }
0x54: {  	_ =	shalt  }
0x55: {  	_ =	shalt  }
0x56: {  	_ =	shalt  }
0x57: {  	_ =	shalt  }
0x58: {  	_ =	shalt  }
0x59: {  	_ =	shalt  }
0x5a: {  	_ =	shalt  }
0x5b: {  	_ =	shalt  }
0x5c: {  	_ =	shalt  }
0x5d: {  	_ =	shalt  }
0x5e: {  	_ =	shalt  }
0x5f: {  	_ =	shalt  }
0x60: {  	_ =	shalt  }
0x61: {  	_ =	shalt  }
0x62: {  	_ =	shalt  }
0x63: {  	_ =	shalt  }
0x64: {  	_ =	shalt  }
0x65: {  	_ =	shalt  }
0x66: {  	_ =	shalt  }
0x67: {  	_ =	shalt  }
0x68: {  	_ =	shalt  }
0x69: {  	_ =	shalt  }
0x6a: {  	_ =	shalt  }
0x6b: {  	_ =	shalt  }
0x6c: {  	_ =	shalt  }
0x6d: {  	_ =	shalt  }
0x6e: {  	_ =	shalt  }
0x6f: {  	_ =	shalt  }
0x70: {  	_ =	shalt  }
0x71: {  	_ =	shalt  }
0x72: {  	_ =	shalt  }
0x73: {  	_ =	shalt  }
0x74: {  	_ =	shalt  }
0x75: {  	_ =	shalt  }
0x76: {  	_ =	shalt  }
0x77: {  	_ =	shalt  }
0x78: {  	_ =	shalt  }
0x79: {  	_ =	shalt  }
0x7a: {  	_ =	shalt  }
0x7b: {  	_ =	shalt  }
0x7c: {  	_ =	shalt  }
0x7d: {  	_ =	shalt  }
0x7e: {  	_ =	shalt  }
0x7f: {  	_ =	shalt  }
0x80: {  	_ =	shalt  }
0x81: {  	_ =	shalt  }
0x82: {  	_ =	shalt  }
0x83: {  	_ =	shalt  }
0x84: {  	_ =	shalt  }
0x85: {  	_ =	shalt  }
0x86: {  	_ =	shalt  }
0x87: {  	_ =	shalt  }
.Lfunc_end0:
.L_simem_size_0:
called_computation_lowered:
.L_overlay_start_0:
0x88: {  	s2 =	sld [smem:$0x3FD9]  }
0x89: {  	s3 =	sld [smem:$0x3FFE];
	_ =	sdelay $0x1  }
0x8a: {  	s1 =	srdreg.scid  }
0x8b: {  	s0 =	sand.u32 $0x1, s1  }
0x8c: {  	s17 =	sshll.u32 s0, $0xA;
	s2 =	sadd.s32 s3, s2  }
0x8d: {  	s2 =	sadd.s32 s2, s17  }
0x8e: {  	[smem:$0x3FBD] =	sst s2  }
0x8f: {  	_ = 	snop  }
0x90: {  	s2 =	sld [smem:$0x3FC1];
	(tm) =	ssettm $0x1  }
0x91: {  	s18 =	sld [smem:$0x3FFB];
	_ =	sdelay $0x3  }
0x92: {  	_ =	strace s18  }
0x93: {  	s3 =	sld [smem:$0x3FFC];
	_ =	sdelay $0x3  }
0x94: {  	_ =	strace s3  }
0x95: {  	s3 =	sld [smem:$0x3FFD];
	_ =	sdelay $0x3  }
0x96: {  	_ =	strace s3  }
0x97: {  	_ =	strace $0x8FFFFFFF  }
0x98: {  	s19 =	sld [smem:$0x3FDB];
	_ =	sdelay $0x1  }
0x99: {  	s4 =	simm.s32 $_scs_section_size  }
0x9a: {  	s5 =	simm.s32 $_size__tile_overlayer_lowered;
	s6 =	simm.s32 $_tile_overlayer_lowered  }
0x9b: {  	s22 =	simm.s32 $0x1BFF;
	s21 =	sshll.u32 s6, $0x1;
	s3 =	sadd.s32 s4, s19  }
0x9c: {  	s7 =	simm.s32 $0x0;
	s20 =	sshll.u32 s5, $0x1;
	s5 =	sadd.s32 s21, s3  }
0x9d: {  	[timem:s7], [sflag:s22] =	dma.local [hbm:s5], s20  }
0x9e: {  	_ =	swait.ge [sflag:s22], s20  }
0x9f: {  	s4 =	ssub.s32 $0x0, s20;
	[sflag:s22] =	ssyncset.done $0x0  }
0xa0: {  	[sflag:s22] =	ssyncadd.s32 s4;
	_ =	sdelay $0x1  }
0xa1: {  	s23 =	simm.s32 $0x1B8B  }
0xa2: {  	_ =	swait.ge [sflag:s23], $0x1  }
0xa3: {  	[sflag:s23] =	ssyncset.done $0x0  }
0xa4: {  	s25 =	simm.s32 $0x1B8E;
	s24 =	sld [smem:$0x3FFE];
	[sflag:s23] =	ssyncadd.s32 $0xFFFFFFFF  }
0xa5: {  	s26 =	simm.s32 $execute0_lowered;
	[smem:$0x3FD2] =	sst s25  }
0xa6: {  	s5 =	sshll.u32 s26, $0x1;
	_ =	strace $0x80000046;
	[dreg:$0x1] =	wrdreg $0xFFFFFFFF  }
0xa7: {  	s28 =	simm.s32 $_size_execute0_lowered;
	s3 =	sadd.s32 s3, s5;
	[dreg:$0x0] =	wrdreg $0x0  }
0xa8: {  	s5 =	sshll.u32 s28, $0x1;
	[dreg:$0x2] =	wrdreg s3  }
0xa9: {  	[dreg:$0x3] =	wrdreg s5  }
0xaa: {  	[dreg:$0x4] =	wrdreg $0xC0  }
0xab: {  	_ =	task [dreg:s7], $0x5FFFF  }
0xac: {  	[dreg:$0x1] =	wrdreg $0xFFFFFFFF  }
0xad: {  	[dreg:$0x0] =	wrdreg $0x60  }
0xae: {  	[dreg:$0x2] =	wrdreg s24  }
0xaf: {  	[dreg:$0x3] =	wrdreg s2  }
0xb0: {  	[dreg:$0x4] =	wrdreg $0x9  }
0xb1: {  	_ =	task.clear_ibuf [dreg:s7], $0x5FFFF;
	_ =	strace $0x90000046  }
0xb2: {  	s29 =	simm.s32 $0x9;
	_ =	strace $0x80000048  }
0xb3: {  	_ =	swait.ge [sflag:s29], $0x1  }
0xb4: {  	[sflag:s29] =	ssyncadd.s32 $0xFFFFFFFF  }
0xb5: {  	_ =	strace $0x90000048  }
0xb6: {  	_ =	sfence  }
0xb7: {  	s30 =	sld [smem:$0x0];
	_ =	sdelay $0x2  }
0xb8: {  	s31 =	sshll.u32 s1, $0xD;
	s1 =	sshrl.u32 s1, $0x2  }
0xb9: {  	s3 =	sand.u32 $0x4000, s31;
	s1 =	sadd.s32 s1, s30  }
0xba: {  	s0 =	sor.u32 s3, s0;
	s1 =	sshll.u32 s1, $0x11  }
0xbb: {  	s0 =	sor.u32 s1, s0  }
0xbc: {  	s0 =	sadd.s32 $0x8F2B, s0  }
0xbd: {  	[sflag:s0] =	ssyncadd.remote.s32 $0x1  }
0xbe: {  	_ =	sfence.sel $0xFFFF  }
0xbf: {  	[dreg:$0x0] =	wrdreg $0xFFFFFFFF;
	(pc) =	sbr.abs _section_cstart, $3  }
0xc0: {  	[dreg:$0x1] =	wrdreg $0xFFFFFFFF  }
0xc1: {  	_ =	task.clear_ibuf [dreg:s7], $0x2FFFF;
	_ =	strace $0x9FFFFFFF  }
0xc2: {  	(tm) =	ssettm $0x7FFFFFFF  }
0xc3: {  	_ =	shalt  }
tec
execute0_lowered:
.L_overlay_start_1:
0x0: {  	(tag) =	ssettag $0x1  }
0x1: {  	s0 =	rddreg [dreg:$0x0]  }
0x2: {  	s3 =	rddreg [dreg:$0x1]  }
0x3: {  	s1 =	srdreg.scid;
	s2 =	stileid.u32  }
0x4: {  	s4 =	simm.s32 $0x0;
	s13 =	simm.s32 $0x5000;
	s14 =	simm.s32 $0xC800  }
0x5: {  	s15 =	simm.s32 $0x1;
	s19 =	simm.s32 $0xA000;
	s23 =	simm.s32 $0xF500  }
0x6: {  	s28 =	simm.s32 $0x4;
	s29 =	simm.s32 $0x5;
	s30 =	simm.s32 $0x6  }
0x7: {  	s31 =	simm.s32 $0x7;
	s9 =	simm.s32 $0xA;
	s10 =	simm.s32 $0xB  }
0x8: {  	v0 =	vlaneseq.u32;
	s11 =	simm.s32 $0xC;
	s1 =	sand.u32 $0x1, s1;
	s2 =	sshll.u32 s2, $0x1  }
0x9: {  	[smem:$0x7FF] =	sst s4;
	s4 =	sadd.s32 $0x2200, s0;
	s6 =	sadd.s32 $0x63E00, s0;
	v1 =	vshrl.u32 v0, $0x3  }
0xa: {  	s7 =	sadd.s32 $0x33000, s0;
	s0 =	sadd.s32 $0x94C00, s0;
	s2 =	sor.u32 s1, s2;
	v1 =	vmul.u32 $0x800, v1  }
0xb: {  	v0 =	vand.u32 $0x7, v0;
	_ =	strace $0x80000047;
	[dreg:$0x6] =	wrdreg s0;
	s5 =	smul.u32 $0xC80, s2  }
0xc: {  	s1 =	ssub.s32 $0x2, s1;
	[dreg:$0x4] =	wrdreg s6;
	v3 =	vmul.u32 $0x100, v0;
	s2 =	smul.u32 $0x1900, s2;
	v4 =	vor.u32 $0x1, v1;
	v5 =	vor.u32 $0x2, v1  }
0xd: {  	s16 =	simm.s32 $0x10;
	[dreg:$0x5] =	wrdreg s7;
	s24 =	sshrl.u32 s1, $0x1;
	v6 =	vor.u32 $0x3, v1;
	v7 =	vor.u32 $0x4, v1;
	v8 =	vor.u32 $0x5, v1  }
0xe: {  	s0 =	ssub.s32 s1, s24;
	v9 =	vor.u32 $0x6, v1;
	v10 =	vor.u32 $0x7, v1;
	v11 =	vor.u32 $0x8, v1;
	s24 =	simm.s32 $0x2;
	s25 =	sadd.s32 s6, s2  }
0xf: {  	v12 =	vor.u32 $0x1000, v1;
	v13 =	vor.u32 $0x1001, v1;
	v14 =	vor.u32 $0x1002, v1;
	[dreg:$0x3] =	wrdreg s5;
	s26 =	sshrl.u32 s5, $0x3;
	s2 =	sadd.s32 s7, s2  }
.Ltmp0:
0x10: {  	[tilespmem:$0x1FFB0] =	vst v0;
	v15 =	vor.u32 $0x1003, v1;
	v16 =	vor.u32 $0x1004, v1;
	v17 =	vor.u32 $0x1005, v1;
	s0 =	smax.u32 s0, $0x1;
	[dreg:$0x7] =	wrdreg s25;
	(pc) =	sbr.rel .LBB2_1-.Ltmp0, $4  }
0x11: {  	v18 =	vor.u32 $0x1006, v1;
	v19 =	vor.u32 $0x1007, v1;
	v20 =	vor.u32 $0x1008, v1;
	s6 =	simm.s32 $0xE;
	s7 =	simm.s32 $0xF;
	[tilespmem:$0x1FFC0] =	vst v4;
	[dreg:$0x8] =	wrdreg s2  }
0x12: {  	v21 =	vor.u32 $0x2000, v1;
	v22 =	vor.u32 $0x2001, v1;
	v23 =	vor.u32 $0x2002, v1;
	s5 =	simm.s32 $0x0;
	[tilespmem:$0x1FFD0] =	vst v5;
	s1 =	sadd.s32 s3, s26;
	[dreg:$0xa] =	wrdreg s0  }
0x13: {  	v24 =	vor.u32 $0x2003, v1;
	v25 =	vor.u32 $0x2004, v1;
	v26 =	vor.u32 $0x2005, v1;
	[tilespmem:$0x1FFE0] =	vst v6;
	s25 =	simm.s32 $0x17500;
	s26 =	simm.s32 $0x3;
	s0 =	simm.s32 $0x8  }
0x14: {  	v27 =	vor.u32 $0x2006, v1;
	v28 =	vor.u32 $0x2007, v1;
	v29 =	vor.u32 $0x2008, v1;
	[tilespmem:$0x1FFF0] =	vst v7;
	s2 =	simm.s32 $0xD;
	[dreg:$0x9] =	wrdreg s1;
	s1 =	simm.s32 $0x9  }
.LBB2_24:
0x15: {  	s5 =	rddreg [dreg:$0xb]  }
0x16: {  	s3 =	rddreg [dreg:$0xa];
	s5 =	sadd.s32 $0x1, s5  }
0x17: {  	p0 =	sne.s32 s5, s3  }
.Ltmp1:
0x18: {  	_ = 	snop;
	(pc) =	sbr.rel @!p0 .LBB2_25-.Ltmp1, $1  }
0x19: {  	_ =	sdelay $0x3  }
.LBB2_1:
0x1a: {  	s3 =	simm.s32 $0x0;
	s20 =	rddreg [dreg:$0x7]  }
0x1b: {  	[tilespmem:s3], [sflag:$0x11] =	stream.linear.gather [hbm4b:s20+s3], $0x2800, $0x38;
	[tilespmem:$0x1ED00] =	vst v63  }
.Ltmp2:
0x1c: {  	[dreg:$0xb] =	wrdreg s5;
	(pc) =	sbr.rel .LBB2_2-.Ltmp2, $4  }
0x1d: {  	s21 =	rddreg [dreg:$0x8]  }
0x1e: {  	[tilespmem:s13], [sflag:$0x12] =	stream.linear.gather [hbm4b:s21+s3], $0x2800, $0x38;
	[tilespmem:$0x1ED00] =	vst v63  }
0x1f: {  	s22 =	rddreg [dreg:$0x9];
	p0 =	por $0x0, $0x0;
	s12 =	simm.s32 $0x0  }
0x20: {  	[tilespmem:s14], [sflag:$0x13] =	stream.linear.gather [hbm4b:s22+s3], $0x280, $0x38;
	[tilespmem:$0x1ED00] =	vst v63  }
.LBB2_23:
0x21: {  	s5 =	rddreg [dreg:$0x6]  }
0x22: {  	s12 =	rddreg [dreg:$0xe]  }
0x23: {  	s8 =	simm.s32 $0x0;
	s3 =	sadd.s32 s5, s12  }
0x24: {  	[hbm4b:s3+s8] =	stream.linear.scatter [tilespmem:s25], [sflag:$0x15], $0x2800, $0x38;
	[tilespmem:$0x1ED00] =	vst v63  }
0x25: {  	s17 =	sand.u32 $0x1FFFFFFE, s12;
	_ =	swait.ge [sflag:s21], $0x2800  }
0x26: {  	s3 =	sadd.s32 s5, s17;
	[sflag:s21] =	ssyncset.done $0x0  }
0x27: {  	s18 =	simm.s32 $0x19D00;
	s5 =	sadd.s32 $0x30D40, s3;
	[sflag:s21] =	ssyncadd.s32 $0xFFFFD800  }
0x28: {  	[hbm4b:s5+s8] =	stream.linear.scatter [tilespmem:s18], [sflag:$0x15], $0x2800, $0x38;
	[tilespmem:$0x1ED00] =	vst v63  }
0x29: {  	_ =	swait.ge [sflag:s21], $0x2800  }
0x2a: {  	[sflag:s21] =	ssyncset.done $0x0  }
0x2b: {  	s20 =	simm.s32 $0x1C500;
	s3 =	sadd.s32 $0x61A80, s3;
	[sflag:s21] =	ssyncadd.s32 $0xFFFFD800  }
0x2c: {  	[hbm4b:s3+s8] =	stream.linear.scatter [tilespmem:s20], [sflag:$0x15], $0x2800, $0x38;
	[tilespmem:$0x1ED00] =	vst v63  }
0x2d: {  	_ =	swait.ge [sflag:s21], $0x2800  }
0x2e: {  	s22 =	rddreg [dreg:$0xc]  }
0x2f: {  	p1 =	sne.s32 s22, $0x4  }
.Ltmp3:
0x30: {  	v4 =	vld [tilespmem:$0x1FFC0];
	(pc) =	sbr.rel @!p1 .LBB2_24-.Ltmp3, $4  }
0x31: {  	v5 =	vld [tilespmem:$0x1FFD0]  }
0x32: {  	v6 =	vld [tilespmem:$0x1FFE0]  }
0x33: {  	[sflag:s21] =	ssyncset.done $0x0;
	v7 =	vld [tilespmem:$0x1FFF0]  }
0x34: {  	p0 =	por !p0, !p0;
	s12 =	rddreg [dreg:$0xd];
	[sflag:s21] =	ssyncadd.s32 $0xFFFFD800  }
.LBB2_2:
0x35: {  	s3 =	simm.s32 $0x11  }
0x36: {  	p1 =	seq.s32 s12, $0x4;
	s5 =	simm.s32 $0x12;
	_ =	swait.ge [sflag:s3], $0x2800  }
0x37: {  	s8 =	simm.s32 $0x1;
	s18 =	simm.s32 $0x13;
	[sflag:s3] =	ssyncset.done $0x0  }
0x38: {  	s22 =	smul.u32 $0x280, s12;
	[sflag:s3] =	ssyncadd.s32 $0xFFFFD800;
	s3 =	sadd.s32 $0x1, s12  }
0x39: {  	_ =	swait.ge [sflag:s5], $0x2800;
	[dreg:$0xd] =	wrdreg s3;
	s3 =	smul.u32 @!p1 $0x280, s3  }
0x3a: {  	s8 =	simm.s32 @!p0 $0x0;
	[sflag:s5] =	ssyncset.done $0x0;
	s21 =	rddreg [dreg:$0x3]  }
0x3b: {  	[sflag:s5] =	ssyncadd.s32 $0xFFFFD800;
	s5 =	sadd.s32 @!p1 s21, s3;
	s3 =	sand.u32 $0x1, s12  }
0x3c: {  	_ =	swait.ge [sflag:s18], $0x280;
	p2 =	slt.s32 @!p1 s5, $0x18420;
	[dreg:$0xc] =	wrdreg s12  }
0x3d: {  	s17 =	sxor.u32 @!p1 $0x1, s3;
	s12 =	sadd.s32 s21, s22;
	p2 =	por !p2, p1  }
0x3e: {  	[sflag:s18] =	ssyncset.done $0x0;
	s21 =	rddreg [dreg:$0x4];
	s5 =	simm.s32 @p2 $0x18420  }
0x3f: {  	[sflag:s18] =	ssyncadd.s32 $0xFFFFFD80;
	s18 =	smul.u32 @!p1 $0x2800, s17;
	s20 =	sshll.u32 @!p1 s5, $0x1  }
0x40: {  	s17 =	smul.u32 @!p1 $0xA00, s17;
	s22 =	sadd.s32 @!p1 s21, s20;
	s21 =	simm.s32 @!p1 $0x0  }
0x41: {  	[tilespmem:s18], [sflag:$0x11] =	stream.linear.gather @!p1 [hbm4b:s22+s21], $0x2800, $0x38;
	[tilespmem:$0x1ED00] =	vst v63  }
0x42: {  	p2 =	slt.s32 s12, $0x18420;
	s5 =	sshrl.u32 @!p1 s5, $0x3;
	s22 =	rddreg [dreg:$0x5]  }
0x43: {  	s12 =	simm.s32 @!p2 $0x18420;
	s18 =	sadd.s32 @!p1 $0x5000, s18;
	s20 =	sadd.s32 @!p1 s22, s20  }
0x44: {  	[tilespmem:s18], [sflag:$0x12] =	stream.linear.gather @!p1 [hbm4b:s20+s21], $0x2800, $0x38;
	[tilespmem:$0x1ED00] =	vst v63  }
0x45: {  	s17 =	sshrl.u32 @!p1 s17, $0x2;
	s12 =	sshll.u32 s12, $0x1;
	s18 =	rddreg [dreg:$0x1]  }
0x46: {  	s17 =	sor.u32 @!p1 $0xC800, s17;
	s5 =	sadd.s32 @!p1 s18, s5;
	s18 =	smul.u32 $0xA000, s8  }
0x47: {  	[tilespmem:s17], [sflag:$0x13] =	stream.linear.gather @!p1 [hbm4b:s5+s21], $0x280, $0x38;
	[tilespmem:$0x1ED00] =	vst v63  }
0x48: {  	[dreg:$0xe] =	wrdreg s12;
	s5 =	sshrl.u32 s18, $0x2  }
0x49: {  	s22 =	simm.s32 $0x0;
	s20 =	sadd.s32 s4, s12;
	s21 =	simm.s32 $0x15;
	v30 =	vmov s5  }
0x4a: {  	[tilespmem:s19], [sflag:$0x15] =	stream.linear.gather [hbm4b:s20+s22], $0x2800, $0x38;
	[tilespmem:$0x1ED00] =	vst v63  }
0x4b: {  	_ =	swait.ge [sflag:s21], $0x2800  }
0x4c: {  	[sflag:s21] =	ssyncset.done $0x0  }
0x4d: {  	s8 =	simm.s32 $0x40;
	s5 =	simm.s32 $0x0;
	[sflag:s21] =	ssyncadd.s32 $0xFFFFD800  }
.LBB2_3:
0x4e: {  	p1 =	sne.s32 s8, $0x9FC0;
	v31 =	vld.idx.msk [tilespmem:v30+s5+$0x0 ss:$0x1], $0xffff;
	_ =	sdelay $0x1  }
.Ltmp4:
0x4f: {  	(pc) =	sbr.rel @p1 .LBB2_3-.Ltmp4, $2  }
0x50: {  	_ =	sdelay $0x2  }
0x51: {  	[tilespmem:s5+$0xCD00] =	vst v31;
	s5 =	sshra.s32 s8, $0x2;
	s8 =	sadd.s32 $0x40, s8  }
0x52: {  	_ =	sdelay $0x3  }
0x53: {  	v30 =	vld.idx.msk [tilespmem:v30+s5+$0x0 ss:$0x1], $0xffff;
	_ =	sdelay $0x4  }
0x54: {  	s22 =	simm.s32 $0x80;
	s18 =	simm.s32 $0xCD00;
	[tilespmem:s5+$0xCD00] =	vst v30  }
0x55: {  	[tilespmem:s23], [sflag:$0x1] =	stream.indirect.gather [hbm4b:s4+s22], $0x10, s18, s22, $0xb8;
	[tilespmem:$0x1ED00] =	vst v63  }
0x56: {  	s20 =	simm.s32 $0xCD80;
	s8 =	simm.s32 $0xFD00  }
0x57: {  	[tilespmem:s8], [sflag:$0x2] =	stream.indirect.gather [hbm4b:s4+s22], $0x10, s20, s22, $0xb8;
	[tilespmem:$0x1ED00] =	vst v63  }
0x58: {  	s12 =	simm.s32 $0xCE00;
	s17 =	simm.s32 $0x10500  }
0x59: {  	[tilespmem:s17], [sflag:$0x3] =	stream.indirect.gather [hbm4b:s4+s22], $0x10, s12, s22, $0xb8;
	[tilespmem:$0x1ED00] =	vst v63  }
0x5a: {  	s18 =	simm.s32 $0xCE80;
	s20 =	simm.s32 $0x10D00  }
0x5b: {  	[tilespmem:s20], [sflag:$0x4] =	stream.indirect.gather [hbm4b:s4+s22], $0x10, s18, s22, $0xb8;
	[tilespmem:$0x1ED00] =	vst v63  }
0x5c: {  	s12 =	simm.s32 $0xCF00;
	s17 =	simm.s32 $0x11500  }
0x5d: {  	[tilespmem:s17], [sflag:$0x5] =	stream.indirect.gather [hbm4b:s4+s22], $0x10, s12, s22, $0xb8;
	[tilespmem:$0x1ED00] =	vst v63  }
0x5e: {  	s18 =	simm.s32 $0xCF80;
	s20 =	simm.s32 $0x11D00  }
0x5f: {  	[tilespmem:s20], [sflag:$0x6] =	stream.indirect.gather [hbm4b:s4+s22], $0x10, s18, s22, $0xb8;
	[tilespmem:$0x1ED00] =	vst v63  }
0x60: {  	s12 =	simm.s32 $0xD000;
	s17 =	simm.s32 $0x12500  }
0x61: {  	[tilespmem:s17], [sflag:$0x7] =	stream.indirect.gather [hbm4b:s4+s22], $0x10, s12, s22, $0xb8;
	[tilespmem:$0x1ED00] =	vst v63  }
0x62: {  	s18 =	simm.s32 $0xD080;
	s20 =	simm.s32 $0x12D00  }
0x63: {  	[tilespmem:s20], [sflag:$0x8] =	stream.indirect.gather [hbm4b:s4+s22], $0x10, s18, s22, $0xb8;
	[tilespmem:$0x1ED00] =	vst v63  }
0x64: {  	s12 =	simm.s32 $0xD100;
	s17 =	simm.s32 $0x13500  }
0x65: {  	[tilespmem:s17], [sflag:$0x9] =	stream.indirect.gather [hbm4b:s4+s22], $0x10, s12, s22, $0xb8;
	[tilespmem:$0x1ED00] =	vst v63  }
0x66: {  	s18 =	simm.s32 $0xD180;
	s20 =	simm.s32 $0x13D00  }
0x67: {  	[tilespmem:s20], [sflag:$0xA] =	stream.indirect.gather [hbm4b:s4+s22], $0x10, s18, s22, $0xb8;
	[tilespmem:$0x1ED00] =	vst v63  }
0x68: {  	s12 =	simm.s32 $0xD200;
	s17 =	simm.s32 $0x14500  }
0x69: {  	v30 =	vmov s3;
	[tilespmem:s17], [sflag:$0xB] =	stream.indirect.gather [hbm4b:s4+s22], $0x10, s12, s22, $0xb8;
	[tilespmem:$0x1ED00] =	vst v63  }
0x6a: {  	v0 =	vmul.u32 $0x2800, v30;
	s18 =	simm.s32 $0xD280;
	s20 =	simm.s32 $0x14D00  }
0x6b: {  	[tilespmem:s20], [sflag:$0xC] =	stream.indirect.gather [hbm4b:s4+s22], $0x10, s18, s22, $0xb8;
	[tilespmem:$0x1ED00] =	vst v63  }
0x6c: {  	[tilespmem:$0x1FF90] =	vst v0;
	v0 =	vld [tilespmem:$0x1FFB0];
	s12 =	simm.s32 $0xD300;
	s17 =	simm.s32 $0x15500  }
0x6d: {  	[tilespmem:s17], [sflag:$0xD] =	stream.indirect.gather [hbm4b:s4+s22], $0x10, s12, s22, $0xb8;
	[tilespmem:$0x1ED00] =	vst v63  }
0x6e: {  	s18 =	simm.s32 $0xD380;
	s20 =	simm.s32 $0x15D00  }
0x6f: {  	v31 =	vmul.u32 $0x280, v30;
	[tilespmem:s20], [sflag:$0xE] =	stream.indirect.gather [hbm4b:s4+s22], $0x10, s18, s22, $0xb8;
	[tilespmem:$0x1ED00] =	vst v63  }
0x70: {  	s5 =	simm.s32 $0x0;
	s12 =	simm.s32 $0xD400;
	s17 =	simm.s32 $0x16500  }
0x71: {  	v0 =	vor.u32 v0, v31;
	[tilespmem:s17], [sflag:$0xF] =	stream.indirect.gather [hbm4b:s4+s22], $0x10, s12, s22, $0xb8;
	[tilespmem:$0x1ED00] =	vst v63  }
0x72: {  	s8 =	simm.s32 $0x0;
	[tilespmem:$0x1FFA0] =	vst v0;
	s18 =	simm.s32 $0xD480;
	s20 =	simm.s32 $0x16D00  }
0x73: {  	[tilespmem:s20], [sflag:$0x10] =	stream.indirect.gather [hbm4b:s4+s22], $0x10, s18, s22, $0xb8;
	[tilespmem:$0x1ED00] =	vst v63  }
.LBB2_5:
0x74: {  	v32 =	vmov s5  }
0x75: {  	s3 =	sshll.u32 s8, $0x7;
	_ =	swait.ge [sflag:s15], $0x800;
	v0 =	vlaneseq.u32;
	v32 =	vshll.u32 v32, $0x4  }
0x76: {  	v43 =	vor.u32 s3, v0;
	v0 =	vld [tilespmem:$0x1FF90];
	v33 =	vor.u32 v3, v32  }
0x77: {  	[sflag:s15] =	ssyncset.done $0x0;
	v34 =	vor.u32 v11, v33  }
0x78: {  	[sflag:s15] =	ssyncadd.s32 $0xFFFFF800;
	v36 =	vor.u32 v1, v33  }
0x79: {  	_ =	swait.ge [sflag:s24], $0x800;
	v37 =	vor.u32 v4, v33  }
0x7a: {  	v32 =	vshll.u32 v43, $0x4;
	v39 =	vor.u32 v6, v33;
	[sflag:s24] =	ssyncset.done $0x0  }
0x7b: {  	[sflag:s24] =	ssyncadd.s32 $0xFFFFF800;
	v35 =	vadd.s32 v0, v32  }
0x7c: {  	v38 =	vor.u32 v5, v33;
	v40 =	vld.idx.msk [tilespmem:v34+s23+$0x0], $0xffff  }
0x7d: {  	v41 =	vor.u32 v7, v33;
	v36 =	vld.idx.msk [tilespmem:v36+s23+$0x0], $0xffff  }
0x7e: {  	s3 =	simm.s32 $0x1;
	v42 =	vor.u32 v8, v33;
	v37 =	vld.idx.msk [tilespmem:v37+s23+$0x0], $0xffff  }
0x7f: {  	v62 =	vmov s3;
	v39 =	vld.idx.msk [tilespmem:v39+s23+$0x0], $0xffff  }
0x80: {  	v44 =	vor.u32 v9, v33;
	v34 =	vshll.u32 v62, $0x4;
	v57 =	vld.idx.msk [tilespmem:v35+s13+$0x0], $0xffff  }
0x81: {  	v33 =	vor.u32 v10, v33;
	v46 =	vadd.s32 $0x1, v35;
	v63 =	vor.u32 v3, v34;
	v35 =	vld.idx.msk [tilespmem:v38+s23+$0x0], $0xffff  }
0x82: {  	v41 =	vld.idx.msk [tilespmem:v41+s23+$0x0], $0xffff;
	v52 =	vadd.s32 s5, v46;
	v34 =	vimm.f32 $0.0e+00;
	v48 =	vor.u32 v11, v63  }
0x83: {  	v56 =	vld.idx.msk [tilespmem:v42+s23+$0x0], $0xffff;
	v45 =	vor.u32 v1, v63;
	v51 =	vor.u32 v4, v63;
	v58 =	vor.u32 v5, v63  }
0x84: {  	v54 =	vor.u32 v6, v63;
	v53 =	vor.u32 v7, v63;
	v50 =	vor.u32 v8, v63  }
0x85: {  	v59 =	vld.idx.msk [tilespmem:v44+s23+$0x0], $0xffff;
	v49 =	vor.u32 v9, v63;
	v40 =	vmul.f32 v40, v57;
	v36 =	vmul.f32 v36, v57  }
0x86: {  	s17 =	simm.s32 $0x2;
	v60 =	vld.idx.msk [tilespmem:v33+s23+$0x0], $0xffff;
	v47 =	vor.u32 v10, v63;
	v37 =	vmul.f32 v37, v57;
	v55 =	vmul.f32 v35, v57  }
0x87: {  	v63 =	vmov s17;
	v35 =	vld.idx.msk [tilespmem:v48+s23+$0x0], $0xffff;
	v39 =	vmul.f32 v39, v57;
	v61 =	vmul.f32 v41, v57  }
0x88: {  	v62 =	vmul.f32 v56, v57;
	v33 =	vadd.f32 v40, v34;
	v48 =	vadd.f32 v36, v34;
	v36 =	vld.idx.msk [tilespmem:v52+s13+$0x0], $0xffff  }
0x89: {  	v56 =	vshll.u32 v63, $0x4;
	v44 =	vadd.f32 v37, v34;
	v42 =	vadd.f32 v55, v34;
	v55 =	vld.idx.msk [tilespmem:v45+s23+$0x0], $0xffff  }
0x8a: {  	v41 =	vadd.f32 v39, v34;
	v52 =	vld.idx.msk [tilespmem:v51+s23+$0x0], $0xffff;
	v40 =	vadd.f32 v61, v34;
	v45 =	vmul.f32 v59, v57  }
0x8b: {  	s12 =	simm.s32 $0x3;
	v51 =	vld.idx.msk [tilespmem:v58+s23+$0x0], $0xffff;
	v38 =	vadd.f32 v62, v34;
	v39 =	vmul.f32 v60, v57;
	v37 =	vimm.f32 $0.0e+00  }
.LBB2_6:
0x8c: {  	p1 =	sne.s32 s12, $0xF;
	v56 =	vor.u32 v3, v56;
	v57 =	vld.idx.msk [tilespmem:v54+s23+$0x0], $0xffff;
	v34 =	vadd.f32 v45, v34  }
0x8d: {  	v45 =	vor.u32 v1, v56;
	v58 =	vor.u32 v4, v56;
	v59 =	vor.u32 v11, v56;
	v60 =	vld.idx.msk [tilespmem:v53+s23+$0x0], $0xffff  }
0x8e: {  	v62 =	vadd.s32 s3, v46;
	s3 =	smov.u32 s17;
	s17 =	smov.u32 s12;
	v61 =	vor.u32 v5, v56;
	v35 =	vmul.f32 v35, v36;
	v2 =	vmovc v36;
	v63 =	vld.idx.msk [tilespmem:v50+s23+$0x0], $0xffff  }
0x8f: {  	v54 =	vor.u32 v6, v56;
	v53 =	vor.u32 v7, v56;
	v50 =	vor.u32 v8, v56;
	v0 =	vld.idx.msk [tilespmem:v49+s23+$0x0], $0xffff  }
0x90: {  	v49 =	vor.u32 v9, v56;
	v33 =	vadd.f32 v35, v33;
	v30 =	vld.idx.msk [tilespmem:v47+s23+$0x0], $0xffff;
	v47 =	vor.u32 v10, v56  }
0x91: {  	v37 =	vadd.f32 v39, v37;
	v55 =	vmul.f32 v55, v2;
	v52 =	vmul.f32 v52, v2  }
.Ltmp5:
0x92: {  	v39 =	vmul.f32 v51, v2;
	v51 =	vmul.f32 v57, v2;
	v35 =	vld.idx.msk [tilespmem:v59+s23+$0x0], $0xffff;
	(pc) =	sbr.rel @p1 .LBB2_6-.Ltmp5, $4  }
0x93: {  	v48 =	vadd.f32 v55, v48;
	v44 =	vadd.f32 v52, v44;
	v56 =	vmul.f32 v60, v2;
	v36 =	vld.idx.msk [tilespmem:v62+s13+$0x0], $0xffff  }
0x94: {  	v42 =	vadd.f32 v39, v42;
	v41 =	vadd.f32 v51, v41;
	v39 =	vmul.f32 v63, v2;
	v55 =	vld.idx.msk [tilespmem:v45+s23+$0x0], $0xffff  }
0x95: {  	v51 =	vmov s12;
	v40 =	vadd.f32 v56, v40;
	v45 =	vmul.f32 v0, v2;
	v52 =	vld.idx.msk [tilespmem:v58+s23+$0x0], $0xffff  }
0x96: {  	s12 =	sadd.s32 $0x1, s12;
	v56 =	vshll.u32 v51, $0x4;
	v38 =	vadd.f32 v39, v38;
	v39 =	vmul.f32 v30, v2;
	v51 =	vld.idx.msk [tilespmem:v61+s23+$0x0], $0xffff  }
0x97: {  	v2 =	vld [tilespmem:$0x1FFA0];
	_ =	sdelay $0x3  }
0x98: {  	v0 =	vand.u32 $0x388, v43  }
0x99: {  	v0 =	vadd.s32 v2, v0;
	_ =	sdelay $0x4  }
0x9a: {  	v0 =	vld.idx.msk [tilespmem:v0+s14+$0x0], $0xffff;
	_ =	sdelay $0x4  }
0x9b: {  	v0 =	vsub.f32 $0.0e+00, v0;
	_ =	sdelay $0x1  }
0x9c: {  	v0 =	vmul.f32 $1.442695020e+00, v0;
	_ =	sdelay $0x1  }
0x9d: {  	(erf) = vpow2.f32 v0;
	_ =	sdelay $0x8  }
0x9e: {  	v2 =	vadd.s32 s3, v46;
	v0 =	vor.u32 v3, v56;
	v30 =	vpop (erf)  }
0x9f: {  	v62 =	vor.u32 v1, v0;
	v30 =	vadd.f32 $1.000000000e+00, v30;
	_ =	sdelay $0x1  }
0xa0: {  	(erf) = vrcp.f32 v30  }
0xa1: {  	v46 =	vld.idx.msk [tilespmem:v54+s23+$0x0], $0xffff  }
0xa2: {  	v2 =	vld.idx.msk [tilespmem:v2+s13+$0x0], $0xffff  }
0xa3: {  	v54 =	vor.u32 v4, v0;
	v43 =	vld.idx.msk [tilespmem:v62+s23+$0x0], $0xffff  }
0xa4: {  	v50 =	vld.idx.msk [tilespmem:v50+s23+$0x0], $0xffff;
	v56 =	vor.u32 v5, v0  }
0xa5: {  	v49 =	vld.idx.msk [tilespmem:v49+s23+$0x0], $0xffff  }
0xa6: {  	v47 =	vld.idx.msk [tilespmem:v47+s23+$0x0], $0xffff;
	v55 =	vmul.f32 v55, v36;
	v57 =	vor.u32 v6, v0  }
0xa7: {  	v59 =	vld.idx.msk [tilespmem:v32+s19+$0x0], $0xffff;
	v58 =	vor.u32 v7, v0  }
0xa8: {  	v48 =	vadd.f32 v55, v48;
	v60 =	vor.u32 v8, v0;
	v54 =	vld.idx.msk [tilespmem:v54+s23+$0x0], $0xffff;
	v43 =	vmul.f32 v43, v2  }
0xa9: {  	v55 =	vor.u32 v9, v0;
	v56 =	vld.idx.msk [tilespmem:v56+s23+$0x0], $0xffff;
	v61 =	vpop (erf)  }
0xaa: {  	v30 =	vld.idx.msk [tilespmem:v53+s23+$0x0], $0xffff;
	v53 =	vor.u32 v11, v0;
	v43 =	vadd.f32 v43, v48;
	v48 =	vsub.f32 $1.000000000e+00, v61  }
0xab: {  	v57 =	vld.idx.msk [tilespmem:v57+s23+$0x0], $0xffff;
	v0 =	vor.u32 v10, v0  }
0xac: {  	v58 =	vld.idx.msk [tilespmem:v58+s23+$0x0], $0xffff;
	v62 =	vor.u32 $0x1, v32;
	v43 =	vmul.f32 v61, v43;
	v59 =	vmul.f32 v48, v59  }
0xad: {  	v60 =	vld.idx.msk [tilespmem:v60+s23+$0x0], $0xffff  }
0xae: {  	v55 =	vld.idx.msk [tilespmem:v55+s23+$0x0], $0xffff;
	v43 =	vadd.f32 v59, v43  }
0xaf: {  	v53 =	vld.idx.msk [tilespmem:v53+s23+$0x0], $0xffff  }
0xb0: {  	v52 =	vmul.f32 v52, v36;
	v0 =	vld.idx.msk [tilespmem:v0+s23+$0x0], $0xffff;
	[tilespmem:v32+s25+$0x0] =	vst.idx.msk $0xffff, v43  }
0xb1: {  	v43 =	vld.idx.msk [tilespmem:v62+s19+$0x0], $0xffff  }
0xb2: {  	v44 =	vadd.f32 v52, v44;
	v63 =	vmul.f32 v54, v2;
	_ =	sdelay $0x1  }
0xb3: {  	v44 =	vadd.f32 v63, v44;
	_ =	sdelay $0x1  }
0xb4: {  	v52 =	vor.u32 $0x2, v32;
	v44 =	vmul.f32 v61, v44;
	v43 =	vmul.f32 v48, v43;
	_ =	sdelay $0x1  }
0xb5: {  	v43 =	vadd.f32 v43, v44;
	_ =	sdelay $0x1  }
0xb6: {  	v59 =	vmul.f32 v51, v36;
	[tilespmem:v62+s25+$0x0] =	vst.idx.msk $0xffff, v43  }
0xb7: {  	v43 =	vld.idx.msk [tilespmem:v52+s19+$0x0], $0xffff  }
0xb8: {  	v42 =	vadd.f32 v59, v42;
	v62 =	vmul.f32 v56, v2;
	_ =	sdelay $0x1  }
0xb9: {  	v42 =	vadd.f32 v62, v42;
	_ =	sdelay $0x1  }
0xba: {  	v63 =	vor.u32 $0x3, v32;
	v42 =	vmul.f32 v61, v42;
	v43 =	vmul.f32 v48, v43;
	_ =	sdelay $0x1  }
0xbb: {  	v42 =	vadd.f32 v43, v42;
	_ =	sdelay $0x1  }
0xbc: {  	v46 =	vmul.f32 v46, v36;
	[tilespmem:v52+s25+$0x0] =	vst.idx.msk $0xffff, v42  }
0xbd: {  	v42 =	vld.idx.msk [tilespmem:v63+s19+$0x0], $0xffff  }
0xbe: {  	v41 =	vadd.f32 v46, v41;
	v51 =	vmul.f32 v57, v2;
	_ =	sdelay $0x1  }
0xbf: {  	v41 =	vadd.f32 v51, v41  }
0xc0: {  	v52 =	vadd.s32 $0x2800, v32  }
0xc1: {  	v54 =	vor.u32 $0x4, v32;
	v41 =	vmul.f32 v61, v41;
	v42 =	vmul.f32 v42, v48;
	_ =	sdelay $0x1  }
0xc2: {  	v41 =	vadd.f32 v42, v41;
	_ =	sdelay $0x1  }
0xc3: {  	v30 =	vmul.f32 v30, v36;
	[tilespmem:v52+s25+$0x0] =	vst.idx.msk $0xffff, v41  }
0xc4: {  	v41 =	vld.idx.msk [tilespmem:v54+s19+$0x0], $0xffff  }
0xc5: {  	v30 =	vadd.f32 v30, v40;
	v56 =	vmul.f32 v58, v2;
	_ =	sdelay $0x1  }
0xc6: {  	v30 =	vadd.f32 v56, v30  }
0xc7: {  	v57 =	vadd.s32 $0x2801, v32  }
0xc8: {  	v58 =	vor.u32 $0x5, v32;
	v30 =	vmul.f32 v61, v30;
	v41 =	vmul.f32 v41, v48;
	_ =	sdelay $0x1  }
0xc9: {  	v30 =	vadd.f32 v41, v30;
	_ =	sdelay $0x1  }
0xca: {  	v59 =	vmul.f32 v50, v36;
	[tilespmem:v57+s25+$0x0] =	vst.idx.msk $0xffff, v30  }
0xcb: {  	v30 =	vld.idx.msk [tilespmem:v58+s19+$0x0], $0xffff  }
0xcc: {  	v60 =	vmul.f32 v60, v2;
	v38 =	vadd.f32 v59, v38;
	_ =	sdelay $0x1  }
0xcd: {  	v38 =	vadd.f32 v60, v38  }
0xce: {  	v62 =	vadd.s32 $0x2802, v32  }
0xcf: {  	v38 =	vmul.f32 v61, v38;
	v63 =	vor.u32 $0x6, v32;
	v30 =	vmul.f32 v30, v48;
	_ =	sdelay $0x1  }
0xd0: {  	v30 =	vadd.f32 v30, v38;
	_ =	sdelay $0x1  }
0xd1: {  	v34 =	vadd.f32 v45, v34;
	v42 =	vmul.f32 v49, v36;
	[tilespmem:v62+s25+$0x0] =	vst.idx.msk $0xffff, v30  }
0xd2: {  	v30 =	vld.idx.msk [tilespmem:v63+s19+$0x0], $0xffff  }
0xd3: {  	v43 =	vmul.f32 v55, v2;
	v34 =	vadd.f32 v42, v34;
	_ =	sdelay $0x1  }
0xd4: {  	v34 =	vadd.f32 v43, v34  }
0xd5: {  	v44 =	vadd.s32 $0x5000, v32  }
0xd6: {  	v45 =	vor.u32 $0x7, v32;
	v34 =	vmul.f32 v61, v34;
	v30 =	vmul.f32 v30, v48;
	_ =	sdelay $0x1  }
0xd7: {  	v30 =	vadd.f32 v30, v34;
	_ =	sdelay $0x1  }
0xd8: {  	v47 =	vmul.f32 v47, v36;
	v46 =	vadd.f32 v39, v37;
	[tilespmem:v44+s25+$0x0] =	vst.idx.msk $0xffff, v30  }
0xd9: {  	v30 =	vld.idx.msk [tilespmem:v45+s19+$0x0], $0xffff  }
0xda: {  	v0 =	vmul.f32 v0, v2;
	v34 =	vadd.f32 v47, v46;
	_ =	sdelay $0x1  }
0xdb: {  	v0 =	vadd.f32 v0, v34  }
0xdc: {  	v49 =	vadd.s32 $0x5001, v32  }
0xdd: {  	v50 =	vor.u32 $0x8, v32;
	v0 =	vmul.f32 v61, v0;
	v30 =	vmul.f32 v30, v48;
	_ =	sdelay $0x1  }
0xde: {  	v0 =	vadd.f32 v30, v0;
	_ =	sdelay $0x1  }
0xdf: {  	v30 =	vmul.f32 v35, v36;
	[tilespmem:v49+s25+$0x0] =	vst.idx.msk $0xffff, v0  }
0xe0: {  	v0 =	vld.idx.msk [tilespmem:v50+s19+$0x0], $0xffff  }
0xe1: {  	v2 =	vmul.f32 v53, v2;
	v30 =	vadd.f32 v30, v33;
	_ =	sdelay $0x1  }
0xe2: {  	v2 =	vadd.f32 v2, v30  }
0xe3: {  	v30 =	vadd.s32 $0x5002, v32  }
0xe4: {  	v2 =	vmul.f32 v61, v2;
	v0 =	vmul.f32 v0, v48  }
0xe5: {  	p1 =	seq.s32 s8, $0x4  }
0xe6: {  	s3 =	sshll.u32 @!p1 s8, $0xB;
	v0 =	vadd.f32 v0, v2  }
0xe7: {  	s3 =	sand.u32 @!p1 $0x3FFFF800, s3  }
0xe8: {  	s17 =	simm.s32 @!p1 $0x80;
	s18 =	simm.s32 @!p1 $0xF500;
	s12 =	sadd.s32 @!p1 $0xD500, s3;
	[tilespmem:v30+s25+$0x0] =	vst.idx.msk $0xffff, v0  }
0xe9: {  	[tilespmem:s18], [sflag:$0x1] =	stream.indirect.gather @!p1 [hbm4b:s4+s17], $0x10, s12, s17, $0xb8;
	[tilespmem:$0x1ED00] =	vst v63  }
0xea: {  	s3 =	sadd.s32 @!p1 $0xD580, s3;
	s12 =	simm.s32 @!p1 $0xFD00  }
0xeb: {  	[tilespmem:s12], [sflag:$0x2] =	stream.indirect.gather @!p1 [hbm4b:s4+s17], $0x10, s3, s17, $0xb8;
	[tilespmem:$0x1ED00] =	vst v63  }
0xec: {  	s12 =	simm.s32 $0x0  }
0xed: {  	s18 =	sshll.u32 s8, $0x3;
	v0 =	vmov s12  }
0xee: {  	s3 =	sor.u32 $0x1, s18;
	_ =	swait.ge [sflag:s26], $0x800;
	v0 =	vshll.u32 v0, $0x4  }
0xef: {  	v2 =	vlaneseq.u32;
	s20 =	sshll.u32 s3, $0x4;
	v30 =	vld [tilespmem:$0x1FF90];
	v0 =	vor.u32 v3, v0  }
0xf0: {  	v43 =	vor.u32 s20, v2;
	[sflag:s26] =	ssyncset.done $0x0;
	v2 =	vor.u32 v20, v0  }
0xf1: {  	[sflag:s26] =	ssyncadd.s32 $0xFFFFF800;
	v51 =	vor.u32 v12, v0  }
0xf2: {  	_ =	swait.ge [sflag:s28], $0x800;
	v52 =	vor.u32 v13, v0  }
0xf3: {  	v32 =	vshll.u32 v43, $0x4;
	v54 =	vor.u32 v15, v0;
	[sflag:s28] =	ssyncset.done $0x0  }
0xf4: {  	[sflag:s28] =	ssyncadd.s32 $0xFFFFF800;
	v30 =	vadd.s32 v30, v32  }
0xf5: {  	v53 =	vor.u32 v14, v0;
	v2 =	vld.idx.msk [tilespmem:v2+s23+$0x0], $0xffff  }
0xf6: {  	v55 =	vor.u32 v16, v0;
	v33 =	vld.idx.msk [tilespmem:v51+s23+$0x0], $0xffff  }
0xf7: {  	s20 =	simm.s32 $0x1;
	v58 =	vor.u32 v18, v0;
	v42 =	vld.idx.msk [tilespmem:v52+s23+$0x0], $0xffff  }
0xf8: {  	v57 =	vmov s20;
	v56 =	vor.u32 v17, v0;
	v36 =	vld.idx.msk [tilespmem:v54+s23+$0x0], $0xffff  }
0xf9: {  	v59 =	vshll.u32 v57, $0x4;
	v39 =	vld.idx.msk [tilespmem:v30+s13+$0x0], $0xffff  }
0xfa: {  	v0 =	vor.u32 v19, v0;
	v35 =	vor.u32 v3, v59;
	v46 =	vadd.s32 $0x1, v30;
	v30 =	vld.idx.msk [tilespmem:v53+s23+$0x0], $0xffff  }
0xfb: {  	v34 =	vimm.f32 $0.0e+00;
	v40 =	vor.u32 v12, v35;
	v45 =	vor.u32 v13, v35;
	v37 =	vld.idx.msk [tilespmem:v55+s23+$0x0], $0xffff  }
0xfc: {  	v44 =	vor.u32 v20, v35;
	v60 =	vor.u32 v14, v35;
	v50 =	vor.u32 v17, v35;
	v62 =	vld.idx.msk [tilespmem:v58+s23+$0x0], $0xffff  }
0xfd: {  	v49 =	vor.u32 v18, v35;
	v47 =	vor.u32 v19, v35;
	v61 =	vadd.s32 s12, v46;
	v38 =	vld.idx.msk [tilespmem:v56+s23+$0x0], $0xffff  }
0xfe: {  	v54 =	vor.u32 v15, v35;
	v2 =	vmul.f32 v2, v39;
	v63 =	vmul.f32 v33, v39  }
0xff: {  	v0 =	vld.idx.msk [tilespmem:v0+s23+$0x0], $0xffff;
	v53 =	vor.u32 v16, v35;
	v42 =	vmul.f32 v42, v39;
	v30 =	vmul.f32 v30, v39  }
0x100: {  	v52 =	vld.idx.msk [tilespmem:v45+s23+$0x0], $0xffff;
	v37 =	vmul.f32 v37, v39;
	v33 =	vadd.f32 v2, v34;
	v2 =	vmul.f32 v36, v39  }
0x101: {  	v35 =	vld.idx.msk [tilespmem:v44+s23+$0x0], $0xffff;
	v45 =	vmul.f32 v62, v39;
	v48 =	vadd.f32 v63, v34;
	v44 =	vadd.f32 v42, v34  }
0x102: {  	s17 =	simm.s32 $0x2;
	v36 =	vld.idx.msk [tilespmem:v61+s13+$0x0], $0xffff;
	v42 =	vadd.f32 v30, v34;
	v41 =	vadd.f32 v2, v34;
	v2 =	vmul.f32 v38, v39  }
0x103: {  	v55 =	vld.idx.msk [tilespmem:v40+s23+$0x0], $0xffff;
	v30 =	vmov s17;
	v40 =	vadd.f32 v37, v34;
	v37 =	vimm.f32 $0.0e+00  }
0x104: {  	s12 =	simm.s32 $0x3;
	v51 =	vld.idx.msk [tilespmem:v60+s23+$0x0], $0xffff;
	v56 =	vshll.u32 v30, $0x4;
	v39 =	vmul.f32 v0, v39;
	v38 =	vadd.f32 v2, v34  }
.LBB2_8:
0x105: {  	p2 =	sne.s32 s12, $0xF;
	v0 =	vor.u32 v3, v56;
	v2 =	vld.idx.msk [tilespmem:v54+s23+$0x0], $0xffff;
	v34 =	vadd.f32 v45, v34  }
0x106: {  	v30 =	vor.u32 v12, v0;
	v45 =	vor.u32 v13, v0;
	v56 =	vor.u32 v20, v0;
	v57 =	vld.idx.msk [tilespmem:v53+s23+$0x0], $0xffff  }
0x107: {  	v59 =	vadd.s32 s20, v46;
	s20 =	smov.u32 s17;
	s17 =	smov.u32 s12;
	v58 =	vor.u32 v14, v0;
	v35 =	vmul.f32 v35, v36;
	v61 =	vmovc v36;
	v60 =	vld.idx.msk [tilespmem:v50+s23+$0x0], $0xffff  }
0x108: {  	v54 =	vor.u32 v15, v0;
	v53 =	vor.u32 v16, v0;
	v50 =	vor.u32 v17, v0;
	v62 =	vld.idx.msk [tilespmem:v49+s23+$0x0], $0xffff  }
0x109: {  	v49 =	vor.u32 v18, v0;
	v33 =	vadd.f32 v35, v33;
	v63 =	vld.idx.msk [tilespmem:v47+s23+$0x0], $0xffff;
	v47 =	vor.u32 v19, v0  }
0x10a: {  	v37 =	vadd.f32 v39, v37;
	v52 =	vmul.f32 v52, v61;
	v0 =	vmul.f32 v55, v61  }
.Ltmp6:
0x10b: {  	v39 =	vmul.f32 v51, v61;
	v2 =	vmul.f32 v2, v61;
	v35 =	vld.idx.msk [tilespmem:v56+s23+$0x0], $0xffff;
	(pc) =	sbr.rel @p2 .LBB2_8-.Ltmp6, $4  }
0x10c: {  	v44 =	vadd.f32 v52, v44;
	v48 =	vadd.f32 v0, v48;
	v0 =	vmul.f32 v57, v61;
	v36 =	vld.idx.msk [tilespmem:v59+s13+$0x0], $0xffff  }
0x10d: {  	v42 =	vadd.f32 v39, v42;
	v41 =	vadd.f32 v2, v41;
	v2 =	vmul.f32 v60, v61;
	v55 =	vld.idx.msk [tilespmem:v30+s23+$0x0], $0xffff  }
0x10e: {  	v30 =	vmov s12;
	v40 =	vadd.f32 v0, v40;
	v52 =	vld.idx.msk [tilespmem:v45+s23+$0x0], $0xffff;
	v45 =	vmul.f32 v62, v61  }
0x10f: {  	s12 =	sadd.s32 $0x1, s12;
	v56 =	vshll.u32 v30, $0x4;
	v38 =	vadd.f32 v2, v38;
	v39 =	vmul.f32 v63, v61;
	v51 =	vld.idx.msk [tilespmem:v58+s23+$0x0], $0xffff  }
0x110: {  	v2 =	vld [tilespmem:$0x1FFA0];
	_ =	sdelay $0x3  }
0x111: {  	v0 =	vand.u32 $0x7FFFFF98, v43  }
0x112: {  	v0 =	vadd.s32 v2, v0;
	_ =	sdelay $0x4  }
0x113: {  	v0 =	vld.idx.msk [tilespmem:v0+s14+$0x0], $0xffff;
	_ =	sdelay $0x4  }
0x114: {  	v0 =	vsub.f32 $0.0e+00, v0;
	_ =	sdelay $0x1  }
0x115: {  	v0 =	vmul.f32 $1.442695020e+00, v0;
	_ =	sdelay $0x1  }
0x116: {  	(erf) = vpow2.f32 v0;
	_ =	sdelay $0x8  }
0x117: {  	v2 =	vadd.s32 s20, v46;
	v0 =	vor.u32 v3, v56;
	v30 =	vpop (erf)  }
0x118: {  	v62 =	vor.u32 v12, v0;
	v30 =	vadd.f32 $1.000000000e+00, v30;
	_ =	sdelay $0x1  }
0x119: {  	(erf) = vrcp.f32 v30  }
0x11a: {  	v46 =	vld.idx.msk [tilespmem:v54+s23+$0x0], $0xffff  }
0x11b: {  	v2 =	vld.idx.msk [tilespmem:v2+s13+$0x0], $0xffff  }
0x11c: {  	v54 =	vor.u32 v13, v0;
	v43 =	vld.idx.msk [tilespmem:v62+s23+$0x0], $0xffff  }
0x11d: {  	v50 =	vld.idx.msk [tilespmem:v50+s23+$0x0], $0xffff;
	v56 =	vor.u32 v14, v0  }
0x11e: {  	v49 =	vld.idx.msk [tilespmem:v49+s23+$0x0], $0xffff  }
0x11f: {  	v47 =	vld.idx.msk [tilespmem:v47+s23+$0x0], $0xffff;
	v55 =	vmul.f32 v55, v36;
	v57 =	vor.u32 v15, v0  }
0x120: {  	v59 =	vld.idx.msk [tilespmem:v32+s19+$0x0], $0xffff;
	v58 =	vor.u32 v16, v0  }
0x121: {  	v48 =	vadd.f32 v55, v48;
	v60 =	vor.u32 v17, v0;
	v54 =	vld.idx.msk [tilespmem:v54+s23+$0x0], $0xffff;
	v43 =	vmul.f32 v43, v2  }
0x122: {  	v55 =	vor.u32 v18, v0;
	v56 =	vld.idx.msk [tilespmem:v56+s23+$0x0], $0xffff;
	v61 =	vpop (erf)  }
0x123: {  	v30 =	vld.idx.msk [tilespmem:v53+s23+$0x0], $0xffff;
	v53 =	vor.u32 v20, v0;
	v43 =	vadd.f32 v43, v48;
	v48 =	vsub.f32 $1.000000000e+00, v61  }
0x124: {  	v57 =	vld.idx.msk [tilespmem:v57+s23+$0x0], $0xffff;
	v0 =	vor.u32 v19, v0  }
0x125: {  	v58 =	vld.idx.msk [tilespmem:v58+s23+$0x0], $0xffff;
	v62 =	vor.u32 $0x1, v32;
	v43 =	vmul.f32 v61, v43;
	v59 =	vmul.f32 v48, v59  }
0x126: {  	v60 =	vld.idx.msk [tilespmem:v60+s23+$0x0], $0xffff  }
0x127: {  	v55 =	vld.idx.msk [tilespmem:v55+s23+$0x0], $0xffff;
	v43 =	vadd.f32 v59, v43  }
0x128: {  	v53 =	vld.idx.msk [tilespmem:v53+s23+$0x0], $0xffff  }
0x129: {  	v52 =	vmul.f32 v52, v36;
	v0 =	vld.idx.msk [tilespmem:v0+s23+$0x0], $0xffff;
	[tilespmem:v32+s25+$0x0] =	vst.idx.msk $0xffff, v43  }
0x12a: {  	v43 =	vld.idx.msk [tilespmem:v62+s19+$0x0], $0xffff  }
0x12b: {  	v44 =	vadd.f32 v52, v44;
	v63 =	vmul.f32 v54, v2;
	_ =	sdelay $0x1  }
0x12c: {  	v44 =	vadd.f32 v63, v44;
	_ =	sdelay $0x1  }
0x12d: {  	v52 =	vor.u32 $0x2, v32;
	v44 =	vmul.f32 v61, v44;
	v43 =	vmul.f32 v48, v43;
	_ =	sdelay $0x1  }
0x12e: {  	v43 =	vadd.f32 v43, v44;
	_ =	sdelay $0x1  }
0x12f: {  	v59 =	vmul.f32 v51, v36;
	[tilespmem:v62+s25+$0x0] =	vst.idx.msk $0xffff, v43  }
0x130: {  	v43 =	vld.idx.msk [tilespmem:v52+s19+$0x0], $0xffff  }
0x131: {  	v42 =	vadd.f32 v59, v42;
	v62 =	vmul.f32 v56, v2;
	_ =	sdelay $0x1  }
0x132: {  	v42 =	vadd.f32 v62, v42;
	_ =	sdelay $0x1  }
0x133: {  	v63 =	vor.u32 $0x3, v32;
	v42 =	vmul.f32 v61, v42;
	v43 =	vmul.f32 v48, v43;
	_ =	sdelay $0x1  }
0x134: {  	v42 =	vadd.f32 v43, v42;
	_ =	sdelay $0x1  }
0x135: {  	v46 =	vmul.f32 v46, v36;
	[tilespmem:v52+s25+$0x0] =	vst.idx.msk $0xffff, v42  }
0x136: {  	v42 =	vld.idx.msk [tilespmem:v63+s19+$0x0], $0xffff  }
0x137: {  	v41 =	vadd.f32 v46, v41;
	v51 =	vmul.f32 v57, v2;
	_ =	sdelay $0x1  }
0x138: {  	v41 =	vadd.f32 v51, v41  }
0x139: {  	v52 =	vadd.s32 $0x2800, v32  }
0x13a: {  	v54 =	vor.u32 $0x4, v32;
	v41 =	vmul.f32 v61, v41;
	v42 =	vmul.f32 v42, v48;
	_ =	sdelay $0x1  }
0x13b: {  	v41 =	vadd.f32 v42, v41;
	_ =	sdelay $0x1  }
0x13c: {  	v30 =	vmul.f32 v30, v36;
	[tilespmem:v52+s25+$0x0] =	vst.idx.msk $0xffff, v41  }
0x13d: {  	v41 =	vld.idx.msk [tilespmem:v54+s19+$0x0], $0xffff  }
0x13e: {  	v30 =	vadd.f32 v30, v40;
	v56 =	vmul.f32 v58, v2;
	_ =	sdelay $0x1  }
0x13f: {  	v30 =	vadd.f32 v56, v30  }
0x140: {  	v57 =	vadd.s32 $0x2801, v32  }
0x141: {  	v58 =	vor.u32 $0x5, v32;
	v30 =	vmul.f32 v61, v30;
	v41 =	vmul.f32 v41, v48;
	_ =	sdelay $0x1  }
0x142: {  	v30 =	vadd.f32 v41, v30;
	_ =	sdelay $0x1  }
0x143: {  	v59 =	vmul.f32 v50, v36;
	[tilespmem:v57+s25+$0x0] =	vst.idx.msk $0xffff, v30  }
0x144: {  	v30 =	vld.idx.msk [tilespmem:v58+s19+$0x0], $0xffff  }
0x145: {  	v60 =	vmul.f32 v60, v2;
	v38 =	vadd.f32 v59, v38;
	_ =	sdelay $0x1  }
0x146: {  	v38 =	vadd.f32 v60, v38  }
0x147: {  	v62 =	vadd.s32 $0x2802, v32  }
0x148: {  	v38 =	vmul.f32 v61, v38;
	v63 =	vor.u32 $0x6, v32;
	v30 =	vmul.f32 v30, v48;
	_ =	sdelay $0x1  }
0x149: {  	v30 =	vadd.f32 v30, v38;
	_ =	sdelay $0x1  }
0x14a: {  	v34 =	vadd.f32 v45, v34;
	v42 =	vmul.f32 v49, v36;
	[tilespmem:v62+s25+$0x0] =	vst.idx.msk $0xffff, v30  }
0x14b: {  	v30 =	vld.idx.msk [tilespmem:v63+s19+$0x0], $0xffff  }
0x14c: {  	v43 =	vmul.f32 v55, v2;
	v34 =	vadd.f32 v42, v34;
	_ =	sdelay $0x1  }
0x14d: {  	v34 =	vadd.f32 v43, v34  }
0x14e: {  	v44 =	vadd.s32 $0x5000, v32  }
0x14f: {  	v45 =	vor.u32 $0x7, v32;
	v34 =	vmul.f32 v61, v34;
	v30 =	vmul.f32 v30, v48;
	_ =	sdelay $0x1  }
0x150: {  	v30 =	vadd.f32 v30, v34;
	_ =	sdelay $0x1  }
0x151: {  	v47 =	vmul.f32 v47, v36;
	v46 =	vadd.f32 v39, v37;
	[tilespmem:v44+s25+$0x0] =	vst.idx.msk $0xffff, v30  }
0x152: {  	v30 =	vld.idx.msk [tilespmem:v45+s19+$0x0], $0xffff  }
0x153: {  	v0 =	vmul.f32 v0, v2;
	v34 =	vadd.f32 v47, v46;
	_ =	sdelay $0x1  }
0x154: {  	v0 =	vadd.f32 v0, v34  }
0x155: {  	v49 =	vadd.s32 $0x5001, v32  }
0x156: {  	v50 =	vor.u32 $0x8, v32;
	v0 =	vmul.f32 v61, v0;
	v30 =	vmul.f32 v30, v48;
	_ =	sdelay $0x1  }
0x157: {  	v0 =	vadd.f32 v30, v0;
	_ =	sdelay $0x1  }
0x158: {  	v30 =	vmul.f32 v35, v36;
	[tilespmem:v49+s25+$0x0] =	vst.idx.msk $0xffff, v0  }
0x159: {  	v0 =	vld.idx.msk [tilespmem:v50+s19+$0x0], $0xffff  }
0x15a: {  	v2 =	vmul.f32 v53, v2;
	v30 =	vadd.f32 v30, v33;
	_ =	sdelay $0x1  }
0x15b: {  	v2 =	vadd.f32 v2, v30  }
0x15c: {  	v30 =	vadd.s32 $0x5002, v32  }
0x15d: {  	v2 =	vmul.f32 v61, v2;
	v0 =	vmul.f32 v0, v48;
	_ =	sdelay $0x1  }
0x15e: {  	s3 =	sshll.u32 @!p1 s3, $0x8;
	v0 =	vadd.f32 v0, v2  }
0x15f: {  	s3 =	sand.u32 @!p1 $0x3FFFFF00, s3  }
0x160: {  	s17 =	simm.s32 @!p1 $0x80;
	s12 =	sadd.s32 @!p1 $0xD500, s3;
	s20 =	simm.s32 @!p1 $0x10500;
	[tilespmem:v30+s25+$0x0] =	vst.idx.msk $0xffff, v0  }
0x161: {  	[tilespmem:s20], [sflag:$0x3] =	stream.indirect.gather @!p1 [hbm4b:s4+s17], $0x10, s12, s17, $0xb8;
	[tilespmem:$0x1ED00] =	vst v63  }
0x162: {  	s3 =	sadd.s32 @!p1 $0xD580, s3;
	s12 =	simm.s32 @!p1 $0x10D00  }
0x163: {  	[tilespmem:s12], [sflag:$0x4] =	stream.indirect.gather @!p1 [hbm4b:s4+s17], $0x10, s3, s17, $0xb8;
	[tilespmem:$0x1ED00] =	vst v63  }
0x164: {  	s12 =	simm.s32 $0x0  }
0x165: {  	v0 =	vmov s12  }
0x166: {  	s3 =	sor.u32 $0x2, s18;
	_ =	swait.ge [sflag:s29], $0x800;
	v0 =	vshll.u32 v0, $0x4  }
0x167: {  	v2 =	vlaneseq.u32;
	s20 =	sshll.u32 s3, $0x4;
	v4 =	vld [tilespmem:$0x1FF90];
	v0 =	vor.u32 v3, v0  }
0x168: {  	v43 =	vor.u32 s20, v2;
	[sflag:s29] =	ssyncset.done $0x0;
	v2 =	vor.u32 v29, v0  }
0x169: {  	[sflag:s29] =	ssyncadd.s32 $0xFFFFF800;
	v51 =	vor.u32 v21, v0  }
0x16a: {  	_ =	swait.ge [sflag:s30], $0x800;
	v52 =	vor.u32 v22, v0  }
0x16b: {  	v32 =	vshll.u32 v43, $0x4;
	v54 =	vor.u32 v24, v0;
	[sflag:s30] =	ssyncset.done $0x0  }
0x16c: {  	[sflag:s30] =	ssyncadd.s32 $0xFFFFF800;
	v30 =	vadd.s32 v4, v32  }
0x16d: {  	v53 =	vor.u32 v23, v0;
	v2 =	vld.idx.msk [tilespmem:v2+s23+$0x0], $0xffff  }
0x16e: {  	v55 =	vor.u32 v25, v0;
	v33 =	vld.idx.msk [tilespmem:v51+s23+$0x0], $0xffff  }
0x16f: {  	s20 =	simm.s32 $0x1;
	v58 =	vor.u32 v27, v0;
	v42 =	vld.idx.msk [tilespmem:v52+s23+$0x0], $0xffff  }
0x170: {  	v57 =	vmov s20;
	v56 =	vor.u32 v26, v0;
	v36 =	vld.idx.msk [tilespmem:v54+s23+$0x0], $0xffff  }
0x171: {  	v59 =	vshll.u32 v57, $0x4;
	v39 =	vld.idx.msk [tilespmem:v30+s13+$0x0], $0xffff  }
0x172: {  	v0 =	vor.u32 v28, v0;
	v35 =	vor.u32 v3, v59;
	v46 =	vadd.s32 $0x1, v30;
	v30 =	vld.idx.msk [tilespmem:v53+s23+$0x0], $0xffff  }
0x173: {  	v34 =	vimm.f32 $0.0e+00;
	v40 =	vor.u32 v21, v35;
	v45 =	vor.u32 v22, v35;
	v37 =	vld.idx.msk [tilespmem:v55+s23+$0x0], $0xffff  }
0x174: {  	v44 =	vor.u32 v29, v35;
	v60 =	vor.u32 v23, v35;
	v50 =	vor.u32 v26, v35;
	v62 =	vld.idx.msk [tilespmem:v58+s23+$0x0], $0xffff  }
0x175: {  	v49 =	vor.u32 v27, v35;
	v47 =	vor.u32 v28, v35;
	v61 =	vadd.s32 s12, v46;
	v38 =	vld.idx.msk [tilespmem:v56+s23+$0x0], $0xffff  }
0x176: {  	v54 =	vor.u32 v24, v35;
	v2 =	vmul.f32 v2, v39;
	v63 =	vmul.f32 v33, v39  }
0x177: {  	v0 =	vld.idx.msk [tilespmem:v0+s23+$0x0], $0xffff;
	v53 =	vor.u32 v25, v35;
	v42 =	vmul.f32 v42, v39;
	v30 =	vmul.f32 v30, v39  }
0x178: {  	v52 =	vld.idx.msk [tilespmem:v45+s23+$0x0], $0xffff;
	v37 =	vmul.f32 v37, v39;
	v33 =	vadd.f32 v2, v34;
	v2 =	vmul.f32 v36, v39  }
0x179: {  	v35 =	vld.idx.msk [tilespmem:v44+s23+$0x0], $0xffff;
	v45 =	vmul.f32 v62, v39;
	v48 =	vadd.f32 v63, v34;
	v44 =	vadd.f32 v42, v34  }
0x17a: {  	s17 =	simm.s32 $0x2;
	v36 =	vld.idx.msk [tilespmem:v61+s13+$0x0], $0xffff;
	v42 =	vadd.f32 v30, v34;
	v41 =	vadd.f32 v2, v34;
	v2 =	vmul.f32 v38, v39  }
0x17b: {  	v55 =	vld.idx.msk [tilespmem:v40+s23+$0x0], $0xffff;
	v30 =	vmov s17;
	v40 =	vadd.f32 v37, v34;
	v37 =	vimm.f32 $0.0e+00  }
0x17c: {  	s12 =	simm.s32 $0x3;
	v51 =	vld.idx.msk [tilespmem:v60+s23+$0x0], $0xffff;
	v56 =	vshll.u32 v30, $0x4;
	v39 =	vmul.f32 v0, v39;
	v38 =	vadd.f32 v2, v34  }
.LBB2_10:
0x17d: {  	p2 =	sne.s32 s12, $0xF;
	v0 =	vor.u32 v3, v56;
	v2 =	vld.idx.msk [tilespmem:v54+s23+$0x0], $0xffff;
	v34 =	vadd.f32 v45, v34  }
0x17e: {  	v30 =	vor.u32 v21, v0;
	v45 =	vor.u32 v22, v0;
	v56 =	vor.u32 v29, v0;
	v57 =	vld.idx.msk [tilespmem:v53+s23+$0x0], $0xffff  }
0x17f: {  	v59 =	vadd.s32 s20, v46;
	s20 =	smov.u32 s17;
	s17 =	smov.u32 s12;
	v58 =	vor.u32 v23, v0;
	v35 =	vmul.f32 v35, v36;
	v61 =	vmovc v36;
	v60 =	vld.idx.msk [tilespmem:v50+s23+$0x0], $0xffff  }
0x180: {  	v54 =	vor.u32 v24, v0;
	v53 =	vor.u32 v25, v0;
	v50 =	vor.u32 v26, v0;
	v62 =	vld.idx.msk [tilespmem:v49+s23+$0x0], $0xffff  }
0x181: {  	v49 =	vor.u32 v27, v0;
	v33 =	vadd.f32 v35, v33;
	v63 =	vld.idx.msk [tilespmem:v47+s23+$0x0], $0xffff;
	v47 =	vor.u32 v28, v0  }
0x182: {  	v37 =	vadd.f32 v39, v37;
	v52 =	vmul.f32 v52, v61;
	v0 =	vmul.f32 v55, v61  }
.Ltmp7:
0x183: {  	v39 =	vmul.f32 v51, v61;
	v2 =	vmul.f32 v2, v61;
	v35 =	vld.idx.msk [tilespmem:v56+s23+$0x0], $0xffff;
	(pc) =	sbr.rel @p2 .LBB2_10-.Ltmp7, $4  }
0x184: {  	v44 =	vadd.f32 v52, v44;
	v48 =	vadd.f32 v0, v48;
	v0 =	vmul.f32 v57, v61;
	v36 =	vld.idx.msk [tilespmem:v59+s13+$0x0], $0xffff  }
0x185: {  	v42 =	vadd.f32 v39, v42;
	v41 =	vadd.f32 v2, v41;
	v2 =	vmul.f32 v60, v61;
	v55 =	vld.idx.msk [tilespmem:v30+s23+$0x0], $0xffff  }
0x186: {  	v30 =	vmov s12;
	v40 =	vadd.f32 v0, v40;
	v52 =	vld.idx.msk [tilespmem:v45+s23+$0x0], $0xffff;
	v45 =	vmul.f32 v62, v61  }
0x187: {  	s12 =	sadd.s32 $0x1, s12;
	v56 =	vshll.u32 v30, $0x4;
	v38 =	vadd.f32 v2, v38;
	v39 =	vmul.f32 v63, v61;
	v51 =	vld.idx.msk [tilespmem:v58+s23+$0x0], $0xffff  }
0x188: {  	v2 =	vld [tilespmem:$0x1FFA0];
	_ =	sdelay $0x3  }
0x189: {  	v0 =	vand.u32 $0x7FFFFFA8, v43  }
0x18a: {  	v0 =	vadd.s32 v2, v0;
	_ =	sdelay $0x4  }
0x18b: {  	v0 =	vld.idx.msk [tilespmem:v0+s14+$0x0], $0xffff;
	_ =	sdelay $0x4  }
0x18c: {  	v0 =	vsub.f32 $0.0e+00, v0;
	_ =	sdelay $0x1  }
0x18d: {  	v0 =	vmul.f32 $1.442695020e+00, v0;
	_ =	sdelay $0x1  }
0x18e: {  	(erf) = vpow2.f32 v0;
	_ =	sdelay $0x8  }
0x18f: {  	v2 =	vadd.s32 s20, v46;
	v0 =	vor.u32 v3, v56;
	v30 =	vpop (erf)  }
0x190: {  	v62 =	vor.u32 v21, v0;
	v30 =	vadd.f32 $1.000000000e+00, v30;
	_ =	sdelay $0x1  }
0x191: {  	(erf) = vrcp.f32 v30  }
0x192: {  	v46 =	vld.idx.msk [tilespmem:v54+s23+$0x0], $0xffff  }
0x193: {  	v2 =	vld.idx.msk [tilespmem:v2+s13+$0x0], $0xffff  }
0x194: {  	v54 =	vor.u32 v22, v0;
	v43 =	vld.idx.msk [tilespmem:v62+s23+$0x0], $0xffff  }
0x195: {  	v50 =	vld.idx.msk [tilespmem:v50+s23+$0x0], $0xffff;
	v56 =	vor.u32 v23, v0  }
0x196: {  	v49 =	vld.idx.msk [tilespmem:v49+s23+$0x0], $0xffff  }
0x197: {  	v47 =	vld.idx.msk [tilespmem:v47+s23+$0x0], $0xffff;
	v55 =	vmul.f32 v55, v36;
	v57 =	vor.u32 v24, v0  }
0x198: {  	v59 =	vld.idx.msk [tilespmem:v32+s19+$0x0], $0xffff;
	v58 =	vor.u32 v25, v0  }
0x199: {  	v48 =	vadd.f32 v55, v48;
	v60 =	vor.u32 v26, v0;
	v54 =	vld.idx.msk [tilespmem:v54+s23+$0x0], $0xffff;
	v43 =	vmul.f32 v43, v2  }
0x19a: {  	v55 =	vor.u32 v27, v0;
	v56 =	vld.idx.msk [tilespmem:v56+s23+$0x0], $0xffff;
	v61 =	vpop (erf)  }
0x19b: {  	v30 =	vld.idx.msk [tilespmem:v53+s23+$0x0], $0xffff;
	v53 =	vor.u32 v29, v0;
	v43 =	vadd.f32 v43, v48;
	v48 =	vsub.f32 $1.000000000e+00, v61  }
0x19c: {  	v57 =	vld.idx.msk [tilespmem:v57+s23+$0x0], $0xffff;
	v0 =	vor.u32 v28, v0  }
0x19d: {  	v58 =	vld.idx.msk [tilespmem:v58+s23+$0x0], $0xffff;
	v62 =	vor.u32 $0x1, v32;
	v43 =	vmul.f32 v61, v43;
	v59 =	vmul.f32 v48, v59  }
0x19e: {  	v60 =	vld.idx.msk [tilespmem:v60+s23+$0x0], $0xffff  }
0x19f: {  	v55 =	vld.idx.msk [tilespmem:v55+s23+$0x0], $0xffff;
	v43 =	vadd.f32 v59, v43  }
0x1a0: {  	v53 =	vld.idx.msk [tilespmem:v53+s23+$0x0], $0xffff  }
0x1a1: {  	v52 =	vmul.f32 v52, v36;
	v0 =	vld.idx.msk [tilespmem:v0+s23+$0x0], $0xffff;
	[tilespmem:v32+s25+$0x0] =	vst.idx.msk $0xffff, v43  }
0x1a2: {  	v43 =	vld.idx.msk [tilespmem:v62+s19+$0x0], $0xffff  }
0x1a3: {  	v44 =	vadd.f32 v52, v44;
	v63 =	vmul.f32 v54, v2;
	_ =	sdelay $0x1  }
0x1a4: {  	v44 =	vadd.f32 v63, v44;
	_ =	sdelay $0x1  }
0x1a5: {  	v52 =	vor.u32 $0x2, v32;
	v44 =	vmul.f32 v61, v44;
	v43 =	vmul.f32 v48, v43;
	_ =	sdelay $0x1  }
0x1a6: {  	v43 =	vadd.f32 v43, v44;
	_ =	sdelay $0x1  }
0x1a7: {  	v59 =	vmul.f32 v51, v36;
	[tilespmem:v62+s25+$0x0] =	vst.idx.msk $0xffff, v43  }
0x1a8: {  	v43 =	vld.idx.msk [tilespmem:v52+s19+$0x0], $0xffff  }
0x1a9: {  	v42 =	vadd.f32 v59, v42;
	v62 =	vmul.f32 v56, v2;
	_ =	sdelay $0x1  }
0x1aa: {  	v42 =	vadd.f32 v62, v42;
	_ =	sdelay $0x1  }
0x1ab: {  	v63 =	vor.u32 $0x3, v32;
	v42 =	vmul.f32 v61, v42;
	v43 =	vmul.f32 v48, v43;
	_ =	sdelay $0x1  }
0x1ac: {  	v42 =	vadd.f32 v43, v42;
	_ =	sdelay $0x1  }
0x1ad: {  	v51 =	vmul.f32 v46, v36;
	[tilespmem:v52+s25+$0x0] =	vst.idx.msk $0xffff, v42  }
0x1ae: {  	v42 =	vld.idx.msk [tilespmem:v63+s19+$0x0], $0xffff  }
0x1af: {  	v54 =	vmul.f32 v57, v2;
	v41 =	vadd.f32 v51, v41;
	_ =	sdelay $0x1  }
0x1b0: {  	v41 =	vadd.f32 v54, v41  }
0x1b1: {  	v56 =	vadd.s32 $0x2800, v32  }
0x1b2: {  	v57 =	vor.u32 $0x4, v32;
	v41 =	vmul.f32 v61, v41;
	v42 =	vmul.f32 v42, v48;
	_ =	sdelay $0x1  }
0x1b3: {  	v41 =	vadd.f32 v42, v41;
	_ =	sdelay $0x1  }
0x1b4: {  	v30 =	vmul.f32 v30, v36;
	[tilespmem:v56+s25+$0x0] =	vst.idx.msk $0xffff, v41  }
0x1b5: {  	v41 =	vld.idx.msk [tilespmem:v57+s19+$0x0], $0xffff  }
0x1b6: {  	v30 =	vadd.f32 v30, v40;
	v59 =	vmul.f32 v58, v2;
	_ =	sdelay $0x1  }
0x1b7: {  	v30 =	vadd.f32 v59, v30  }
0x1b8: {  	v62 =	vadd.s32 $0x2801, v32  }
0x1b9: {  	v30 =	vmul.f32 v61, v30;
	v63 =	vor.u32 $0x5, v32;
	v41 =	vmul.f32 v41, v48;
	_ =	sdelay $0x1  }
0x1ba: {  	v30 =	vadd.f32 v41, v30;
	_ =	sdelay $0x1  }
0x1bb: {  	v46 =	vmul.f32 v50, v36;
	[tilespmem:v62+s25+$0x0] =	vst.idx.msk $0xffff, v30  }
0x1bc: {  	v30 =	vld.idx.msk [tilespmem:v63+s19+$0x0], $0xffff  }
0x1bd: {  	v50 =	vmul.f32 v60, v2;
	v38 =	vadd.f32 v46, v38;
	_ =	sdelay $0x1  }
0x1be: {  	v38 =	vadd.f32 v50, v38  }
0x1bf: {  	v51 =	vadd.s32 $0x2802, v32  }
0x1c0: {  	v38 =	vmul.f32 v61, v38;
	v52 =	vor.u32 $0x6, v32;
	v30 =	vmul.f32 v30, v48;
	_ =	sdelay $0x1  }
0x1c1: {  	v30 =	vadd.f32 v30, v38;
	_ =	sdelay $0x1  }
0x1c2: {  	v34 =	vadd.f32 v45, v34;
	v54 =	vmul.f32 v49, v36;
	[tilespmem:v51+s25+$0x0] =	vst.idx.msk $0xffff, v30  }
0x1c3: {  	v30 =	vld.idx.msk [tilespmem:v52+s19+$0x0], $0xffff  }
0x1c4: {  	v55 =	vmul.f32 v55, v2;
	v34 =	vadd.f32 v54, v34;
	_ =	sdelay $0x1  }
0x1c5: {  	v34 =	vadd.f32 v55, v34  }
0x1c6: {  	v56 =	vadd.s32 $0x5000, v32  }
0x1c7: {  	v34 =	vmul.f32 v61, v34;
	v57 =	vor.u32 $0x7, v32;
	v30 =	vmul.f32 v30, v48;
	_ =	sdelay $0x1  }
0x1c8: {  	v30 =	vadd.f32 v30, v34;
	_ =	sdelay $0x1  }
0x1c9: {  	v58 =	vadd.f32 v39, v37;
	v59 =	vmul.f32 v47, v36;
	[tilespmem:v56+s25+$0x0] =	vst.idx.msk $0xffff, v30  }
0x1ca: {  	v30 =	vld.idx.msk [tilespmem:v57+s19+$0x0], $0xffff  }
0x1cb: {  	v0 =	vmul.f32 v0, v2;
	v34 =	vadd.f32 v59, v58;
	_ =	sdelay $0x1  }
0x1cc: {  	v0 =	vadd.f32 v0, v34  }
0x1cd: {  	v60 =	vadd.s32 $0x5001, v32  }
0x1ce: {  	v62 =	vor.u32 $0x8, v32;
	v0 =	vmul.f32 v61, v0;
	v30 =	vmul.f32 v30, v48;
	_ =	sdelay $0x1  }
0x1cf: {  	v0 =	vadd.f32 v30, v0;
	_ =	sdelay $0x1  }
0x1d0: {  	v30 =	vmul.f32 v35, v36;
	[tilespmem:v60+s25+$0x0] =	vst.idx.msk $0xffff, v0  }
0x1d1: {  	v0 =	vld.idx.msk [tilespmem:v62+s19+$0x0], $0xffff  }
0x1d2: {  	v2 =	vmul.f32 v53, v2;
	v30 =	vadd.f32 v30, v33;
	_ =	sdelay $0x1  }
0x1d3: {  	v2 =	vadd.f32 v2, v30  }
0x1d4: {  	v30 =	vadd.s32 $0x5002, v32  }
0x1d5: {  	v2 =	vmul.f32 v61, v2;
	v0 =	vmul.f32 v0, v48;
	_ =	sdelay $0x1  }
0x1d6: {  	s3 =	sshll.u32 @!p1 s3, $0x8;
	v0 =	vadd.f32 v0, v2  }
0x1d7: {  	s3 =	sand.u32 @!p1 $0x3FFFFF00, s3  }
0x1d8: {  	s17 =	simm.s32 @!p1 $0x80;
	s12 =	sadd.s32 @!p1 $0xD500, s3;
	s20 =	simm.s32 @!p1 $0x11500;
	[tilespmem:v30+s25+$0x0] =	vst.idx.msk $0xffff, v0  }
0x1d9: {  	[tilespmem:s20], [sflag:$0x5] =	stream.indirect.gather @!p1 [hbm4b:s4+s17], $0x10, s12, s17, $0xb8;
	[tilespmem:$0x1ED00] =	vst v63  }
0x1da: {  	s3 =	sadd.s32 @!p1 $0xD580, s3;
	s12 =	simm.s32 @!p1 $0x11D00  }
0x1db: {  	[tilespmem:s12], [sflag:$0x6] =	stream.indirect.gather @!p1 [hbm4b:s4+s17], $0x10, s3, s17, $0xb8;
	[tilespmem:$0x1ED00] =	vst v63  }
0x1dc: {  	s20 =	simm.s32 $0x0;
	_ =	swait.ge [sflag:s31], $0x800  }
0x1dd: {  	v0 =	vmov s20;
	s3 =	sor.u32 $0x3, s18;
	v4 =	vld [tilespmem:$0x1FF90]  }
0x1de: {  	v2 =	vlaneseq.u32;
	v0 =	vshll.u32 v0, $0x4;
	s17 =	sshll.u32 s3, $0x4  }
0x1df: {  	v43 =	vor.u32 $0x3008, v1;
	v0 =	vor.u32 v3, v0;
	v2 =	vor.u32 s17, v2  }
0x1e0: {  	v53 =	vor.u32 $0x3000, v1;
	[sflag:s31] =	ssyncset.done $0x0;
	[tilespmem:$0x1FF70] =	vst v2;
	v5 =	vshll.u32 v2, $0x4;
	v2 =	vor.u32 v43, v0  }
0x1e1: {  	v63 =	vor.u32 v53, v0;
	[sflag:s31] =	ssyncadd.s32 $0xFFFFF800;
	[tilespmem:$0x1FF80] =	vst v5  }
0x1e2: {  	v46 =	vor.u32 $0x3001, v1;
	_ =	swait.ge [sflag:s0], $0x800;
	v30 =	vadd.s32 v4, v5  }
0x1e3: {  	v48 =	vor.u32 $0x3002, v1;
	v36 =	vor.u32 v46, v0;
	[sflag:s0] =	ssyncset.done $0x0  }
0x1e4: {  	v47 =	vor.u32 $0x3003, v1;
	v44 =	vor.u32 v48, v0;
	[sflag:s0] =	ssyncadd.s32 $0xFFFFF800  }
0x1e5: {  	v50 =	vor.u32 $0x3004, v1;
	v45 =	vor.u32 v47, v0;
	v2 =	vld.idx.msk [tilespmem:v2+s23+$0x0], $0xffff  }
0x1e6: {  	v51 =	vor.u32 $0x3005, v1;
	v42 =	vor.u32 v50, v0;
	v62 =	vld.idx.msk [tilespmem:v63+s23+$0x0], $0xffff  }
0x1e7: {  	v55 =	vor.u32 $0x3006, v1;
	v59 =	vadd.s32 $0x1, v30;
	v34 =	vld.idx.msk [tilespmem:v30+s13+$0x0], $0xffff;
	v30 =	vor.u32 v51, v0  }
0x1e8: {  	v40 =	vimm.f32 $0.0e+00;
	v54 =	vor.u32 $0x3007, v1;
	v61 =	vor.u32 v55, v0;
	v57 =	vld.idx.msk [tilespmem:v36+s23+$0x0], $0xffff  }
0x1e9: {  	v39 =	vimm.f32 $0.0e+00;
	v37 =	vimm.f32 $0.0e+00;
	s17 =	simm.s32 $0x1;
	v60 =	vor.u32 v54, v0;
	v56 =	vld.idx.msk [tilespmem:v44+s23+$0x0], $0xffff  }
0x1ea: {  	v58 =	vimm.f32 $0.0e+00;
	v35 =	vimm.f32 $0.0e+00;
	v52 =	vmov s17;
	v49 =	vld.idx.msk [tilespmem:v45+s23+$0x0], $0xffff  }
0x1eb: {  	v33 =	vimm.f32 $0.0e+00;
	v63 =	vshll.u32 v52, $0x4;
	v45 =	vimm.f32 $0.0e+00;
	v44 =	vld.idx.msk [tilespmem:v42+s23+$0x0], $0xffff  }
0x1ec: {  	s12 =	simm.s32 $0x2;
	v42 =	vimm.f32 $0.0e+00;
	v36 =	vimm.f32 $0.0e+00;
	v38 =	vmul.f32 v2, v34;
	v41 =	vld.idx.msk [tilespmem:v30+s23+$0x0], $0xffff  }
.LBB2_12:
0x1ed: {  	p2 =	sne.s32 s12, $0xF;
	v0 =	vor.u32 v3, v63;
	v2 =	vmul.f32 v62, v34;
	v30 =	vld.idx.msk [tilespmem:v61+s23+$0x0], $0xffff  }
0x1ee: {  	v62 =	vor.u32 v53, v0;
	v63 =	vor.u32 v43, v0;
	v31 =	vld.idx.msk [tilespmem:v60+s23+$0x0], $0xffff;
	v33 =	vadd.f32 v38, v33  }
0x1ef: {  	v32 =	vadd.s32 s20, v59;
	s20 =	smov.u32 s17;
	s17 =	smov.u32 s12;
	v38 =	vor.u32 v46, v0;
	v52 =	vor.u32 v48, v0  }
0x1f0: {  	v4 =	vor.u32 v47, v0;
	v5 =	vor.u32 v50, v0;
	v6 =	vor.u32 v51, v0  }
0x1f1: {  	v61 =	vor.u32 v55, v0;
	v60 =	vor.u32 v54, v0;
	v0 =	vmul.f32 v57, v34  }
0x1f2: {  	v58 =	vadd.f32 v2, v58;
	v2 =	vmul.f32 v56, v34;
	v49 =	vmul.f32 v49, v34  }
0x1f3: {  	v45 =	vadd.f32 v0, v45;
	v0 =	vmul.f32 v44, v34;
	v41 =	vmul.f32 v41, v34;
	v7 =	vld.idx.msk [tilespmem:v63+s23+$0x0], $0xffff  }
0x1f4: {  	v42 =	vadd.f32 v2, v42;
	v2 =	vmul.f32 v30, v34;
	v30 =	vmul.f32 v31, v34;
	v34 =	vld.idx.msk [tilespmem:v32+s13+$0x0], $0xffff  }
0x1f5: {  	v40 =	vadd.f32 v49, v40;
	v39 =	vadd.f32 v0, v39;
	v62 =	vld.idx.msk [tilespmem:v62+s23+$0x0], $0xffff  }
.Ltmp8:
0x1f6: {  	v37 =	vadd.f32 v41, v37;
	v36 =	vadd.f32 v2, v36;
	v57 =	vld.idx.msk [tilespmem:v38+s23+$0x0], $0xffff;
	(pc) =	sbr.rel @p2 .LBB2_12-.Ltmp8, $4  }
0x1f7: {  	v35 =	vadd.f32 v30, v35;
	v56 =	vld.idx.msk [tilespmem:v52+s23+$0x0], $0xffff  }
0x1f8: {  	v49 =	vld.idx.msk [tilespmem:v4+s23+$0x0], $0xffff  }
0x1f9: {  	v0 =	vmov s12;
	v44 =	vld.idx.msk [tilespmem:v5+s23+$0x0], $0xffff  }
0x1fa: {  	s12 =	sadd.s32 $0x1, s12;
	v63 =	vshll.u32 v0, $0x4;
	v38 =	vmul.f32 v7, v34;
	v41 =	vld.idx.msk [tilespmem:v6+s23+$0x0], $0xffff  }
0x1fb: {  	v0 =	vld [tilespmem:$0x1FF70]  }
0x1fc: {  	v2 =	vld [tilespmem:$0x1FFA0];
	_ =	sdelay $0x3  }
0x1fd: {  	v0 =	vand.u32 $0x7FFFFFB8, v0  }
0x1fe: {  	v0 =	vadd.s32 v2, v0;
	_ =	sdelay $0x4  }
0x1ff: {  	v0 =	vld.idx.msk [tilespmem:v0+s14+$0x0], $0xffff;
	_ =	sdelay $0x4  }
0x200: {  	v0 =	vsub.f32 $0.0e+00, v0;
	_ =	sdelay $0x1  }
0x201: {  	v0 =	vmul.f32 $1.442695020e+00, v0;
	_ =	sdelay $0x1  }
0x202: {  	(erf) = vpow2.f32 v0;
	_ =	sdelay $0x8  }
0x203: {  	v2 =	vadd.s32 s20, v59;
	v0 =	vor.u32 v3, v63;
	v4 =	vpop (erf)  }
0x204: {  	v5 =	vor.u32 v53, v0;
	v4 =	vadd.f32 $1.000000000e+00, v4  }
0x205: {  	v53 =	vld [tilespmem:$0x1FF80]  }
0x206: {  	(erf) = vrcp.f32 v4;
	_ =	sdelay $0x1  }
0x207: {  	v2 =	vld.idx.msk [tilespmem:v2+s13+$0x0], $0xffff  }
0x208: {  	v5 =	vld.idx.msk [tilespmem:v5+s23+$0x0], $0xffff  }
0x209: {  	v6 =	vor.u32 v46, v0  }
0x20a: {  	v7 =	vld.idx.msk [tilespmem:v61+s23+$0x0], $0xffff;
	v30 =	vor.u32 v48, v0  }
0x20b: {  	v31 =	vmul.f32 v62, v34;
	v32 =	vld.idx.msk [tilespmem:v60+s23+$0x0], $0xffff;
	v60 =	vor.u32 v50, v0  }
0x20c: {  	v62 =	vor.u32 v51, v0;
	v61 =	vld.idx.msk [tilespmem:v53+s19+$0x0], $0xffff  }
0x20d: {  	v31 =	vadd.f32 v31, v58;
	v63 =	vor.u32 v55, v0;
	v5 =	vmul.f32 v5, v2  }
0x20e: {  	v59 =	vor.u32 v47, v0;
	v6 =	vld.idx.msk [tilespmem:v6+s23+$0x0], $0xffff;
	v58 =	vpop (erf)  }
0x20f: {  	v30 =	vld.idx.msk [tilespmem:v30+s23+$0x0], $0xffff;
	v4 =	vor.u32 v43, v0;
	v5 =	vadd.f32 v5, v31;
	v31 =	vsub.f32 $1.000000000e+00, v58  }
0x210: {  	v46 =	vld.idx.msk [tilespmem:v60+s23+$0x0], $0xffff;
	v0 =	vor.u32 v54, v0  }
0x211: {  	v52 =	vor.u32 $0x1, v53;
	v48 =	vld.idx.msk [tilespmem:v62+s23+$0x0], $0xffff;
	v5 =	vmul.f32 v58, v5;
	v47 =	vmul.f32 v31, v61  }
0x212: {  	v50 =	vld.idx.msk [tilespmem:v63+s23+$0x0], $0xffff  }
0x213: {  	v43 =	vld.idx.msk [tilespmem:v59+s23+$0x0], $0xffff;
	v5 =	vadd.f32 v47, v5  }
0x214: {  	v4 =	vld.idx.msk [tilespmem:v4+s23+$0x0], $0xffff  }
0x215: {  	v59 =	vmul.f32 v57, v34;
	v0 =	vld.idx.msk [tilespmem:v0+s23+$0x0], $0xffff;
	[tilespmem:v53+s25+$0x0] =	vst.idx.msk $0xffff, v5  }
0x216: {  	v5 =	vld.idx.msk [tilespmem:v52+s19+$0x0], $0xffff  }
0x217: {  	v6 =	vmul.f32 v6, v2;
	v45 =	vadd.f32 v59, v45;
	_ =	sdelay $0x1  }
0x218: {  	v6 =	vadd.f32 v6, v45;
	_ =	sdelay $0x1  }
0x219: {  	v60 =	vor.u32 $0x2, v53;
	v6 =	vmul.f32 v58, v6;
	v5 =	vmul.f32 v31, v5;
	_ =	sdelay $0x1  }
0x21a: {  	v5 =	vadd.f32 v5, v6;
	_ =	sdelay $0x1  }
0x21b: {  	v6 =	vmul.f32 v56, v34;
	[tilespmem:v52+s25+$0x0] =	vst.idx.msk $0xffff, v5  }
0x21c: {  	v5 =	vld.idx.msk [tilespmem:v60+s19+$0x0], $0xffff  }
0x21d: {  	v30 =	vmul.f32 v30, v2;
	v6 =	vadd.f32 v6, v42;
	_ =	sdelay $0x1  }
0x21e: {  	v6 =	vadd.f32 v30, v6;
	_ =	sdelay $0x1  }
0x21f: {  	v30 =	vor.u32 $0x3, v53;
	v6 =	vmul.f32 v58, v6;
	v5 =	vmul.f32 v31, v5;
	_ =	sdelay $0x1  }
0x220: {  	v5 =	vadd.f32 v5, v6;
	_ =	sdelay $0x1  }
0x221: {  	v6 =	vmul.f32 v49, v34;
	[tilespmem:v60+s25+$0x0] =	vst.idx.msk $0xffff, v5  }
0x222: {  	v5 =	vld.idx.msk [tilespmem:v30+s19+$0x0], $0xffff  }
0x223: {  	v6 =	vadd.f32 v6, v40;
	v30 =	vmul.f32 v43, v2;
	_ =	sdelay $0x1  }
0x224: {  	v6 =	vadd.f32 v30, v6  }
0x225: {  	v30 =	vadd.s32 $0x2800, v53  }
0x226: {  	v61 =	vor.u32 $0x4, v53;
	v6 =	vmul.f32 v58, v6;
	v5 =	vmul.f32 v5, v31;
	_ =	sdelay $0x1  }
0x227: {  	v5 =	vadd.f32 v5, v6;
	_ =	sdelay $0x1  }
0x228: {  	v6 =	vmul.f32 v44, v34;
	[tilespmem:v30+s25+$0x0] =	vst.idx.msk $0xffff, v5  }
0x229: {  	v5 =	vld.idx.msk [tilespmem:v61+s19+$0x0], $0xffff  }
0x22a: {  	v6 =	vadd.f32 v6, v39;
	v30 =	vmul.f32 v46, v2;
	_ =	sdelay $0x1  }
0x22b: {  	v6 =	vadd.f32 v30, v6  }
0x22c: {  	v30 =	vadd.s32 $0x2801, v53  }
0x22d: {  	v62 =	vor.u32 $0x5, v53;
	v6 =	vmul.f32 v58, v6;
	v5 =	vmul.f32 v5, v31;
	_ =	sdelay $0x1  }
0x22e: {  	v5 =	vadd.f32 v5, v6;
	_ =	sdelay $0x1  }
0x22f: {  	v6 =	vmul.f32 v41, v34;
	[tilespmem:v30+s25+$0x0] =	vst.idx.msk $0xffff, v5  }
0x230: {  	v5 =	vld.idx.msk [tilespmem:v62+s19+$0x0], $0xffff  }
0x231: {  	v6 =	vadd.f32 v6, v37;
	v30 =	vmul.f32 v48, v2;
	_ =	sdelay $0x1  }
0x232: {  	v6 =	vadd.f32 v30, v6  }
0x233: {  	v30 =	vadd.s32 $0x2802, v53  }
0x234: {  	v63 =	vor.u32 $0x6, v53;
	v6 =	vmul.f32 v58, v6;
	v5 =	vmul.f32 v5, v31;
	_ =	sdelay $0x1  }
0x235: {  	v5 =	vadd.f32 v5, v6;
	_ =	sdelay $0x1  }
0x236: {  	v6 =	vmul.f32 v7, v34;
	[tilespmem:v30+s25+$0x0] =	vst.idx.msk $0xffff, v5  }
0x237: {  	v5 =	vld.idx.msk [tilespmem:v63+s19+$0x0], $0xffff  }
0x238: {  	v7 =	vmul.f32 v50, v2;
	v6 =	vadd.f32 v6, v36;
	_ =	sdelay $0x1  }
0x239: {  	v6 =	vadd.f32 v7, v6  }
0x23a: {  	v7 =	vadd.s32 $0x5000, v53  }
0x23b: {  	v30 =	vor.u32 $0x7, v53;
	v6 =	vmul.f32 v58, v6;
	v5 =	vmul.f32 v5, v31;
	_ =	sdelay $0x1  }
0x23c: {  	v5 =	vadd.f32 v5, v6;
	_ =	sdelay $0x1  }
0x23d: {  	v6 =	vmul.f32 v32, v34;
	[tilespmem:v7+s25+$0x0] =	vst.idx.msk $0xffff, v5  }
0x23e: {  	v5 =	vld.idx.msk [tilespmem:v30+s19+$0x0], $0xffff  }
0x23f: {  	v0 =	vmul.f32 v0, v2;
	v6 =	vadd.f32 v6, v35;
	_ =	sdelay $0x1  }
0x240: {  	v0 =	vadd.f32 v0, v6  }
0x241: {  	v6 =	vadd.s32 $0x5001, v53  }
0x242: {  	v7 =	vor.u32 $0x8, v53;
	v0 =	vmul.f32 v58, v0;
	v5 =	vmul.f32 v5, v31;
	_ =	sdelay $0x1  }
0x243: {  	v0 =	vadd.f32 v5, v0;
	_ =	sdelay $0x1  }
0x244: {  	[tilespmem:v6+s25+$0x0] =	vst.idx.msk $0xffff, v0  }
0x245: {  	v0 =	vld.idx.msk [tilespmem:v7+s19+$0x0], $0xffff  }
0x246: {  	v2 =	vmul.f32 v4, v2;
	v5 =	vadd.f32 v38, v33;
	_ =	sdelay $0x1  }
0x247: {  	v2 =	vadd.f32 v2, v5  }
0x248: {  	v4 =	vadd.s32 $0x5002, v53  }
0x249: {  	v2 =	vmul.f32 v58, v2;
	v0 =	vmul.f32 v0, v31;
	_ =	sdelay $0x1  }
0x24a: {  	s3 =	sshll.u32 @!p1 s3, $0x8;
	v0 =	vadd.f32 v0, v2  }
0x24b: {  	s3 =	sand.u32 @!p1 $0x3FFFFF00, s3  }
0x24c: {  	s17 =	simm.s32 @!p1 $0x80;
	s12 =	sadd.s32 @!p1 $0xD500, s3;
	s20 =	simm.s32 @!p1 $0x12500;
	[tilespmem:v4+s25+$0x0] =	vst.idx.msk $0xffff, v0  }
0x24d: {  	[tilespmem:s20], [sflag:$0x7] =	stream.indirect.gather @!p1 [hbm4b:s4+s17], $0x10, s12, s17, $0xb8;
	[tilespmem:$0x1ED00] =	vst v63  }
0x24e: {  	s3 =	sadd.s32 @!p1 $0xD580, s3;
	s12 =	simm.s32 @!p1 $0x12D00  }
0x24f: {  	[tilespmem:s12], [sflag:$0x8] =	stream.indirect.gather @!p1 [hbm4b:s4+s17], $0x10, s3, s17, $0xb8;
	[tilespmem:$0x1ED00] =	vst v63  }
0x250: {  	s20 =	simm.s32 $0x0;
	_ =	swait.ge [sflag:s1], $0x800  }
0x251: {  	v0 =	vmov s20;
	s3 =	sor.u32 $0x4, s18;
	v4 =	vld [tilespmem:$0x1FF90]  }
0x252: {  	v2 =	vlaneseq.u32;
	v0 =	vshll.u32 v0, $0x4;
	s17 =	sshll.u32 s3, $0x4  }
0x253: {  	v43 =	vor.u32 $0x4008, v1;
	v0 =	vor.u32 v3, v0;
	v2 =	vor.u32 s17, v2  }
0x254: {  	v46 =	vor.u32 $0x4001, v1;
	[sflag:s1] =	ssyncset.done $0x0;
	[tilespmem:$0x1FF50] =	vst v2;
	v5 =	vshll.u32 v2, $0x4;
	v2 =	vor.u32 v43, v0  }
0x255: {  	v6 =	vor.u32 v46, v0;
	[sflag:s1] =	ssyncadd.s32 $0xFFFFF800;
	[tilespmem:$0x1FF60] =	vst v5  }
0x256: {  	v53 =	vor.u32 $0x4000, v1;
	_ =	swait.ge [sflag:s9], $0x800;
	v4 =	vadd.s32 v4, v5  }
0x257: {  	v48 =	vor.u32 $0x4002, v1;
	[sflag:s9] =	ssyncset.done $0x0;
	v5 =	vor.u32 v53, v0  }
0x258: {  	v47 =	vor.u32 $0x4003, v1;
	v7 =	vor.u32 v48, v0;
	[sflag:s9] =	ssyncadd.s32 $0xFFFFF800  }
0x259: {  	v50 =	vor.u32 $0x4004, v1;
	v30 =	vor.u32 v47, v0;
	v2 =	vld.idx.msk [tilespmem:v2+s23+$0x0], $0xffff  }
0x25a: {  	v51 =	vor.u32 $0x4005, v1;
	v31 =	vor.u32 v50, v0;
	v57 =	vld.idx.msk [tilespmem:v6+s23+$0x0], $0xffff  }
0x25b: {  	v55 =	vor.u32 $0x4006, v1;
	v59 =	vadd.s32 $0x1, v4;
	v34 =	vld.idx.msk [tilespmem:v4+s13+$0x0], $0xffff;
	v4 =	vor.u32 v51, v0  }
0x25c: {  	v54 =	vor.u32 $0x4007, v1;
	v45 =	vimm.f32 $0.0e+00;
	v61 =	vor.u32 v55, v0;
	v62 =	vld.idx.msk [tilespmem:v5+s23+$0x0], $0xffff  }
0x25d: {  	v42 =	vimm.f32 $0.0e+00;
	v40 =	vimm.f32 $0.0e+00;
	v60 =	vor.u32 v54, v0;
	v56 =	vld.idx.msk [tilespmem:v7+s23+$0x0], $0xffff  }
0x25e: {  	v39 =	vimm.f32 $0.0e+00;
	v37 =	vimm.f32 $0.0e+00;
	v36 =	vimm.f32 $0.0e+00;
	s17 =	simm.s32 $0x1;
	v49 =	vld.idx.msk [tilespmem:v30+s23+$0x0], $0xffff  }
0x25f: {  	v35 =	vimm.f32 $0.0e+00;
	v33 =	vimm.f32 $0.0e+00;
	v44 =	vld.idx.msk [tilespmem:v31+s23+$0x0], $0xffff;
	v5 =	vmov s17  }
0x260: {  	v58 =	vimm.f32 $0.0e+00;
	s12 =	simm.s32 $0x2;
	v63 =	vshll.u32 v5, $0x4;
	v38 =	vmul.f32 v2, v34;
	v41 =	vld.idx.msk [tilespmem:v4+s23+$0x0], $0xffff  }
.LBB2_14:
0x261: {  	p2 =	sne.s32 s12, $0xF;
	v0 =	vor.u32 v3, v63;
	v2 =	vmul.f32 v62, v34;
	v4 =	vld.idx.msk [tilespmem:v61+s23+$0x0], $0xffff  }
0x262: {  	v5 =	vor.u32 v53, v0;
	v6 =	vor.u32 v43, v0;
	v7 =	vld.idx.msk [tilespmem:v60+s23+$0x0], $0xffff;
	v33 =	vadd.f32 v38, v33  }
0x263: {  	v30 =	vor.u32 v46, v0;
	v31 =	vor.u32 v48, v0;
	v38 =	vadd.s32 s20, v59;
	s20 =	smov.u32 s17;
	s17 =	smov.u32 s12  }
0x264: {  	v63 =	vor.u32 v47, v0;
	v52 =	vor.u32 v50, v0;
	v32 =	vor.u32 v51, v0  }
0x265: {  	v61 =	vor.u32 v55, v0;
	v60 =	vor.u32 v54, v0;
	v0 =	vmul.f32 v57, v34  }
0x266: {  	v58 =	vadd.f32 v2, v58;
	v2 =	vmul.f32 v56, v34;
	v49 =	vmul.f32 v49, v34  }
0x267: {  	v45 =	vadd.f32 v0, v45;
	v0 =	vmul.f32 v44, v34;
	v41 =	vmul.f32 v41, v34;
	v6 =	vld.idx.msk [tilespmem:v6+s23+$0x0], $0xffff  }
0x268: {  	v42 =	vadd.f32 v2, v42;
	v2 =	vmul.f32 v4, v34;
	v4 =	vmul.f32 v7, v34;
	v34 =	vld.idx.msk [tilespmem:v38+s13+$0x0], $0xffff  }
0x269: {  	v40 =	vadd.f32 v49, v40;
	v39 =	vadd.f32 v0, v39;
	v62 =	vld.idx.msk [tilespmem:v5+s23+$0x0], $0xffff  }
.Ltmp9:
0x26a: {  	v37 =	vadd.f32 v41, v37;
	v36 =	vadd.f32 v2, v36;
	v57 =	vld.idx.msk [tilespmem:v30+s23+$0x0], $0xffff;
	(pc) =	sbr.rel @p2 .LBB2_14-.Ltmp9, $4  }
0x26b: {  	v35 =	vadd.f32 v4, v35;
	v56 =	vld.idx.msk [tilespmem:v31+s23+$0x0], $0xffff  }
0x26c: {  	v49 =	vld.idx.msk [tilespmem:v63+s23+$0x0], $0xffff  }
0x26d: {  	v0 =	vmov s12;
	v44 =	vld.idx.msk [tilespmem:v52+s23+$0x0], $0xffff  }
0x26e: {  	s12 =	sadd.s32 $0x1, s12;
	v63 =	vshll.u32 v0, $0x4;
	v38 =	vmul.f32 v6, v34;
	v41 =	vld.idx.msk [tilespmem:v32+s23+$0x0], $0xffff  }
0x26f: {  	v0 =	vld [tilespmem:$0x1FF50]  }
0x270: {  	v2 =	vld [tilespmem:$0x1FFA0];
	_ =	sdelay $0x3  }
0x271: {  	v0 =	vand.u32 $0x7FFFFFC8, v0  }
0x272: {  	v0 =	vadd.s32 v2, v0;
	_ =	sdelay $0x4  }
0x273: {  	v0 =	vld.idx.msk [tilespmem:v0+s14+$0x0], $0xffff;
	_ =	sdelay $0x4  }
0x274: {  	v0 =	vsub.f32 $0.0e+00, v0;
	_ =	sdelay $0x1  }
0x275: {  	v0 =	vmul.f32 $1.442695020e+00, v0;
	_ =	sdelay $0x1  }
0x276: {  	(erf) = vpow2.f32 v0;
	_ =	sdelay $0x8  }
0x277: {  	v2 =	vadd.s32 s20, v59;
	v0 =	vor.u32 v3, v63;
	v4 =	vpop (erf)  }
0x278: {  	v5 =	vor.u32 v53, v0;
	v4 =	vadd.f32 $1.000000000e+00, v4  }
0x279: {  	v53 =	vld [tilespmem:$0x1FF60]  }
0x27a: {  	(erf) = vrcp.f32 v4;
	_ =	sdelay $0x1  }
0x27b: {  	v2 =	vld.idx.msk [tilespmem:v2+s13+$0x0], $0xffff  }
0x27c: {  	v5 =	vld.idx.msk [tilespmem:v5+s23+$0x0], $0xffff  }
0x27d: {  	v6 =	vor.u32 v46, v0  }
0x27e: {  	v7 =	vld.idx.msk [tilespmem:v61+s23+$0x0], $0xffff;
	v30 =	vor.u32 v48, v0  }
0x27f: {  	v31 =	vmul.f32 v62, v34;
	v32 =	vld.idx.msk [tilespmem:v60+s23+$0x0], $0xffff;
	v60 =	vor.u32 v50, v0  }
0x280: {  	v62 =	vor.u32 v51, v0;
	v61 =	vld.idx.msk [tilespmem:v53+s19+$0x0], $0xffff  }
0x281: {  	v31 =	vadd.f32 v31, v58;
	v63 =	vor.u32 v55, v0;
	v5 =	vmul.f32 v5, v2  }
0x282: {  	v59 =	vor.u32 v47, v0;
	v6 =	vld.idx.msk [tilespmem:v6+s23+$0x0], $0xffff;
	v58 =	vpop (erf)  }
0x283: {  	v30 =	vld.idx.msk [tilespmem:v30+s23+$0x0], $0xffff;
	v4 =	vor.u32 v43, v0;
	v5 =	vadd.f32 v5, v31;
	v31 =	vsub.f32 $1.000000000e+00, v58  }
0x284: {  	v46 =	vld.idx.msk [tilespmem:v60+s23+$0x0], $0xffff;
	v0 =	vor.u32 v54, v0  }
0x285: {  	v52 =	vor.u32 $0x1, v53;
	v48 =	vld.idx.msk [tilespmem:v62+s23+$0x0], $0xffff;
	v5 =	vmul.f32 v58, v5;
	v47 =	vmul.f32 v31, v61  }
0x286: {  	v50 =	vld.idx.msk [tilespmem:v63+s23+$0x0], $0xffff  }
0x287: {  	v43 =	vld.idx.msk [tilespmem:v59+s23+$0x0], $0xffff;
	v5 =	vadd.f32 v47, v5  }
0x288: {  	v4 =	vld.idx.msk [tilespmem:v4+s23+$0x0], $0xffff  }
0x289: {  	v59 =	vmul.f32 v57, v34;
	v0 =	vld.idx.msk [tilespmem:v0+s23+$0x0], $0xffff;
	[tilespmem:v53+s25+$0x0] =	vst.idx.msk $0xffff, v5  }
0x28a: {  	v5 =	vld.idx.msk [tilespmem:v52+s19+$0x0], $0xffff  }
0x28b: {  	v6 =	vmul.f32 v6, v2;
	v45 =	vadd.f32 v59, v45;
	_ =	sdelay $0x1  }
0x28c: {  	v6 =	vadd.f32 v6, v45;
	_ =	sdelay $0x1  }
0x28d: {  	v60 =	vor.u32 $0x2, v53;
	v6 =	vmul.f32 v58, v6;
	v5 =	vmul.f32 v31, v5;
	_ =	sdelay $0x1  }
0x28e: {  	v5 =	vadd.f32 v5, v6;
	_ =	sdelay $0x1  }
0x28f: {  	v6 =	vmul.f32 v56, v34;
	[tilespmem:v52+s25+$0x0] =	vst.idx.msk $0xffff, v5  }
0x290: {  	v5 =	vld.idx.msk [tilespmem:v60+s19+$0x0], $0xffff  }
0x291: {  	v30 =	vmul.f32 v30, v2;
	v6 =	vadd.f32 v6, v42;
	_ =	sdelay $0x1  }
0x292: {  	v6 =	vadd.f32 v30, v6;
	_ =	sdelay $0x1  }
0x293: {  	v30 =	vor.u32 $0x3, v53;
	v6 =	vmul.f32 v58, v6;
	v5 =	vmul.f32 v31, v5;
	_ =	sdelay $0x1  }
0x294: {  	v5 =	vadd.f32 v5, v6;
	_ =	sdelay $0x1  }
0x295: {  	v6 =	vmul.f32 v49, v34;
	[tilespmem:v60+s25+$0x0] =	vst.idx.msk $0xffff, v5  }
0x296: {  	v5 =	vld.idx.msk [tilespmem:v30+s19+$0x0], $0xffff  }
0x297: {  	v6 =	vadd.f32 v6, v40;
	v30 =	vmul.f32 v43, v2;
	_ =	sdelay $0x1  }
0x298: {  	v6 =	vadd.f32 v30, v6  }
0x299: {  	v30 =	vadd.s32 $0x2800, v53  }
0x29a: {  	v61 =	vor.u32 $0x4, v53;
	v6 =	vmul.f32 v58, v6;
	v5 =	vmul.f32 v5, v31;
	_ =	sdelay $0x1  }
0x29b: {  	v5 =	vadd.f32 v5, v6;
	_ =	sdelay $0x1  }
0x29c: {  	v6 =	vmul.f32 v44, v34;
	[tilespmem:v30+s25+$0x0] =	vst.idx.msk $0xffff, v5  }
0x29d: {  	v5 =	vld.idx.msk [tilespmem:v61+s19+$0x0], $0xffff  }
0x29e: {  	v6 =	vadd.f32 v6, v39;
	v30 =	vmul.f32 v46, v2;
	_ =	sdelay $0x1  }
0x29f: {  	v6 =	vadd.f32 v30, v6  }
0x2a0: {  	v30 =	vadd.s32 $0x2801, v53  }
0x2a1: {  	v62 =	vor.u32 $0x5, v53;
	v6 =	vmul.f32 v58, v6;
	v5 =	vmul.f32 v5, v31;
	_ =	sdelay $0x1  }
0x2a2: {  	v5 =	vadd.f32 v5, v6;
	_ =	sdelay $0x1  }
0x2a3: {  	v6 =	vmul.f32 v41, v34;
	[tilespmem:v30+s25+$0x0] =	vst.idx.msk $0xffff, v5  }
0x2a4: {  	v5 =	vld.idx.msk [tilespmem:v62+s19+$0x0], $0xffff  }
0x2a5: {  	v6 =	vadd.f32 v6, v37;
	v30 =	vmul.f32 v48, v2;
	_ =	sdelay $0x1  }
0x2a6: {  	v6 =	vadd.f32 v30, v6  }
0x2a7: {  	v30 =	vadd.s32 $0x2802, v53  }
0x2a8: {  	v63 =	vor.u32 $0x6, v53;
	v6 =	vmul.f32 v58, v6;
	v5 =	vmul.f32 v5, v31;
	_ =	sdelay $0x1  }
0x2a9: {  	v5 =	vadd.f32 v5, v6;
	_ =	sdelay $0x1  }
0x2aa: {  	v6 =	vmul.f32 v7, v34;
	[tilespmem:v30+s25+$0x0] =	vst.idx.msk $0xffff, v5  }
0x2ab: {  	v5 =	vld.idx.msk [tilespmem:v63+s19+$0x0], $0xffff  }
0x2ac: {  	v7 =	vmul.f32 v50, v2;
	v6 =	vadd.f32 v6, v36;
	_ =	sdelay $0x1  }
0x2ad: {  	v6 =	vadd.f32 v7, v6  }
0x2ae: {  	v7 =	vadd.s32 $0x5000, v53  }
0x2af: {  	v30 =	vor.u32 $0x7, v53;
	v6 =	vmul.f32 v58, v6;
	v5 =	vmul.f32 v5, v31;
	_ =	sdelay $0x1  }
0x2b0: {  	v5 =	vadd.f32 v5, v6;
	_ =	sdelay $0x1  }
0x2b1: {  	v6 =	vmul.f32 v32, v34;
	[tilespmem:v7+s25+$0x0] =	vst.idx.msk $0xffff, v5  }
0x2b2: {  	v5 =	vld.idx.msk [tilespmem:v30+s19+$0x0], $0xffff  }
0x2b3: {  	v0 =	vmul.f32 v0, v2;
	v6 =	vadd.f32 v6, v35;
	_ =	sdelay $0x1  }
0x2b4: {  	v0 =	vadd.f32 v0, v6  }
0x2b5: {  	v6 =	vadd.s32 $0x5001, v53  }
0x2b6: {  	v7 =	vor.u32 $0x8, v53;
	v0 =	vmul.f32 v58, v0;
	v5 =	vmul.f32 v5, v31;
	_ =	sdelay $0x1  }
0x2b7: {  	v0 =	vadd.f32 v5, v0;
	_ =	sdelay $0x1  }
0x2b8: {  	[tilespmem:v6+s25+$0x0] =	vst.idx.msk $0xffff, v0  }
0x2b9: {  	v0 =	vld.idx.msk [tilespmem:v7+s19+$0x0], $0xffff  }
0x2ba: {  	v2 =	vmul.f32 v4, v2;
	v5 =	vadd.f32 v38, v33;
	_ =	sdelay $0x1  }
0x2bb: {  	v2 =	vadd.f32 v2, v5  }
0x2bc: {  	v4 =	vadd.s32 $0x5002, v53  }
0x2bd: {  	v2 =	vmul.f32 v58, v2;
	v0 =	vmul.f32 v0, v31;
	_ =	sdelay $0x1  }
0x2be: {  	s3 =	sshll.u32 @!p1 s3, $0x8;
	v0 =	vadd.f32 v0, v2  }
0x2bf: {  	s3 =	sand.u32 @!p1 $0x3FFFFF00, s3  }
0x2c0: {  	s17 =	simm.s32 @!p1 $0x80;
	s12 =	sadd.s32 @!p1 $0xD500, s3;
	s20 =	simm.s32 @!p1 $0x13500;
	[tilespmem:v4+s25+$0x0] =	vst.idx.msk $0xffff, v0  }
0x2c1: {  	[tilespmem:s20], [sflag:$0x9] =	stream.indirect.gather @!p1 [hbm4b:s4+s17], $0x10, s12, s17, $0xb8;
	[tilespmem:$0x1ED00] =	vst v63  }
0x2c2: {  	s3 =	sadd.s32 @!p1 $0xD580, s3;
	s12 =	simm.s32 @!p1 $0x13D00  }
0x2c3: {  	[tilespmem:s12], [sflag:$0xA] =	stream.indirect.gather @!p1 [hbm4b:s4+s17], $0x10, s3, s17, $0xb8;
	[tilespmem:$0x1ED00] =	vst v63  }
0x2c4: {  	s20 =	simm.s32 $0x0;
	_ =	swait.ge [sflag:s10], $0x800  }
0x2c5: {  	v0 =	vmov s20;
	s3 =	sor.u32 $0x5, s18;
	v4 =	vld [tilespmem:$0x1FF90]  }
0x2c6: {  	v2 =	vlaneseq.u32;
	v0 =	vshll.u32 v0, $0x4;
	s17 =	sshll.u32 s3, $0x4  }
0x2c7: {  	v43 =	vor.u32 $0x5008, v1;
	v0 =	vor.u32 v3, v0;
	v2 =	vor.u32 s17, v2  }
0x2c8: {  	v46 =	vor.u32 $0x5001, v1;
	[sflag:s10] =	ssyncset.done $0x0;
	[tilespmem:$0x1FF30] =	vst v2;
	v5 =	vshll.u32 v2, $0x4;
	v2 =	vor.u32 v43, v0  }
0x2c9: {  	v6 =	vor.u32 v46, v0;
	[sflag:s10] =	ssyncadd.s32 $0xFFFFF800;
	[tilespmem:$0x1FF40] =	vst v5  }
0x2ca: {  	v53 =	vor.u32 $0x5000, v1;
	_ =	swait.ge [sflag:s11], $0x800;
	v4 =	vadd.s32 v4, v5  }
0x2cb: {  	v48 =	vor.u32 $0x5002, v1;
	[sflag:s11] =	ssyncset.done $0x0;
	v5 =	vor.u32 v53, v0  }
0x2cc: {  	v47 =	vor.u32 $0x5003, v1;
	v7 =	vor.u32 v48, v0;
	[sflag:s11] =	ssyncadd.s32 $0xFFFFF800  }
0x2cd: {  	v50 =	vor.u32 $0x5004, v1;
	v30 =	vor.u32 v47, v0;
	v2 =	vld.idx.msk [tilespmem:v2+s23+$0x0], $0xffff  }
0x2ce: {  	v51 =	vor.u32 $0x5005, v1;
	v31 =	vor.u32 v50, v0;
	v57 =	vld.idx.msk [tilespmem:v6+s23+$0x0], $0xffff  }
0x2cf: {  	v55 =	vor.u32 $0x5006, v1;
	v59 =	vadd.s32 $0x1, v4;
	v34 =	vld.idx.msk [tilespmem:v4+s13+$0x0], $0xffff;
	v4 =	vor.u32 v51, v0  }
0x2d0: {  	v54 =	vor.u32 $0x5007, v1;
	v45 =	vimm.f32 $0.0e+00;
	v61 =	vor.u32 v55, v0;
	v62 =	vld.idx.msk [tilespmem:v5+s23+$0x0], $0xffff  }
0x2d1: {  	v42 =	vimm.f32 $0.0e+00;
	v40 =	vimm.f32 $0.0e+00;
	v60 =	vor.u32 v54, v0;
	v56 =	vld.idx.msk [tilespmem:v7+s23+$0x0], $0xffff  }
0x2d2: {  	v39 =	vimm.f32 $0.0e+00;
	v37 =	vimm.f32 $0.0e+00;
	v36 =	vimm.f32 $0.0e+00;
	s17 =	simm.s32 $0x1;
	v49 =	vld.idx.msk [tilespmem:v30+s23+$0x0], $0xffff  }
0x2d3: {  	v35 =	vimm.f32 $0.0e+00;
	v33 =	vimm.f32 $0.0e+00;
	v44 =	vld.idx.msk [tilespmem:v31+s23+$0x0], $0xffff;
	v5 =	vmov s17  }
0x2d4: {  	v58 =	vimm.f32 $0.0e+00;
	s12 =	simm.s32 $0x2;
	v63 =	vshll.u32 v5, $0x4;
	v38 =	vmul.f32 v2, v34;
	v41 =	vld.idx.msk [tilespmem:v4+s23+$0x0], $0xffff  }
.LBB2_16:
0x2d5: {  	p2 =	sne.s32 s12, $0xF;
	v0 =	vor.u32 v3, v63;
	v2 =	vmul.f32 v62, v34;
	v4 =	vld.idx.msk [tilespmem:v61+s23+$0x0], $0xffff  }
0x2d6: {  	v5 =	vor.u32 v53, v0;
	v6 =	vor.u32 v43, v0;
	v7 =	vld.idx.msk [tilespmem:v60+s23+$0x0], $0xffff;
	v33 =	vadd.f32 v38, v33  }
0x2d7: {  	v30 =	vor.u32 v46, v0;
	v31 =	vor.u32 v48, v0;
	v38 =	vadd.s32 s20, v59;
	s20 =	smov.u32 s17;
	s17 =	smov.u32 s12  }
0x2d8: {  	v63 =	vor.u32 v47, v0;
	v52 =	vor.u32 v50, v0;
	v32 =	vor.u32 v51, v0  }
0x2d9: {  	v61 =	vor.u32 v55, v0;
	v60 =	vor.u32 v54, v0;
	v0 =	vmul.f32 v57, v34  }
0x2da: {  	v58 =	vadd.f32 v2, v58;
	v2 =	vmul.f32 v56, v34;
	v49 =	vmul.f32 v49, v34  }
0x2db: {  	v45 =	vadd.f32 v0, v45;
	v0 =	vmul.f32 v44, v34;
	v41 =	vmul.f32 v41, v34;
	v6 =	vld.idx.msk [tilespmem:v6+s23+$0x0], $0xffff  }
0x2dc: {  	v42 =	vadd.f32 v2, v42;
	v2 =	vmul.f32 v4, v34;
	v4 =	vmul.f32 v7, v34;
	v34 =	vld.idx.msk [tilespmem:v38+s13+$0x0], $0xffff  }
0x2dd: {  	v40 =	vadd.f32 v49, v40;
	v39 =	vadd.f32 v0, v39;
	v62 =	vld.idx.msk [tilespmem:v5+s23+$0x0], $0xffff  }
.Ltmp10:
0x2de: {  	v37 =	vadd.f32 v41, v37;
	v36 =	vadd.f32 v2, v36;
	v57 =	vld.idx.msk [tilespmem:v30+s23+$0x0], $0xffff;
	(pc) =	sbr.rel @p2 .LBB2_16-.Ltmp10, $4  }
0x2df: {  	v35 =	vadd.f32 v4, v35;
	v56 =	vld.idx.msk [tilespmem:v31+s23+$0x0], $0xffff  }
0x2e0: {  	v49 =	vld.idx.msk [tilespmem:v63+s23+$0x0], $0xffff  }
0x2e1: {  	v0 =	vmov s12;
	v44 =	vld.idx.msk [tilespmem:v52+s23+$0x0], $0xffff  }
0x2e2: {  	s12 =	sadd.s32 $0x1, s12;
	v63 =	vshll.u32 v0, $0x4;
	v38 =	vmul.f32 v6, v34;
	v41 =	vld.idx.msk [tilespmem:v32+s23+$0x0], $0xffff  }
0x2e3: {  	v0 =	vld [tilespmem:$0x1FF30]  }
0x2e4: {  	v2 =	vld [tilespmem:$0x1FFA0];
	_ =	sdelay $0x3  }
0x2e5: {  	v0 =	vand.u32 $0x7FFFFFD8, v0  }
0x2e6: {  	v0 =	vadd.s32 v2, v0;
	_ =	sdelay $0x4  }
0x2e7: {  	v0 =	vld.idx.msk [tilespmem:v0+s14+$0x0], $0xffff;
	_ =	sdelay $0x4  }
0x2e8: {  	v0 =	vsub.f32 $0.0e+00, v0;
	_ =	sdelay $0x1  }
0x2e9: {  	v0 =	vmul.f32 $1.442695020e+00, v0;
	_ =	sdelay $0x1  }
0x2ea: {  	(erf) = vpow2.f32 v0;
	_ =	sdelay $0x8  }
0x2eb: {  	v2 =	vadd.s32 s20, v59;
	v0 =	vor.u32 v3, v63;
	v4 =	vpop (erf)  }
0x2ec: {  	v5 =	vor.u32 v53, v0;
	v4 =	vadd.f32 $1.000000000e+00, v4  }
0x2ed: {  	v53 =	vld [tilespmem:$0x1FF40]  }
0x2ee: {  	(erf) = vrcp.f32 v4;
	_ =	sdelay $0x1  }
0x2ef: {  	v2 =	vld.idx.msk [tilespmem:v2+s13+$0x0], $0xffff  }
0x2f0: {  	v5 =	vld.idx.msk [tilespmem:v5+s23+$0x0], $0xffff  }
0x2f1: {  	v6 =	vor.u32 v46, v0  }
0x2f2: {  	v7 =	vld.idx.msk [tilespmem:v61+s23+$0x0], $0xffff;
	v30 =	vor.u32 v48, v0  }
0x2f3: {  	v31 =	vmul.f32 v62, v34;
	v32 =	vld.idx.msk [tilespmem:v60+s23+$0x0], $0xffff;
	v60 =	vor.u32 v50, v0  }
0x2f4: {  	v62 =	vor.u32 v51, v0;
	v61 =	vld.idx.msk [tilespmem:v53+s19+$0x0], $0xffff  }
0x2f5: {  	v31 =	vadd.f32 v31, v58;
	v63 =	vor.u32 v55, v0;
	v5 =	vmul.f32 v5, v2  }
0x2f6: {  	v59 =	vor.u32 v47, v0;
	v6 =	vld.idx.msk [tilespmem:v6+s23+$0x0], $0xffff;
	v58 =	vpop (erf)  }
0x2f7: {  	v30 =	vld.idx.msk [tilespmem:v30+s23+$0x0], $0xffff;
	v4 =	vor.u32 v43, v0;
	v5 =	vadd.f32 v5, v31;
	v31 =	vsub.f32 $1.000000000e+00, v58  }
0x2f8: {  	v46 =	vld.idx.msk [tilespmem:v60+s23+$0x0], $0xffff;
	v0 =	vor.u32 v54, v0  }
0x2f9: {  	v52 =	vor.u32 $0x1, v53;
	v48 =	vld.idx.msk [tilespmem:v62+s23+$0x0], $0xffff;
	v5 =	vmul.f32 v58, v5;
	v47 =	vmul.f32 v31, v61  }
0x2fa: {  	v50 =	vld.idx.msk [tilespmem:v63+s23+$0x0], $0xffff  }
0x2fb: {  	v43 =	vld.idx.msk [tilespmem:v59+s23+$0x0], $0xffff;
	v5 =	vadd.f32 v47, v5  }
0x2fc: {  	v4 =	vld.idx.msk [tilespmem:v4+s23+$0x0], $0xffff  }
0x2fd: {  	v59 =	vmul.f32 v57, v34;
	v0 =	vld.idx.msk [tilespmem:v0+s23+$0x0], $0xffff;
	[tilespmem:v53+s25+$0x0] =	vst.idx.msk $0xffff, v5  }
0x2fe: {  	v5 =	vld.idx.msk [tilespmem:v52+s19+$0x0], $0xffff  }
0x2ff: {  	v6 =	vmul.f32 v6, v2;
	v45 =	vadd.f32 v59, v45;
	_ =	sdelay $0x1  }
0x300: {  	v6 =	vadd.f32 v6, v45;
	_ =	sdelay $0x1  }
0x301: {  	v60 =	vor.u32 $0x2, v53;
	v6 =	vmul.f32 v58, v6;
	v5 =	vmul.f32 v31, v5;
	_ =	sdelay $0x1  }
0x302: {  	v5 =	vadd.f32 v5, v6;
	_ =	sdelay $0x1  }
0x303: {  	v6 =	vmul.f32 v56, v34;
	[tilespmem:v52+s25+$0x0] =	vst.idx.msk $0xffff, v5  }
0x304: {  	v5 =	vld.idx.msk [tilespmem:v60+s19+$0x0], $0xffff  }
0x305: {  	v30 =	vmul.f32 v30, v2;
	v6 =	vadd.f32 v6, v42;
	_ =	sdelay $0x1  }
0x306: {  	v6 =	vadd.f32 v30, v6;
	_ =	sdelay $0x1  }
0x307: {  	v30 =	vor.u32 $0x3, v53;
	v6 =	vmul.f32 v58, v6;
	v5 =	vmul.f32 v31, v5;
	_ =	sdelay $0x1  }
0x308: {  	v5 =	vadd.f32 v5, v6;
	_ =	sdelay $0x1  }
0x309: {  	v6 =	vmul.f32 v49, v34;
	[tilespmem:v60+s25+$0x0] =	vst.idx.msk $0xffff, v5  }
0x30a: {  	v5 =	vld.idx.msk [tilespmem:v30+s19+$0x0], $0xffff  }
0x30b: {  	v6 =	vadd.f32 v6, v40;
	v30 =	vmul.f32 v43, v2;
	_ =	sdelay $0x1  }
0x30c: {  	v6 =	vadd.f32 v30, v6  }
0x30d: {  	v30 =	vadd.s32 $0x2800, v53  }
0x30e: {  	v61 =	vor.u32 $0x4, v53;
	v6 =	vmul.f32 v58, v6;
	v5 =	vmul.f32 v5, v31;
	_ =	sdelay $0x1  }
0x30f: {  	v5 =	vadd.f32 v5, v6;
	_ =	sdelay $0x1  }
0x310: {  	v6 =	vmul.f32 v44, v34;
	[tilespmem:v30+s25+$0x0] =	vst.idx.msk $0xffff, v5  }
0x311: {  	v5 =	vld.idx.msk [tilespmem:v61+s19+$0x0], $0xffff  }
0x312: {  	v6 =	vadd.f32 v6, v39;
	v30 =	vmul.f32 v46, v2;
	_ =	sdelay $0x1  }
0x313: {  	v6 =	vadd.f32 v30, v6  }
0x314: {  	v30 =	vadd.s32 $0x2801, v53  }
0x315: {  	v62 =	vor.u32 $0x5, v53;
	v6 =	vmul.f32 v58, v6;
	v5 =	vmul.f32 v5, v31;
	_ =	sdelay $0x1  }
0x316: {  	v5 =	vadd.f32 v5, v6;
	_ =	sdelay $0x1  }
0x317: {  	v6 =	vmul.f32 v41, v34;
	[tilespmem:v30+s25+$0x0] =	vst.idx.msk $0xffff, v5  }
0x318: {  	v5 =	vld.idx.msk [tilespmem:v62+s19+$0x0], $0xffff  }
0x319: {  	v6 =	vadd.f32 v6, v37;
	v30 =	vmul.f32 v48, v2;
	_ =	sdelay $0x1  }
0x31a: {  	v6 =	vadd.f32 v30, v6  }
0x31b: {  	v30 =	vadd.s32 $0x2802, v53  }
0x31c: {  	v63 =	vor.u32 $0x6, v53;
	v6 =	vmul.f32 v58, v6;
	v5 =	vmul.f32 v5, v31;
	_ =	sdelay $0x1  }
0x31d: {  	v5 =	vadd.f32 v5, v6;
	_ =	sdelay $0x1  }
0x31e: {  	v6 =	vmul.f32 v7, v34;
	[tilespmem:v30+s25+$0x0] =	vst.idx.msk $0xffff, v5  }
0x31f: {  	v5 =	vld.idx.msk [tilespmem:v63+s19+$0x0], $0xffff  }
0x320: {  	v7 =	vmul.f32 v50, v2;
	v6 =	vadd.f32 v6, v36;
	_ =	sdelay $0x1  }
0x321: {  	v6 =	vadd.f32 v7, v6  }
0x322: {  	v7 =	vadd.s32 $0x5000, v53  }
0x323: {  	v30 =	vor.u32 $0x7, v53;
	v6 =	vmul.f32 v58, v6;
	v5 =	vmul.f32 v5, v31;
	_ =	sdelay $0x1  }
0x324: {  	v5 =	vadd.f32 v5, v6;
	_ =	sdelay $0x1  }
0x325: {  	v6 =	vmul.f32 v32, v34;
	[tilespmem:v7+s25+$0x0] =	vst.idx.msk $0xffff, v5  }
0x326: {  	v5 =	vld.idx.msk [tilespmem:v30+s19+$0x0], $0xffff  }
0x327: {  	v0 =	vmul.f32 v0, v2;
	v6 =	vadd.f32 v6, v35;
	_ =	sdelay $0x1  }
0x328: {  	v0 =	vadd.f32 v0, v6  }
0x329: {  	v6 =	vadd.s32 $0x5001, v53  }
0x32a: {  	v7 =	vor.u32 $0x8, v53;
	v0 =	vmul.f32 v58, v0;
	v5 =	vmul.f32 v5, v31;
	_ =	sdelay $0x1  }
0x32b: {  	v0 =	vadd.f32 v5, v0;
	_ =	sdelay $0x1  }
0x32c: {  	[tilespmem:v6+s25+$0x0] =	vst.idx.msk $0xffff, v0  }
0x32d: {  	v0 =	vld.idx.msk [tilespmem:v7+s19+$0x0], $0xffff  }
0x32e: {  	v2 =	vmul.f32 v4, v2;
	v5 =	vadd.f32 v38, v33;
	_ =	sdelay $0x1  }
0x32f: {  	v2 =	vadd.f32 v2, v5  }
0x330: {  	v4 =	vadd.s32 $0x5002, v53  }
0x331: {  	v2 =	vmul.f32 v58, v2;
	v0 =	vmul.f32 v0, v31;
	_ =	sdelay $0x1  }
0x332: {  	s3 =	sshll.u32 @!p1 s3, $0x8;
	v0 =	vadd.f32 v0, v2  }
0x333: {  	s3 =	sand.u32 @!p1 $0x3FFFFF00, s3  }
0x334: {  	s17 =	simm.s32 @!p1 $0x80;
	s12 =	sadd.s32 @!p1 $0xD500, s3;
	s20 =	simm.s32 @!p1 $0x14500;
	[tilespmem:v4+s25+$0x0] =	vst.idx.msk $0xffff, v0  }
0x335: {  	[tilespmem:s20], [sflag:$0xB] =	stream.indirect.gather @!p1 [hbm4b:s4+s17], $0x10, s12, s17, $0xb8;
	[tilespmem:$0x1ED00] =	vst v63  }
0x336: {  	s3 =	sadd.s32 @!p1 $0xD580, s3;
	s12 =	simm.s32 @!p1 $0x14D00  }
0x337: {  	[tilespmem:s12], [sflag:$0xC] =	stream.indirect.gather @!p1 [hbm4b:s4+s17], $0x10, s3, s17, $0xb8;
	[tilespmem:$0x1ED00] =	vst v63  }
0x338: {  	s20 =	simm.s32 $0x0;
	_ =	swait.ge [sflag:s2], $0x800  }
0x339: {  	v0 =	vmov s20;
	s3 =	sor.u32 $0x6, s18;
	v4 =	vld [tilespmem:$0x1FF90]  }
0x33a: {  	v2 =	vlaneseq.u32;
	v0 =	vshll.u32 v0, $0x4;
	s17 =	sshll.u32 s3, $0x4  }
0x33b: {  	v43 =	vor.u32 $0x6008, v1;
	v0 =	vor.u32 v3, v0;
	v2 =	vor.u32 s17, v2  }
0x33c: {  	v46 =	vor.u32 $0x6001, v1;
	[sflag:s2] =	ssyncset.done $0x0;
	[tilespmem:$0x1FF10] =	vst v2;
	v5 =	vshll.u32 v2, $0x4;
	v2 =	vor.u32 v43, v0  }
0x33d: {  	v6 =	vor.u32 v46, v0;
	[sflag:s2] =	ssyncadd.s32 $0xFFFFF800;
	[tilespmem:$0x1FF20] =	vst v5  }
0x33e: {  	v53 =	vor.u32 $0x6000, v1;
	_ =	swait.ge [sflag:s6], $0x800;
	v4 =	vadd.s32 v4, v5  }
0x33f: {  	v48 =	vor.u32 $0x6002, v1;
	[sflag:s6] =	ssyncset.done $0x0;
	v5 =	vor.u32 v53, v0  }
0x340: {  	v47 =	vor.u32 $0x6003, v1;
	v7 =	vor.u32 v48, v0;
	[sflag:s6] =	ssyncadd.s32 $0xFFFFF800  }
0x341: {  	v50 =	vor.u32 $0x6004, v1;
	v30 =	vor.u32 v47, v0;
	v2 =	vld.idx.msk [tilespmem:v2+s23+$0x0], $0xffff  }
0x342: {  	v51 =	vor.u32 $0x6005, v1;
	v31 =	vor.u32 v50, v0;
	v57 =	vld.idx.msk [tilespmem:v6+s23+$0x0], $0xffff  }
0x343: {  	v55 =	vor.u32 $0x6006, v1;
	v59 =	vadd.s32 $0x1, v4;
	v34 =	vld.idx.msk [tilespmem:v4+s13+$0x0], $0xffff;
	v4 =	vor.u32 v51, v0  }
0x344: {  	v54 =	vor.u32 $0x6007, v1;
	v45 =	vimm.f32 $0.0e+00;
	v61 =	vor.u32 v55, v0;
	v62 =	vld.idx.msk [tilespmem:v5+s23+$0x0], $0xffff  }
0x345: {  	v42 =	vimm.f32 $0.0e+00;
	v40 =	vimm.f32 $0.0e+00;
	v60 =	vor.u32 v54, v0;
	v56 =	vld.idx.msk [tilespmem:v7+s23+$0x0], $0xffff  }
0x346: {  	v39 =	vimm.f32 $0.0e+00;
	v37 =	vimm.f32 $0.0e+00;
	v36 =	vimm.f32 $0.0e+00;
	s17 =	simm.s32 $0x1;
	v49 =	vld.idx.msk [tilespmem:v30+s23+$0x0], $0xffff  }
0x347: {  	v35 =	vimm.f32 $0.0e+00;
	v33 =	vimm.f32 $0.0e+00;
	v44 =	vld.idx.msk [tilespmem:v31+s23+$0x0], $0xffff;
	v5 =	vmov s17  }
0x348: {  	v58 =	vimm.f32 $0.0e+00;
	s12 =	simm.s32 $0x2;
	v63 =	vshll.u32 v5, $0x4;
	v38 =	vmul.f32 v2, v34;
	v41 =	vld.idx.msk [tilespmem:v4+s23+$0x0], $0xffff  }
.LBB2_18:
0x349: {  	p2 =	sne.s32 s12, $0xF;
	v0 =	vor.u32 v3, v63;
	v2 =	vmul.f32 v62, v34;
	v4 =	vld.idx.msk [tilespmem:v61+s23+$0x0], $0xffff  }
0x34a: {  	v5 =	vor.u32 v53, v0;
	v6 =	vor.u32 v43, v0;
	v7 =	vld.idx.msk [tilespmem:v60+s23+$0x0], $0xffff;
	v33 =	vadd.f32 v38, v33  }
0x34b: {  	v30 =	vor.u32 v46, v0;
	v31 =	vor.u32 v48, v0;
	v38 =	vadd.s32 s20, v59;
	s20 =	smov.u32 s17;
	s17 =	smov.u32 s12  }
0x34c: {  	v63 =	vor.u32 v47, v0;
	v52 =	vor.u32 v50, v0;
	v32 =	vor.u32 v51, v0  }
0x34d: {  	v61 =	vor.u32 v55, v0;
	v60 =	vor.u32 v54, v0;
	v0 =	vmul.f32 v57, v34  }
0x34e: {  	v58 =	vadd.f32 v2, v58;
	v2 =	vmul.f32 v56, v34;
	v49 =	vmul.f32 v49, v34  }
0x34f: {  	v45 =	vadd.f32 v0, v45;
	v0 =	vmul.f32 v44, v34;
	v41 =	vmul.f32 v41, v34;
	v6 =	vld.idx.msk [tilespmem:v6+s23+$0x0], $0xffff  }
0x350: {  	v42 =	vadd.f32 v2, v42;
	v2 =	vmul.f32 v4, v34;
	v4 =	vmul.f32 v7, v34;
	v34 =	vld.idx.msk [tilespmem:v38+s13+$0x0], $0xffff  }
0x351: {  	v40 =	vadd.f32 v49, v40;
	v39 =	vadd.f32 v0, v39;
	v62 =	vld.idx.msk [tilespmem:v5+s23+$0x0], $0xffff  }
.Ltmp11:
0x352: {  	v37 =	vadd.f32 v41, v37;
	v36 =	vadd.f32 v2, v36;
	v57 =	vld.idx.msk [tilespmem:v30+s23+$0x0], $0xffff;
	(pc) =	sbr.rel @p2 .LBB2_18-.Ltmp11, $4  }
0x353: {  	v35 =	vadd.f32 v4, v35;
	v56 =	vld.idx.msk [tilespmem:v31+s23+$0x0], $0xffff  }
0x354: {  	v49 =	vld.idx.msk [tilespmem:v63+s23+$0x0], $0xffff  }
0x355: {  	v0 =	vmov s12;
	v44 =	vld.idx.msk [tilespmem:v52+s23+$0x0], $0xffff  }
0x356: {  	s12 =	sadd.s32 $0x1, s12;
	v63 =	vshll.u32 v0, $0x4;
	v38 =	vmul.f32 v6, v34;
	v41 =	vld.idx.msk [tilespmem:v32+s23+$0x0], $0xffff  }
0x357: {  	v0 =	vld [tilespmem:$0x1FF10]  }
0x358: {  	v2 =	vld [tilespmem:$0x1FFA0];
	_ =	sdelay $0x3  }
0x359: {  	v0 =	vand.u32 $0x7FFFFFE8, v0  }
0x35a: {  	v0 =	vadd.s32 v2, v0;
	_ =	sdelay $0x4  }
0x35b: {  	v0 =	vld.idx.msk [tilespmem:v0+s14+$0x0], $0xffff;
	_ =	sdelay $0x4  }
0x35c: {  	v0 =	vsub.f32 $0.0e+00, v0;
	_ =	sdelay $0x1  }
0x35d: {  	v0 =	vmul.f32 $1.442695020e+00, v0;
	_ =	sdelay $0x1  }
0x35e: {  	(erf) = vpow2.f32 v0;
	_ =	sdelay $0x8  }
0x35f: {  	v2 =	vadd.s32 s20, v59;
	v0 =	vor.u32 v3, v63;
	v4 =	vpop (erf)  }
0x360: {  	v5 =	vor.u32 v53, v0;
	v4 =	vadd.f32 $1.000000000e+00, v4  }
0x361: {  	v53 =	vld [tilespmem:$0x1FF20]  }
0x362: {  	(erf) = vrcp.f32 v4;
	_ =	sdelay $0x1  }
0x363: {  	v2 =	vld.idx.msk [tilespmem:v2+s13+$0x0], $0xffff  }
0x364: {  	v5 =	vld.idx.msk [tilespmem:v5+s23+$0x0], $0xffff  }
0x365: {  	v6 =	vor.u32 v46, v0  }
0x366: {  	v7 =	vld.idx.msk [tilespmem:v61+s23+$0x0], $0xffff;
	v30 =	vor.u32 v48, v0  }
0x367: {  	v31 =	vmul.f32 v62, v34;
	v32 =	vld.idx.msk [tilespmem:v60+s23+$0x0], $0xffff;
	v60 =	vor.u32 v50, v0  }
0x368: {  	v62 =	vor.u32 v51, v0;
	v61 =	vld.idx.msk [tilespmem:v53+s19+$0x0], $0xffff  }
0x369: {  	v31 =	vadd.f32 v31, v58;
	v63 =	vor.u32 v55, v0;
	v5 =	vmul.f32 v5, v2  }
0x36a: {  	v59 =	vor.u32 v47, v0;
	v6 =	vld.idx.msk [tilespmem:v6+s23+$0x0], $0xffff;
	v58 =	vpop (erf)  }
0x36b: {  	v30 =	vld.idx.msk [tilespmem:v30+s23+$0x0], $0xffff;
	v4 =	vor.u32 v43, v0;
	v5 =	vadd.f32 v5, v31;
	v31 =	vsub.f32 $1.000000000e+00, v58  }
0x36c: {  	v46 =	vld.idx.msk [tilespmem:v60+s23+$0x0], $0xffff;
	v0 =	vor.u32 v54, v0  }
0x36d: {  	v52 =	vor.u32 $0x1, v53;
	v48 =	vld.idx.msk [tilespmem:v62+s23+$0x0], $0xffff;
	v5 =	vmul.f32 v58, v5;
	v47 =	vmul.f32 v31, v61  }
0x36e: {  	v50 =	vld.idx.msk [tilespmem:v63+s23+$0x0], $0xffff  }
0x36f: {  	v43 =	vld.idx.msk [tilespmem:v59+s23+$0x0], $0xffff;
	v5 =	vadd.f32 v47, v5  }
0x370: {  	v4 =	vld.idx.msk [tilespmem:v4+s23+$0x0], $0xffff  }
0x371: {  	v59 =	vmul.f32 v57, v34;
	v0 =	vld.idx.msk [tilespmem:v0+s23+$0x0], $0xffff;
	[tilespmem:v53+s25+$0x0] =	vst.idx.msk $0xffff, v5  }
0x372: {  	v5 =	vld.idx.msk [tilespmem:v52+s19+$0x0], $0xffff  }
0x373: {  	v6 =	vmul.f32 v6, v2;
	v45 =	vadd.f32 v59, v45;
	_ =	sdelay $0x1  }
0x374: {  	v6 =	vadd.f32 v6, v45;
	_ =	sdelay $0x1  }
0x375: {  	v60 =	vor.u32 $0x2, v53;
	v6 =	vmul.f32 v58, v6;
	v5 =	vmul.f32 v31, v5;
	_ =	sdelay $0x1  }
0x376: {  	v5 =	vadd.f32 v5, v6;
	_ =	sdelay $0x1  }
0x377: {  	v6 =	vmul.f32 v56, v34;
	[tilespmem:v52+s25+$0x0] =	vst.idx.msk $0xffff, v5  }
0x378: {  	v5 =	vld.idx.msk [tilespmem:v60+s19+$0x0], $0xffff  }
0x379: {  	v30 =	vmul.f32 v30, v2;
	v6 =	vadd.f32 v6, v42;
	_ =	sdelay $0x1  }
0x37a: {  	v6 =	vadd.f32 v30, v6;
	_ =	sdelay $0x1  }
0x37b: {  	v30 =	vor.u32 $0x3, v53;
	v6 =	vmul.f32 v58, v6;
	v5 =	vmul.f32 v31, v5;
	_ =	sdelay $0x1  }
0x37c: {  	v5 =	vadd.f32 v5, v6;
	_ =	sdelay $0x1  }
0x37d: {  	v6 =	vmul.f32 v49, v34;
	[tilespmem:v60+s25+$0x0] =	vst.idx.msk $0xffff, v5  }
0x37e: {  	v5 =	vld.idx.msk [tilespmem:v30+s19+$0x0], $0xffff  }
0x37f: {  	v6 =	vadd.f32 v6, v40;
	v30 =	vmul.f32 v43, v2;
	_ =	sdelay $0x1  }
0x380: {  	v6 =	vadd.f32 v30, v6  }
0x381: {  	v30 =	vadd.s32 $0x2800, v53  }
0x382: {  	v61 =	vor.u32 $0x4, v53;
	v6 =	vmul.f32 v58, v6;
	v5 =	vmul.f32 v5, v31;
	_ =	sdelay $0x1  }
0x383: {  	v5 =	vadd.f32 v5, v6;
	_ =	sdelay $0x1  }
0x384: {  	v6 =	vmul.f32 v44, v34;
	[tilespmem:v30+s25+$0x0] =	vst.idx.msk $0xffff, v5  }
0x385: {  	v5 =	vld.idx.msk [tilespmem:v61+s19+$0x0], $0xffff  }
0x386: {  	v6 =	vadd.f32 v6, v39;
	v30 =	vmul.f32 v46, v2;
	_ =	sdelay $0x1  }
0x387: {  	v6 =	vadd.f32 v30, v6  }
0x388: {  	v30 =	vadd.s32 $0x2801, v53  }
0x389: {  	v62 =	vor.u32 $0x5, v53;
	v6 =	vmul.f32 v58, v6;
	v5 =	vmul.f32 v5, v31;
	_ =	sdelay $0x1  }
0x38a: {  	v5 =	vadd.f32 v5, v6;
	_ =	sdelay $0x1  }
0x38b: {  	v6 =	vmul.f32 v41, v34;
	[tilespmem:v30+s25+$0x0] =	vst.idx.msk $0xffff, v5  }
0x38c: {  	v5 =	vld.idx.msk [tilespmem:v62+s19+$0x0], $0xffff  }
0x38d: {  	v6 =	vadd.f32 v6, v37;
	v30 =	vmul.f32 v48, v2;
	_ =	sdelay $0x1  }
0x38e: {  	v6 =	vadd.f32 v30, v6  }
0x38f: {  	v30 =	vadd.s32 $0x2802, v53  }
0x390: {  	v63 =	vor.u32 $0x6, v53;
	v6 =	vmul.f32 v58, v6;
	v5 =	vmul.f32 v5, v31;
	_ =	sdelay $0x1  }
0x391: {  	v5 =	vadd.f32 v5, v6;
	_ =	sdelay $0x1  }
0x392: {  	v6 =	vmul.f32 v7, v34;
	[tilespmem:v30+s25+$0x0] =	vst.idx.msk $0xffff, v5  }
0x393: {  	v5 =	vld.idx.msk [tilespmem:v63+s19+$0x0], $0xffff  }
0x394: {  	v7 =	vmul.f32 v50, v2;
	v6 =	vadd.f32 v6, v36;
	_ =	sdelay $0x1  }
0x395: {  	v6 =	vadd.f32 v7, v6  }
0x396: {  	v7 =	vadd.s32 $0x5000, v53  }
0x397: {  	v30 =	vor.u32 $0x7, v53;
	v6 =	vmul.f32 v58, v6;
	v5 =	vmul.f32 v5, v31;
	_ =	sdelay $0x1  }
0x398: {  	v5 =	vadd.f32 v5, v6;
	_ =	sdelay $0x1  }
0x399: {  	v6 =	vmul.f32 v32, v34;
	[tilespmem:v7+s25+$0x0] =	vst.idx.msk $0xffff, v5  }
0x39a: {  	v5 =	vld.idx.msk [tilespmem:v30+s19+$0x0], $0xffff  }
0x39b: {  	v0 =	vmul.f32 v0, v2;
	v6 =	vadd.f32 v6, v35;
	_ =	sdelay $0x1  }
0x39c: {  	v0 =	vadd.f32 v0, v6  }
0x39d: {  	v6 =	vadd.s32 $0x5001, v53  }
0x39e: {  	v7 =	vor.u32 $0x8, v53;
	v0 =	vmul.f32 v58, v0;
	v5 =	vmul.f32 v5, v31;
	_ =	sdelay $0x1  }
0x39f: {  	v0 =	vadd.f32 v5, v0;
	_ =	sdelay $0x1  }
0x3a0: {  	[tilespmem:v6+s25+$0x0] =	vst.idx.msk $0xffff, v0  }
0x3a1: {  	v0 =	vld.idx.msk [tilespmem:v7+s19+$0x0], $0xffff  }
0x3a2: {  	v2 =	vmul.f32 v4, v2;
	v5 =	vadd.f32 v38, v33;
	_ =	sdelay $0x1  }
0x3a3: {  	v2 =	vadd.f32 v2, v5  }
0x3a4: {  	v4 =	vadd.s32 $0x5002, v53  }
0x3a5: {  	v2 =	vmul.f32 v58, v2;
	v0 =	vmul.f32 v0, v31;
	_ =	sdelay $0x1  }
0x3a6: {  	s3 =	sshll.u32 @!p1 s3, $0x8;
	v0 =	vadd.f32 v0, v2  }
0x3a7: {  	s3 =	sand.u32 @!p1 $0x3FFFFF00, s3  }
0x3a8: {  	s17 =	simm.s32 @!p1 $0x80;
	s12 =	sadd.s32 @!p1 $0xD500, s3;
	s20 =	simm.s32 @!p1 $0x15500;
	[tilespmem:v4+s25+$0x0] =	vst.idx.msk $0xffff, v0  }
0x3a9: {  	[tilespmem:s20], [sflag:$0xD] =	stream.indirect.gather @!p1 [hbm4b:s4+s17], $0x10, s12, s17, $0xb8;
	[tilespmem:$0x1ED00] =	vst v63  }
0x3aa: {  	s3 =	sadd.s32 @!p1 $0xD580, s3;
	s12 =	simm.s32 @!p1 $0x15D00  }
0x3ab: {  	[tilespmem:s12], [sflag:$0xE] =	stream.indirect.gather @!p1 [hbm4b:s4+s17], $0x10, s3, s17, $0xb8;
	[tilespmem:$0x1ED00] =	vst v63  }
0x3ac: {  	s20 =	simm.s32 $0x0;
	_ =	swait.ge [sflag:s7], $0x800  }
0x3ad: {  	v0 =	vmov s20;
	s3 =	sor.u32 $0x7, s18;
	v4 =	vld [tilespmem:$0x1FF90]  }
0x3ae: {  	v2 =	vlaneseq.u32;
	v0 =	vshll.u32 v0, $0x4;
	s18 =	sshll.u32 s3, $0x4  }
0x3af: {  	v43 =	vor.u32 $0x7008, v1;
	v0 =	vor.u32 v3, v0;
	v2 =	vor.u32 s18, v2  }
0x3b0: {  	v46 =	vor.u32 $0x7001, v1;
	[sflag:s7] =	ssyncset.done $0x0;
	[tilespmem:$0x1FEF0] =	vst v2;
	v5 =	vshll.u32 v2, $0x4;
	v2 =	vor.u32 v43, v0  }
0x3b1: {  	v6 =	vor.u32 v46, v0;
	[sflag:s7] =	ssyncadd.s32 $0xFFFFF800;
	[tilespmem:$0x1FF00] =	vst v5  }
0x3b2: {  	v53 =	vor.u32 $0x7000, v1;
	_ =	swait.ge [sflag:s16], $0x800;
	v4 =	vadd.s32 v4, v5  }
0x3b3: {  	v48 =	vor.u32 $0x7002, v1;
	[sflag:s16] =	ssyncset.done $0x0;
	v5 =	vor.u32 v53, v0  }
0x3b4: {  	v47 =	vor.u32 $0x7003, v1;
	v7 =	vor.u32 v48, v0;
	[sflag:s16] =	ssyncadd.s32 $0xFFFFF800  }
0x3b5: {  	v50 =	vor.u32 $0x7004, v1;
	v30 =	vor.u32 v47, v0;
	v2 =	vld.idx.msk [tilespmem:v2+s23+$0x0], $0xffff  }
0x3b6: {  	v51 =	vor.u32 $0x7005, v1;
	v31 =	vor.u32 v50, v0;
	v57 =	vld.idx.msk [tilespmem:v6+s23+$0x0], $0xffff  }
0x3b7: {  	v55 =	vor.u32 $0x7006, v1;
	v59 =	vadd.s32 $0x1, v4;
	v34 =	vld.idx.msk [tilespmem:v4+s13+$0x0], $0xffff;
	v4 =	vor.u32 v51, v0  }
0x3b8: {  	v54 =	vor.u32 $0x7007, v1;
	v45 =	vimm.f32 $0.0e+00;
	v61 =	vor.u32 v55, v0;
	v62 =	vld.idx.msk [tilespmem:v5+s23+$0x0], $0xffff  }
0x3b9: {  	v42 =	vimm.f32 $0.0e+00;
	v40 =	vimm.f32 $0.0e+00;
	v60 =	vor.u32 v54, v0;
	v56 =	vld.idx.msk [tilespmem:v7+s23+$0x0], $0xffff  }
0x3ba: {  	v39 =	vimm.f32 $0.0e+00;
	v37 =	vimm.f32 $0.0e+00;
	v36 =	vimm.f32 $0.0e+00;
	s17 =	simm.s32 $0x1;
	v49 =	vld.idx.msk [tilespmem:v30+s23+$0x0], $0xffff  }
0x3bb: {  	v35 =	vimm.f32 $0.0e+00;
	v33 =	vimm.f32 $0.0e+00;
	v44 =	vld.idx.msk [tilespmem:v31+s23+$0x0], $0xffff;
	v5 =	vmov s17  }
0x3bc: {  	v58 =	vimm.f32 $0.0e+00;
	s12 =	simm.s32 $0x2;
	v63 =	vshll.u32 v5, $0x4;
	v38 =	vmul.f32 v2, v34;
	v41 =	vld.idx.msk [tilespmem:v4+s23+$0x0], $0xffff  }
.LBB2_20:
0x3bd: {  	p2 =	sne.s32 s12, $0xF;
	v0 =	vor.u32 v3, v63;
	v2 =	vmul.f32 v62, v34;
	v4 =	vld.idx.msk [tilespmem:v61+s23+$0x0], $0xffff  }
0x3be: {  	v5 =	vor.u32 v53, v0;
	v6 =	vor.u32 v43, v0;
	v7 =	vld.idx.msk [tilespmem:v60+s23+$0x0], $0xffff;
	v33 =	vadd.f32 v38, v33  }
0x3bf: {  	v30 =	vor.u32 v46, v0;
	v31 =	vor.u32 v48, v0;
	v38 =	vadd.s32 s20, v59;
	s20 =	smov.u32 s17;
	s17 =	smov.u32 s12  }
0x3c0: {  	v63 =	vor.u32 v47, v0;
	v52 =	vor.u32 v50, v0;
	v32 =	vor.u32 v51, v0  }
0x3c1: {  	v61 =	vor.u32 v55, v0;
	v60 =	vor.u32 v54, v0;
	v0 =	vmul.f32 v57, v34  }
0x3c2: {  	v58 =	vadd.f32 v2, v58;
	v2 =	vmul.f32 v56, v34;
	v49 =	vmul.f32 v49, v34  }
0x3c3: {  	v45 =	vadd.f32 v0, v45;
	v0 =	vmul.f32 v44, v34;
	v41 =	vmul.f32 v41, v34;
	v6 =	vld.idx.msk [tilespmem:v6+s23+$0x0], $0xffff  }
0x3c4: {  	v42 =	vadd.f32 v2, v42;
	v2 =	vmul.f32 v4, v34;
	v4 =	vmul.f32 v7, v34;
	v34 =	vld.idx.msk [tilespmem:v38+s13+$0x0], $0xffff  }
0x3c5: {  	v40 =	vadd.f32 v49, v40;
	v39 =	vadd.f32 v0, v39;
	v62 =	vld.idx.msk [tilespmem:v5+s23+$0x0], $0xffff  }
.Ltmp12:
0x3c6: {  	v37 =	vadd.f32 v41, v37;
	v36 =	vadd.f32 v2, v36;
	v57 =	vld.idx.msk [tilespmem:v30+s23+$0x0], $0xffff;
	(pc) =	sbr.rel @p2 .LBB2_20-.Ltmp12, $4  }
0x3c7: {  	v35 =	vadd.f32 v4, v35;
	v56 =	vld.idx.msk [tilespmem:v31+s23+$0x0], $0xffff  }
0x3c8: {  	v49 =	vld.idx.msk [tilespmem:v63+s23+$0x0], $0xffff  }
0x3c9: {  	v0 =	vmov s12;
	v44 =	vld.idx.msk [tilespmem:v52+s23+$0x0], $0xffff  }
0x3ca: {  	s12 =	sadd.s32 $0x1, s12;
	v63 =	vshll.u32 v0, $0x4;
	v38 =	vmul.f32 v6, v34;
	v41 =	vld.idx.msk [tilespmem:v32+s23+$0x0], $0xffff  }
0x3cb: {  	v0 =	vld [tilespmem:$0x1FEF0]  }
0x3cc: {  	v2 =	vld [tilespmem:$0x1FFA0];
	_ =	sdelay $0x3  }
0x3cd: {  	v0 =	vand.u32 $0x7FFFFFF8, v0  }
0x3ce: {  	v0 =	vadd.s32 v2, v0;
	_ =	sdelay $0x4  }
0x3cf: {  	v0 =	vld.idx.msk [tilespmem:v0+s14+$0x0], $0xffff;
	_ =	sdelay $0x4  }
0x3d0: {  	v0 =	vsub.f32 $0.0e+00, v0;
	_ =	sdelay $0x1  }
0x3d1: {  	v0 =	vmul.f32 $1.442695020e+00, v0;
	_ =	sdelay $0x1  }
0x3d2: {  	(erf) = vpow2.f32 v0;
	_ =	sdelay $0x8  }
0x3d3: {  	v2 =	vadd.s32 s20, v59;
	v0 =	vor.u32 v3, v63;
	v4 =	vpop (erf)  }
0x3d4: {  	v5 =	vor.u32 v53, v0;
	v4 =	vadd.f32 $1.000000000e+00, v4  }
0x3d5: {  	v53 =	vld [tilespmem:$0x1FF00]  }
0x3d6: {  	(erf) = vrcp.f32 v4;
	_ =	sdelay $0x1  }
0x3d7: {  	v2 =	vld.idx.msk [tilespmem:v2+s13+$0x0], $0xffff  }
0x3d8: {  	v5 =	vld.idx.msk [tilespmem:v5+s23+$0x0], $0xffff  }
0x3d9: {  	v6 =	vor.u32 v46, v0  }
0x3da: {  	v7 =	vld.idx.msk [tilespmem:v61+s23+$0x0], $0xffff;
	v30 =	vor.u32 v48, v0  }
0x3db: {  	v31 =	vmul.f32 v62, v34;
	v32 =	vld.idx.msk [tilespmem:v60+s23+$0x0], $0xffff;
	v60 =	vor.u32 v50, v0  }
0x3dc: {  	v62 =	vor.u32 v51, v0;
	v61 =	vld.idx.msk [tilespmem:v53+s19+$0x0], $0xffff  }
0x3dd: {  	v31 =	vadd.f32 v31, v58;
	v63 =	vor.u32 v55, v0;
	v5 =	vmul.f32 v5, v2  }
0x3de: {  	v59 =	vor.u32 v47, v0;
	v6 =	vld.idx.msk [tilespmem:v6+s23+$0x0], $0xffff;
	v58 =	vpop (erf)  }
0x3df: {  	v30 =	vld.idx.msk [tilespmem:v30+s23+$0x0], $0xffff;
	v4 =	vor.u32 v43, v0;
	v5 =	vadd.f32 v5, v31;
	v31 =	vsub.f32 $1.000000000e+00, v58  }
0x3e0: {  	v46 =	vld.idx.msk [tilespmem:v60+s23+$0x0], $0xffff;
	v0 =	vor.u32 v54, v0  }
0x3e1: {  	v52 =	vor.u32 $0x1, v53;
	v48 =	vld.idx.msk [tilespmem:v62+s23+$0x0], $0xffff;
	v5 =	vmul.f32 v58, v5;
	v47 =	vmul.f32 v31, v61  }
0x3e2: {  	v50 =	vld.idx.msk [tilespmem:v63+s23+$0x0], $0xffff  }
0x3e3: {  	v43 =	vld.idx.msk [tilespmem:v59+s23+$0x0], $0xffff;
	v5 =	vadd.f32 v47, v5  }
0x3e4: {  	v4 =	vld.idx.msk [tilespmem:v4+s23+$0x0], $0xffff  }
0x3e5: {  	v59 =	vmul.f32 v57, v34;
	v0 =	vld.idx.msk [tilespmem:v0+s23+$0x0], $0xffff;
	[tilespmem:v53+s25+$0x0] =	vst.idx.msk $0xffff, v5  }
0x3e6: {  	v5 =	vld.idx.msk [tilespmem:v52+s19+$0x0], $0xffff  }
0x3e7: {  	v6 =	vmul.f32 v6, v2;
	v45 =	vadd.f32 v59, v45;
	_ =	sdelay $0x1  }
0x3e8: {  	v6 =	vadd.f32 v6, v45;
	_ =	sdelay $0x1  }
0x3e9: {  	v60 =	vor.u32 $0x2, v53;
	v6 =	vmul.f32 v58, v6;
	v5 =	vmul.f32 v31, v5;
	_ =	sdelay $0x1  }
0x3ea: {  	v5 =	vadd.f32 v5, v6;
	_ =	sdelay $0x1  }
0x3eb: {  	v6 =	vmul.f32 v56, v34;
	[tilespmem:v52+s25+$0x0] =	vst.idx.msk $0xffff, v5  }
0x3ec: {  	v5 =	vld.idx.msk [tilespmem:v60+s19+$0x0], $0xffff  }
0x3ed: {  	v30 =	vmul.f32 v30, v2;
	v6 =	vadd.f32 v6, v42;
	_ =	sdelay $0x1  }
0x3ee: {  	v6 =	vadd.f32 v30, v6;
	_ =	sdelay $0x1  }
0x3ef: {  	v30 =	vor.u32 $0x3, v53;
	v6 =	vmul.f32 v58, v6;
	v5 =	vmul.f32 v31, v5;
	_ =	sdelay $0x1  }
0x3f0: {  	v5 =	vadd.f32 v5, v6;
	_ =	sdelay $0x1  }
0x3f1: {  	v6 =	vmul.f32 v49, v34;
	[tilespmem:v60+s25+$0x0] =	vst.idx.msk $0xffff, v5  }
0x3f2: {  	v5 =	vld.idx.msk [tilespmem:v30+s19+$0x0], $0xffff  }
0x3f3: {  	v6 =	vadd.f32 v6, v40;
	v30 =	vmul.f32 v43, v2;
	_ =	sdelay $0x1  }
0x3f4: {  	v6 =	vadd.f32 v30, v6  }
0x3f5: {  	v30 =	vadd.s32 $0x2800, v53  }
0x3f6: {  	v61 =	vor.u32 $0x4, v53;
	v6 =	vmul.f32 v58, v6;
	v5 =	vmul.f32 v5, v31;
	_ =	sdelay $0x1  }
0x3f7: {  	v5 =	vadd.f32 v5, v6;
	_ =	sdelay $0x1  }
0x3f8: {  	v6 =	vmul.f32 v44, v34;
	[tilespmem:v30+s25+$0x0] =	vst.idx.msk $0xffff, v5  }
0x3f9: {  	v5 =	vld.idx.msk [tilespmem:v61+s19+$0x0], $0xffff  }
0x3fa: {  	v6 =	vadd.f32 v6, v39;
	v30 =	vmul.f32 v46, v2;
	_ =	sdelay $0x1  }
0x3fb: {  	v6 =	vadd.f32 v30, v6  }
0x3fc: {  	v30 =	vadd.s32 $0x2801, v53  }
0x3fd: {  	v62 =	vor.u32 $0x5, v53;
	v6 =	vmul.f32 v58, v6;
	v5 =	vmul.f32 v5, v31;
	_ =	sdelay $0x1  }
0x3fe: {  	v5 =	vadd.f32 v5, v6;
	_ =	sdelay $0x1  }
0x3ff: {  	v6 =	vmul.f32 v41, v34;
	[tilespmem:v30+s25+$0x0] =	vst.idx.msk $0xffff, v5  }
0x400: {  	v5 =	vld.idx.msk [tilespmem:v62+s19+$0x0], $0xffff  }
0x401: {  	v6 =	vadd.f32 v6, v37;
	v30 =	vmul.f32 v48, v2;
	_ =	sdelay $0x1  }
0x402: {  	v6 =	vadd.f32 v30, v6  }
0x403: {  	v30 =	vadd.s32 $0x2802, v53  }
0x404: {  	v63 =	vor.u32 $0x6, v53;
	v6 =	vmul.f32 v58, v6;
	v5 =	vmul.f32 v5, v31;
	_ =	sdelay $0x1  }
0x405: {  	v5 =	vadd.f32 v5, v6;
	_ =	sdelay $0x1  }
0x406: {  	v6 =	vmul.f32 v7, v34;
	[tilespmem:v30+s25+$0x0] =	vst.idx.msk $0xffff, v5  }
0x407: {  	v5 =	vld.idx.msk [tilespmem:v63+s19+$0x0], $0xffff  }
0x408: {  	v7 =	vmul.f32 v50, v2;
	v6 =	vadd.f32 v6, v36;
	_ =	sdelay $0x1  }
0x409: {  	v6 =	vadd.f32 v7, v6  }
0x40a: {  	v7 =	vadd.s32 $0x5000, v53  }
0x40b: {  	v30 =	vor.u32 $0x7, v53;
	v6 =	vmul.f32 v58, v6;
	v5 =	vmul.f32 v5, v31;
	_ =	sdelay $0x1  }
0x40c: {  	v5 =	vadd.f32 v5, v6;
	_ =	sdelay $0x1  }
0x40d: {  	v6 =	vmul.f32 v32, v34;
	[tilespmem:v7+s25+$0x0] =	vst.idx.msk $0xffff, v5  }
0x40e: {  	v5 =	vld.idx.msk [tilespmem:v30+s19+$0x0], $0xffff  }
0x40f: {  	v0 =	vmul.f32 v0, v2;
	v6 =	vadd.f32 v6, v35;
	_ =	sdelay $0x1  }
0x410: {  	v0 =	vadd.f32 v0, v6  }
0x411: {  	v6 =	vadd.s32 $0x5001, v53  }
0x412: {  	v7 =	vor.u32 $0x8, v53;
	v0 =	vmul.f32 v58, v0;
	v5 =	vmul.f32 v5, v31;
	_ =	sdelay $0x1  }
0x413: {  	v0 =	vadd.f32 v5, v0;
	_ =	sdelay $0x1  }
0x414: {  	[tilespmem:v6+s25+$0x0] =	vst.idx.msk $0xffff, v0  }
0x415: {  	v0 =	vld.idx.msk [tilespmem:v7+s19+$0x0], $0xffff  }
0x416: {  	v2 =	vmul.f32 v4, v2;
	v5 =	vadd.f32 v38, v33;
	_ =	sdelay $0x1  }
0x417: {  	v2 =	vadd.f32 v2, v5  }
0x418: {  	v4 =	vadd.s32 $0x5002, v53  }
.Ltmp13:
0x419: {  	v2 =	vmul.f32 v58, v2;
	v0 =	vmul.f32 v0, v31;
	(pc) =	sbr.rel @p1 .LBB2_23-.Ltmp13, $3  }
0x41a: {  	_ = 	snop  }
0x41b: {  	v0 =	vadd.f32 v0, v2;
	_ =	sdelay $0x1  }
0x41c: {  	[tilespmem:v4+s25+$0x0] =	vst.idx.msk $0xffff, v0  }
0x41d: {  	s3 =	sshll.u32 s3, $0x8  }
.Ltmp14:
0x41e: {  	v4 =	vld [tilespmem:$0x1FFC0];
	s3 =	sand.u32 $0x3FFFFF00, s3;
	(pc) =	sbr.rel .LBB2_5-.Ltmp14, $4  }
0x41f: {  	s17 =	simm.s32 $0x16500;
	v5 =	vld [tilespmem:$0x1FFD0];
	s12 =	sadd.s32 $0xD500, s3  }
0x420: {  	v6 =	vld [tilespmem:$0x1FFE0];
	[tilespmem:s17], [sflag:$0xF] =	stream.indirect.gather [hbm4b:s4+s22], $0x10, s12, s22, $0xb8  }
0x421: {  	s20 =	simm.s32 $0x16D00;
	s8 =	sadd.s32 $0x1, s8;
	v7 =	vld [tilespmem:$0x1FFF0];
	s3 =	sadd.s32 $0xD580, s3  }
0x422: {  	[tilespmem:s20], [sflag:$0x10] =	stream.indirect.gather [hbm4b:s4+s22], $0x10, s3, s22, $0xb8;
	[tilespmem:$0x1ED00] =	vst v63  }
.LBB2_25:
0x423: {  	_ =	sfence.sel $0x180000  }
0x424: {  	[bflag:$0x0] =	sbarrier.arrive $0xFFFF  }
0x425: {  	_ =	strace $0x90000047  }
0x426: {  	s0 =	stileid.u32;
	[bflag:$0x2] =	sbarrier.arrive $0xFFFF  }
0x427: {  	p0 =	sne.s32 s0, $0x0;
	s0 =	rddreg [dreg:$0x2]  }
0x428: {  	s0 =	sadd.s32 @!p0 $0x100000, s0  }
0x429: {  	[sflag:s0] =	ssyncadd.tile.s32 @!p0 $0x1;
	_ =	shalt  }
.Lfunc_end2:
_tile_overlayer_lowered:
.L_overlay_start_2:
0x42a: {  	(tag) =	ssettag $0x2  }
0x42b: {  	s0 =	rddreg [dreg:$0x0];
	s2 =	stileid.u32  }
0x42c: {  	s1 =	rddreg [dreg:$0x1];
	p0 =	sne.s32 s2, $0x0  }
0x42d: {  	s3 =	rddreg [dreg:$0x2];
	[bflag:$0x3] =	sbarrier.arrive $0xFFFF;
	s2 =	simm.s32 @!p0 $0x1C15  }
0x42e: {  	[timem:s3], [sflag:s2] =	dma.local @!p0 [hbm:s0], s1  }
0x42f: {  	s0 =	simm.s32 @!p0 $0x15  }
0x430: {  	_ =	swait.ge @!p0 [sflag:s0], s1  }
0x431: {  	s1 =	ssub.s32 @!p0 $0x0, s1;
	[sflag:s0] =	ssyncset.done @!p0 $0x0  }
0x432: {  	[sflag:s0] =	ssyncadd.s32 @!p0 s1  }
0x433: {  	[bflag:$0x3] =	sbarrier.arrive $0xFFFF  }
0x434: {  	_ =	shalt  }

</sc_bundles>
